<compile_context>
chip_gen: v7x
topology: tpu7x:2x2x1
jax: 0.10.2.dev20260603
libtpu: 0.0.44.dev20260713+nightly
codegen_flags: <defaults>
</compile_context>

<pallas_src>
import functools

import jax
import jax.numpy as jnp
from jax import lax
from jax.experimental import pallas as pl
from jax.experimental.pallas import tpu as pltpu
from jax.experimental.pallas import tpu_sc as plsc

N = 10000
KNN = 7
NG = 8
EPS = 1e-5


_RB = 200


def _knn_body(posr_ref, posT_ref, brow_ref, bcol_ref, out_ref):
    i = pl.program_id(0)
    pr = posr_ref[...]
    pT = posT_ref[...]
    d = lax.dot_general(pr, pT, (((1,), (0,)), ((), ())),
                        preferred_element_type=jnp.float32) * -2.0
    d = d + jnp.sum(pr * pr, axis=1, keepdims=True)
    d = d + jnp.sum(pT * pT, axis=0, keepdims=True)
    rows = i * _RB + lax.broadcasted_iota(jnp.int32, (_RB, 1), 0)
    cols = lax.broadcasted_iota(jnp.int32, (_RB, N), 1)
    valid = (brow_ref[...] == bcol_ref[...]) & (rows != cols)
    d = jnp.where(valid, d, jnp.inf)
    picks = []
    for _ in range(KNN):
        m = jnp.min(d, axis=1, keepdims=True)
        am = jnp.min(jnp.where(d == m, cols, jnp.int32(2**31 - 1)),
                     axis=1, keepdims=True)
        picks.append(am)
        d = jnp.where(cols == am, jnp.inf, d)
    picks.append(jnp.zeros_like(picks[0]))
    out_ref[...] = jnp.concatenate(picks, axis=1)


def _knn(pos_pad, posT, batch_col2d, batch_row2d):
    grid = N // _RB
    return pl.pallas_call(
        _knn_body,
        grid=(grid,),
        in_specs=[
            pl.BlockSpec((_RB, 4), lambda i: (i, 0)),
            pl.BlockSpec((4, N), lambda i: (0, 0)),
            pl.BlockSpec((_RB, 1), lambda i: (i, 0)),
            pl.BlockSpec((1, N), lambda i: (0, 0)),
        ],
        out_specs=pl.BlockSpec((_RB, 8), lambda i: (i, 0)),
        out_shape=jax.ShapeDtypeStruct((N, 8), jnp.int32),
    )(pos_pad, posT, batch_col2d, batch_row2d)



_PB = 1000


def _proj_body(x_ref, w_ref, b_ref, o_ref):
    o_ref[...] = lax.dot_general(
        x_ref[...], w_ref[...], (((1,), (0,)), ((), ())),
        preferred_element_type=jnp.float32) + b_ref[...]


def _proj(x, WT, b2d):
    din, dout = WT.shape
    return pl.pallas_call(
        _proj_body,
        grid=(N // _PB,),
        in_specs=[
            pl.BlockSpec((_PB, din), lambda i: (i, 0)),
            pl.BlockSpec((din, dout), lambda i: (0, 0)),
            pl.BlockSpec((1, dout), lambda i: (0, 0)),
        ],
        out_specs=pl.BlockSpec((_PB, dout), lambda i: (i, 0)),
        out_shape=jax.ShapeDtypeStruct((N, dout), jnp.float32),
    )(x, WT, b2d)


def _bnrelu_proj_body(c_ref, sc_ref, sh_ref, w_ref, b_ref, o_ref):
    h = jnp.maximum(c_ref[...] * sc_ref[...] + sh_ref[...], 0.0)
    o_ref[...] = lax.dot_general(
        h, w_ref[...], (((1,), (0,)), ((), ())),
        preferred_element_type=jnp.float32) + b_ref[...]


def _bnrelu_proj(conv, scale2d, shift2d, WT, b2d):
    din, dout = WT.shape
    return pl.pallas_call(
        _bnrelu_proj_body,
        grid=(N // _PB,),
        in_specs=[
            pl.BlockSpec((_PB, din), lambda i: (i, 0)),
            pl.BlockSpec((1, din), lambda i: (0, 0)),
            pl.BlockSpec((1, din), lambda i: (0, 0)),
            pl.BlockSpec((din, dout), lambda i: (0, 0)),
            pl.BlockSpec((1, dout), lambda i: (0, 0)),
        ],
        out_specs=pl.BlockSpec((_PB, dout), lambda i: (i, 0)),
        out_shape=jax.ShapeDtypeStruct((N, dout), jnp.float32),
    )(conv, scale2d, shift2d, WT, b2d)



_NW = 32
_CH = 96
_NCH = 24
_NBUF = 4
_BPAD = _NW * _NCH * _CH


def _sc_gather(table, idx_pad, dout):
    mesh = plsc.VectorSubcoreMesh(core_axis_name="c", subcore_axis_name="s")
    per_w = _NCH * _CH

    @functools.partial(
        pl.kernel,
        mesh=mesh,
        out_type=jax.ShapeDtypeStruct((_BPAD, dout), jnp.float32),
        scratch_types=[
            pltpu.VMEM((_NCH, 1, _CH), jnp.int32),
        ] + [pltpu.VMEM((_CH, dout), jnp.float32)] * _NBUF
          + [pltpu.SemaphoreType.DMA] * (2 * _NBUF),
    )
    def k(table_hbm, idx_hbm, out_hbm, idx_v, *rest):
        bufs = rest[:_NBUF]
        gsems = rest[_NBUF:2 * _NBUF]
        ssems = rest[2 * _NBUF:]
        wid = lax.axis_index("s") * 2 + lax.axis_index("c")
        base = wid * per_w
        pltpu.sync_copy(idx_hbm.at[wid], idx_v)

        def gat(g):
            return pltpu.async_copy(
                table_hbm.at[idx_v.at[g, 0]], bufs[g % _NBUF],
                gsems[g % _NBUF])

        gcp = [None] * _NCH
        scp = [None] * _NCH
        gcp[0] = gat(0)
        gcp[1] = gat(1)
        for g in range(_NCH):
            nxt = g + 2
            if nxt < _NCH:
                if nxt - _NBUF >= 0:
                    scp[nxt - _NBUF].wait()
                gcp[nxt] = gat(nxt)
            gcp[g].wait()
            scp[g] = pltpu.async_copy(
                bufs[g % _NBUF], out_hbm.at[pl.ds(base + g * _CH, _CH)],
                ssems[g % _NBUF])
        for g in range(max(_NCH - _NBUF, 0), _NCH):
            scp[g].wait()

    return k(table, idx_pad.reshape(_NW, _NCH, 1, _CH))



_MB = 400


def _msg_body(h, kq_ref, g_ref, conv_ref, ssum_ref, ssq_ref):
    i = pl.program_id(0)
    K = kq_ref[:, 0:h]
    acc = kq_ref[:, 3 * h:4 * h]
    for j in range(KNN):
        Q = g_ref[:, j, 0:h]
        V = g_ref[:, j, h:2 * h]
        acc = acc + jax.nn.sigmoid(K + Q) * V
    conv_ref[...] = acc

    @pl.when(i == 0)
    def _():
        ssum_ref[...] = jnp.zeros_like(ssum_ref)
        ssq_ref[...] = jnp.zeros_like(ssq_ref)

    ssum_ref[0:1, :] += jnp.sum(acc, axis=0, keepdims=True)
    ssq_ref[0:1, :] += jnp.sum(acc * acc, axis=0, keepdims=True)


def _msg(kqvs, g3d, h):
    return pl.pallas_call(
        functools.partial(_msg_body, h),
        grid=(N // _MB,),
        in_specs=[
            pl.BlockSpec((_MB, 4 * h), lambda i: (i, 0)),
            pl.BlockSpec((_MB, KNN, 2 * h), lambda i: (i, 0, 0)),
        ],
        out_specs=[
            pl.BlockSpec((_MB, h), lambda i: (i, 0)),
            pl.BlockSpec((8, h), lambda i: (0, 0)),
            pl.BlockSpec((8, h), lambda i: (0, 0)),
        ],
        out_shape=[
            jax.ShapeDtypeStruct((N, h), jnp.float32),
            jax.ShapeDtypeStruct((8, h), jnp.float32),
            jax.ShapeDtypeStruct((8, h), jnp.float32),
        ],
    )(kqvs, g3d)




def _pool_body(h, c_ref, sc_ref, sh_ref, b_ref, sum_ref, cnt_ref):
    i = pl.program_id(0)
    x = jnp.maximum(c_ref[...] * sc_ref[...] + sh_ref[...], 0.0)
    bt = b_ref[...]

    @pl.when(i == 0)
    def _():
        sum_ref[...] = jnp.zeros_like(sum_ref)
        cnt_ref[...] = jnp.zeros_like(cnt_ref)

    for g in range(NG):
        m = bt == g
        sum_ref[g:g + 1, :] += jnp.sum(jnp.where(m, x, 0.0),
                                       axis=0, keepdims=True)
        cnt_ref[g:g + 1, :] += jnp.sum(
            jnp.where(m, 1.0, 0.0), axis=0, keepdims=True
        ) * jnp.ones((1, h), jnp.float32)


def _pool(conv2, scale2d, shift2d, batch2d, h):
    return pl.pallas_call(
        functools.partial(_pool_body, h),
        grid=(N // _MB,),
        in_specs=[
            pl.BlockSpec((_MB, h), lambda i: (i, 0)),
            pl.BlockSpec((1, h), lambda i: (0, 0)),
            pl.BlockSpec((1, h), lambda i: (0, 0)),
            pl.BlockSpec((_MB, 1), lambda i: (i, 0)),
        ],
        out_specs=[
            pl.BlockSpec((NG, h), lambda i: (0, 0)),
            pl.BlockSpec((NG, h), lambda i: (0, 0)),
        ],
        out_shape=[
            jax.ShapeDtypeStruct((NG, h), jnp.float32),
            jax.ShapeDtypeStruct((NG, h), jnp.float32),
        ],
    )(conv2, scale2d, shift2d, batch2d)


def _bn_coeffs(ssum, ssq, gamma, beta):
    m = ssum[0] / N
    v = ssq[0] / N - m * m
    scale = gamma * lax.rsqrt(v + EPS)
    shift = beta - m * scale
    return scale[None, :], shift[None, :]


def kernel(x, pos, batch, Wk1, bk1, Wq1, bq1, Wv1, bv1, Ws1, b1, gamma1,
           beta1, Wk2, bk2, Wq2, bq2, Wv2, bv2, Ws2, b2, gamma2, beta2):
    H1, H2 = Wk1.shape[0], Wk2.shape[0]
    batch = batch.astype(jnp.int32)

    pos_pad = jnp.pad(pos, ((0, 0), (0, 1)))
    idx8 = _knn(pos_pad, pos_pad.T, batch[:, None], batch[None, :])
    src = idx8[:, :KNN].reshape(-1)
    src_pad = jnp.pad(src, (0, _BPAD - N * KNN))

    WT1 = jnp.concatenate([Wk1, Wq1, Wv1, Ws1], axis=0).T
    bb1 = jnp.concatenate([bk1, bq1, bv1, b1])[None, :]
    kqvs1 = _proj(x, WT1, bb1)
    qv1 = kqvs1[:, H1:3 * H1]
    g1 = _sc_gather(qv1, src_pad, 2 * H1)[: N * KNN]
    conv1, s1, q1 = _msg(kqvs1, g1.reshape(N, KNN, 2 * H1), H1)
    scale1, shift1 = _bn_coeffs(s1, q1, gamma1, beta1)

    WT2 = jnp.concatenate([Wk2, Wq2, Wv2, Ws2], axis=0).T
    bb2 = jnp.concatenate([bk2, bq2, bv2, b2])[None, :]
    kqvs2 = _bnrelu_proj(conv1, scale1, shift1, WT2, bb2)
    qv2 = kqvs2[:, H2:3 * H2]
    g2 = _sc_gather(qv2, src_pad, 2 * H2)[: N * KNN]
    conv2, s2, q2 = _msg(kqvs2, g2.reshape(N, KNN, 2 * H2), H2)
    scale2, shift2 = _bn_coeffs(s2, q2, gamma2, beta2)

    gsum, gcnt = _pool(conv2, scale2, shift2, batch[:, None], H2)
    return gsum / jnp.maximum(gcnt, 1.0)

# --- scband reference (transcript-rebuilt; emitter-appended) ---
"""Pipeline reference for scband-gated-gcnnet-6038724018832 (READ-ONLY COPY).

The authoritative reference and input builder live on the scoring server;
editing this copy changes nothing except your own understanding.
"""

import jax, jax.numpy as jnp
import numpy as np

N = 10000
XD = 128
PD = 3
KNN = 7
H1 = 64
H2 = 128
NG = 8
EPS = 1e-5


def _lin(key, out_d, in_d):
    s = 1.0 / np.sqrt(in_d)
    return jax.random.uniform(key, (out_d, in_d), jnp.float32, -s, s)


def setup_inputs(seed: int = 0):
    key = jax.random.key(seed)
    ks = jax.random.split(key, 12)
    inp = {}
    inp['x'] = jax.random.normal(ks[0], (N, XD), dtype=jnp.float32)
    inp['pos'] = jax.random.normal(ks[1], (N, PD), dtype=jnp.float32)
    inp['batch'] = jnp.sort(jax.random.randint(ks[2], (N,), 0, NG))
    inp['Wk1'] = _lin(ks[3], H1, XD)
    inp['bk1'] = jnp.zeros((H1,), jnp.float32)
    inp['Wq1'] = _lin(ks[4], H1, XD)
    inp['bq1'] = jnp.zeros((H1,), jnp.float32)
    inp['Wv1'] = _lin(ks[5], H1, XD)
    inp['bv1'] = jnp.zeros((H1,), jnp.float32)
    inp['Ws1'] = _lin(ks[6], H1, XD)
    inp['b1'] = jnp.zeros((H1,), jnp.float32)
    inp['gamma1'] = jnp.ones((H1,), jnp.float32)
    inp['beta1'] = jnp.zeros((H1,), jnp.float32)
    inp['Wk2'] = _lin(ks[7], H2, H1)
    inp['bk2'] = jnp.zeros((H2,), jnp.float32)
    inp['Wq2'] = _lin(ks[8], H2, H1)
    inp['bq2'] = jnp.zeros((H2,), jnp.float32)
    inp['Wv2'] = _lin(ks[9], H2, H1)
    inp['bv2'] = jnp.zeros((H2,), jnp.float32)
    inp['Ws2'] = _lin(ks[10], H2, H1)
    inp['b2'] = jnp.zeros((H2,), jnp.float32)
    inp['gamma2'] = jnp.ones((H2,), jnp.float32)
    inp['beta2'] = jnp.zeros((H2,), jnp.float32)
    return inp


def _knn_graph(pos, batch, k):
    n = pos.shape[0]
    sq = jnp.sum(pos * pos, axis=1)
    idx_chunks = []
    chunk = 2000
    for s in range(0, n, chunk):
        e = min(s + chunk, n)
        d2 = sq[s:e, None] + sq[None, :] - 2.0 * (pos[s:e] @ pos.T)
        same = batch[s:e, None] == batch[None, :]
        notself = jnp.arange(s, e)[:, None] != jnp.arange(n)[None, :]
        d2 = jnp.where(same & notself, d2, jnp.inf)
        _, idx = jax.lax.top_k(-d2, k)
        idx_chunks.append(idx)
    idx = jnp.concatenate(idx_chunks, axis=0)
    src = idx.reshape(-1)
    dst = jnp.repeat(jnp.arange(n), k)
    return src, dst


def _res_gated_conv(x, src, dst, Wk, bk, Wq, bq, Wv, bv, Ws, b):
    Kx = x @ Wk.T + bk
    Qx = x @ Wq.T + bq
    Vx = x @ Wv.T + bv
    msg = jax.nn.sigmoid(Kx[dst] + Qx[src]) * Vx[src]
    agg = jax.ops.segment_sum(msg, dst, num_segments=x.shape[0])
    return agg + x @ Ws.T + b


def _bn(x, g, b):
    m = jnp.mean(x, axis=0)
    v = jnp.var(x, axis=0)
    return g * (x - m) / jnp.sqrt(v + EPS) + b


def reference(x, pos, batch, Wk1, bk1, Wq1, bq1, Wv1, bv1, Ws1, b1, gamma1, beta1, Wk2, bk2, Wq2, bq2, Wv2, bv2, Ws2, b2, gamma2, beta2):
    src, dst = _knn_graph(pos, batch, KNN)
    h = jax.nn.relu(_bn(_res_gated_conv(x, src, dst, Wk1, bk1, Wq1, bq1, Wv1, bv1, Ws1, b1), gamma1, beta1))
    h = jax.nn.relu(_bn(_res_gated_conv(h, src, dst, Wk2, bk2, Wq2, bq2, Wv2, bv2, Ws2, b2), gamma2, beta2))
    s = jax.ops.segment_sum(h, batch, num_segments=NG)
    cnt = jax.ops.segment_sum(jnp.ones((x.shape[0],), jnp.float32), batch, num_segments=NG)
    return s / jnp.maximum(cnt, 1.0)[:, None]

if __name__ == "__main__":
    import jax
    _d = setup_inputs()
    print(jax.jit(kernel)(*tuple(_d.values())))

</pallas_src>

<mosaic_0001>
#map = affine_map<(d0, d1) -> (0, 0)>
#map1 = affine_map<(d0, d1) -> (0, 0, 0, 0)>
module attributes {stable_mosaic.version = 14 : i64} {
  func.func @k(%arg0: i32, %arg1: i32, %arg2: memref<10000x128xf32, #tpu.memory_space<hbm>>, %arg3: memref<32x24x1x96xi32, #tpu.memory_space<hbm>>, %arg4: memref<73728x128xf32, #tpu.memory_space<hbm>>, %arg5: memref<24x1x96xi32, #tpu.memory_space<vmem>>, %arg6: memref<96x128xf32, #tpu.memory_space<vmem>>, %arg7: memref<96x128xf32, #tpu.memory_space<vmem>>, %arg8: memref<96x128xf32, #tpu.memory_space<vmem>>, %arg9: memref<96x128xf32, #tpu.memory_space<vmem>>, %arg10: memref<!tpu.dma_semaphore, #tpu.memory_space<semaphore_mem>>, %arg11: memref<!tpu.dma_semaphore, #tpu.memory_space<semaphore_mem>>, %arg12: memref<!tpu.dma_semaphore, #tpu.memory_space<semaphore_mem>>, %arg13: memref<!tpu.dma_semaphore, #tpu.memory_space<semaphore_mem>>, %arg14: memref<!tpu.dma_semaphore, #tpu.memory_space<semaphore_mem>>, %arg15: memref<!tpu.dma_semaphore, #tpu.memory_space<semaphore_mem>>, %arg16: memref<!tpu.dma_semaphore, #tpu.memory_space<semaphore_mem>>, %arg17: memref<!tpu.dma_semaphore, #tpu.memory_space<semaphore_mem>>) attributes {dimension_semantics = [#tpu.dimension_semantics<core_parallel>, #tpu.dimension_semantics<subcore_parallel>], iteration_bounds = array<i64: 2, 16>, scalar_prefetch = 0 : i64, scratch_operands = 13 : i64, tpu.core_type = #tpu.core_type<sc_vector_subcore>, window_params = [{transform_indices = #map}, {transform_indices = #map1}, {transform_indices = #map}]} {
    %mul3A = arith.constant 2 : i32
    %mul3A_0 = arith.muli %arg1, %mul3A : i32
    %add3A = arith.addi %mul3A_0, %arg0 : i32
    %mul3A_1 = arith.constant 2304 : i32
    %mul3A_2 = arith.muli %add3A, %mul3A_1 : i32
    "tpu.region"() ({
      %run_scoped3A = tpu.sem_alloc : memref<!tpu.dma_semaphore, #tpu.memory_space<semaphore_mem>>
      %dma_start3A_625 = arith.constant 0 : i32
      %dma_start3A_626 = arith.constant 0 : i32
      %dma_start3A_627 = arith.constant 0 : i32
      %dma_start3A_628 = tpu.memref_slice %arg3[%add3A, %dma_start3A_625, %dma_start3A_626, %dma_start3A_627] : memref<32x24x1x96xi32, #tpu.memory_space<hbm>> -> memref<1x24x1x96xi32, #tpu.memory_space<hbm>>
      %dma_start3A_629 = tpu.memref_squeeze %dma_start3A_628 : memref<1x24x1x96xi32, #tpu.memory_space<hbm>> -> memref<24x1x96xi32, #tpu.memory_space<hbm>>
      %dma_start3A_630 = arith.constant 0 : i32
      %dma_start3A_631 = arith.constant 0 : i32
      %dma_start3A_632 = arith.constant 0 : i32
      %dma_start3A_633 = tpu.memref_slice %arg3[%add3A, %dma_start3A_630, %dma_start3A_631, %dma_start3A_632] : memref<32x24x1x96xi32, #tpu.memory_space<hbm>> -> memref<1x24x1x96xi32, #tpu.memory_space<hbm>>
      %dma_start3A_634 = tpu.memref_squeeze %dma_start3A_633 : memref<1x24x1x96xi32, #tpu.memory_space<hbm>> -> memref<24x1x96xi32, #tpu.memory_space<hbm>>
      tpu.enqueue_dma source(%dma_start3A_634 : memref<24x1x96xi32, #tpu.memory_space<hbm>>) target(%arg5 : memref<24x1x96xi32, #tpu.memory_space<vmem>>) target_semaphore(%run_scoped3A : memref<!tpu.dma_semaphore, #tpu.memory_space<semaphore_mem>>)
      %dma_wait3A_635 = arith.constant 0 : i32
      %dma_wait3A_636 = arith.constant 0 : i32
      %dma_wait3A_637 = arith.constant 0 : i32
      %dma_wait3A_638 = tpu.memref_slice %arg3[%add3A, %dma_wait3A_635, %dma_wait3A_636, %dma_wait3A_637] : memref<32x24x1x96xi32, #tpu.memory_space<hbm>> -> memref<1x24x1x96xi32, #tpu.memory_space<hbm>>
      %dma_wait3A_639 = tpu.memref_squeeze %dma_wait3A_638 : memref<1x24x1x96xi32, #tpu.memory_space<hbm>> -> memref<24x1x96xi32, #tpu.memory_space<hbm>>
      %dma_wait3A_640 = arith.constant 0 : i32
      %dma_wait3A_641 = arith.constant 0 : i32
      %dma_wait3A_642 = arith.constant 0 : i32
      %dma_wait3A_643 = tpu.memref_slice %arg3[%add3A, %dma_wait3A_640, %dma_wait3A_641, %dma_wait3A_642] : memref<32x24x1x96xi32, #tpu.memory_space<hbm>> -> memref<1x24x1x96xi32, #tpu.memory_space<hbm>>
      %dma_wait3A_644 = tpu.memref_squeeze %dma_wait3A_643 : memref<1x24x1x96xi32, #tpu.memory_space<hbm>> -> memref<24x1x96xi32, #tpu.memory_space<hbm>>
      tpu.wait_dma2 semaphore(%run_scoped3A : memref<!tpu.dma_semaphore, #tpu.memory_space<semaphore_mem>>) src(%dma_wait3A_644 : memref<24x1x96xi32, #tpu.memory_space<hbm>>) dst(%arg5 : memref<24x1x96xi32, #tpu.memory_space<vmem>>)
      tpu.yield
    }) : () -> ()
    %dma_start3A = arith.constant 0 : i32
    %dma_start3A_3 = arith.constant 0 : i32
    %dma_start3A_4 = arith.constant 0 : i32
    %dma_start3A_5 = tpu.memref_slice %arg5[%dma_start3A, %dma_start3A_3, %dma_start3A_4] : memref<24x1x96xi32, #tpu.memory_space<vmem>> -> memref<1x1x96xi32, #tpu.memory_space<vmem>>
    %dma_start3A_6 = tpu.memref_squeeze %dma_start3A_5 : memref<1x1x96xi32, #tpu.memory_space<vmem>> -> memref<96xi32, #tpu.memory_space<vmem>>
    %dma_start3A_7 = arith.constant 0 : i32
    %dma_start3A_8 = arith.constant 0 : i32
    %dma_start3A_9 = tpu.memref_slice %arg2[%dma_start3A_7, %dma_start3A_8] : memref<10000x128xf32, #tpu.memory_space<hbm>> -> memref<10000x128xf32, #tpu.memory_space<hbm>>
    tpu.enqueue_indirect_dma source(%dma_start3A_9 : memref<10000x128xf32, #tpu.memory_space<hbm>>) target(%arg6 : memref<96x128xf32, #tpu.memory_space<vmem>>) offsets(%dma_start3A_6 : memref<96xi32, #tpu.memory_space<vmem>>) semaphore(%arg10 : memref<!tpu.dma_semaphore, #tpu.memory_space<semaphore_mem>>)
    %dma_start3A_10 = arith.constant 1 : i32
    %dma_start3A_11 = arith.constant 0 : i32
    %dma_start3A_12 = arith.constant 0 : i32
    %dma_start3A_13 = tpu.memref_slice %arg5[%dma_start3A_10, %dma_start3A_11, %dma_start3A_12] : memref<24x1x96xi32, #tpu.memory_space<vmem>> -> memref<1x1x96xi32, #tpu.memory_space<vmem>>
    %dma_start3A_14 = tpu.memref_squeeze %dma_start3A_13 : memref<1x1x96xi32, #tpu.memory_space<vmem>> -> memref<96xi32, #tpu.memory_space<vmem>>
    %dma_start3A_15 = arith.constant 0 : i32
    %dma_start3A_16 = arith.constant 0 : i32
    %dma_start3A_17 = tpu.memref_slice %arg2[%dma_start3A_15, %dma_start3A_16] : memref<10000x128xf32, #tpu.memory_space<hbm>> -> memref<10000x128xf32, #tpu.memory_space<hbm>>
    tpu.enqueue_indirect_dma source(%dma_start3A_17 : memref<10000x128xf32, #tpu.memory_space<hbm>>) target(%arg7 : memref<96x128xf32, #tpu.memory_space<vmem>>) offsets(%dma_start3A_14 : memref<96xi32, #tpu.memory_space<vmem>>) semaphore(%arg11 : memref<!tpu.dma_semaphore, #tpu.memory_space<semaphore_mem>>)
    %dma_start3A_18 = arith.constant 2 : i32
    %dma_start3A_19 = arith.constant 0 : i32
    %dma_start3A_20 = arith.constant 0 : i32
    %dma_start3A_21 = tpu.memref_slice %arg5[%dma_start3A_18, %dma_start3A_19, %dma_start3A_20] : memref<24x1x96xi32, #tpu.memory_space<vmem>> -> memref<1x1x96xi32, #tpu.memory_space<vmem>>
    %dma_start3A_22 = tpu.memref_squeeze %dma_start3A_21 : memref<1x1x96xi32, #tpu.memory_space<vmem>> -> memref<96xi32, #tpu.memory_space<vmem>>
    %dma_start3A_23 = arith.constant 0 : i32
    %dma_start3A_24 = arith.constant 0 : i32
    %dma_start3A_25 = tpu.memref_slice %arg2[%dma_start3A_23, %dma_start3A_24] : memref<10000x128xf32, #tpu.memory_space<hbm>> -> memref<10000x128xf32, #tpu.memory_space<hbm>>
    tpu.enqueue_indirect_dma source(%dma_start3A_25 : memref<10000x128xf32, #tpu.memory_space<hbm>>) target(%arg8 : memref<96x128xf32, #tpu.memory_space<vmem>>) offsets(%dma_start3A_22 : memref<96xi32, #tpu.memory_space<vmem>>) semaphore(%arg12 : memref<!tpu.dma_semaphore, #tpu.memory_space<semaphore_mem>>)
    %dma_wait3A = arith.constant 0 : i32
    %dma_wait3A_26 = arith.constant 0 : i32
    %dma_wait3A_27 = arith.constant 0 : i32
    %dma_wait3A_28 = tpu.memref_slice %arg5[%dma_wait3A, %dma_wait3A_26, %dma_wait3A_27] : memref<24x1x96xi32, #tpu.memory_space<vmem>> -> memref<1x1x96xi32, #tpu.memory_space<vmem>>
    %dma_wait3A_29 = tpu.memref_squeeze %dma_wait3A_28 : memref<1x1x96xi32, #tpu.memory_space<vmem>> -> memref<96xi32, #tpu.memory_space<vmem>>
    %dma_wait3A_30 = arith.constant 0 : i32
    %dma_wait3A_31 = arith.constant 0 : i32
    %dma_wait3A_32 = tpu.memref_slice %arg2[%dma_wait3A_30, %dma_wait3A_31] : memref<10000x128xf32, #tpu.memory_space<hbm>> -> memref<10000x128xf32, #tpu.memory_space<hbm>>
    tpu.wait_indirect_dma semaphore(%arg10 : memref<!tpu.dma_semaphore, #tpu.memory_space<semaphore_mem>>) src(%dma_wait3A_32 : memref<10000x128xf32, #tpu.memory_space<hbm>>) dst(%arg6 : memref<96x128xf32, #tpu.memory_space<vmem>>)
    %add3A_33 = arith.constant 0 : i32
    %add3A_34 = arith.addi %mul3A_2, %add3A_33 : i32
    %dma_start3A_35 = arith.constant 0 : i32
    %dma_start3A_36 = tpu.memref_slice %arg4[%add3A_34, %dma_start3A_35] : memref<73728x128xf32, #tpu.memory_space<hbm>> -> memref<96x128xf32, #tpu.memory_space<hbm>>
    %dma_start3A_37 = arith.constant 0 : i32
    %dma_start3A_38 = tpu.memref_slice %arg4[%add3A_34, %dma_start3A_37] : memref<73728x128xf32, #tpu.memory_space<hbm>> -> memref<96x128xf32, #tpu.memory_space<hbm>>
    tpu.enqueue_dma source(%arg6 : memref<96x128xf32, #tpu.memory_space<vmem>>) target(%dma_start3A_38 : memref<96x128xf32, #tpu.memory_space<hbm>>) target_semaphore(%arg14 : memref<!tpu.dma_semaphore, #tpu.memory_space<semaphore_mem>>)
    %dma_start3A_39 = arith.constant 3 : i32
    %dma_start3A_40 = arith.constant 0 : i32
    %dma_start3A_41 = arith.constant 0 : i32
    %dma_start3A_42 = tpu.memref_slice %arg5[%dma_start3A_39, %dma_start3A_40, %dma_start3A_41] : memref<24x1x96xi32, #tpu.memory_space<vmem>> -> memref<1x1x96xi32, #tpu.memory_space<vmem>>
    %dma_start3A_43 = tpu.memref_squeeze %dma_start3A_42 : memref<1x1x96xi32, #tpu.memory_space<vmem>> -> memref<96xi32, #tpu.memory_space<vmem>>
    %dma_start3A_44 = arith.constant 0 : i32
    %dma_start3A_45 = arith.constant 0 : i32
    %dma_start3A_46 = tpu.memref_slice %arg2[%dma_start3A_44, %dma_start3A_45] : memref<10000x128xf32, #tpu.memory_space<hbm>> -> memref<10000x128xf32, #tpu.memory_space<hbm>>
    tpu.enqueue_indirect_dma source(%dma_start3A_46 : memref<10000x128xf32, #tpu.memory_space<hbm>>) target(%arg9 : memref<96x128xf32, #tpu.memory_space<vmem>>) offsets(%dma_start3A_43 : memref<96xi32, #tpu.memory_space<vmem>>) semaphore(%arg13 : memref<!tpu.dma_semaphore, #tpu.memory_space<semaphore_mem>>)
    %dma_wait3A_47 = arith.constant 1 : i32
    %dma_wait3A_48 = arith.constant 0 : i32
    %dma_wait3A_49 = arith.constant 0 : i32
    %dma_wait3A_50 = tpu.memref_slice %arg5[%dma_wait3A_47, %dma_wait3A_48, %dma_wait3A_49] : memref<24x1x96xi32, #tpu.memory_space<vmem>> -> memref<1x1x96xi32, #tpu.memory_space<vmem>>
    %dma_wait3A_51 = tpu.memref_squeeze %dma_wait3A_50 : memref<1x1x96xi32, #tpu.memory_space<vmem>> -> memref<96xi32, #tpu.memory_space<vmem>>
    %dma_wait3A_52 = arith.constant 0 : i32
    %dma_wait3A_53 = arith.constant 0 : i32
    %dma_wait3A_54 = tpu.memref_slice %arg2[%dma_wait3A_52, %dma_wait3A_53] : memref<10000x128xf32, #tpu.memory_space<hbm>> -> memref<10000x128xf32, #tpu.memory_space<hbm>>
    tpu.wait_indirect_dma semaphore(%arg11 : memref<!tpu.dma_semaphore, #tpu.memory_space<semaphore_mem>>) src(%dma_wait3A_54 : memref<10000x128xf32, #tpu.memory_space<hbm>>) dst(%arg7 : memref<96x128xf32, #tpu.memory_space<vmem>>)
    %add3A_55 = arith.constant 96 : i32
    %add3A_56 = arith.addi %mul3A_2, %add3A_55 : i32
    %dma_start3A_57 = arith.constant 0 : i32
    %dma_start3A_58 = tpu.memref_slice %arg4[%add3A_56, %dma_start3A_57] : memref<73728x128xf32, #tpu.memory_space<hbm>> -> memref<96x128xf32, #tpu.memory_space<hbm>>
    %dma_start3A_59 = arith.constant 0 : i32
    %dma_start3A_60 = tpu.memref_slice %arg4[%add3A_56, %dma_start3A_59] : memref<73728x128xf32, #tpu.memory_space<hbm>> -> memref<96x128xf32, #tpu.memory_space<hbm>>
    tpu.enqueue_dma source(%arg7 : memref<96x128xf32, #tpu.memory_space<vmem>>) target(%dma_start3A_60 : memref<96x128xf32, #tpu.memory_space<hbm>>) target_semaphore(%arg15 : memref<!tpu.dma_semaphore, #tpu.memory_space<semaphore_mem>>)
    %dma_wait3A_61 = arith.constant 0 : i32
    %dma_wait3A_62 = tpu.memref_slice %arg4[%add3A_34, %dma_wait3A_61] : memref<73728x128xf32, #tpu.memory_space<hbm>> -> memref<96x128xf32, #tpu.memory_space<hbm>>
    %dma_wait3A_63 = arith.constant 0 : i32
    %dma_wait3A_64 = tpu.memref_slice %arg4[%add3A_34, %dma_wait3A_63] : memref<73728x128xf32, #tpu.memory_space<hbm>> -> memref<96x128xf32, #tpu.memory_space<hbm>>
    tpu.wait_dma2 semaphore(%arg14 : memref<!tpu.dma_semaphore, #tpu.memory_space<semaphore_mem>>) src(%arg6 : memref<96x128xf32, #tpu.memory_space<vmem>>) dst(%dma_wait3A_64 : memref<96x128xf32, #tpu.memory_space<hbm>>)
    %dma_start3A_65 = arith.constant 4 : i32
    %dma_start3A_66 = arith.constant 0 : i32
    %dma_start3A_67 = arith.constant 0 : i32
    %dma_start3A_68 = tpu.memref_slice %arg5[%dma_start3A_65, %dma_start3A_66, %dma_start3A_67] : memref<24x1x96xi32, #tpu.memory_space<vmem>> -> memref<1x1x96xi32, #tpu.memory_space<vmem>>
    %dma_start3A_69 = tpu.memref_squeeze %dma_start3A_68 : memref<1x1x96xi32, #tpu.memory_space<vmem>> -> memref<96xi32, #tpu.memory_space<vmem>>
    %dma_start3A_70 = arith.constant 0 : i32
    %dma_start3A_71 = arith.constant 0 : i32
    %dma_start3A_72 = tpu.memref_slice %arg2[%dma_start3A_70, %dma_start3A_71] : memref<10000x128xf32, #tpu.memory_space<hbm>> -> memref<10000x128xf32, #tpu.memory_space<hbm>>
    tpu.enqueue_indirect_dma source(%dma_start3A_72 : memref<10000x128xf32, #tpu.memory_space<hbm>>) target(%arg6 : memref<96x128xf32, #tpu.memory_space<vmem>>) offsets(%dma_start3A_69 : memref<96xi32, #tpu.memory_space<vmem>>) semaphore(%arg10 : memref<!tpu.dma_semaphore, #tpu.memory_space<semaphore_mem>>)
    %dma_wait3A_73 = arith.constant 2 : i32
    %dma_wait3A_74 = arith.constant 0 : i32
    %dma_wait3A_75 = arith.constant 0 : i32
    %dma_wait3A_76 = tpu.memref_slice %arg5[%dma_wait3A_73, %dma_wait3A_74, %dma_wait3A_75] : memref<24x1x96xi32, #tpu.memory_space<vmem>> -> memref<1x1x96xi32, #tpu.memory_space<vmem>>
    %dma_wait3A_77 = tpu.memref_squeeze %dma_wait3A_76 : memref<1x1x96xi32, #tpu.memory_space<vmem>> -> memref<96xi32, #tpu.memory_space<vmem>>
    %dma_wait3A_78 = arith.constant 0 : i32
    %dma_wait3A_79 = arith.constant 0 : i32
    %dma_wait3A_80 = tpu.memref_slice %arg2[%dma_wait3A_78, %dma_wait3A_79] : memref<10000x128xf32, #tpu.memory_space<hbm>> -> memref<10000x128xf32, #tpu.memory_space<hbm>>
    tpu.wait_indirect_dma semaphore(%arg12 : memref<!tpu.dma_semaphore, #tpu.memory_space<semaphore_mem>>) src(%dma_wait3A_80 : memref<10000x128xf32, #tpu.memory_space<hbm>>) dst(%arg8 : memref<96x128xf32, #tpu.memory_space<vmem>>)
    %add3A_81 = arith.constant 192 : i32
    %add3A_82 = arith.addi %mul3A_2, %add3A_81 : i32
    %dma_start3A_83 = arith.constant 0 : i32
    %dma_start3A_84 = tpu.memref_slice %arg4[%add3A_82, %dma_start3A_83] : memref<73728x128xf32, #tpu.memory_space<hbm>> -> memref<96x128xf32, #tpu.memory_space<hbm>>
    %dma_start3A_85 = arith.constant 0 : i32
    %dma_start3A_86 = tpu.memref_slice %arg4[%add3A_82, %dma_start3A_85] : memref<73728x128xf32, #tpu.memory_space<hbm>> -> memref<96x128xf32, #tpu.memory_space<hbm>>
    tpu.enqueue_dma source(%arg8 : memref<96x128xf32, #tpu.memory_space<vmem>>) target(%dma_start3A_86 : memref<96x128xf32, #tpu.memory_space<hbm>>) target_semaphore(%arg16 : memref<!tpu.dma_semaphore, #tpu.memory_space<semaphore_mem>>)
    %dma_wait3A_87 = arith.constant 0 : i32
    %dma_wait3A_88 = tpu.memref_slice %arg4[%add3A_56, %dma_wait3A_87] : memref<73728x128xf32, #tpu.memory_space<hbm>> -> memref<96x128xf32, #tpu.memory_space<hbm>>
    %dma_wait3A_89 = arith.constant 0 : i32
    %dma_wait3A_90 = tpu.memref_slice %arg4[%add3A_56, %dma_wait3A_89] : memref<73728x128xf32, #tpu.memory_space<hbm>> -> memref<96x128xf32, #tpu.memory_space<hbm>>
    tpu.wait_dma2 semaphore(%arg15 : memref<!tpu.dma_semaphore, #tpu.memory_space<semaphore_mem>>) src(%arg7 : memref<96x128xf32, #tpu.memory_space<vmem>>) dst(%dma_wait3A_90 : memref<96x128xf32, #tpu.memory_space<hbm>>)
    %dma_start3A_91 = arith.constant 5 : i32
    %dma_start3A_92 = arith.constant 0 : i32
    %dma_start3A_93 = arith.constant 0 : i32
    %dma_start3A_94 = tpu.memref_slice %arg5[%dma_start3A_91, %dma_start3A_92, %dma_start3A_93] : memref<24x1x96xi32, #tpu.memory_space<vmem>> -> memref<1x1x96xi32, #tpu.memory_space<vmem>>
    %dma_start3A_95 = tpu.memref_squeeze %dma_start3A_94 : memref<1x1x96xi32, #tpu.memory_space<vmem>> -> memref<96xi32, #tpu.memory_space<vmem>>
    %dma_start3A_96 = arith.constant 0 : i32
    %dma_start3A_97 = arith.constant 0 : i32
    %dma_start3A_98 = tpu.memref_slice %arg2[%dma_start3A_96, %dma_start3A_97] : memref<10000x128xf32, #tpu.memory_space<hbm>> -> memref<10000x128xf32, #tpu.memory_space<hbm>>
    tpu.enqueue_indirect_dma source(%dma_start3A_98 : memref<10000x128xf32, #tpu.memory_space<hbm>>) target(%arg7 : memref<96x128xf32, #tpu.memory_space<vmem>>) offsets(%dma_start3A_95 : memref<96xi32, #tpu.memory_space<vmem>>) semaphore(%arg11 : memref<!tpu.dma_semaphore, #tpu.memory_space<semaphore_mem>>)
    %dma_wait3A_99 = arith.constant 3 : i32
    %dma_wait3A_100 = arith.constant 0 : i32
    %dma_wait3A_101 = arith.constant 0 : i32
    %dma_wait3A_102 = tpu.memref_slice %arg5[%dma_wait3A_99, %dma_wait3A_100, %dma_wait3A_101] : memref<24x1x96xi32, #tpu.memory_space<vmem>> -> memref<1x1x96xi32, #tpu.memory_space<vmem>>
    %dma_wait3A_103 = tpu.memref_squeeze %dma_wait3A_102 : memref<1x1x96xi32, #tpu.memory_space<vmem>> -> memref<96xi32, #tpu.memory_space<vmem>>
    %dma_wait3A_104 = arith.constant 0 : i32
    %dma_wait3A_105 = arith.constant 0 : i32
    %dma_wait3A_106 = tpu.memref_slice %arg2[%dma_wait3A_104, %dma_wait3A_105] : memref<10000x128xf32, #tpu.memory_space<hbm>> -> memref<10000x128xf32, #tpu.memory_space<hbm>>
    tpu.wait_indirect_dma semaphore(%arg13 : memref<!tpu.dma_semaphore, #tpu.memory_space<semaphore_mem>>) src(%dma_wait3A_106 : memref<10000x128xf32, #tpu.memory_space<hbm>>) dst(%arg9 : memref<96x128xf32, #tpu.memory_space<vmem>>)
    %add3A_107 = arith.constant 288 : i32
    %add3A_108 = arith.addi %mul3A_2, %add3A_107 : i32
    %dma_start3A_109 = arith.constant 0 : i32
    %dma_start3A_110 = tpu.memref_slice %arg4[%add3A_108, %dma_start3A_109] : memref<73728x128xf32, #tpu.memory_space<hbm>> -> memref<96x128xf32, #tpu.memory_space<hbm>>
    %dma_start3A_111 = arith.constant 0 : i32
    %dma_start3A_112 = tpu.memref_slice %arg4[%add3A_108, %dma_start3A_111] : memref<73728x128xf32, #tpu.memory_space<hbm>> -> memref<96x128xf32, #tpu.memory_space<hbm>>
    tpu.enqueue_dma source(%arg9 : memref<96x128xf32, #tpu.memory_space<vmem>>) target(%dma_start3A_112 : memref<96x128xf32, #tpu.memory_space<hbm>>) target_semaphore(%arg17 : memref<!tpu.dma_semaphore, #tpu.memory_space<semaphore_mem>>)
    %dma_wait3A_113 = arith.constant 0 : i32
    %dma_wait3A_114 = tpu.memref_slice %arg4[%add3A_82, %dma_wait3A_113] : memref<73728x128xf32, #tpu.memory_space<hbm>> -> memref<96x128xf32, #tpu.memory_space<hbm>>
    %dma_wait3A_115 = arith.constant 0 : i32
    %dma_wait3A_116 = tpu.memref_slice %arg4[%add3A_82, %dma_wait3A_115] : memref<73728x128xf32, #tpu.memory_space<hbm>> -> memref<96x128xf32, #tpu.memory_space<hbm>>
    tpu.wait_dma2 semaphore(%arg16 : memref<!tpu.dma_semaphore, #tpu.memory_space<semaphore_mem>>) src(%arg8 : memref<96x128xf32, #tpu.memory_space<vmem>>) dst(%dma_wait3A_116 : memref<96x128xf32, #tpu.memory_space<hbm>>)
    %dma_start3A_117 = arith.constant 6 : i32
    %dma_start3A_118 = arith.constant 0 : i32
    %dma_start3A_119 = arith.constant 0 : i32
    %dma_start3A_120 = tpu.memref_slice %arg5[%dma_start3A_117, %dma_start3A_118, %dma_start3A_119] : memref<24x1x96xi32, #tpu.memory_space<vmem>> -> memref<1x1x96xi32, #tpu.memory_space<vmem>>
    %dma_start3A_121 = tpu.memref_squeeze %dma_start3A_120 : memref<1x1x96xi32, #tpu.memory_space<vmem>> -> memref<96xi32, #tpu.memory_space<vmem>>
    %dma_start3A_122 = arith.constant 0 : i32
    %dma_start3A_123 = arith.constant 0 : i32
    %dma_start3A_124 = tpu.memref_slice %arg2[%dma_start3A_122, %dma_start3A_123] : memref<10000x128xf32, #tpu.memory_space<hbm>> -> memref<10000x128xf32, #tpu.memory_space<hbm>>
    tpu.enqueue_indirect_dma source(%dma_start3A_124 : memref<10000x128xf32, #tpu.memory_space<hbm>>) target(%arg8 : memref<96x128xf32, #tpu.memory_space<vmem>>) offsets(%dma_start3A_121 : memref<96xi32, #tpu.memory_space<vmem>>) semaphore(%arg12 : memref<!tpu.dma_semaphore, #tpu.memory_space<semaphore_mem>>)
    %dma_wait3A_125 = arith.constant 4 : i32
    %dma_wait3A_126 = arith.constant 0 : i32
    %dma_wait3A_127 = arith.constant 0 : i32
    %dma_wait3A_128 = tpu.memref_slice %arg5[%dma_wait3A_125, %dma_wait3A_126, %dma_wait3A_127] : memref<24x1x96xi32, #tpu.memory_space<vmem>> -> memref<1x1x96xi32, #tpu.memory_space<vmem>>
    %dma_wait3A_129 = tpu.memref_squeeze %dma_wait3A_128 : memref<1x1x96xi32, #tpu.memory_space<vmem>> -> memref<96xi32, #tpu.memory_space<vmem>>
    %dma_wait3A_130 = arith.constant 0 : i32
    %dma_wait3A_131 = arith.constant 0 : i32
    %dma_wait3A_132 = tpu.memref_slice %arg2[%dma_wait3A_130, %dma_wait3A_131] : memref<10000x128xf32, #tpu.memory_space<hbm>> -> memref<10000x128xf32, #tpu.memory_space<hbm>>
    tpu.wait_indirect_dma semaphore(%arg10 : memref<!tpu.dma_semaphore, #tpu.memory_space<semaphore_mem>>) src(%dma_wait3A_132 : memref<10000x128xf32, #tpu.memory_space<hbm>>) dst(%arg6 : memref<96x128xf32, #tpu.memory_space<vmem>>)
    %add3A_133 = arith.constant 384 : i32
    %add3A_134 = arith.addi %mul3A_2, %add3A_133 : i32
    %dma_start3A_135 = arith.constant 0 : i32
    %dma_start3A_136 = tpu.memref_slice %arg4[%add3A_134, %dma_start3A_135] : memref<73728x128xf32, #tpu.memory_space<hbm>> -> memref<96x128xf32, #tpu.memory_space<hbm>>
    %dma_start3A_137 = arith.constant 0 : i32
    %dma_start3A_138 = tpu.memref_slice %arg4[%add3A_134, %dma_start3A_137] : memref<73728x128xf32, #tpu.memory_space<hbm>> -> memref<96x128xf32, #tpu.memory_space<hbm>>
    tpu.enqueue_dma source(%arg6 : memref<96x128xf32, #tpu.memory_space<vmem>>) target(%dma_start3A_138 : memref<96x128xf32, #tpu.memory_space<hbm>>) target_semaphore(%arg14 : memref<!tpu.dma_semaphore, #tpu.memory_space<semaphore_mem>>)
    %dma_wait3A_139 = arith.constant 0 : i32
    %dma_wait3A_140 = tpu.memref_slice %arg4[%add3A_108, %dma_wait3A_139] : memref<73728x128xf32, #tpu.memory_space<hbm>> -> memref<96x128xf32, #tpu.memory_space<hbm>>
    %dma_wait3A_141 = arith.constant 0 : i32
    %dma_wait3A_142 = tpu.memref_slice %arg4[%add3A_108, %dma_wait3A_141] : memref<73728x128xf32, #tpu.memory_space<hbm>> -> memref<96x128xf32, #tpu.memory_space<hbm>>
    tpu.wait_dma2 semaphore(%arg17 : memref<!tpu.dma_semaphore, #tpu.memory_space<semaphore_mem>>) src(%arg9 : memref<96x128xf32, #tpu.memory_space<vmem>>) dst(%dma_wait3A_142 : memref<96x128xf32, #tpu.memory_space<hbm>>)
    %dma_start3A_143 = arith.constant 7 : i32
    %dma_start3A_144 = arith.constant 0 : i32
    %dma_start3A_145 = arith.constant 0 : i32
    %dma_start3A_146 = tpu.memref_slice %arg5[%dma_start3A_143, %dma_start3A_144, %dma_start3A_145] : memref<24x1x96xi32, #tpu.memory_space<vmem>> -> memref<1x1x96xi32, #tpu.memory_space<vmem>>
    %dma_start3A_147 = tpu.memref_squeeze %dma_start3A_146 : memref<1x1x96xi32, #tpu.memory_space<vmem>> -> memref<96xi32, #tpu.memory_space<vmem>>
    %dma_start3A_148 = arith.constant 0 : i32
    %dma_start3A_149 = arith.constant 0 : i32
    %dma_start3A_150 = tpu.memref_slice %arg2[%dma_start3A_148, %dma_start3A_149] : memref<10000x128xf32, #tpu.memory_space<hbm>> -> memref<10000x128xf32, #tpu.memory_space<hbm>>
    tpu.enqueue_indirect_dma source(%dma_start3A_150 : memref<10000x128xf32, #tpu.memory_space<hbm>>) target(%arg9 : memref<96x128xf32, #tpu.memory_space<vmem>>) offsets(%dma_start3A_147 : memref<96xi32, #tpu.memory_space<vmem>>) semaphore(%arg13 : memref<!tpu.dma_semaphore, #tpu.memory_space<semaphore_mem>>)
    %dma_wait3A_151 = arith.constant 5 : i32
    %dma_wait3A_152 = arith.constant 0 : i32
    %dma_wait3A_153 = arith.constant 0 : i32
    %dma_wait3A_154 = tpu.memref_slice %arg5[%dma_wait3A_151, %dma_wait3A_152, %dma_wait3A_153] : memref<24x1x96xi32, #tpu.memory_space<vmem>> -> memref<1x1x96xi32, #tpu.memory_space<vmem>>
    %dma_wait3A_155 = tpu.memref_squeeze %dma_wait3A_154 : memref<1x1x96xi32, #tpu.memory_space<vmem>> -> memref<96xi32, #tpu.memory_space<vmem>>
    %dma_wait3A_156 = arith.constant 0 : i32
    %dma_wait3A_157 = arith.constant 0 : i32
    %dma_wait3A_158 = tpu.memref_slice %arg2[%dma_wait3A_156, %dma_wait3A_157] : memref<10000x128xf32, #tpu.memory_space<hbm>> -> memref<10000x128xf32, #tpu.memory_space<hbm>>
    tpu.wait_indirect_dma semaphore(%arg11 : memref<!tpu.dma_semaphore, #tpu.memory_space<semaphore_mem>>) src(%dma_wait3A_158 : memref<10000x128xf32, #tpu.memory_space<hbm>>) dst(%arg7 : memref<96x128xf32, #tpu.memory_space<vmem>>)
    %add3A_159 = arith.constant 480 : i32
    %add3A_160 = arith.addi %mul3A_2, %add3A_159 : i32
    %dma_start3A_161 = arith.constant 0 : i32
    %dma_start3A_162 = tpu.memref_slice %arg4[%add3A_160, %dma_start3A_161] : memref<73728x128xf32, #tpu.memory_space<hbm>> -> memref<96x128xf32, #tpu.memory_space<hbm>>
    %dma_start3A_163 = arith.constant 0 : i32
    %dma_start3A_164 = tpu.memref_slice %arg4[%add3A_160, %dma_start3A_163] : memref<73728x128xf32, #tpu.memory_space<hbm>> -> memref<96x128xf32, #tpu.memory_space<hbm>>
    tpu.enqueue_dma source(%arg7 : memref<96x128xf32, #tpu.memory_space<vmem>>) target(%dma_start3A_164 : memref<96x128xf32, #tpu.memory_space<hbm>>) target_semaphore(%arg15 : memref<!tpu.dma_semaphore, #tpu.memory_space<semaphore_mem>>)
    %dma_wait3A_165 = arith.constant 0 : i32
    %dma_wait3A_166 = tpu.memref_slice %arg4[%add3A_134, %dma_wait3A_165] : memref<73728x128xf32, #tpu.memory_space<hbm>> -> memref<96x128xf32, #tpu.memory_space<hbm>>
    %dma_wait3A_167 = arith.constant 0 : i32
    %dma_wait3A_168 = tpu.memref_slice %arg4[%add3A_134, %dma_wait3A_167] : memref<73728x128xf32, #tpu.memory_space<hbm>> -> memref<96x128xf32, #tpu.memory_space<hbm>>
    tpu.wait_dma2 semaphore(%arg14 : memref<!tpu.dma_semaphore, #tpu.memory_space<semaphore_mem>>) src(%arg6 : memref<96x128xf32, #tpu.memory_space<vmem>>) dst(%dma_wait3A_168 : memref<96x128xf32, #tpu.memory_space<hbm>>)
    %dma_start3A_169 = arith.constant 8 : i32
    %dma_start3A_170 = arith.constant 0 : i32
    %dma_start3A_171 = arith.constant 0 : i32
    %dma_start3A_172 = tpu.memref_slice %arg5[%dma_start3A_169, %dma_start3A_170, %dma_start3A_171] : memref<24x1x96xi32, #tpu.memory_space<vmem>> -> memref<1x1x96xi32, #tpu.memory_space<vmem>>
    %dma_start3A_173 = tpu.memref_squeeze %dma_start3A_172 : memref<1x1x96xi32, #tpu.memory_space<vmem>> -> memref<96xi32, #tpu.memory_space<vmem>>
    %dma_start3A_174 = arith.constant 0 : i32
    %dma_start3A_175 = arith.constant 0 : i32
    %dma_start3A_176 = tpu.memref_slice %arg2[%dma_start3A_174, %dma_start3A_175] : memref<10000x128xf32, #tpu.memory_space<hbm>> -> memref<10000x128xf32, #tpu.memory_space<hbm>>
    tpu.enqueue_indirect_dma source(%dma_start3A_176 : memref<10000x128xf32, #tpu.memory_space<hbm>>) target(%arg6 : memref<96x128xf32, #tpu.memory_space<vmem>>) offsets(%dma_start3A_173 : memref<96xi32, #tpu.memory_space<vmem>>) semaphore(%arg10 : memref<!tpu.dma_semaphore, #tpu.memory_space<semaphore_mem>>)
    %dma_wait3A_177 = arith.constant 6 : i32
    %dma_wait3A_178 = arith.constant 0 : i32
    %dma_wait3A_179 = arith.constant 0 : i32
    %dma_wait3A_180 = tpu.memref_slice %arg5[%dma_wait3A_177, %dma_wait3A_178, %dma_wait3A_179] : memref<24x1x96xi32, #tpu.memory_space<vmem>> -> memref<1x1x96xi32, #tpu.memory_space<vmem>>
    %dma_wait3A_181 = tpu.memref_squeeze %dma_wait3A_180 : memref<1x1x96xi32, #tpu.memory_space<vmem>> -> memref<96xi32, #tpu.memory_space<vmem>>
    %dma_wait3A_182 = arith.constant 0 : i32
    %dma_wait3A_183 = arith.constant 0 : i32
    %dma_wait3A_184 = tpu.memref_slice %arg2[%dma_wait3A_182, %dma_wait3A_183] : memref<10000x128xf32, #tpu.memory_space<hbm>> -> memref<10000x128xf32, #tpu.memory_space<hbm>>
    tpu.wait_indirect_dma semaphore(%arg12 : memref<!tpu.dma_semaphore, #tpu.memory_space<semaphore_mem>>) src(%dma_wait3A_184 : memref<10000x128xf32, #tpu.memory_space<hbm>>) dst(%arg8 : memref<96x128xf32, #tpu.memory_space<vmem>>)
    %add3A_185 = arith.constant 576 : i32
    %add3A_186 = arith.addi %mul3A_2, %add3A_185 : i32
    %dma_start3A_187 = arith.constant 0 : i32
    %dma_start3A_188 = tpu.memref_slice %arg4[%add3A_186, %dma_start3A_187] : memref<73728x128xf32, #tpu.memory_space<hbm>> -> memref<96x128xf32, #tpu.memory_space<hbm>>
    %dma_start3A_189 = arith.constant 0 : i32
    %dma_start3A_190 = tpu.memref_slice %arg4[%add3A_186, %dma_start3A_189] : memref<73728x128xf32, #tpu.memory_space<hbm>> -> memref<96x128xf32, #tpu.memory_space<hbm>>
    tpu.enqueue_dma source(%arg8 : memref<96x128xf32, #tpu.memory_space<vmem>>) target(%dma_start3A_190 : memref<96x128xf32, #tpu.memory_space<hbm>>) target_semaphore(%arg16 : memref<!tpu.dma_semaphore, #tpu.memory_space<semaphore_mem>>)
    %dma_wait3A_191 = arith.constant 0 : i32
    %dma_wait3A_192 = tpu.memref_slice %arg4[%add3A_160, %dma_wait3A_191] : memref<73728x128xf32, #tpu.memory_space<hbm>> -> memref<96x128xf32, #tpu.memory_space<hbm>>
    %dma_wait3A_193 = arith.constant 0 : i32
    %dma_wait3A_194 = tpu.memref_slice %arg4[%add3A_160, %dma_wait3A_193] : memref<73728x128xf32, #tpu.memory_space<hbm>> -> memref<96x128xf32, #tpu.memory_space<hbm>>
    tpu.wait_dma2 semaphore(%arg15 : memref<!tpu.dma_semaphore, #tpu.memory_space<semaphore_mem>>) src(%arg7 : memref<96x128xf32, #tpu.memory_space<vmem>>) dst(%dma_wait3A_194 : memref<96x128xf32, #tpu.memory_space<hbm>>)
    %dma_start3A_195 = arith.constant 9 : i32
    %dma_start3A_196 = arith.constant 0 : i32
    %dma_start3A_197 = arith.constant 0 : i32
    %dma_start3A_198 = tpu.memref_slice %arg5[%dma_start3A_195, %dma_start3A_196, %dma_start3A_197] : memref<24x1x96xi32, #tpu.memory_space<vmem>> -> memref<1x1x96xi32, #tpu.memory_space<vmem>>
    %dma_start3A_199 = tpu.memref_squeeze %dma_start3A_198 : memref<1x1x96xi32, #tpu.memory_space<vmem>> -> memref<96xi32, #tpu.memory_space<vmem>>
    %dma_start3A_200 = arith.constant 0 : i32
    %dma_start3A_201 = arith.constant 0 : i32
    %dma_start3A_202 = tpu.memref_slice %arg2[%dma_start3A_200, %dma_start3A_201] : memref<10000x128xf32, #tpu.memory_space<hbm>> -> memref<10000x128xf32, #tpu.memory_space<hbm>>
    tpu.enqueue_indirect_dma source(%dma_start3A_202 : memref<10000x128xf32, #tpu.memory_space<hbm>>) target(%arg7 : memref<96x128xf32, #tpu.memory_space<vmem>>) offsets(%dma_start3A_199 : memref<96xi32, #tpu.memory_space<vmem>>) semaphore(%arg11 : memref<!tpu.dma_semaphore, #tpu.memory_space<semaphore_mem>>)
    %dma_wait3A_203 = arith.constant 7 : i32
    %dma_wait3A_204 = arith.constant 0 : i32
    %dma_wait3A_205 = arith.constant 0 : i32
    %dma_wait3A_206 = tpu.memref_slice %arg5[%dma_wait3A_203, %dma_wait3A_204, %dma_wait3A_205] : memref<24x1x96xi32, #tpu.memory_space<vmem>> -> memref<1x1x96xi32, #tpu.memory_space<vmem>>
    %dma_wait3A_207 = tpu.memref_squeeze %dma_wait3A_206 : memref<1x1x96xi32, #tpu.memory_space<vmem>> -> memref<96xi32, #tpu.memory_space<vmem>>
    %dma_wait3A_208 = arith.constant 0 : i32
    %dma_wait3A_209 = arith.constant 0 : i32
    %dma_wait3A_210 = tpu.memref_slice %arg2[%dma_wait3A_208, %dma_wait3A_209] : memref<10000x128xf32, #tpu.memory_space<hbm>> -> memref<10000x128xf32, #tpu.memory_space<hbm>>
    tpu.wait_indirect_dma semaphore(%arg13 : memref<!tpu.dma_semaphore, #tpu.memory_space<semaphore_mem>>) src(%dma_wait3A_210 : memref<10000x128xf32, #tpu.memory_space<hbm>>) dst(%arg9 : memref<96x128xf32, #tpu.memory_space<vmem>>)
    %add3A_211 = arith.constant 672 : i32
    %add3A_212 = arith.addi %mul3A_2, %add3A_211 : i32
    %dma_start3A_213 = arith.constant 0 : i32
    %dma_start3A_214 = tpu.memref_slice %arg4[%add3A_212, %dma_start3A_213] : memref<73728x128xf32, #tpu.memory_space<hbm>> -> memref<96x128xf32, #tpu.memory_space<hbm>>
    %dma_start3A_215 = arith.constant 0 : i32
    %dma_start3A_216 = tpu.memref_slice %arg4[%add3A_212, %dma_start3A_215] : memref<73728x128xf32, #tpu.memory_space<hbm>> -> memref<96x128xf32, #tpu.memory_space<hbm>>
    tpu.enqueue_dma source(%arg9 : memref<96x128xf32, #tpu.memory_space<vmem>>) target(%dma_start3A_216 : memref<96x128xf32, #tpu.memory_space<hbm>>) target_semaphore(%arg17 : memref<!tpu.dma_semaphore, #tpu.memory_space<semaphore_mem>>)
    %dma_wait3A_217 = arith.constant 0 : i32
    %dma_wait3A_218 = tpu.memref_slice %arg4[%add3A_186, %dma_wait3A_217] : memref<73728x128xf32, #tpu.memory_space<hbm>> -> memref<96x128xf32, #tpu.memory_space<hbm>>
    %dma_wait3A_219 = arith.constant 0 : i32
    %dma_wait3A_220 = tpu.memref_slice %arg4[%add3A_186, %dma_wait3A_219] : memref<73728x128xf32, #tpu.memory_space<hbm>> -> memref<96x128xf32, #tpu.memory_space<hbm>>
    tpu.wait_dma2 semaphore(%arg16 : memref<!tpu.dma_semaphore, #tpu.memory_space<semaphore_mem>>) src(%arg8 : memref<96x128xf32, #tpu.memory_space<vmem>>) dst(%dma_wait3A_220 : memref<96x128xf32, #tpu.memory_space<hbm>>)
    %dma_start3A_221 = arith.constant 10 : i32
    %dma_start3A_222 = arith.constant 0 : i32
    %dma_start3A_223 = arith.constant 0 : i32
    %dma_start3A_224 = tpu.memref_slice %arg5[%dma_start3A_221, %dma_start3A_222, %dma_start3A_223] : memref<24x1x96xi32, #tpu.memory_space<vmem>> -> memref<1x1x96xi32, #tpu.memory_space<vmem>>
    %dma_start3A_225 = tpu.memref_squeeze %dma_start3A_224 : memref<1x1x96xi32, #tpu.memory_space<vmem>> -> memref<96xi32, #tpu.memory_space<vmem>>
    %dma_start3A_226 = arith.constant 0 : i32
    %dma_start3A_227 = arith.constant 0 : i32
    %dma_start3A_228 = tpu.memref_slice %arg2[%dma_start3A_226, %dma_start3A_227] : memref<10000x128xf32, #tpu.memory_space<hbm>> -> memref<10000x128xf32, #tpu.memory_space<hbm>>
    tpu.enqueue_indirect_dma source(%dma_start3A_228 : memref<10000x128xf32, #tpu.memory_space<hbm>>) target(%arg8 : memref<96x128xf32, #tpu.memory_space<vmem>>) offsets(%dma_start3A_225 : memref<96xi32, #tpu.memory_space<vmem>>) semaphore(%arg12 : memref<!tpu.dma_semaphore, #tpu.memory_space<semaphore_mem>>)
    %dma_wait3A_229 = arith.constant 8 : i32
    %dma_wait3A_230 = arith.constant 0 : i32
    %dma_wait3A_231 = arith.constant 0 : i32
    %dma_wait3A_232 = tpu.memref_slice %arg5[%dma_wait3A_229, %dma_wait3A_230, %dma_wait3A_231] : memref<24x1x96xi32, #tpu.memory_space<vmem>> -> memref<1x1x96xi32, #tpu.memory_space<vmem>>
    %dma_wait3A_233 = tpu.memref_squeeze %dma_wait3A_232 : memref<1x1x96xi32, #tpu.memory_space<vmem>> -> memref<96xi32, #tpu.memory_space<vmem>>
    %dma_wait3A_234 = arith.constant 0 : i32
    %dma_wait3A_235 = arith.constant 0 : i32
    %dma_wait3A_236 = tpu.memref_slice %arg2[%dma_wait3A_234, %dma_wait3A_235] : memref<10000x128xf32, #tpu.memory_space<hbm>> -> memref<10000x128xf32, #tpu.memory_space<hbm>>
    tpu.wait_indirect_dma semaphore(%arg10 : memref<!tpu.dma_semaphore, #tpu.memory_space<semaphore_mem>>) src(%dma_wait3A_236 : memref<10000x128xf32, #tpu.memory_space<hbm>>) dst(%arg6 : memref<96x128xf32, #tpu.memory_space<vmem>>)
    %add3A_237 = arith.constant 768 : i32
    %add3A_238 = arith.addi %mul3A_2, %add3A_237 : i32
    %dma_start3A_239 = arith.constant 0 : i32
    %dma_start3A_240 = tpu.memref_slice %arg4[%add3A_238, %dma_start3A_239] : memref<73728x128xf32, #tpu.memory_space<hbm>> -> memref<96x128xf32, #tpu.memory_space<hbm>>
    %dma_start3A_241 = arith.constant 0 : i32
    %dma_start3A_242 = tpu.memref_slice %arg4[%add3A_238, %dma_start3A_241] : memref<73728x128xf32, #tpu.memory_space<hbm>> -> memref<96x128xf32, #tpu.memory_space<hbm>>
    tpu.enqueue_dma source(%arg6 : memref<96x128xf32, #tpu.memory_space<vmem>>) target(%dma_start3A_242 : memref<96x128xf32, #tpu.memory_space<hbm>>) target_semaphore(%arg14 : memref<!tpu.dma_semaphore, #tpu.memory_space<semaphore_mem>>)
    %dma_wait3A_243 = arith.constant 0 : i32
    %dma_wait3A_244 = tpu.memref_slice %arg4[%add3A_212, %dma_wait3A_243] : memref<73728x128xf32, #tpu.memory_space<hbm>> -> memref<96x128xf32, #tpu.memory_space<hbm>>
    %dma_wait3A_245 = arith.constant 0 : i32
    %dma_wait3A_246 = tpu.memref_slice %arg4[%add3A_212, %dma_wait3A_245] : memref<73728x128xf32, #tpu.memory_space<hbm>> -> memref<96x128xf32, #tpu.memory_space<hbm>>
    tpu.wait_dma2 semaphore(%arg17 : memref<!tpu.dma_semaphore, #tpu.memory_space<semaphore_mem>>) src(%arg9 : memref<96x128xf32, #tpu.memory_space<vmem>>) dst(%dma_wait3A_246 : memref<96x128xf32, #tpu.memory_space<hbm>>)
    %dma_start3A_247 = arith.constant 11 : i32
    %dma_start3A_248 = arith.constant 0 : i32
    %dma_start3A_249 = arith.constant 0 : i32
    %dma_start3A_250 = tpu.memref_slice %arg5[%dma_start3A_247, %dma_start3A_248, %dma_start3A_249] : memref<24x1x96xi32, #tpu.memory_space<vmem>> -> memref<1x1x96xi32, #tpu.memory_space<vmem>>
    %dma_start3A_251 = tpu.memref_squeeze %dma_start3A_250 : memref<1x1x96xi32, #tpu.memory_space<vmem>> -> memref<96xi32, #tpu.memory_space<vmem>>
    %dma_start3A_252 = arith.constant 0 : i32
    %dma_start3A_253 = arith.constant 0 : i32
    %dma_start3A_254 = tpu.memref_slice %arg2[%dma_start3A_252, %dma_start3A_253] : memref<10000x128xf32, #tpu.memory_space<hbm>> -> memref<10000x128xf32, #tpu.memory_space<hbm>>
    tpu.enqueue_indirect_dma source(%dma_start3A_254 : memref<10000x128xf32, #tpu.memory_space<hbm>>) target(%arg9 : memref<96x128xf32, #tpu.memory_space<vmem>>) offsets(%dma_start3A_251 : memref<96xi32, #tpu.memory_space<vmem>>) semaphore(%arg13 : memref<!tpu.dma_semaphore, #tpu.memory_space<semaphore_mem>>)
    %dma_wait3A_255 = arith.constant 9 : i32
    %dma_wait3A_256 = arith.constant 0 : i32
    %dma_wait3A_257 = arith.constant 0 : i32
    %dma_wait3A_258 = tpu.memref_slice %arg5[%dma_wait3A_255, %dma_wait3A_256, %dma_wait3A_257] : memref<24x1x96xi32, #tpu.memory_space<vmem>> -> memref<1x1x96xi32, #tpu.memory_space<vmem>>
    %dma_wait3A_259 = tpu.memref_squeeze %dma_wait3A_258 : memref<1x1x96xi32, #tpu.memory_space<vmem>> -> memref<96xi32, #tpu.memory_space<vmem>>
    %dma_wait3A_260 = arith.constant 0 : i32
    %dma_wait3A_261 = arith.constant 0 : i32
    %dma_wait3A_262 = tpu.memref_slice %arg2[%dma_wait3A_260, %dma_wait3A_261] : memref<10000x128xf32, #tpu.memory_space<hbm>> -> memref<10000x128xf32, #tpu.memory_space<hbm>>
    tpu.wait_indirect_dma semaphore(%arg11 : memref<!tpu.dma_semaphore, #tpu.memory_space<semaphore_mem>>) src(%dma_wait3A_262 : memref<10000x128xf32, #tpu.memory_space<hbm>>) dst(%arg7 : memref<96x128xf32, #tpu.memory_space<vmem>>)
    %add3A_263 = arith.constant 864 : i32
    %add3A_264 = arith.addi %mul3A_2, %add3A_263 : i32
    %dma_start3A_265 = arith.constant 0 : i32
    %dma_start3A_266 = tpu.memref_slice %arg4[%add3A_264, %dma_start3A_265] : memref<73728x128xf32, #tpu.memory_space<hbm>> -> memref<96x128xf32, #tpu.memory_space<hbm>>
    %dma_start3A_267 = arith.constant 0 : i32
    %dma_start3A_268 = tpu.memref_slice %arg4[%add3A_264, %dma_start3A_267] : memref<73728x128xf32, #tpu.memory_space<hbm>> -> memref<96x128xf32, #tpu.memory_space<hbm>>
    tpu.enqueue_dma source(%arg7 : memref<96x128xf32, #tpu.memory_space<vmem>>) target(%dma_start3A_268 : memref<96x128xf32, #tpu.memory_space<hbm>>) target_semaphore(%arg15 : memref<!tpu.dma_semaphore, #tpu.memory_space<semaphore_mem>>)
    %dma_wait3A_269 = arith.constant 0 : i32
    %dma_wait3A_270 = tpu.memref_slice %arg4[%add3A_238, %dma_wait3A_269] : memref<73728x128xf32, #tpu.memory_space<hbm>> -> memref<96x128xf32, #tpu.memory_space<hbm>>
    %dma_wait3A_271 = arith.constant 0 : i32
    %dma_wait3A_272 = tpu.memref_slice %arg4[%add3A_238, %dma_wait3A_271] : memref<73728x128xf32, #tpu.memory_space<hbm>> -> memref<96x128xf32, #tpu.memory_space<hbm>>
    tpu.wait_dma2 semaphore(%arg14 : memref<!tpu.dma_semaphore, #tpu.memory_space<semaphore_mem>>) src(%arg6 : memref<96x128xf32, #tpu.memory_space<vmem>>) dst(%dma_wait3A_272 : memref<96x128xf32, #tpu.memory_space<hbm>>)
    %dma_start3A_273 = arith.constant 12 : i32
    %dma_start3A_274 = arith.constant 0 : i32
    %dma_start3A_275 = arith.constant 0 : i32
    %dma_start3A_276 = tpu.memref_slice %arg5[%dma_start3A_273, %dma_start3A_274, %dma_start3A_275] : memref<24x1x96xi32, #tpu.memory_space<vmem>> -> memref<1x1x96xi32, #tpu.memory_space<vmem>>
    %dma_start3A_277 = tpu.memref_squeeze %dma_start3A_276 : memref<1x1x96xi32, #tpu.memory_space<vmem>> -> memref<96xi32, #tpu.memory_space<vmem>>
    %dma_start3A_278 = arith.constant 0 : i32
    %dma_start3A_279 = arith.constant 0 : i32
    %dma_start3A_280 = tpu.memref_slice %arg2[%dma_start3A_278, %dma_start3A_279] : memref<10000x128xf32, #tpu.memory_space<hbm>> -> memref<10000x128xf32, #tpu.memory_space<hbm>>
    tpu.enqueue_indirect_dma source(%dma_start3A_280 : memref<10000x128xf32, #tpu.memory_space<hbm>>) target(%arg6 : memref<96x128xf32, #tpu.memory_space<vmem>>) offsets(%dma_start3A_277 : memref<96xi32, #tpu.memory_space<vmem>>) semaphore(%arg10 : memref<!tpu.dma_semaphore, #tpu.memory_space<semaphore_mem>>)
    %dma_wait3A_281 = arith.constant 10 : i32
    %dma_wait3A_282 = arith.constant 0 : i32
    %dma_wait3A_283 = arith.constant 0 : i32
    %dma_wait3A_284 = tpu.memref_slice %arg5[%dma_wait3A_281, %dma_wait3A_282, %dma_wait3A_283] : memref<24x1x96xi32, #tpu.memory_space<vmem>> -> memref<1x1x96xi32, #tpu.memory_space<vmem>>
    %dma_wait3A_285 = tpu.memref_squeeze %dma_wait3A_284 : memref<1x1x96xi32, #tpu.memory_space<vmem>> -> memref<96xi32, #tpu.memory_space<vmem>>
    %dma_wait3A_286 = arith.constant 0 : i32
    %dma_wait3A_287 = arith.constant 0 : i32
    %dma_wait3A_288 = tpu.memref_slice %arg2[%dma_wait3A_286, %dma_wait3A_287] : memref<10000x128xf32, #tpu.memory_space<hbm>> -> memref<10000x128xf32, #tpu.memory_space<hbm>>
    tpu.wait_indirect_dma semaphore(%arg12 : memref<!tpu.dma_semaphore, #tpu.memory_space<semaphore_mem>>) src(%dma_wait3A_288 : memref<10000x128xf32, #tpu.memory_space<hbm>>) dst(%arg8 : memref<96x128xf32, #tpu.memory_space<vmem>>)
    %add3A_289 = arith.constant 960 : i32
    %add3A_290 = arith.addi %mul3A_2, %add3A_289 : i32
    %dma_start3A_291 = arith.constant 0 : i32
    %dma_start3A_292 = tpu.memref_slice %arg4[%add3A_290, %dma_start3A_291] : memref<73728x128xf32, #tpu.memory_space<hbm>> -> memref<96x128xf32, #tpu.memory_space<hbm>>
    %dma_start3A_293 = arith.constant 0 : i32
    %dma_start3A_294 = tpu.memref_slice %arg4[%add3A_290, %dma_start3A_293] : memref<73728x128xf32, #tpu.memory_space<hbm>> -> memref<96x128xf32, #tpu.memory_space<hbm>>
    tpu.enqueue_dma source(%arg8 : memref<96x128xf32, #tpu.memory_space<vmem>>) target(%dma_start3A_294 : memref<96x128xf32, #tpu.memory_space<hbm>>) target_semaphore(%arg16 : memref<!tpu.dma_semaphore, #tpu.memory_space<semaphore_mem>>)
    %dma_wait3A_295 = arith.constant 0 : i32
    %dma_wait3A_296 = tpu.memref_slice %arg4[%add3A_264, %dma_wait3A_295] : memref<73728x128xf32, #tpu.memory_space<hbm>> -> memref<96x128xf32, #tpu.memory_space<hbm>>
    %dma_wait3A_297 = arith.constant 0 : i32
    %dma_wait3A_298 = tpu.memref_slice %arg4[%add3A_264, %dma_wait3A_297] : memref<73728x128xf32, #tpu.memory_space<hbm>> -> memref<96x128xf32, #tpu.memory_space<hbm>>
    tpu.wait_dma2 semaphore(%arg15 : memref<!tpu.dma_semaphore, #tpu.memory_space<semaphore_mem>>) src(%arg7 : memref<96x128xf32, #tpu.memory_space<vmem>>) dst(%dma_wait3A_298 : memref<96x128xf32, #tpu.memory_space<hbm>>)
    %dma_start3A_299 = arith.constant 13 : i32
    %dma_start3A_300 = arith.constant 0 : i32
    %dma_start3A_301 = arith.constant 0 : i32
    %dma_start3A_302 = tpu.memref_slice %arg5[%dma_start3A_299, %dma_start3A_300, %dma_start3A_301] : memref<24x1x96xi32, #tpu.memory_space<vmem>> -> memref<1x1x96xi32, #tpu.memory_space<vmem>>
    %dma_start3A_303 = tpu.memref_squeeze %dma_start3A_302 : memref<1x1x96xi32, #tpu.memory_space<vmem>> -> memref<96xi32, #tpu.memory_space<vmem>>
    %dma_start3A_304 = arith.constant 0 : i32
    %dma_start3A_305 = arith.constant 0 : i32
    %dma_start3A_306 = tpu.memref_slice %arg2[%dma_start3A_304, %dma_start3A_305] : memref<10000x128xf32, #tpu.memory_space<hbm>> -> memref<10000x128xf32, #tpu.memory_space<hbm>>
    tpu.enqueue_indirect_dma source(%dma_start3A_306 : memref<10000x128xf32, #tpu.memory_space<hbm>>) target(%arg7 : memref<96x128xf32, #tpu.memory_space<vmem>>) offsets(%dma_start3A_303 : memref<96xi32, #tpu.memory_space<vmem>>) semaphore(%arg11 : memref<!tpu.dma_semaphore, #tpu.memory_space<semaphore_mem>>)
    %dma_wait3A_307 = arith.constant 11 : i32
    %dma_wait3A_308 = arith.constant 0 : i32
    %dma_wait3A_309 = arith.constant 0 : i32
    %dma_wait3A_310 = tpu.memref_slice %arg5[%dma_wait3A_307, %dma_wait3A_308, %dma_wait3A_309] : memref<24x1x96xi32, #tpu.memory_space<vmem>> -> memref<1x1x96xi32, #tpu.memory_space<vmem>>
    %dma_wait3A_311 = tpu.memref_squeeze %dma_wait3A_310 : memref<1x1x96xi32, #tpu.memory_space<vmem>> -> memref<96xi32, #tpu.memory_space<vmem>>
    %dma_wait3A_312 = arith.constant 0 : i32
    %dma_wait3A_313 = arith.constant 0 : i32
    %dma_wait3A_314 = tpu.memref_slice %arg2[%dma_wait3A_312, %dma_wait3A_313] : memref<10000x128xf32, #tpu.memory_space<hbm>> -> memref<10000x128xf32, #tpu.memory_space<hbm>>
    tpu.wait_indirect_dma semaphore(%arg13 : memref<!tpu.dma_semaphore, #tpu.memory_space<semaphore_mem>>) src(%dma_wait3A_314 : memref<10000x128xf32, #tpu.memory_space<hbm>>) dst(%arg9 : memref<96x128xf32, #tpu.memory_space<vmem>>)
    %add3A_315 = arith.constant 1056 : i32
    %add3A_316 = arith.addi %mul3A_2, %add3A_315 : i32
    %dma_start3A_317 = arith.constant 0 : i32
    %dma_start3A_318 = tpu.memref_slice %arg4[%add3A_316, %dma_start3A_317] : memref<73728x128xf32, #tpu.memory_space<hbm>> -> memref<96x128xf32, #tpu.memory_space<hbm>>
    %dma_start3A_319 = arith.constant 0 : i32
    %dma_start3A_320 = tpu.memref_slice %arg4[%add3A_316, %dma_start3A_319] : memref<73728x128xf32, #tpu.memory_space<hbm>> -> memref<96x128xf32, #tpu.memory_space<hbm>>
    tpu.enqueue_dma source(%arg9 : memref<96x128xf32, #tpu.memory_space<vmem>>) target(%dma_start3A_320 : memref<96x128xf32, #tpu.memory_space<hbm>>) target_semaphore(%arg17 : memref<!tpu.dma_semaphore, #tpu.memory_space<semaphore_mem>>)
    %dma_wait3A_321 = arith.constant 0 : i32
    %dma_wait3A_322 = tpu.memref_slice %arg4[%add3A_290, %dma_wait3A_321] : memref<73728x128xf32, #tpu.memory_space<hbm>> -> memref<96x128xf32, #tpu.memory_space<hbm>>
    %dma_wait3A_323 = arith.constant 0 : i32
    %dma_wait3A_324 = tpu.memref_slice %arg4[%add3A_290, %dma_wait3A_323] : memref<73728x128xf32, #tpu.memory_space<hbm>> -> memref<96x128xf32, #tpu.memory_space<hbm>>
    tpu.wait_dma2 semaphore(%arg16 : memref<!tpu.dma_semaphore, #tpu.memory_space<semaphore_mem>>) src(%arg8 : memref<96x128xf32, #tpu.memory_space<vmem>>) dst(%dma_wait3A_324 : memref<96x128xf32, #tpu.memory_space<hbm>>)
    %dma_start3A_325 = arith.constant 14 : i32
    %dma_start3A_326 = arith.constant 0 : i32
    %dma_start3A_327 = arith.constant 0 : i32
    %dma_start3A_328 = tpu.memref_slice %arg5[%dma_start3A_325, %dma_start3A_326, %dma_start3A_327] : memref<24x1x96xi32, #tpu.memory_space<vmem>> -> memref<1x1x96xi32, #tpu.memory_space<vmem>>
    %dma_start3A_329 = tpu.memref_squeeze %dma_start3A_328 : memref<1x1x96xi32, #tpu.memory_space<vmem>> -> memref<96xi32, #tpu.memory_space<vmem>>
    %dma_start3A_330 = arith.constant 0 : i32
    %dma_start3A_331 = arith.constant 0 : i32
    %dma_start3A_332 = tpu.memref_slice %arg2[%dma_start3A_330, %dma_start3A_331] : memref<10000x128xf32, #tpu.memory_space<hbm>> -> memref<10000x128xf32, #tpu.memory_space<hbm>>
    tpu.enqueue_indirect_dma source(%dma_start3A_332 : memref<10000x128xf32, #tpu.memory_space<hbm>>) target(%arg8 : memref<96x128xf32, #tpu.memory_space<vmem>>) offsets(%dma_start3A_329 : memref<96xi32, #tpu.memory_space<vmem>>) semaphore(%arg12 : memref<!tpu.dma_semaphore, #tpu.memory_space<semaphore_mem>>)
    %dma_wait3A_333 = arith.constant 12 : i32
    %dma_wait3A_334 = arith.constant 0 : i32
    %dma_wait3A_335 = arith.constant 0 : i32
    %dma_wait3A_336 = tpu.memref_slice %arg5[%dma_wait3A_333, %dma_wait3A_334, %dma_wait3A_335] : memref<24x1x96xi32, #tpu.memory_space<vmem>> -> memref<1x1x96xi32, #tpu.memory_space<vmem>>
    %dma_wait3A_337 = tpu.memref_squeeze %dma_wait3A_336 : memref<1x1x96xi32, #tpu.memory_space<vmem>> -> memref<96xi32, #tpu.memory_space<vmem>>
    %dma_wait3A_338 = arith.constant 0 : i32
    %dma_wait3A_339 = arith.constant 0 : i32
    %dma_wait3A_340 = tpu.memref_slice %arg2[%dma_wait3A_338, %dma_wait3A_339] : memref<10000x128xf32, #tpu.memory_space<hbm>> -> memref<10000x128xf32, #tpu.memory_space<hbm>>
    tpu.wait_indirect_dma semaphore(%arg10 : memref<!tpu.dma_semaphore, #tpu.memory_space<semaphore_mem>>) src(%dma_wait3A_340 : memref<10000x128xf32, #tpu.memory_space<hbm>>) dst(%arg6 : memref<96x128xf32, #tpu.memory_space<vmem>>)
    %add3A_341 = arith.constant 1152 : i32
    %add3A_342 = arith.addi %mul3A_2, %add3A_341 : i32
    %dma_start3A_343 = arith.constant 0 : i32
    %dma_start3A_344 = tpu.memref_slice %arg4[%add3A_342, %dma_start3A_343] : memref<73728x128xf32, #tpu.memory_space<hbm>> -> memref<96x128xf32, #tpu.memory_space<hbm>>
    %dma_start3A_345 = arith.constant 0 : i32
    %dma_start3A_346 = tpu.memref_slice %arg4[%add3A_342, %dma_start3A_345] : memref<73728x128xf32, #tpu.memory_space<hbm>> -> memref<96x128xf32, #tpu.memory_space<hbm>>
    tpu.enqueue_dma source(%arg6 : memref<96x128xf32, #tpu.memory_space<vmem>>) target(%dma_start3A_346 : memref<96x128xf32, #tpu.memory_space<hbm>>) target_semaphore(%arg14 : memref<!tpu.dma_semaphore, #tpu.memory_space<semaphore_mem>>)
    %dma_wait3A_347 = arith.constant 0 : i32
    %dma_wait3A_348 = tpu.memref_slice %arg4[%add3A_316, %dma_wait3A_347] : memref<73728x128xf32, #tpu.memory_space<hbm>> -> memref<96x128xf32, #tpu.memory_space<hbm>>
    %dma_wait3A_349 = arith.constant 0 : i32
    %dma_wait3A_350 = tpu.memref_slice %arg4[%add3A_316, %dma_wait3A_349] : memref<73728x128xf32, #tpu.memory_space<hbm>> -> memref<96x128xf32, #tpu.memory_space<hbm>>
    tpu.wait_dma2 semaphore(%arg17 : memref<!tpu.dma_semaphore, #tpu.memory_space<semaphore_mem>>) src(%arg9 : memref<96x128xf32, #tpu.memory_space<vmem>>) dst(%dma_wait3A_350 : memref<96x128xf32, #tpu.memory_space<hbm>>)
    %dma_start3A_351 = arith.constant 15 : i32
    %dma_start3A_352 = arith.constant 0 : i32
    %dma_start3A_353 = arith.constant 0 : i32
    %dma_start3A_354 = tpu.memref_slice %arg5[%dma_start3A_351, %dma_start3A_352, %dma_start3A_353] : memref<24x1x96xi32, #tpu.memory_space<vmem>> -> memref<1x1x96xi32, #tpu.memory_space<vmem>>
    %dma_start3A_355 = tpu.memref_squeeze %dma_start3A_354 : memref<1x1x96xi32, #tpu.memory_space<vmem>> -> memref<96xi32, #tpu.memory_space<vmem>>
    %dma_start3A_356 = arith.constant 0 : i32
    %dma_start3A_357 = arith.constant 0 : i32
    %dma_start3A_358 = tpu.memref_slice %arg2[%dma_start3A_356, %dma_start3A_357] : memref<10000x128xf32, #tpu.memory_space<hbm>> -> memref<10000x128xf32, #tpu.memory_space<hbm>>
    tpu.enqueue_indirect_dma source(%dma_start3A_358 : memref<10000x128xf32, #tpu.memory_space<hbm>>) target(%arg9 : memref<96x128xf32, #tpu.memory_space<vmem>>) offsets(%dma_start3A_355 : memref<96xi32, #tpu.memory_space<vmem>>) semaphore(%arg13 : memref<!tpu.dma_semaphore, #tpu.memory_space<semaphore_mem>>)
    %dma_wait3A_359 = arith.constant 13 : i32
    %dma_wait3A_360 = arith.constant 0 : i32
    %dma_wait3A_361 = arith.constant 0 : i32
    %dma_wait3A_362 = tpu.memref_slice %arg5[%dma_wait3A_359, %dma_wait3A_360, %dma_wait3A_361] : memref<24x1x96xi32, #tpu.memory_space<vmem>> -> memref<1x1x96xi32, #tpu.memory_space<vmem>>
    %dma_wait3A_363 = tpu.memref_squeeze %dma_wait3A_362 : memref<1x1x96xi32, #tpu.memory_space<vmem>> -> memref<96xi32, #tpu.memory_space<vmem>>
    %dma_wait3A_364 = arith.constant 0 : i32
    %dma_wait3A_365 = arith.constant 0 : i32
    %dma_wait3A_366 = tpu.memref_slice %arg2[%dma_wait3A_364, %dma_wait3A_365] : memref<10000x128xf32, #tpu.memory_space<hbm>> -> memref<10000x128xf32, #tpu.memory_space<hbm>>
    tpu.wait_indirect_dma semaphore(%arg11 : memref<!tpu.dma_semaphore, #tpu.memory_space<semaphore_mem>>) src(%dma_wait3A_366 : memref<10000x128xf32, #tpu.memory_space<hbm>>) dst(%arg7 : memref<96x128xf32, #tpu.memory_space<vmem>>)
    %add3A_367 = arith.constant 1248 : i32
    %add3A_368 = arith.addi %mul3A_2, %add3A_367 : i32
    %dma_start3A_369 = arith.constant 0 : i32
    %dma_start3A_370 = tpu.memref_slice %arg4[%add3A_368, %dma_start3A_369] : memref<73728x128xf32, #tpu.memory_space<hbm>> -> memref<96x128xf32, #tpu.memory_space<hbm>>
    %dma_start3A_371 = arith.constant 0 : i32
    %dma_start3A_372 = tpu.memref_slice %arg4[%add3A_368, %dma_start3A_371] : memref<73728x128xf32, #tpu.memory_space<hbm>> -> memref<96x128xf32, #tpu.memory_space<hbm>>
    tpu.enqueue_dma source(%arg7 : memref<96x128xf32, #tpu.memory_space<vmem>>) target(%dma_start3A_372 : memref<96x128xf32, #tpu.memory_space<hbm>>) target_semaphore(%arg15 : memref<!tpu.dma_semaphore, #tpu.memory_space<semaphore_mem>>)
    %dma_wait3A_373 = arith.constant 0 : i32
    %dma_wait3A_374 = tpu.memref_slice %arg4[%add3A_342, %dma_wait3A_373] : memref<73728x128xf32, #tpu.memory_space<hbm>> -> memref<96x128xf32, #tpu.memory_space<hbm>>
    %dma_wait3A_375 = arith.constant 0 : i32
    %dma_wait3A_376 = tpu.memref_slice %arg4[%add3A_342, %dma_wait3A_375] : memref<73728x128xf32, #tpu.memory_space<hbm>> -> memref<96x128xf32, #tpu.memory_space<hbm>>
    tpu.wait_dma2 semaphore(%arg14 : memref<!tpu.dma_semaphore, #tpu.memory_space<semaphore_mem>>) src(%arg6 : memref<96x128xf32, #tpu.memory_space<vmem>>) dst(%dma_wait3A_376 : memref<96x128xf32, #tpu.memory_space<hbm>>)
    %dma_start3A_377 = arith.constant 16 : i32
    %dma_start3A_378 = arith.constant 0 : i32
    %dma_start3A_379 = arith.constant 0 : i32
    %dma_start3A_380 = tpu.memref_slice %arg5[%dma_start3A_377, %dma_start3A_378, %dma_start3A_379] : memref<24x1x96xi32, #tpu.memory_space<vmem>> -> memref<1x1x96xi32, #tpu.memory_space<vmem>>
    %dma_start3A_381 = tpu.memref_squeeze %dma_start3A_380 : memref<1x1x96xi32, #tpu.memory_space<vmem>> -> memref<96xi32, #tpu.memory_space<vmem>>
    %dma_start3A_382 = arith.constant 0 : i32
    %dma_start3A_383 = arith.constant 0 : i32
    %dma_start3A_384 = tpu.memref_slice %arg2[%dma_start3A_382, %dma_start3A_383] : memref<10000x128xf32, #tpu.memory_space<hbm>> -> memref<10000x128xf32, #tpu.memory_space<hbm>>
    tpu.enqueue_indirect_dma source(%dma_start3A_384 : memref<10000x128xf32, #tpu.memory_space<hbm>>) target(%arg6 : memref<96x128xf32, #tpu.memory_space<vmem>>) offsets(%dma_start3A_381 : memref<96xi32, #tpu.memory_space<vmem>>) semaphore(%arg10 : memref<!tpu.dma_semaphore, #tpu.memory_space<semaphore_mem>>)
    %dma_wait3A_385 = arith.constant 14 : i32
    %dma_wait3A_386 = arith.constant 0 : i32
    %dma_wait3A_387 = arith.constant 0 : i32
    %dma_wait3A_388 = tpu.memref_slice %arg5[%dma_wait3A_385, %dma_wait3A_386, %dma_wait3A_387] : memref<24x1x96xi32, #tpu.memory_space<vmem>> -> memref<1x1x96xi32, #tpu.memory_space<vmem>>
    %dma_wait3A_389 = tpu.memref_squeeze %dma_wait3A_388 : memref<1x1x96xi32, #tpu.memory_space<vmem>> -> memref<96xi32, #tpu.memory_space<vmem>>
    %dma_wait3A_390 = arith.constant 0 : i32
    %dma_wait3A_391 = arith.constant 0 : i32
    %dma_wait3A_392 = tpu.memref_slice %arg2[%dma_wait3A_390, %dma_wait3A_391] : memref<10000x128xf32, #tpu.memory_space<hbm>> -> memref<10000x128xf32, #tpu.memory_space<hbm>>
    tpu.wait_indirect_dma semaphore(%arg12 : memref<!tpu.dma_semaphore, #tpu.memory_space<semaphore_mem>>) src(%dma_wait3A_392 : memref<10000x128xf32, #tpu.memory_space<hbm>>) dst(%arg8 : memref<96x128xf32, #tpu.memory_space<vmem>>)
    %add3A_393 = arith.constant 1344 : i32
    %add3A_394 = arith.addi %mul3A_2, %add3A_393 : i32
    %dma_start3A_395 = arith.constant 0 : i32
    %dma_start3A_396 = tpu.memref_slice %arg4[%add3A_394, %dma_start3A_395] : memref<73728x128xf32, #tpu.memory_space<hbm>> -> memref<96x128xf32, #tpu.memory_space<hbm>>
    %dma_start3A_397 = arith.constant 0 : i32
    %dma_start3A_398 = tpu.memref_slice %arg4[%add3A_394, %dma_start3A_397] : memref<73728x128xf32, #tpu.memory_space<hbm>> -> memref<96x128xf32, #tpu.memory_space<hbm>>
    tpu.enqueue_dma source(%arg8 : memref<96x128xf32, #tpu.memory_space<vmem>>) target(%dma_start3A_398 : memref<96x128xf32, #tpu.memory_space<hbm>>) target_semaphore(%arg16 : memref<!tpu.dma_semaphore, #tpu.memory_space<semaphore_mem>>)
    %dma_wait3A_399 = arith.constant 0 : i32
    %dma_wait3A_400 = tpu.memref_slice %arg4[%add3A_368, %dma_wait3A_399] : memref<73728x128xf32, #tpu.memory_space<hbm>> -> memref<96x128xf32, #tpu.memory_space<hbm>>
    %dma_wait3A_401 = arith.constant 0 : i32
    %dma_wait3A_402 = tpu.memref_slice %arg4[%add3A_368, %dma_wait3A_401] : memref<73728x128xf32, #tpu.memory_space<hbm>> -> memref<96x128xf32, #tpu.memory_space<hbm>>
    tpu.wait_dma2 semaphore(%arg15 : memref<!tpu.dma_semaphore, #tpu.memory_space<semaphore_mem>>) src(%arg7 : memref<96x128xf32, #tpu.memory_space<vmem>>) dst(%dma_wait3A_402 : memref<96x128xf32, #tpu.memory_space<hbm>>)
    %dma_start3A_403 = arith.constant 17 : i32
    %dma_start3A_404 = arith.constant 0 : i32
    %dma_start3A_405 = arith.constant 0 : i32
    %dma_start3A_406 = tpu.memref_slice %arg5[%dma_start3A_403, %dma_start3A_404, %dma_start3A_405] : memref<24x1x96xi32, #tpu.memory_space<vmem>> -> memref<1x1x96xi32, #tpu.memory_space<vmem>>
    %dma_start3A_407 = tpu.memref_squeeze %dma_start3A_406 : memref<1x1x96xi32, #tpu.memory_space<vmem>> -> memref<96xi32, #tpu.memory_space<vmem>>
    %dma_start3A_408 = arith.constant 0 : i32
    %dma_start3A_409 = arith.constant 0 : i32
    %dma_start3A_410 = tpu.memref_slice %arg2[%dma_start3A_408, %dma_start3A_409] : memref<10000x128xf32, #tpu.memory_space<hbm>> -> memref<10000x128xf32, #tpu.memory_space<hbm>>
    tpu.enqueue_indirect_dma source(%dma_start3A_410 : memref<10000x128xf32, #tpu.memory_space<hbm>>) target(%arg7 : memref<96x128xf32, #tpu.memory_space<vmem>>) offsets(%dma_start3A_407 : memref<96xi32, #tpu.memory_space<vmem>>) semaphore(%arg11 : memref<!tpu.dma_semaphore, #tpu.memory_space<semaphore_mem>>)
    %dma_wait3A_411 = arith.constant 15 : i32
    %dma_wait3A_412 = arith.constant 0 : i32
    %dma_wait3A_413 = arith.constant 0 : i32
    %dma_wait3A_414 = tpu.memref_slice %arg5[%dma_wait3A_411, %dma_wait3A_412, %dma_wait3A_413] : memref<24x1x96xi32, #tpu.memory_space<vmem>> -> memref<1x1x96xi32, #tpu.memory_space<vmem>>
    %dma_wait3A_415 = tpu.memref_squeeze %dma_wait3A_414 : memref<1x1x96xi32, #tpu.memory_space<vmem>> -> memref<96xi32, #tpu.memory_space<vmem>>
    %dma_wait3A_416 = arith.constant 0 : i32
    %dma_wait3A_417 = arith.constant 0 : i32
    %dma_wait3A_418 = tpu.memref_slice %arg2[%dma_wait3A_416, %dma_wait3A_417] : memref<10000x128xf32, #tpu.memory_space<hbm>> -> memref<10000x128xf32, #tpu.memory_space<hbm>>
    tpu.wait_indirect_dma semaphore(%arg13 : memref<!tpu.dma_semaphore, #tpu.memory_space<semaphore_mem>>) src(%dma_wait3A_418 : memref<10000x128xf32, #tpu.memory_space<hbm>>) dst(%arg9 : memref<96x128xf32, #tpu.memory_space<vmem>>)
    %add3A_419 = arith.constant 1440 : i32
    %add3A_420 = arith.addi %mul3A_2, %add3A_419 : i32
    %dma_start3A_421 = arith.constant 0 : i32
    %dma_start3A_422 = tpu.memref_slice %arg4[%add3A_420, %dma_start3A_421] : memref<73728x128xf32, #tpu.memory_space<hbm>> -> memref<96x128xf32, #tpu.memory_space<hbm>>
    %dma_start3A_423 = arith.constant 0 : i32
    %dma_start3A_424 = tpu.memref_slice %arg4[%add3A_420, %dma_start3A_423] : memref<73728x128xf32, #tpu.memory_space<hbm>> -> memref<96x128xf32, #tpu.memory_space<hbm>>
    tpu.enqueue_dma source(%arg9 : memref<96x128xf32, #tpu.memory_space<vmem>>) target(%dma_start3A_424 : memref<96x128xf32, #tpu.memory_space<hbm>>) target_semaphore(%arg17 : memref<!tpu.dma_semaphore, #tpu.memory_space<semaphore_mem>>)
    %dma_wait3A_425 = arith.constant 0 : i32
    %dma_wait3A_426 = tpu.memref_slice %arg4[%add3A_394, %dma_wait3A_425] : memref<73728x128xf32, #tpu.memory_space<hbm>> -> memref<96x128xf32, #tpu.memory_space<hbm>>
    %dma_wait3A_427 = arith.constant 0 : i32
    %dma_wait3A_428 = tpu.memref_slice %arg4[%add3A_394, %dma_wait3A_427] : memref<73728x128xf32, #tpu.memory_space<hbm>> -> memref<96x128xf32, #tpu.memory_space<hbm>>
    tpu.wait_dma2 semaphore(%arg16 : memref<!tpu.dma_semaphore, #tpu.memory_space<semaphore_mem>>) src(%arg8 : memref<96x128xf32, #tpu.memory_space<vmem>>) dst(%dma_wait3A_428 : memref<96x128xf32, #tpu.memory_space<hbm>>)
    %dma_start3A_429 = arith.constant 18 : i32
    %dma_start3A_430 = arith.constant 0 : i32
    %dma_start3A_431 = arith.constant 0 : i32
    %dma_start3A_432 = tpu.memref_slice %arg5[%dma_start3A_429, %dma_start3A_430, %dma_start3A_431] : memref<24x1x96xi32, #tpu.memory_space<vmem>> -> memref<1x1x96xi32, #tpu.memory_space<vmem>>
    %dma_start3A_433 = tpu.memref_squeeze %dma_start3A_432 : memref<1x1x96xi32, #tpu.memory_space<vmem>> -> memref<96xi32, #tpu.memory_space<vmem>>
    %dma_start3A_434 = arith.constant 0 : i32
    %dma_start3A_435 = arith.constant 0 : i32
    %dma_start3A_436 = tpu.memref_slice %arg2[%dma_start3A_434, %dma_start3A_435] : memref<10000x128xf32, #tpu.memory_space<hbm>> -> memref<10000x128xf32, #tpu.memory_space<hbm>>
    tpu.enqueue_indirect_dma source(%dma_start3A_436 : memref<10000x128xf32, #tpu.memory_space<hbm>>) target(%arg8 : memref<96x128xf32, #tpu.memory_space<vmem>>) offsets(%dma_start3A_433 : memref<96xi32, #tpu.memory_space<vmem>>) semaphore(%arg12 : memref<!tpu.dma_semaphore, #tpu.memory_space<semaphore_mem>>)
    %dma_wait3A_437 = arith.constant 16 : i32
    %dma_wait3A_438 = arith.constant 0 : i32
    %dma_wait3A_439 = arith.constant 0 : i32
    %dma_wait3A_440 = tpu.memref_slice %arg5[%dma_wait3A_437, %dma_wait3A_438, %dma_wait3A_439] : memref<24x1x96xi32, #tpu.memory_space<vmem>> -> memref<1x1x96xi32, #tpu.memory_space<vmem>>
    %dma_wait3A_441 = tpu.memref_squeeze %dma_wait3A_440 : memref<1x1x96xi32, #tpu.memory_space<vmem>> -> memref<96xi32, #tpu.memory_space<vmem>>
    %dma_wait3A_442 = arith.constant 0 : i32
    %dma_wait3A_443 = arith.constant 0 : i32
    %dma_wait3A_444 = tpu.memref_slice %arg2[%dma_wait3A_442, %dma_wait3A_443] : memref<10000x128xf32, #tpu.memory_space<hbm>> -> memref<10000x128xf32, #tpu.memory_space<hbm>>
    tpu.wait_indirect_dma semaphore(%arg10 : memref<!tpu.dma_semaphore, #tpu.memory_space<semaphore_mem>>) src(%dma_wait3A_444 : memref<10000x128xf32, #tpu.memory_space<hbm>>) dst(%arg6 : memref<96x128xf32, #tpu.memory_space<vmem>>)
    %add3A_445 = arith.constant 1536 : i32
    %add3A_446 = arith.addi %mul3A_2, %add3A_445 : i32
    %dma_start3A_447 = arith.constant 0 : i32
    %dma_start3A_448 = tpu.memref_slice %arg4[%add3A_446, %dma_start3A_447] : memref<73728x128xf32, #tpu.memory_space<hbm>> -> memref<96x128xf32, #tpu.memory_space<hbm>>
    %dma_start3A_449 = arith.constant 0 : i32
    %dma_start3A_450 = tpu.memref_slice %arg4[%add3A_446, %dma_start3A_449] : memref<73728x128xf32, #tpu.memory_space<hbm>> -> memref<96x128xf32, #tpu.memory_space<hbm>>
    tpu.enqueue_dma source(%arg6 : memref<96x128xf32, #tpu.memory_space<vmem>>) target(%dma_start3A_450 : memref<96x128xf32, #tpu.memory_space<hbm>>) target_semaphore(%arg14 : memref<!tpu.dma_semaphore, #tpu.memory_space<semaphore_mem>>)
    %dma_wait3A_451 = arith.constant 0 : i32
    %dma_wait3A_452 = tpu.memref_slice %arg4[%add3A_420, %dma_wait3A_451] : memref<73728x128xf32, #tpu.memory_space<hbm>> -> memref<96x128xf32, #tpu.memory_space<hbm>>
    %dma_wait3A_453 = arith.constant 0 : i32
    %dma_wait3A_454 = tpu.memref_slice %arg4[%add3A_420, %dma_wait3A_453] : memref<73728x128xf32, #tpu.memory_space<hbm>> -> memref<96x128xf32, #tpu.memory_space<hbm>>
    tpu.wait_dma2 semaphore(%arg17 : memref<!tpu.dma_semaphore, #tpu.memory_space<semaphore_mem>>) src(%arg9 : memref<96x128xf32, #tpu.memory_space<vmem>>) dst(%dma_wait3A_454 : memref<96x128xf32, #tpu.memory_space<hbm>>)
    %dma_start3A_455 = arith.constant 19 : i32
    %dma_start3A_456 = arith.constant 0 : i32
    %dma_start3A_457 = arith.constant 0 : i32
    %dma_start3A_458 = tpu.memref_slice %arg5[%dma_start3A_455, %dma_start3A_456, %dma_start3A_457] : memref<24x1x96xi32, #tpu.memory_space<vmem>> -> memref<1x1x96xi32, #tpu.memory_space<vmem>>
    %dma_start3A_459 = tpu.memref_squeeze %dma_start3A_458 : memref<1x1x96xi32, #tpu.memory_space<vmem>> -> memref<96xi32, #tpu.memory_space<vmem>>
    %dma_start3A_460 = arith.constant 0 : i32
    %dma_start3A_461 = arith.constant 0 : i32
    %dma_start3A_462 = tpu.memref_slice %arg2[%dma_start3A_460, %dma_start3A_461] : memref<10000x128xf32, #tpu.memory_space<hbm>> -> memref<10000x128xf32, #tpu.memory_space<hbm>>
    tpu.enqueue_indirect_dma source(%dma_start3A_462 : memref<10000x128xf32, #tpu.memory_space<hbm>>) target(%arg9 : memref<96x128xf32, #tpu.memory_space<vmem>>) offsets(%dma_start3A_459 : memref<96xi32, #tpu.memory_space<vmem>>) semaphore(%arg13 : memref<!tpu.dma_semaphore, #tpu.memory_space<semaphore_mem>>)
    %dma_wait3A_463 = arith.constant 17 : i32
    %dma_wait3A_464 = arith.constant 0 : i32
    %dma_wait3A_465 = arith.constant 0 : i32
    %dma_wait3A_466 = tpu.memref_slice %arg5[%dma_wait3A_463, %dma_wait3A_464, %dma_wait3A_465] : memref<24x1x96xi32, #tpu.memory_space<vmem>> -> memref<1x1x96xi32, #tpu.memory_space<vmem>>
    %dma_wait3A_467 = tpu.memref_squeeze %dma_wait3A_466 : memref<1x1x96xi32, #tpu.memory_space<vmem>> -> memref<96xi32, #tpu.memory_space<vmem>>
    %dma_wait3A_468 = arith.constant 0 : i32
    %dma_wait3A_469 = arith.constant 0 : i32
    %dma_wait3A_470 = tpu.memref_slice %arg2[%dma_wait3A_468, %dma_wait3A_469] : memref<10000x128xf32, #tpu.memory_space<hbm>> -> memref<10000x128xf32, #tpu.memory_space<hbm>>
    tpu.wait_indirect_dma semaphore(%arg11 : memref<!tpu.dma_semaphore, #tpu.memory_space<semaphore_mem>>) src(%dma_wait3A_470 : memref<10000x128xf32, #tpu.memory_space<hbm>>) dst(%arg7 : memref<96x128xf32, #tpu.memory_space<vmem>>)
    %add3A_471 = arith.constant 1632 : i32
    %add3A_472 = arith.addi %mul3A_2, %add3A_471 : i32
    %dma_start3A_473 = arith.constant 0 : i32
    %dma_start3A_474 = tpu.memref_slice %arg4[%add3A_472, %dma_start3A_473] : memref<73728x128xf32, #tpu.memory_space<hbm>> -> memref<96x128xf32, #tpu.memory_space<hbm>>
    %dma_start3A_475 = arith.constant 0 : i32
    %dma_start3A_476 = tpu.memref_slice %arg4[%add3A_472, %dma_start3A_475] : memref<73728x128xf32, #tpu.memory_space<hbm>> -> memref<96x128xf32, #tpu.memory_space<hbm>>
    tpu.enqueue_dma source(%arg7 : memref<96x128xf32, #tpu.memory_space<vmem>>) target(%dma_start3A_476 : memref<96x128xf32, #tpu.memory_space<hbm>>) target_semaphore(%arg15 : memref<!tpu.dma_semaphore, #tpu.memory_space<semaphore_mem>>)
    %dma_wait3A_477 = arith.constant 0 : i32
    %dma_wait3A_478 = tpu.memref_slice %arg4[%add3A_446, %dma_wait3A_477] : memref<73728x128xf32, #tpu.memory_space<hbm>> -> memref<96x128xf32, #tpu.memory_space<hbm>>
    %dma_wait3A_479 = arith.constant 0 : i32
    %dma_wait3A_480 = tpu.memref_slice %arg4[%add3A_446, %dma_wait3A_479] : memref<73728x128xf32, #tpu.memory_space<hbm>> -> memref<96x128xf32, #tpu.memory_space<hbm>>
    tpu.wait_dma2 semaphore(%arg14 : memref<!tpu.dma_semaphore, #tpu.memory_space<semaphore_mem>>) src(%arg6 : memref<96x128xf32, #tpu.memory_space<vmem>>) dst(%dma_wait3A_480 : memref<96x128xf32, #tpu.memory_space<hbm>>)
    %dma_start3A_481 = arith.constant 20 : i32
    %dma_start3A_482 = arith.constant 0 : i32
    %dma_start3A_483 = arith.constant 0 : i32
    %dma_start3A_484 = tpu.memref_slice %arg5[%dma_start3A_481, %dma_start3A_482, %dma_start3A_483] : memref<24x1x96xi32, #tpu.memory_space<vmem>> -> memref<1x1x96xi32, #tpu.memory_space<vmem>>
    %dma_start3A_485 = tpu.memref_squeeze %dma_start3A_484 : memref<1x1x96xi32, #tpu.memory_space<vmem>> -> memref<96xi32, #tpu.memory_space<vmem>>
    %dma_start3A_486 = arith.constant 0 : i32
    %dma_start3A_487 = arith.constant 0 : i32
    %dma_start3A_488 = tpu.memref_slice %arg2[%dma_start3A_486, %dma_start3A_487] : memref<10000x128xf32, #tpu.memory_space<hbm>> -> memref<10000x128xf32, #tpu.memory_space<hbm>>
    tpu.enqueue_indirect_dma source(%dma_start3A_488 : memref<10000x128xf32, #tpu.memory_space<hbm>>) target(%arg6 : memref<96x128xf32, #tpu.memory_space<vmem>>) offsets(%dma_start3A_485 : memref<96xi32, #tpu.memory_space<vmem>>) semaphore(%arg10 : memref<!tpu.dma_semaphore, #tpu.memory_space<semaphore_mem>>)
    %dma_wait3A_489 = arith.constant 18 : i32
    %dma_wait3A_490 = arith.constant 0 : i32
    %dma_wait3A_491 = arith.constant 0 : i32
    %dma_wait3A_492 = tpu.memref_slice %arg5[%dma_wait3A_489, %dma_wait3A_490, %dma_wait3A_491] : memref<24x1x96xi32, #tpu.memory_space<vmem>> -> memref<1x1x96xi32, #tpu.memory_space<vmem>>
    %dma_wait3A_493 = tpu.memref_squeeze %dma_wait3A_492 : memref<1x1x96xi32, #tpu.memory_space<vmem>> -> memref<96xi32, #tpu.memory_space<vmem>>
    %dma_wait3A_494 = arith.constant 0 : i32
    %dma_wait3A_495 = arith.constant 0 : i32
    %dma_wait3A_496 = tpu.memref_slice %arg2[%dma_wait3A_494, %dma_wait3A_495] : memref<10000x128xf32, #tpu.memory_space<hbm>> -> memref<10000x128xf32, #tpu.memory_space<hbm>>
    tpu.wait_indirect_dma semaphore(%arg12 : memref<!tpu.dma_semaphore, #tpu.memory_space<semaphore_mem>>) src(%dma_wait3A_496 : memref<10000x128xf32, #tpu.memory_space<hbm>>) dst(%arg8 : memref<96x128xf32, #tpu.memory_space<vmem>>)
    %add3A_497 = arith.constant 1728 : i32
    %add3A_498 = arith.addi %mul3A_2, %add3A_497 : i32
    %dma_start3A_499 = arith.constant 0 : i32
    %dma_start3A_500 = tpu.memref_slice %arg4[%add3A_498, %dma_start3A_499] : memref<73728x128xf32, #tpu.memory_space<hbm>> -> memref<96x128xf32, #tpu.memory_space<hbm>>
    %dma_start3A_501 = arith.constant 0 : i32
    %dma_start3A_502 = tpu.memref_slice %arg4[%add3A_498, %dma_start3A_501] : memref<73728x128xf32, #tpu.memory_space<hbm>> -> memref<96x128xf32, #tpu.memory_space<hbm>>
    tpu.enqueue_dma source(%arg8 : memref<96x128xf32, #tpu.memory_space<vmem>>) target(%dma_start3A_502 : memref<96x128xf32, #tpu.memory_space<hbm>>) target_semaphore(%arg16 : memref<!tpu.dma_semaphore, #tpu.memory_space<semaphore_mem>>)
    %dma_wait3A_503 = arith.constant 0 : i32
    %dma_wait3A_504 = tpu.memref_slice %arg4[%add3A_472, %dma_wait3A_503] : memref<73728x128xf32, #tpu.memory_space<hbm>> -> memref<96x128xf32, #tpu.memory_space<hbm>>
    %dma_wait3A_505 = arith.constant 0 : i32
    %dma_wait3A_506 = tpu.memref_slice %arg4[%add3A_472, %dma_wait3A_505] : memref<73728x128xf32, #tpu.memory_space<hbm>> -> memref<96x128xf32, #tpu.memory_space<hbm>>
    tpu.wait_dma2 semaphore(%arg15 : memref<!tpu.dma_semaphore, #tpu.memory_space<semaphore_mem>>) src(%arg7 : memref<96x128xf32, #tpu.memory_space<vmem>>) dst(%dma_wait3A_506 : memref<96x128xf32, #tpu.memory_space<hbm>>)
    %dma_start3A_507 = arith.constant 21 : i32
    %dma_start3A_508 = arith.constant 0 : i32
    %dma_start3A_509 = arith.constant 0 : i32
    %dma_start3A_510 = tpu.memref_slice %arg5[%dma_start3A_507, %dma_start3A_508, %dma_start3A_509] : memref<24x1x96xi32, #tpu.memory_space<vmem>> -> memref<1x1x96xi32, #tpu.memory_space<vmem>>
    %dma_start3A_511 = tpu.memref_squeeze %dma_start3A_510 : memref<1x1x96xi32, #tpu.memory_space<vmem>> -> memref<96xi32, #tpu.memory_space<vmem>>
    %dma_start3A_512 = arith.constant 0 : i32
    %dma_start3A_513 = arith.constant 0 : i32
    %dma_start3A_514 = tpu.memref_slice %arg2[%dma_start3A_512, %dma_start3A_513] : memref<10000x128xf32, #tpu.memory_space<hbm>> -> memref<10000x128xf32, #tpu.memory_space<hbm>>
    tpu.enqueue_indirect_dma source(%dma_start3A_514 : memref<10000x128xf32, #tpu.memory_space<hbm>>) target(%arg7 : memref<96x128xf32, #tpu.memory_space<vmem>>) offsets(%dma_start3A_511 : memref<96xi32, #tpu.memory_space<vmem>>) semaphore(%arg11 : memref<!tpu.dma_semaphore, #tpu.memory_space<semaphore_mem>>)
    %dma_wait3A_515 = arith.constant 19 : i32
    %dma_wait3A_516 = arith.constant 0 : i32
    %dma_wait3A_517 = arith.constant 0 : i32
    %dma_wait3A_518 = tpu.memref_slice %arg5[%dma_wait3A_515, %dma_wait3A_516, %dma_wait3A_517] : memref<24x1x96xi32, #tpu.memory_space<vmem>> -> memref<1x1x96xi32, #tpu.memory_space<vmem>>
    %dma_wait3A_519 = tpu.memref_squeeze %dma_wait3A_518 : memref<1x1x96xi32, #tpu.memory_space<vmem>> -> memref<96xi32, #tpu.memory_space<vmem>>
    %dma_wait3A_520 = arith.constant 0 : i32
    %dma_wait3A_521 = arith.constant 0 : i32
    %dma_wait3A_522 = tpu.memref_slice %arg2[%dma_wait3A_520, %dma_wait3A_521] : memref<10000x128xf32, #tpu.memory_space<hbm>> -> memref<10000x128xf32, #tpu.memory_space<hbm>>
    tpu.wait_indirect_dma semaphore(%arg13 : memref<!tpu.dma_semaphore, #tpu.memory_space<semaphore_mem>>) src(%dma_wait3A_522 : memref<10000x128xf32, #tpu.memory_space<hbm>>) dst(%arg9 : memref<96x128xf32, #tpu.memory_space<vmem>>)
    %add3A_523 = arith.constant 1824 : i32
    %add3A_524 = arith.addi %mul3A_2, %add3A_523 : i32
    %dma_start3A_525 = arith.constant 0 : i32
    %dma_start3A_526 = tpu.memref_slice %arg4[%add3A_524, %dma_start3A_525] : memref<73728x128xf32, #tpu.memory_space<hbm>> -> memref<96x128xf32, #tpu.memory_space<hbm>>
    %dma_start3A_527 = arith.constant 0 : i32
    %dma_start3A_528 = tpu.memref_slice %arg4[%add3A_524, %dma_start3A_527] : memref<73728x128xf32, #tpu.memory_space<hbm>> -> memref<96x128xf32, #tpu.memory_space<hbm>>
    tpu.enqueue_dma source(%arg9 : memref<96x128xf32, #tpu.memory_space<vmem>>) target(%dma_start3A_528 : memref<96x128xf32, #tpu.memory_space<hbm>>) target_semaphore(%arg17 : memref<!tpu.dma_semaphore, #tpu.memory_space<semaphore_mem>>)
    %dma_wait3A_529 = arith.constant 0 : i32
    %dma_wait3A_530 = tpu.memref_slice %arg4[%add3A_498, %dma_wait3A_529] : memref<73728x128xf32, #tpu.memory_space<hbm>> -> memref<96x128xf32, #tpu.memory_space<hbm>>
    %dma_wait3A_531 = arith.constant 0 : i32
    %dma_wait3A_532 = tpu.memref_slice %arg4[%add3A_498, %dma_wait3A_531] : memref<73728x128xf32, #tpu.memory_space<hbm>> -> memref<96x128xf32, #tpu.memory_space<hbm>>
    tpu.wait_dma2 semaphore(%arg16 : memref<!tpu.dma_semaphore, #tpu.memory_space<semaphore_mem>>) src(%arg8 : memref<96x128xf32, #tpu.memory_space<vmem>>) dst(%dma_wait3A_532 : memref<96x128xf32, #tpu.memory_space<hbm>>)
    %dma_start3A_533 = arith.constant 22 : i32
    %dma_start3A_534 = arith.constant 0 : i32
    %dma_start3A_535 = arith.constant 0 : i32
    %dma_start3A_536 = tpu.memref_slice %arg5[%dma_start3A_533, %dma_start3A_534, %dma_start3A_535] : memref<24x1x96xi32, #tpu.memory_space<vmem>> -> memref<1x1x96xi32, #tpu.memory_space<vmem>>
    %dma_start3A_537 = tpu.memref_squeeze %dma_start3A_536 : memref<1x1x96xi32, #tpu.memory_space<vmem>> -> memref<96xi32, #tpu.memory_space<vmem>>
    %dma_start3A_538 = arith.constant 0 : i32
    %dma_start3A_539 = arith.constant 0 : i32
    %dma_start3A_540 = tpu.memref_slice %arg2[%dma_start3A_538, %dma_start3A_539] : memref<10000x128xf32, #tpu.memory_space<hbm>> -> memref<10000x128xf32, #tpu.memory_space<hbm>>
    tpu.enqueue_indirect_dma source(%dma_start3A_540 : memref<10000x128xf32, #tpu.memory_space<hbm>>) target(%arg8 : memref<96x128xf32, #tpu.memory_space<vmem>>) offsets(%dma_start3A_537 : memref<96xi32, #tpu.memory_space<vmem>>) semaphore(%arg12 : memref<!tpu.dma_semaphore, #tpu.memory_space<semaphore_mem>>)
    %dma_wait3A_541 = arith.constant 20 : i32
    %dma_wait3A_542 = arith.constant 0 : i32
    %dma_wait3A_543 = arith.constant 0 : i32
    %dma_wait3A_544 = tpu.memref_slice %arg5[%dma_wait3A_541, %dma_wait3A_542, %dma_wait3A_543] : memref<24x1x96xi32, #tpu.memory_space<vmem>> -> memref<1x1x96xi32, #tpu.memory_space<vmem>>
    %dma_wait3A_545 = tpu.memref_squeeze %dma_wait3A_544 : memref<1x1x96xi32, #tpu.memory_space<vmem>> -> memref<96xi32, #tpu.memory_space<vmem>>
    %dma_wait3A_546 = arith.constant 0 : i32
    %dma_wait3A_547 = arith.constant 0 : i32
    %dma_wait3A_548 = tpu.memref_slice %arg2[%dma_wait3A_546, %dma_wait3A_547] : memref<10000x128xf32, #tpu.memory_space<hbm>> -> memref<10000x128xf32, #tpu.memory_space<hbm>>
    tpu.wait_indirect_dma semaphore(%arg10 : memref<!tpu.dma_semaphore, #tpu.memory_space<semaphore_mem>>) src(%dma_wait3A_548 : memref<10000x128xf32, #tpu.memory_space<hbm>>) dst(%arg6 : memref<96x128xf32, #tpu.memory_space<vmem>>)
    %add3A_549 = arith.constant 1920 : i32
    %add3A_550 = arith.addi %mul3A_2, %add3A_549 : i32
    %dma_start3A_551 = arith.constant 0 : i32
    %dma_start3A_552 = tpu.memref_slice %arg4[%add3A_550, %dma_start3A_551] : memref<73728x128xf32, #tpu.memory_space<hbm>> -> memref<96x128xf32, #tpu.memory_space<hbm>>
    %dma_start3A_553 = arith.constant 0 : i32
    %dma_start3A_554 = tpu.memref_slice %arg4[%add3A_550, %dma_start3A_553] : memref<73728x128xf32, #tpu.memory_space<hbm>> -> memref<96x128xf32, #tpu.memory_space<hbm>>
    tpu.enqueue_dma source(%arg6 : memref<96x128xf32, #tpu.memory_space<vmem>>) target(%dma_start3A_554 : memref<96x128xf32, #tpu.memory_space<hbm>>) target_semaphore(%arg14 : memref<!tpu.dma_semaphore, #tpu.memory_space<semaphore_mem>>)
    %dma_wait3A_555 = arith.constant 0 : i32
    %dma_wait3A_556 = tpu.memref_slice %arg4[%add3A_524, %dma_wait3A_555] : memref<73728x128xf32, #tpu.memory_space<hbm>> -> memref<96x128xf32, #tpu.memory_space<hbm>>
    %dma_wait3A_557 = arith.constant 0 : i32
    %dma_wait3A_558 = tpu.memref_slice %arg4[%add3A_524, %dma_wait3A_557] : memref<73728x128xf32, #tpu.memory_space<hbm>> -> memref<96x128xf32, #tpu.memory_space<hbm>>
    tpu.wait_dma2 semaphore(%arg17 : memref<!tpu.dma_semaphore, #tpu.memory_space<semaphore_mem>>) src(%arg9 : memref<96x128xf32, #tpu.memory_space<vmem>>) dst(%dma_wait3A_558 : memref<96x128xf32, #tpu.memory_space<hbm>>)
    %dma_start3A_559 = arith.constant 23 : i32
    %dma_start3A_560 = arith.constant 0 : i32
    %dma_start3A_561 = arith.constant 0 : i32
    %dma_start3A_562 = tpu.memref_slice %arg5[%dma_start3A_559, %dma_start3A_560, %dma_start3A_561] : memref<24x1x96xi32, #tpu.memory_space<vmem>> -> memref<1x1x96xi32, #tpu.memory_space<vmem>>
    %dma_start3A_563 = tpu.memref_squeeze %dma_start3A_562 : memref<1x1x96xi32, #tpu.memory_space<vmem>> -> memref<96xi32, #tpu.memory_space<vmem>>
    %dma_start3A_564 = arith.constant 0 : i32
    %dma_start3A_565 = arith.constant 0 : i32
    %dma_start3A_566 = tpu.memref_slice %arg2[%dma_start3A_564, %dma_start3A_565] : memref<10000x128xf32, #tpu.memory_space<hbm>> -> memref<10000x128xf32, #tpu.memory_space<hbm>>
    tpu.enqueue_indirect_dma source(%dma_start3A_566 : memref<10000x128xf32, #tpu.memory_space<hbm>>) target(%arg9 : memref<96x128xf32, #tpu.memory_space<vmem>>) offsets(%dma_start3A_563 : memref<96xi32, #tpu.memory_space<vmem>>) semaphore(%arg13 : memref<!tpu.dma_semaphore, #tpu.memory_space<semaphore_mem>>)
    %dma_wait3A_567 = arith.constant 21 : i32
    %dma_wait3A_568 = arith.constant 0 : i32
    %dma_wait3A_569 = arith.constant 0 : i32
    %dma_wait3A_570 = tpu.memref_slice %arg5[%dma_wait3A_567, %dma_wait3A_568, %dma_wait3A_569] : memref<24x1x96xi32, #tpu.memory_space<vmem>> -> memref<1x1x96xi32, #tpu.memory_space<vmem>>
    %dma_wait3A_571 = tpu.memref_squeeze %dma_wait3A_570 : memref<1x1x96xi32, #tpu.memory_space<vmem>> -> memref<96xi32, #tpu.memory_space<vmem>>
    %dma_wait3A_572 = arith.constant 0 : i32
    %dma_wait3A_573 = arith.constant 0 : i32
    %dma_wait3A_574 = tpu.memref_slice %arg2[%dma_wait3A_572, %dma_wait3A_573] : memref<10000x128xf32, #tpu.memory_space<hbm>> -> memref<10000x128xf32, #tpu.memory_space<hbm>>
    tpu.wait_indirect_dma semaphore(%arg11 : memref<!tpu.dma_semaphore, #tpu.memory_space<semaphore_mem>>) src(%dma_wait3A_574 : memref<10000x128xf32, #tpu.memory_space<hbm>>) dst(%arg7 : memref<96x128xf32, #tpu.memory_space<vmem>>)
    %add3A_575 = arith.constant 2016 : i32
    %add3A_576 = arith.addi %mul3A_2, %add3A_575 : i32
    %dma_start3A_577 = arith.constant 0 : i32
    %dma_start3A_578 = tpu.memref_slice %arg4[%add3A_576, %dma_start3A_577] : memref<73728x128xf32, #tpu.memory_space<hbm>> -> memref<96x128xf32, #tpu.memory_space<hbm>>
    %dma_start3A_579 = arith.constant 0 : i32
    %dma_start3A_580 = tpu.memref_slice %arg4[%add3A_576, %dma_start3A_579] : memref<73728x128xf32, #tpu.memory_space<hbm>> -> memref<96x128xf32, #tpu.memory_space<hbm>>
    tpu.enqueue_dma source(%arg7 : memref<96x128xf32, #tpu.memory_space<vmem>>) target(%dma_start3A_580 : memref<96x128xf32, #tpu.memory_space<hbm>>) target_semaphore(%arg15 : memref<!tpu.dma_semaphore, #tpu.memory_space<semaphore_mem>>)
    %dma_wait3A_581 = arith.constant 22 : i32
    %dma_wait3A_582 = arith.constant 0 : i32
    %dma_wait3A_583 = arith.constant 0 : i32
    %dma_wait3A_584 = tpu.memref_slice %arg5[%dma_wait3A_581, %dma_wait3A_582, %dma_wait3A_583] : memref<24x1x96xi32, #tpu.memory_space<vmem>> -> memref<1x1x96xi32, #tpu.memory_space<vmem>>
    %dma_wait3A_585 = tpu.memref_squeeze %dma_wait3A_584 : memref<1x1x96xi32, #tpu.memory_space<vmem>> -> memref<96xi32, #tpu.memory_space<vmem>>
    %dma_wait3A_586 = arith.constant 0 : i32
    %dma_wait3A_587 = arith.constant 0 : i32
    %dma_wait3A_588 = tpu.memref_slice %arg2[%dma_wait3A_586, %dma_wait3A_587] : memref<10000x128xf32, #tpu.memory_space<hbm>> -> memref<10000x128xf32, #tpu.memory_space<hbm>>
    tpu.wait_indirect_dma semaphore(%arg12 : memref<!tpu.dma_semaphore, #tpu.memory_space<semaphore_mem>>) src(%dma_wait3A_588 : memref<10000x128xf32, #tpu.memory_space<hbm>>) dst(%arg8 : memref<96x128xf32, #tpu.memory_space<vmem>>)
    %add3A_589 = arith.constant 2112 : i32
    %add3A_590 = arith.addi %mul3A_2, %add3A_589 : i32
    %dma_start3A_591 = arith.constant 0 : i32
    %dma_start3A_592 = tpu.memref_slice %arg4[%add3A_590, %dma_start3A_591] : memref<73728x128xf32, #tpu.memory_space<hbm>> -> memref<96x128xf32, #tpu.memory_space<hbm>>
    %dma_start3A_593 = arith.constant 0 : i32
    %dma_start3A_594 = tpu.memref_slice %arg4[%add3A_590, %dma_start3A_593] : memref<73728x128xf32, #tpu.memory_space<hbm>> -> memref<96x128xf32, #tpu.memory_space<hbm>>
    tpu.enqueue_dma source(%arg8 : memref<96x128xf32, #tpu.memory_space<vmem>>) target(%dma_start3A_594 : memref<96x128xf32, #tpu.memory_space<hbm>>) target_semaphore(%arg16 : memref<!tpu.dma_semaphore, #tpu.memory_space<semaphore_mem>>)
    %dma_wait3A_595 = arith.constant 23 : i32
    %dma_wait3A_596 = arith.constant 0 : i32
    %dma_wait3A_597 = arith.constant 0 : i32
    %dma_wait3A_598 = tpu.memref_slice %arg5[%dma_wait3A_595, %dma_wait3A_596, %dma_wait3A_597] : memref<24x1x96xi32, #tpu.memory_space<vmem>> -> memref<1x1x96xi32, #tpu.memory_space<vmem>>
    %dma_wait3A_599 = tpu.memref_squeeze %dma_wait3A_598 : memref<1x1x96xi32, #tpu.memory_space<vmem>> -> memref<96xi32, #tpu.memory_space<vmem>>
    %dma_wait3A_600 = arith.constant 0 : i32
    %dma_wait3A_601 = arith.constant 0 : i32
    %dma_wait3A_602 = tpu.memref_slice %arg2[%dma_wait3A_600, %dma_wait3A_601] : memref<10000x128xf32, #tpu.memory_space<hbm>> -> memref<10000x128xf32, #tpu.memory_space<hbm>>
    tpu.wait_indirect_dma semaphore(%arg13 : memref<!tpu.dma_semaphore, #tpu.memory_space<semaphore_mem>>) src(%dma_wait3A_602 : memref<10000x128xf32, #tpu.memory_space<hbm>>) dst(%arg9 : memref<96x128xf32, #tpu.memory_space<vmem>>)
    %add3A_603 = arith.constant 2208 : i32
    %add3A_604 = arith.addi %mul3A_2, %add3A_603 : i32
    %dma_start3A_605 = arith.constant 0 : i32
    %dma_start3A_606 = tpu.memref_slice %arg4[%add3A_604, %dma_start3A_605] : memref<73728x128xf32, #tpu.memory_space<hbm>> -> memref<96x128xf32, #tpu.memory_space<hbm>>
    %dma_start3A_607 = arith.constant 0 : i32
    %dma_start3A_608 = tpu.memref_slice %arg4[%add3A_604, %dma_start3A_607] : memref<73728x128xf32, #tpu.memory_space<hbm>> -> memref<96x128xf32, #tpu.memory_space<hbm>>
    tpu.enqueue_dma source(%arg9 : memref<96x128xf32, #tpu.memory_space<vmem>>) target(%dma_start3A_608 : memref<96x128xf32, #tpu.memory_space<hbm>>) target_semaphore(%arg17 : memref<!tpu.dma_semaphore, #tpu.memory_space<semaphore_mem>>)
    %dma_wait3A_609 = arith.constant 0 : i32
    %dma_wait3A_610 = tpu.memref_slice %arg4[%add3A_550, %dma_wait3A_609] : memref<73728x128xf32, #tpu.memory_space<hbm>> -> memref<96x128xf32, #tpu.memory_space<hbm>>
    %dma_wait3A_611 = arith.constant 0 : i32
    %dma_wait3A_612 = tpu.memref_slice %arg4[%add3A_550, %dma_wait3A_611] : memref<73728x128xf32, #tpu.memory_space<hbm>> -> memref<96x128xf32, #tpu.memory_space<hbm>>
    tpu.wait_dma2 semaphore(%arg14 : memref<!tpu.dma_semaphore, #tpu.memory_space<semaphore_mem>>) src(%arg6 : memref<96x128xf32, #tpu.memory_space<vmem>>) dst(%dma_wait3A_612 : memref<96x128xf32, #tpu.memory_space<hbm>>)
    %dma_wait3A_613 = arith.constant 0 : i32
    %dma_wait3A_614 = tpu.memref_slice %arg4[%add3A_576, %dma_wait3A_613] : memref<73728x128xf32, #tpu.memory_space<hbm>> -> memref<96x128xf32, #tpu.memory_space<hbm>>
    %dma_wait3A_615 = arith.constant 0 : i32
    %dma_wait3A_616 = tpu.memref_slice %arg4[%add3A_576, %dma_wait3A_615] : memref<73728x128xf32, #tpu.memory_space<hbm>> -> memref<96x128xf32, #tpu.memory_space<hbm>>
    tpu.wait_dma2 semaphore(%arg15 : memref<!tpu.dma_semaphore, #tpu.memory_space<semaphore_mem>>) src(%arg7 : memref<96x128xf32, #tpu.memory_space<vmem>>) dst(%dma_wait3A_616 : memref<96x128xf32, #tpu.memory_space<hbm>>)
    %dma_wait3A_617 = arith.constant 0 : i32
    %dma_wait3A_618 = tpu.memref_slice %arg4[%add3A_590, %dma_wait3A_617] : memref<73728x128xf32, #tpu.memory_space<hbm>> -> memref<96x128xf32, #tpu.memory_space<hbm>>
    %dma_wait3A_619 = arith.constant 0 : i32
    %dma_wait3A_620 = tpu.memref_slice %arg4[%add3A_590, %dma_wait3A_619] : memref<73728x128xf32, #tpu.memory_space<hbm>> -> memref<96x128xf32, #tpu.memory_space<hbm>>
    tpu.wait_dma2 semaphore(%arg16 : memref<!tpu.dma_semaphore, #tpu.memory_space<semaphore_mem>>) src(%arg8 : memref<96x128xf32, #tpu.memory_space<vmem>>) dst(%dma_wait3A_620 : memref<96x128xf32, #tpu.memory_space<hbm>>)
    %dma_wait3A_621 = arith.constant 0 : i32
    %dma_wait3A_622 = tpu.memref_slice %arg4[%add3A_604, %dma_wait3A_621] : memref<73728x128xf32, #tpu.memory_space<hbm>> -> memref<96x128xf32, #tpu.memory_space<hbm>>
    %dma_wait3A_623 = arith.constant 0 : i32
    %dma_wait3A_624 = tpu.memref_slice %arg4[%add3A_604, %dma_wait3A_623] : memref<73728x128xf32, #tpu.memory_space<hbm>> -> memref<96x128xf32, #tpu.memory_space<hbm>>
    tpu.wait_dma2 semaphore(%arg17 : memref<!tpu.dma_semaphore, #tpu.memory_space<semaphore_mem>>) src(%arg9 : memref<96x128xf32, #tpu.memory_space<vmem>>) dst(%dma_wait3A_624 : memref<96x128xf32, #tpu.memory_space<hbm>>)
    return
  }
}

#map = affine_map<(d0, d1) -> (0, 0)>
#map1 = affine_map<(d0, d1) -> (0, 0, 0, 0)>
module attributes {stable_mosaic.version = 14 : i64} {
  func.func @k(%arg0: i32, %arg1: i32, %arg2: memref<10000x256xf32, #tpu.memory_space<hbm>>, %arg3: memref<32x24x1x96xi32, #tpu.memory_space<hbm>>, %arg4: memref<73728x256xf32, #tpu.memory_space<hbm>>, %arg5: memref<24x1x96xi32, #tpu.memory_space<vmem>>, %arg6: memref<96x256xf32, #tpu.memory_space<vmem>>, %arg7: memref<96x256xf32, #tpu.memory_space<vmem>>, %arg8: memref<96x256xf32, #tpu.memory_space<vmem>>, %arg9: memref<96x256xf32, #tpu.memory_space<vmem>>, %arg10: memref<!tpu.dma_semaphore, #tpu.memory_space<semaphore_mem>>, %arg11: memref<!tpu.dma_semaphore, #tpu.memory_space<semaphore_mem>>, %arg12: memref<!tpu.dma_semaphore, #tpu.memory_space<semaphore_mem>>, %arg13: memref<!tpu.dma_semaphore, #tpu.memory_space<semaphore_mem>>, %arg14: memref<!tpu.dma_semaphore, #tpu.memory_space<semaphore_mem>>, %arg15: memref<!tpu.dma_semaphore, #tpu.memory_space<semaphore_mem>>, %arg16: memref<!tpu.dma_semaphore, #tpu.memory_space<semaphore_mem>>, %arg17: memref<!tpu.dma_semaphore, #tpu.memory_space<semaphore_mem>>) attributes {dimension_semantics = [#tpu.dimension_semantics<core_parallel>, #tpu.dimension_semantics<subcore_parallel>], iteration_bounds = array<i64: 2, 16>, scalar_prefetch = 0 : i64, scratch_operands = 13 : i64, tpu.core_type = #tpu.core_type<sc_vector_subcore>, window_params = [{transform_indices = #map}, {transform_indices = #map1}, {transform_indices = #map}]} {
    %mul3A = arith.constant 2 : i32
    %mul3A_0 = arith.muli %arg1, %mul3A : i32
    %add3A = arith.addi %mul3A_0, %arg0 : i32
    %mul3A_1 = arith.constant 2304 : i32
    %mul3A_2 = arith.muli %add3A, %mul3A_1 : i32
    "tpu.region"() ({
      %run_scoped3A = tpu.sem_alloc : memref<!tpu.dma_semaphore, #tpu.memory_space<semaphore_mem>>
      %dma_start3A_625 = arith.constant 0 : i32
      %dma_start3A_626 = arith.constant 0 : i32
      %dma_start3A_627 = arith.constant 0 : i32
      %dma_start3A_628 = tpu.memref_slice %arg3[%add3A, %dma_start3A_625, %dma_start3A_626, %dma_start3A_627] : memref<32x24x1x96xi32, #tpu.memory_space<hbm>> -> memref<1x24x1x96xi32, #tpu.memory_space<hbm>>
      %dma_start3A_629 = tpu.memref_squeeze %dma_start3A_628 : memref<1x24x1x96xi32, #tpu.memory_space<hbm>> -> memref<24x1x96xi32, #tpu.memory_space<hbm>>
      %dma_start3A_630 = arith.constant 0 : i32
      %dma_start3A_631 = arith.constant 0 : i32
      %dma_start3A_632 = arith.constant 0 : i32
      %dma_start3A_633 = tpu.memref_slice %arg3[%add3A, %dma_start3A_630, %dma_start3A_631, %dma_start3A_632] : memref<32x24x1x96xi32, #tpu.memory_space<hbm>> -> memref<1x24x1x96xi32, #tpu.memory_space<hbm>>
      %dma_start3A_634 = tpu.memref_squeeze %dma_start3A_633 : memref<1x24x1x96xi32, #tpu.memory_space<hbm>> -> memref<24x1x96xi32, #tpu.memory_space<hbm>>
      tpu.enqueue_dma source(%dma_start3A_634 : memref<24x1x96xi32, #tpu.memory_space<hbm>>) target(%arg5 : memref<24x1x96xi32, #tpu.memory_space<vmem>>) target_semaphore(%run_scoped3A : memref<!tpu.dma_semaphore, #tpu.memory_space<semaphore_mem>>)
      %dma_wait3A_635 = arith.constant 0 : i32
      %dma_wait3A_636 = arith.constant 0 : i32
      %dma_wait3A_637 = arith.constant 0 : i32
      %dma_wait3A_638 = tpu.memref_slice %arg3[%add3A, %dma_wait3A_635, %dma_wait3A_636, %dma_wait3A_637] : memref<32x24x1x96xi32, #tpu.memory_space<hbm>> -> memref<1x24x1x96xi32, #tpu.memory_space<hbm>>
      %dma_wait3A_639 = tpu.memref_squeeze %dma_wait3A_638 : memref<1x24x1x96xi32, #tpu.memory_space<hbm>> -> memref<24x1x96xi32, #tpu.memory_space<hbm>>
      %dma_wait3A_640 = arith.constant 0 : i32
      %dma_wait3A_641 = arith.constant 0 : i32
      %dma_wait3A_642 = arith.constant 0 : i32
      %dma_wait3A_643 = tpu.memref_slice %arg3[%add3A, %dma_wait3A_640, %dma_wait3A_641, %dma_wait3A_642] : memref<32x24x1x96xi32, #tpu.memory_space<hbm>> -> memref<1x24x1x96xi32, #tpu.memory_space<hbm>>
      %dma_wait3A_644 = tpu.memref_squeeze %dma_wait3A_643 : memref<1x24x1x96xi32, #tpu.memory_space<hbm>> -> memref<24x1x96xi32, #tpu.memory_space<hbm>>
      tpu.wait_dma2 semaphore(%run_scoped3A : memref<!tpu.dma_semaphore, #tpu.memory_space<semaphore_mem>>) src(%dma_wait3A_644 : memref<24x1x96xi32, #tpu.memory_space<hbm>>) dst(%arg5 : memref<24x1x96xi32, #tpu.memory_space<vmem>>)
      tpu.yield
    }) : () -> ()
    %dma_start3A = arith.constant 0 : i32
    %dma_start3A_3 = arith.constant 0 : i32
    %dma_start3A_4 = arith.constant 0 : i32
    %dma_start3A_5 = tpu.memref_slice %arg5[%dma_start3A, %dma_start3A_3, %dma_start3A_4] : memref<24x1x96xi32, #tpu.memory_space<vmem>> -> memref<1x1x96xi32, #tpu.memory_space<vmem>>
    %dma_start3A_6 = tpu.memref_squeeze %dma_start3A_5 : memref<1x1x96xi32, #tpu.memory_space<vmem>> -> memref<96xi32, #tpu.memory_space<vmem>>
    %dma_start3A_7 = arith.constant 0 : i32
    %dma_start3A_8 = arith.constant 0 : i32
    %dma_start3A_9 = tpu.memref_slice %arg2[%dma_start3A_7, %dma_start3A_8] : memref<10000x256xf32, #tpu.memory_space<hbm>> -> memref<10000x256xf32, #tpu.memory_space<hbm>>
    tpu.enqueue_indirect_dma source(%dma_start3A_9 : memref<10000x256xf32, #tpu.memory_space<hbm>>) target(%arg6 : memref<96x256xf32, #tpu.memory_space<vmem>>) offsets(%dma_start3A_6 : memref<96xi32, #tpu.memory_space<vmem>>) semaphore(%arg10 : memref<!tpu.dma_semaphore, #tpu.memory_space<semaphore_mem>>)
    %dma_start3A_10 = arith.constant 1 : i32
    %dma_start3A_11 = arith.constant 0 : i32
    %dma_start3A_12 = arith.constant 0 : i32
    %dma_start3A_13 = tpu.memref_slice %arg5[%dma_start3A_10, %dma_start3A_11, %dma_start3A_12] : memref<24x1x96xi32, #tpu.memory_space<vmem>> -> memref<1x1x96xi32, #tpu.memory_space<vmem>>
    %dma_start3A_14 = tpu.memref_squeeze %dma_start3A_13 : memref<1x1x96xi32, #tpu.memory_space<vmem>> -> memref<96xi32, #tpu.memory_space<vmem>>
    %dma_start3A_15 = arith.constant 0 : i32
    %dma_start3A_16 = arith.constant 0 : i32
    %dma_start3A_17 = tpu.memref_slice %arg2[%dma_start3A_15, %dma_start3A_16] : memref<10000x256xf32, #tpu.memory_space<hbm>> -> memref<10000x256xf32, #tpu.memory_space<hbm>>
    tpu.enqueue_indirect_dma source(%dma_start3A_17 : memref<10000x256xf32, #tpu.memory_space<hbm>>) target(%arg7 : memref<96x256xf32, #tpu.memory_space<vmem>>) offsets(%dma_start3A_14 : memref<96xi32, #tpu.memory_space<vmem>>) semaphore(%arg11 : memref<!tpu.dma_semaphore, #tpu.memory_space<semaphore_mem>>)
    %dma_start3A_18 = arith.constant 2 : i32
    %dma_start3A_19 = arith.constant 0 : i32
    %dma_start3A_20 = arith.constant 0 : i32
    %dma_start3A_21 = tpu.memref_slice %arg5[%dma_start3A_18, %dma_start3A_19, %dma_start3A_20] : memref<24x1x96xi32, #tpu.memory_space<vmem>> -> memref<1x1x96xi32, #tpu.memory_space<vmem>>
    %dma_start3A_22 = tpu.memref_squeeze %dma_start3A_21 : memref<1x1x96xi32, #tpu.memory_space<vmem>> -> memref<96xi32, #tpu.memory_space<vmem>>
    %dma_start3A_23 = arith.constant 0 : i32
    %dma_start3A_24 = arith.constant 0 : i32
    %dma_start3A_25 = tpu.memref_slice %arg2[%dma_start3A_23, %dma_start3A_24] : memref<10000x256xf32, #tpu.memory_space<hbm>> -> memref<10000x256xf32, #tpu.memory_space<hbm>>
    tpu.enqueue_indirect_dma source(%dma_start3A_25 : memref<10000x256xf32, #tpu.memory_space<hbm>>) target(%arg8 : memref<96x256xf32, #tpu.memory_space<vmem>>) offsets(%dma_start3A_22 : memref<96xi32, #tpu.memory_space<vmem>>) semaphore(%arg12 : memref<!tpu.dma_semaphore, #tpu.memory_space<semaphore_mem>>)
    %dma_wait3A = arith.constant 0 : i32
    %dma_wait3A_26 = arith.constant 0 : i32
    %dma_wait3A_27 = arith.constant 0 : i32
    %dma_wait3A_28 = tpu.memref_slice %arg5[%dma_wait3A, %dma_wait3A_26, %dma_wait3A_27] : memref<24x1x96xi32, #tpu.memory_space<vmem>> -> memref<1x1x96xi32, #tpu.memory_space<vmem>>
    %dma_wait3A_29 = tpu.memref_squeeze %dma_wait3A_28 : memref<1x1x96xi32, #tpu.memory_space<vmem>> -> memref<96xi32, #tpu.memory_space<vmem>>
    %dma_wait3A_30 = arith.constant 0 : i32
    %dma_wait3A_31 = arith.constant 0 : i32
    %dma_wait3A_32 = tpu.memref_slice %arg2[%dma_wait3A_30, %dma_wait3A_31] : memref<10000x256xf32, #tpu.memory_space<hbm>> -> memref<10000x256xf32, #tpu.memory_space<hbm>>
    tpu.wait_indirect_dma semaphore(%arg10 : memref<!tpu.dma_semaphore, #tpu.memory_space<semaphore_mem>>) src(%dma_wait3A_32 : memref<10000x256xf32, #tpu.memory_space<hbm>>) dst(%arg6 : memref<96x256xf32, #tpu.memory_space<vmem>>)
    %add3A_33 = arith.constant 0 : i32
    %add3A_34 = arith.addi %mul3A_2, %add3A_33 : i32
    %dma_start3A_35 = arith.constant 0 : i32
    %dma_start3A_36 = tpu.memref_slice %arg4[%add3A_34, %dma_start3A_35] : memref<73728x256xf32, #tpu.memory_space<hbm>> -> memref<96x256xf32, #tpu.memory_space<hbm>>
    %dma_start3A_37 = arith.constant 0 : i32
    %dma_start3A_38 = tpu.memref_slice %arg4[%add3A_34, %dma_start3A_37] : memref<73728x256xf32, #tpu.memory_space<hbm>> -> memref<96x256xf32, #tpu.memory_space<hbm>>
    tpu.enqueue_dma source(%arg6 : memref<96x256xf32, #tpu.memory_space<vmem>>) target(%dma_start3A_38 : memref<96x256xf32, #tpu.memory_space<hbm>>) target_semaphore(%arg14 : memref<!tpu.dma_semaphore, #tpu.memory_space<semaphore_mem>>)
    %dma_start3A_39 = arith.constant 3 : i32
    %dma_start3A_40 = arith.constant 0 : i32
    %dma_start3A_41 = arith.constant 0 : i32
    %dma_start3A_42 = tpu.memref_slice %arg5[%dma_start3A_39, %dma_start3A_40, %dma_start3A_41] : memref<24x1x96xi32, #tpu.memory_space<vmem>> -> memref<1x1x96xi32, #tpu.memory_space<vmem>>
    %dma_start3A_43 = tpu.memref_squeeze %dma_start3A_42 : memref<1x1x96xi32, #tpu.memory_space<vmem>> -> memref<96xi32, #tpu.memory_space<vmem>>
    %dma_start3A_44 = arith.constant 0 : i32
    %dma_start3A_45 = arith.constant 0 : i32
    %dma_start3A_46 = tpu.memref_slice %arg2[%dma_start3A_44, %dma_start3A_45] : memref<10000x256xf32, #tpu.memory_space<hbm>> -> memref<10000x256xf32, #tpu.memory_space<hbm>>
    tpu.enqueue_indirect_dma source(%dma_start3A_46 : memref<10000x256xf32, #tpu.memory_space<hbm>>) target(%arg9 : memref<96x256xf32, #tpu.memory_space<vmem>>) offsets(%dma_start3A_43 : memref<96xi32, #tpu.memory_space<vmem>>) semaphore(%arg13 : memref<!tpu.dma_semaphore, #tpu.memory_space<semaphore_mem>>)
    %dma_wait3A_47 = arith.constant 1 : i32
    %dma_wait3A_48 = arith.constant 0 : i32
    %dma_wait3A_49 = arith.constant 0 : i32
    %dma_wait3A_50 = tpu.memref_slice %arg5[%dma_wait3A_47, %dma_wait3A_48, %dma_wait3A_49] : memref<24x1x96xi32, #tpu.memory_space<vmem>> -> memref<1x1x96xi32, #tpu.memory_space<vmem>>
    %dma_wait3A_51 = tpu.memref_squeeze %dma_wait3A_50 : memref<1x1x96xi32, #tpu.memory_space<vmem>> -> memref<96xi32, #tpu.memory_space<vmem>>
    %dma_wait3A_52 = arith.constant 0 : i32
    %dma_wait3A_53 = arith.constant 0 : i32
    %dma_wait3A_54 = tpu.memref_slice %arg2[%dma_wait3A_52, %dma_wait3A_53] : memref<10000x256xf32, #tpu.memory_space<hbm>> -> memref<10000x256xf32, #tpu.memory_space<hbm>>
    tpu.wait_indirect_dma semaphore(%arg11 : memref<!tpu.dma_semaphore, #tpu.memory_space<semaphore_mem>>) src(%dma_wait3A_54 : memref<10000x256xf32, #tpu.memory_space<hbm>>) dst(%arg7 : memref<96x256xf32, #tpu.memory_space<vmem>>)
    %add3A_55 = arith.constant 96 : i32
    %add3A_56 = arith.addi %mul3A_2, %add3A_55 : i32
    %dma_start3A_57 = arith.constant 0 : i32
    %dma_start3A_58 = tpu.memref_slice %arg4[%add3A_56, %dma_start3A_57] : memref<73728x256xf32, #tpu.memory_space<hbm>> -> memref<96x256xf32, #tpu.memory_space<hbm>>
    %dma_start3A_59 = arith.constant 0 : i32
    %dma_start3A_60 = tpu.memref_slice %arg4[%add3A_56, %dma_start3A_59] : memref<73728x256xf32, #tpu.memory_space<hbm>> -> memref<96x256xf32, #tpu.memory_space<hbm>>
    tpu.enqueue_dma source(%arg7 : memref<96x256xf32, #tpu.memory_space<vmem>>) target(%dma_start3A_60 : memref<96x256xf32, #tpu.memory_space<hbm>>) target_semaphore(%arg15 : memref<!tpu.dma_semaphore, #tpu.memory_space<semaphore_mem>>)
    %dma_wait3A_61 = arith.constant 0 : i32
    %dma_wait3A_62 = tpu.memref_slice %arg4[%add3A_34, %dma_wait3A_61] : memref<73728x256xf32, #tpu.memory_space<hbm>> -> memref<96x256xf32, #tpu.memory_space<hbm>>
    %dma_wait3A_63 = arith.constant 0 : i32
    %dma_wait3A_64 = tpu.memref_slice %arg4[%add3A_34, %dma_wait3A_63] : memref<73728x256xf32, #tpu.memory_space<hbm>> -> memref<96x256xf32, #tpu.memory_space<hbm>>
    tpu.wait_dma2 semaphore(%arg14 : memref<!tpu.dma_semaphore, #tpu.memory_space<semaphore_mem>>) src(%arg6 : memref<96x256xf32, #tpu.memory_space<vmem>>) dst(%dma_wait3A_64 : memref<96x256xf32, #tpu.memory_space<hbm>>)
    %dma_start3A_65 = arith.constant 4 : i32
    %dma_start3A_66 = arith.constant 0 : i32
    %dma_start3A_67 = arith.constant 0 : i32
    %dma_start3A_68 = tpu.memref_slice %arg5[%dma_start3A_65, %dma_start3A_66, %dma_start3A_67] : memref<24x1x96xi32, #tpu.memory_space<vmem>> -> memref<1x1x96xi32, #tpu.memory_space<vmem>>
    %dma_start3A_69 = tpu.memref_squeeze %dma_start3A_68 : memref<1x1x96xi32, #tpu.memory_space<vmem>> -> memref<96xi32, #tpu.memory_space<vmem>>
    %dma_start3A_70 = arith.constant 0 : i32
    %dma_start3A_71 = arith.constant 0 : i32
    %dma_start3A_72 = tpu.memref_slice %arg2[%dma_start3A_70, %dma_start3A_71] : memref<10000x256xf32, #tpu.memory_space<hbm>> -> memref<10000x256xf32, #tpu.memory_space<hbm>>
    tpu.enqueue_indirect_dma source(%dma_start3A_72 : memref<10000x256xf32, #tpu.memory_space<hbm>>) target(%arg6 : memref<96x256xf32, #tpu.memory_space<vmem>>) offsets(%dma_start3A_69 : memref<96xi32, #tpu.memory_space<vmem>>) semaphore(%arg10 : memref<!tpu.dma_semaphore, #tpu.memory_space<semaphore_mem>>)
    %dma_wait3A_73 = arith.constant 2 : i32
    %dma_wait3A_74 = arith.constant 0 : i32
    %dma_wait3A_75 = arith.constant 0 : i32
    %dma_wait3A_76 = tpu.memref_slice %arg5[%dma_wait3A_73, %dma_wait3A_74, %dma_wait3A_75] : memref<24x1x96xi32, #tpu.memory_space<vmem>> -> memref<1x1x96xi32, #tpu.memory_space<vmem>>
    %dma_wait3A_77 = tpu.memref_squeeze %dma_wait3A_76 : memref<1x1x96xi32, #tpu.memory_space<vmem>> -> memref<96xi32, #tpu.memory_space<vmem>>
    %dma_wait3A_78 = arith.constant 0 : i32
    %dma_wait3A_79 = arith.constant 0 : i32
    %dma_wait3A_80 = tpu.memref_slice %arg2[%dma_wait3A_78, %dma_wait3A_79] : memref<10000x256xf32, #tpu.memory_space<hbm>> -> memref<10000x256xf32, #tpu.memory_space<hbm>>
    tpu.wait_indirect_dma semaphore(%arg12 : memref<!tpu.dma_semaphore, #tpu.memory_space<semaphore_mem>>) src(%dma_wait3A_80 : memref<10000x256xf32, #tpu.memory_space<hbm>>) dst(%arg8 : memref<96x256xf32, #tpu.memory_space<vmem>>)
    %add3A_81 = arith.constant 192 : i32
    %add3A_82 = arith.addi %mul3A_2, %add3A_81 : i32
    %dma_start3A_83 = arith.constant 0 : i32
    %dma_start3A_84 = tpu.memref_slice %arg4[%add3A_82, %dma_start3A_83] : memref<73728x256xf32, #tpu.memory_space<hbm>> -> memref<96x256xf32, #tpu.memory_space<hbm>>
    %dma_start3A_85 = arith.constant 0 : i32
    %dma_start3A_86 = tpu.memref_slice %arg4[%add3A_82, %dma_start3A_85] : memref<73728x256xf32, #tpu.memory_space<hbm>> -> memref<96x256xf32, #tpu.memory_space<hbm>>
    tpu.enqueue_dma source(%arg8 : memref<96x256xf32, #tpu.memory_space<vmem>>) target(%dma_start3A_86 : memref<96x256xf32, #tpu.memory_space<hbm>>) target_semaphore(%arg16 : memref<!tpu.dma_semaphore, #tpu.memory_space<semaphore_mem>>)
    %dma_wait3A_87 = arith.constant 0 : i32
    %dma_wait3A_88 = tpu.memref_slice %arg4[%add3A_56, %dma_wait3A_87] : memref<73728x256xf32, #tpu.memory_space<hbm>> -> memref<96x256xf32, #tpu.memory_space<hbm>>
    %dma_wait3A_89 = arith.constant 0 : i32
    %dma_wait3A_90 = tpu.memref_slice %arg4[%add3A_56, %dma_wait3A_89] : memref<73728x256xf32, #tpu.memory_space<hbm>> -> memref<96x256xf32, #tpu.memory_space<hbm>>
    tpu.wait_dma2 semaphore(%arg15 : memref<!tpu.dma_semaphore, #tpu.memory_space<semaphore_mem>>) src(%arg7 : memref<96x256xf32, #tpu.memory_space<vmem>>) dst(%dma_wait3A_90 : memref<96x256xf32, #tpu.memory_space<hbm>>)
    %dma_start3A_91 = arith.constant 5 : i32
    %dma_start3A_92 = arith.constant 0 : i32
    %dma_start3A_93 = arith.constant 0 : i32
    %dma_start3A_94 = tpu.memref_slice %arg5[%dma_start3A_91, %dma_start3A_92, %dma_start3A_93] : memref<24x1x96xi32, #tpu.memory_space<vmem>> -> memref<1x1x96xi32, #tpu.memory_space<vmem>>
    %dma_start3A_95 = tpu.memref_squeeze %dma_start3A_94 : memref<1x1x96xi32, #tpu.memory_space<vmem>> -> memref<96xi32, #tpu.memory_space<vmem>>
    %dma_start3A_96 = arith.constant 0 : i32
    %dma_start3A_97 = arith.constant 0 : i32
    %dma_start3A_98 = tpu.memref_slice %arg2[%dma_start3A_96, %dma_start3A_97] : memref<10000x256xf32, #tpu.memory_space<hbm>> -> memref<10000x256xf32, #tpu.memory_space<hbm>>
    tpu.enqueue_indirect_dma source(%dma_start3A_98 : memref<10000x256xf32, #tpu.memory_space<hbm>>) target(%arg7 : memref<96x256xf32, #tpu.memory_space<vmem>>) offsets(%dma_start3A_95 : memref<96xi32, #tpu.memory_space<vmem>>) semaphore(%arg11 : memref<!tpu.dma_semaphore, #tpu.memory_space<semaphore_mem>>)
    %dma_wait3A_99 = arith.constant 3 : i32
    %dma_wait3A_100 = arith.constant 0 : i32
    %dma_wait3A_101 = arith.constant 0 : i32
    %dma_wait3A_102 = tpu.memref_slice %arg5[%dma_wait3A_99, %dma_wait3A_100, %dma_wait3A_101] : memref<24x1x96xi32, #tpu.memory_space<vmem>> -> memref<1x1x96xi32, #tpu.memory_space<vmem>>
    %dma_wait3A_103 = tpu.memref_squeeze %dma_wait3A_102 : memref<1x1x96xi32, #tpu.memory_space<vmem>> -> memref<96xi32, #tpu.memory_space<vmem>>
    %dma_wait3A_104 = arith.constant 0 : i32
    %dma_wait3A_105 = arith.constant 0 : i32
    %dma_wait3A_106 = tpu.memref_slice %arg2[%dma_wait3A_104, %dma_wait3A_105] : memref<10000x256xf32, #tpu.memory_space<hbm>> -> memref<10000x256xf32, #tpu.memory_space<hbm>>
    tpu.wait_indirect_dma semaphore(%arg13 : memref<!tpu.dma_semaphore, #tpu.memory_space<semaphore_mem>>) src(%dma_wait3A_106 : memref<10000x256xf32, #tpu.memory_space<hbm>>) dst(%arg9 : memref<96x256xf32, #tpu.memory_space<vmem>>)
    %add3A_107 = arith.constant 288 : i32
    %add3A_108 = arith.addi %mul3A_2, %add3A_107 : i32
    %dma_start3A_109 = arith.constant 0 : i32
    %dma_start3A_110 = tpu.memref_slice %arg4[%add3A_108, %dma_start3A_109] : memref<73728x256xf32, #tpu.memory_space<hbm>> -> memref<96x256xf32, #tpu.memory_space<hbm>>
    %dma_start3A_111 = arith.constant 0 : i32
    %dma_start3A_112 = tpu.memref_slice %arg4[%add3A_108, %dma_start3A_111] : memref<73728x256xf32, #tpu.memory_space<hbm>> -> memref<96x256xf32, #tpu.memory_space<hbm>>
    tpu.enqueue_dma source(%arg9 : memref<96x256xf32, #tpu.memory_space<vmem>>) target(%dma_start3A_112 : memref<96x256xf32, #tpu.memory_space<hbm>>) target_semaphore(%arg17 : memref<!tpu.dma_semaphore, #tpu.memory_space<semaphore_mem>>)
    %dma_wait3A_113 = arith.constant 0 : i32
    %dma_wait3A_114 = tpu.memref_slice %arg4[%add3A_82, %dma_wait3A_113] : memref<73728x256xf32, #tpu.memory_space<hbm>> -> memref<96x256xf32, #tpu.memory_space<hbm>>
    %dma_wait3A_115 = arith.constant 0 : i32
    %dma_wait3A_116 = tpu.memref_slice %arg4[%add3A_82, %dma_wait3A_115] : memref<73728x256xf32, #tpu.memory_space<hbm>> -> memref<96x256xf32, #tpu.memory_space<hbm>>
    tpu.wait_dma2 semaphore(%arg16 : memref<!tpu.dma_semaphore, #tpu.memory_space<semaphore_mem>>) src(%arg8 : memref<96x256xf32, #tpu.memory_space<vmem>>) dst(%dma_wait3A_116 : memref<96x256xf32, #tpu.memory_space<hbm>>)
    %dma_start3A_117 = arith.constant 6 : i32
    %dma_start3A_118 = arith.constant 0 : i32
    %dma_start3A_119 = arith.constant 0 : i32
    %dma_start3A_120 = tpu.memref_slice %arg5[%dma_start3A_117, %dma_start3A_118, %dma_start3A_119] : memref<24x1x96xi32, #tpu.memory_space<vmem>> -> memref<1x1x96xi32, #tpu.memory_space<vmem>>
    %dma_start3A_121 = tpu.memref_squeeze %dma_start3A_120 : memref<1x1x96xi32, #tpu.memory_space<vmem>> -> memref<96xi32, #tpu.memory_space<vmem>>
    %dma_start3A_122 = arith.constant 0 : i32
    %dma_start3A_123 = arith.constant 0 : i32
    %dma_start3A_124 = tpu.memref_slice %arg2[%dma_start3A_122, %dma_start3A_123] : memref<10000x256xf32, #tpu.memory_space<hbm>> -> memref<10000x256xf32, #tpu.memory_space<hbm>>
    tpu.enqueue_indirect_dma source(%dma_start3A_124 : memref<10000x256xf32, #tpu.memory_space<hbm>>) target(%arg8 : memref<96x256xf32, #tpu.memory_space<vmem>>) offsets(%dma_start3A_121 : memref<96xi32, #tpu.memory_space<vmem>>) semaphore(%arg12 : memref<!tpu.dma_semaphore, #tpu.memory_space<semaphore_mem>>)
    %dma_wait3A_125 = arith.constant 4 : i32
    %dma_wait3A_126 = arith.constant 0 : i32
    %dma_wait3A_127 = arith.constant 0 : i32
    %dma_wait3A_128 = tpu.memref_slice %arg5[%dma_wait3A_125, %dma_wait3A_126, %dma_wait3A_127] : memref<24x1x96xi32, #tpu.memory_space<vmem>> -> memref<1x1x96xi32, #tpu.memory_space<vmem>>
    %dma_wait3A_129 = tpu.memref_squeeze %dma_wait3A_128 : memref<1x1x96xi32, #tpu.memory_space<vmem>> -> memref<96xi32, #tpu.memory_space<vmem>>
    %dma_wait3A_130 = arith.constant 0 : i32
    %dma_wait3A_131 = arith.constant 0 : i32
    %dma_wait3A_132 = tpu.memref_slice %arg2[%dma_wait3A_130, %dma_wait3A_131] : memref<10000x256xf32, #tpu.memory_space<hbm>> -> memref<10000x256xf32, #tpu.memory_space<hbm>>
    tpu.wait_indirect_dma semaphore(%arg10 : memref<!tpu.dma_semaphore, #tpu.memory_space<semaphore_mem>>) src(%dma_wait3A_132 : memref<10000x256xf32, #tpu.memory_space<hbm>>) dst(%arg6 : memref<96x256xf32, #tpu.memory_space<vmem>>)
    %add3A_133 = arith.constant 384 : i32
    %add3A_134 = arith.addi %mul3A_2, %add3A_133 : i32
    %dma_start3A_135 = arith.constant 0 : i32
    %dma_start3A_136 = tpu.memref_slice %arg4[%add3A_134, %dma_start3A_135] : memref<73728x256xf32, #tpu.memory_space<hbm>> -> memref<96x256xf32, #tpu.memory_space<hbm>>
    %dma_start3A_137 = arith.constant 0 : i32
    %dma_start3A_138 = tpu.memref_slice %arg4[%add3A_134, %dma_start3A_137] : memref<73728x256xf32, #tpu.memory_space<hbm>> -> memref<96x256xf32, #tpu.memory_space<hbm>>
    tpu.enqueue_dma source(%arg6 : memref<96x256xf32, #tpu.memory_space<vmem>>) target(%dma_start3A_138 : memref<96x256xf32, #tpu.memory_space<hbm>>) target_semaphore(%arg14 : memref<!tpu.dma_semaphore, #tpu.memory_space<semaphore_mem>>)
    %dma_wait3A_139 = arith.constant 0 : i32
    %dma_wait3A_140 = tpu.memref_slice %arg4[%add3A_108, %dma_wait3A_139] : memref<73728x256xf32, #tpu.memory_space<hbm>> -> memref<96x256xf32, #tpu.memory_space<hbm>>
    %dma_wait3A_141 = arith.constant 0 : i32
    %dma_wait3A_142 = tpu.memref_slice %arg4[%add3A_108, %dma_wait3A_141] : memref<73728x256xf32, #tpu.memory_space<hbm>> -> memref<96x256xf32, #tpu.memory_space<hbm>>
    tpu.wait_dma2 semaphore(%arg17 : memref<!tpu.dma_semaphore, #tpu.memory_space<semaphore_mem>>) src(%arg9 : memref<96x256xf32, #tpu.memory_space<vmem>>) dst(%dma_wait3A_142 : memref<96x256xf32, #tpu.memory_space<hbm>>)
    %dma_start3A_143 = arith.constant 7 : i32
    %dma_start3A_144 = arith.constant 0 : i32
    %dma_start3A_145 = arith.constant 0 : i32
    %dma_start3A_146 = tpu.memref_slice %arg5[%dma_start3A_143, %dma_start3A_144, %dma_start3A_145] : memref<24x1x96xi32, #tpu.memory_space<vmem>> -> memref<1x1x96xi32, #tpu.memory_space<vmem>>
    %dma_start3A_147 = tpu.memref_squeeze %dma_start3A_146 : memref<1x1x96xi32, #tpu.memory_space<vmem>> -> memref<96xi32, #tpu.memory_space<vmem>>
    %dma_start3A_148 = arith.constant 0 : i32
    %dma_start3A_149 = arith.constant 0 : i32
    %dma_start3A_150 = tpu.memref_slice %arg2[%dma_start3A_148, %dma_start3A_149] : memref<10000x256xf32, #tpu.memory_space<hbm>> -> memref<10000x256xf32, #tpu.memory_space<hbm>>
    tpu.enqueue_indirect_dma source(%dma_start3A_150 : memref<10000x256xf32, #tpu.memory_space<hbm>>) target(%arg9 : memref<96x256xf32, #tpu.memory_space<vmem>>) offsets(%dma_start3A_147 : memref<96xi32, #tpu.memory_space<vmem>>) semaphore(%arg13 : memref<!tpu.dma_semaphore, #tpu.memory_space<semaphore_mem>>)
    %dma_wait3A_151 = arith.constant 5 : i32
    %dma_wait3A_152 = arith.constant 0 : i32
    %dma_wait3A_153 = arith.constant 0 : i32
    %dma_wait3A_154 = tpu.memref_slice %arg5[%dma_wait3A_151, %dma_wait3A_152, %dma_wait3A_153] : memref<24x1x96xi32, #tpu.memory_space<vmem>> -> memref<1x1x96xi32, #tpu.memory_space<vmem>>
    %dma_wait3A_155 = tpu.memref_squeeze %dma_wait3A_154 : memref<1x1x96xi32, #tpu.memory_space<vmem>> -> memref<96xi32, #tpu.memory_space<vmem>>
    %dma_wait3A_156 = arith.constant 0 : i32
    %dma_wait3A_157 = arith.constant 0 : i32
    %dma_wait3A_158 = tpu.memref_slice %arg2[%dma_wait3A_156, %dma_wait3A_157] : memref<10000x256xf32, #tpu.memory_space<hbm>> -> memref<10000x256xf32, #tpu.memory_space<hbm>>
    tpu.wait_indirect_dma semaphore(%arg11 : memref<!tpu.dma_semaphore, #tpu.memory_space<semaphore_mem>>) src(%dma_wait3A_158 : memref<10000x256xf32, #tpu.memory_space<hbm>>) dst(%arg7 : memref<96x256xf32, #tpu.memory_space<vmem>>)
    %add3A_159 = arith.constant 480 : i32
    %add3A_160 = arith.addi %mul3A_2, %add3A_159 : i32
    %dma_start3A_161 = arith.constant 0 : i32
    %dma_start3A_162 = tpu.memref_slice %arg4[%add3A_160, %dma_start3A_161] : memref<73728x256xf32, #tpu.memory_space<hbm>> -> memref<96x256xf32, #tpu.memory_space<hbm>>
    %dma_start3A_163 = arith.constant 0 : i32
    %dma_start3A_164 = tpu.memref_slice %arg4[%add3A_160, %dma_start3A_163] : memref<73728x256xf32, #tpu.memory_space<hbm>> -> memref<96x256xf32, #tpu.memory_space<hbm>>
    tpu.enqueue_dma source(%arg7 : memref<96x256xf32, #tpu.memory_space<vmem>>) target(%dma_start3A_164 : memref<96x256xf32, #tpu.memory_space<hbm>>) target_semaphore(%arg15 : memref<!tpu.dma_semaphore, #tpu.memory_space<semaphore_mem>>)
    %dma_wait3A_165 = arith.constant 0 : i32
    %dma_wait3A_166 = tpu.memref_slice %arg4[%add3A_134, %dma_wait3A_165] : memref<73728x256xf32, #tpu.memory_space<hbm>> -> memref<96x256xf32, #tpu.memory_space<hbm>>
    %dma_wait3A_167 = arith.constant 0 : i32
    %dma_wait3A_168 = tpu.memref_slice %arg4[%add3A_134, %dma_wait3A_167] : memref<73728x256xf32, #tpu.memory_space<hbm>> -> memref<96x256xf32, #tpu.memory_space<hbm>>
    tpu.wait_dma2 semaphore(%arg14 : memref<!tpu.dma_semaphore, #tpu.memory_space<semaphore_mem>>) src(%arg6 : memref<96x256xf32, #tpu.memory_space<vmem>>) dst(%dma_wait3A_168 : memref<96x256xf32, #tpu.memory_space<hbm>>)
    %dma_start3A_169 = arith.constant 8 : i32
    %dma_start3A_170 = arith.constant 0 : i32
    %dma_start3A_171 = arith.constant 0 : i32
    %dma_start3A_172 = tpu.memref_slice %arg5[%dma_start3A_169, %dma_start3A_170, %dma_start3A_171] : memref<24x1x96xi32, #tpu.memory_space<vmem>> -> memref<1x1x96xi32, #tpu.memory_space<vmem>>
    %dma_start3A_173 = tpu.memref_squeeze %dma_start3A_172 : memref<1x1x96xi32, #tpu.memory_space<vmem>> -> memref<96xi32, #tpu.memory_space<vmem>>
    %dma_start3A_174 = arith.constant 0 : i32
    %dma_start3A_175 = arith.constant 0 : i32
    %dma_start3A_176 = tpu.memref_slice %arg2[%dma_start3A_174, %dma_start3A_175] : memref<10000x256xf32, #tpu.memory_space<hbm>> -> memref<10000x256xf32, #tpu.memory_space<hbm>>
    tpu.enqueue_indirect_dma source(%dma_start3A_176 : memref<10000x256xf32, #tpu.memory_space<hbm>>) target(%arg6 : memref<96x256xf32, #tpu.memory_space<vmem>>) offsets(%dma_start3A_173 : memref<96xi32, #tpu.memory_space<vmem>>) semaphore(%arg10 : memref<!tpu.dma_semaphore, #tpu.memory_space<semaphore_mem>>)
    %dma_wait3A_177 = arith.constant 6 : i32
    %dma_wait3A_178 = arith.constant 0 : i32
    %dma_wait3A_179 = arith.constant 0 : i32
    %dma_wait3A_180 = tpu.memref_slice %arg5[%dma_wait3A_177, %dma_wait3A_178, %dma_wait3A_179] : memref<24x1x96xi32, #tpu.memory_space<vmem>> -> memref<1x1x96xi32, #tpu.memory_space<vmem>>
    %dma_wait3A_181 = tpu.memref_squeeze %dma_wait3A_180 : memref<1x1x96xi32, #tpu.memory_space<vmem>> -> memref<96xi32, #tpu.memory_space<vmem>>
    %dma_wait3A_182 = arith.constant 0 : i32
    %dma_wait3A_183 = arith.constant 0 : i32
    %dma_wait3A_184 = tpu.memref_slice %arg2[%dma_wait3A_182, %dma_wait3A_183] : memref<10000x256xf32, #tpu.memory_space<hbm>> -> memref<10000x256xf32, #tpu.memory_space<hbm>>
    tpu.wait_indirect_dma semaphore(%arg12 : memref<!tpu.dma_semaphore, #tpu.memory_space<semaphore_mem>>) src(%dma_wait3A_184 : memref<10000x256xf32, #tpu.memory_space<hbm>>) dst(%arg8 : memref<96x256xf32, #tpu.memory_space<vmem>>)
    %add3A_185 = arith.constant 576 : i32
    %add3A_186 = arith.addi %mul3A_2, %add3A_185 : i32
    %dma_start3A_187 = arith.constant 0 : i32
    %dma_start3A_188 = tpu.memref_slice %arg4[%add3A_186, %dma_start3A_187] : memref<73728x256xf32, #tpu.memory_space<hbm>> -> memref<96x256xf32, #tpu.memory_space<hbm>>
    %dma_start3A_189 = arith.constant 0 : i32
    %dma_start3A_190 = tpu.memref_slice %arg4[%add3A_186, %dma_start3A_189] : memref<73728x256xf32, #tpu.memory_space<hbm>> -> memref<96x256xf32, #tpu.memory_space<hbm>>
    tpu.enqueue_dma source(%arg8 : memref<96x256xf32, #tpu.memory_space<vmem>>) target(%dma_start3A_190 : memref<96x256xf32, #tpu.memory_space<hbm>>) target_semaphore(%arg16 : memref<!tpu.dma_semaphore, #tpu.memory_space<semaphore_mem>>)
    %dma_wait3A_191 = arith.constant 0 : i32
    %dma_wait3A_192 = tpu.memref_slice %arg4[%add3A_160, %dma_wait3A_191] : memref<73728x256xf32, #tpu.memory_space<hbm>> -> memref<96x256xf32, #tpu.memory_space<hbm>>
    %dma_wait3A_193 = arith.constant 0 : i32
    %dma_wait3A_194 = tpu.memref_slice %arg4[%add3A_160, %dma_wait3A_193] : memref<73728x256xf32, #tpu.memory_space<hbm>> -> memref<96x256xf32, #tpu.memory_space<hbm>>
    tpu.wait_dma2 semaphore(%arg15 : memref<!tpu.dma_semaphore, #tpu.memory_space<semaphore_mem>>) src(%arg7 : memref<96x256xf32, #tpu.memory_space<vmem>>) dst(%dma_wait3A_194 : memref<96x256xf32, #tpu.memory_space<hbm>>)
    %dma_start3A_195 = arith.constant 9 : i32
    %dma_start3A_196 = arith.constant 0 : i32
    %dma_start3A_197 = arith.constant 0 : i32
    %dma_start3A_198 = tpu.memref_slice %arg5[%dma_start3A_195, %dma_start3A_196, %dma_start3A_197] : memref<24x1x96xi32, #tpu.memory_space<vmem>> -> memref<1x1x96xi32, #tpu.memory_space<vmem>>
    %dma_start3A_199 = tpu.memref_squeeze %dma_start3A_198 : memref<1x1x96xi32, #tpu.memory_space<vmem>> -> memref<96xi32, #tpu.memory_space<vmem>>
    %dma_start3A_200 = arith.constant 0 : i32
    %dma_start3A_201 = arith.constant 0 : i32
    %dma_start3A_202 = tpu.memref_slice %arg2[%dma_start3A_200, %dma_start3A_201] : memref<10000x256xf32, #tpu.memory_space<hbm>> -> memref<10000x256xf32, #tpu.memory_space<hbm>>
    tpu.enqueue_indirect_dma source(%dma_start3A_202 : memref<10000x256xf32, #tpu.memory_space<hbm>>) target(%arg7 : memref<96x256xf32, #tpu.memory_space<vmem>>) offsets(%dma_start3A_199 : memref<96xi32, #tpu.memory_space<vmem>>) semaphore(%arg11 : memref<!tpu.dma_semaphore, #tpu.memory_space<semaphore_mem>>)
    %dma_wait3A_203 = arith.constant 7 : i32
    %dma_wait3A_204 = arith.constant 0 : i32
    %dma_wait3A_205 = arith.constant 0 : i32
    %dma_wait3A_206 = tpu.memref_slice %arg5[%dma_wait3A_203, %dma_wait3A_204, %dma_wait3A_205] : memref<24x1x96xi32, #tpu.memory_space<vmem>> -> memref<1x1x96xi32, #tpu.memory_space<vmem>>
    %dma_wait3A_207 = tpu.memref_squeeze %dma_wait3A_206 : memref<1x1x96xi32, #tpu.memory_space<vmem>> -> memref<96xi32, #tpu.memory_space<vmem>>
    %dma_wait3A_208 = arith.constant 0 : i32
    %dma_wait3A_209 = arith.constant 0 : i32
    %dma_wait3A_210 = tpu.memref_slice %arg2[%dma_wait3A_208, %dma_wait3A_209] : memref<10000x256xf32, #tpu.memory_space<hbm>> -> memref<10000x256xf32, #tpu.memory_space<hbm>>
    tpu.wait_indirect_dma semaphore(%arg13 : memref<!tpu.dma_semaphore, #tpu.memory_space<semaphore_mem>>) src(%dma_wait3A_210 : memref<10000x256xf32, #tpu.memory_space<hbm>>) dst(%arg9 : memref<96x256xf32, #tpu.memory_space<vmem>>)
    %add3A_211 = arith.constant 672 : i32
    %add3A_212 = arith.addi %mul3A_2, %add3A_211 : i32
    %dma_start3A_213 = arith.constant 0 : i32
    %dma_start3A_214 = tpu.memref_slice %arg4[%add3A_212, %dma_start3A_213] : memref<73728x256xf32, #tpu.memory_space<hbm>> -> memref<96x256xf32, #tpu.memory_space<hbm>>
    %dma_start3A_215 = arith.constant 0 : i32
    %dma_start3A_216 = tpu.memref_slice %arg4[%add3A_212, %dma_start3A_215] : memref<73728x256xf32, #tpu.memory_space<hbm>> -> memref<96x256xf32, #tpu.memory_space<hbm>>
    tpu.enqueue_dma source(%arg9 : memref<96x256xf32, #tpu.memory_space<vmem>>) target(%dma_start3A_216 : memref<96x256xf32, #tpu.memory_space<hbm>>) target_semaphore(%arg17 : memref<!tpu.dma_semaphore, #tpu.memory_space<semaphore_mem>>)
    %dma_wait3A_217 = arith.constant 0 : i32
    %dma_wait3A_218 = tpu.memref_slice %arg4[%add3A_186, %dma_wait3A_217] : memref<73728x256xf32, #tpu.memory_space<hbm>> -> memref<96x256xf32, #tpu.memory_space<hbm>>
    %dma_wait3A_219 = arith.constant 0 : i32
    %dma_wait3A_220 = tpu.memref_slice %arg4[%add3A_186, %dma_wait3A_219] : memref<73728x256xf32, #tpu.memory_space<hbm>> -> memref<96x256xf32, #tpu.memory_space<hbm>>
    tpu.wait_dma2 semaphore(%arg16 : memref<!tpu.dma_semaphore, #tpu.memory_space<semaphore_mem>>) src(%arg8 : memref<96x256xf32, #tpu.memory_space<vmem>>) dst(%dma_wait3A_220 : memref<96x256xf32, #tpu.memory_space<hbm>>)
    %dma_start3A_221 = arith.constant 10 : i32
    %dma_start3A_222 = arith.constant 0 : i32
    %dma_start3A_223 = arith.constant 0 : i32
    %dma_start3A_224 = tpu.memref_slice %arg5[%dma_start3A_221, %dma_start3A_222, %dma_start3A_223] : memref<24x1x96xi32, #tpu.memory_space<vmem>> -> memref<1x1x96xi32, #tpu.memory_space<vmem>>
    %dma_start3A_225 = tpu.memref_squeeze %dma_start3A_224 : memref<1x1x96xi32, #tpu.memory_space<vmem>> -> memref<96xi32, #tpu.memory_space<vmem>>
    %dma_start3A_226 = arith.constant 0 : i32
    %dma_start3A_227 = arith.constant 0 : i32
    %dma_start3A_228 = tpu.memref_slice %arg2[%dma_start3A_226, %dma_start3A_227] : memref<10000x256xf32, #tpu.memory_space<hbm>> -> memref<10000x256xf32, #tpu.memory_space<hbm>>
    tpu.enqueue_indirect_dma source(%dma_start3A_228 : memref<10000x256xf32, #tpu.memory_space<hbm>>) target(%arg8 : memref<96x256xf32, #tpu.memory_space<vmem>>) offsets(%dma_start3A_225 : memref<96xi32, #tpu.memory_space<vmem>>) semaphore(%arg12 : memref<!tpu.dma_semaphore, #tpu.memory_space<semaphore_mem>>)
    %dma_wait3A_229 = arith.constant 8 : i32
    %dma_wait3A_230 = arith.constant 0 : i32
    %dma_wait3A_231 = arith.constant 0 : i32
    %dma_wait3A_232 = tpu.memref_slice %arg5[%dma_wait3A_229, %dma_wait3A_230, %dma_wait3A_231] : memref<24x1x96xi32, #tpu.memory_space<vmem>> -> memref<1x1x96xi32, #tpu.memory_space<vmem>>
    %dma_wait3A_233 = tpu.memref_squeeze %dma_wait3A_232 : memref<1x1x96xi32, #tpu.memory_space<vmem>> -> memref<96xi32, #tpu.memory_space<vmem>>
    %dma_wait3A_234 = arith.constant 0 : i32
    %dma_wait3A_235 = arith.constant 0 : i32
    %dma_wait3A_236 = tpu.memref_slice %arg2[%dma_wait3A_234, %dma_wait3A_235] : memref<10000x256xf32, #tpu.memory_space<hbm>> -> memref<10000x256xf32, #tpu.memory_space<hbm>>
    tpu.wait_indirect_dma semaphore(%arg10 : memref<!tpu.dma_semaphore, #tpu.memory_space<semaphore_mem>>) src(%dma_wait3A_236 : memref<10000x256xf32, #tpu.memory_space<hbm>>) dst(%arg6 : memref<96x256xf32, #tpu.memory_space<vmem>>)
    %add3A_237 = arith.constant 768 : i32
    %add3A_238 = arith.addi %mul3A_2, %add3A_237 : i32
    %dma_start3A_239 = arith.constant 0 : i32
    %dma_start3A_240 = tpu.memref_slice %arg4[%add3A_238, %dma_start3A_239] : memref<73728x256xf32, #tpu.memory_space<hbm>> -> memref<96x256xf32, #tpu.memory_space<hbm>>
    %dma_start3A_241 = arith.constant 0 : i32
    %dma_start3A_242 = tpu.memref_slice %arg4[%add3A_238, %dma_start3A_241] : memref<73728x256xf32, #tpu.memory_space<hbm>> -> memref<96x256xf32, #tpu.memory_space<hbm>>
    tpu.enqueue_dma source(%arg6 : memref<96x256xf32, #tpu.memory_space<vmem>>) target(%dma_start3A_242 : memref<96x256xf32, #tpu.memory_space<hbm>>) target_semaphore(%arg14 : memref<!tpu.dma_semaphore, #tpu.memory_space<semaphore_mem>>)
    %dma_wait3A_243 = arith.constant 0 : i32
    %dma_wait3A_244 = tpu.memref_slice %arg4[%add3A_212, %dma_wait3A_243] : memref<73728x256xf32, #tpu.memory_space<hbm>> -> memref<96x256xf32, #tpu.memory_space<hbm>>
    %dma_wait3A_245 = arith.constant 0 : i32
    %dma_wait3A_246 = tpu.memref_slice %arg4[%add3A_212, %dma_wait3A_245] : memref<73728x256xf32, #tpu.memory_space<hbm>> -> memref<96x256xf32, #tpu.memory_space<hbm>>
    tpu.wait_dma2 semaphore(%arg17 : memref<!tpu.dma_semaphore, #tpu.memory_space<semaphore_mem>>) src(%arg9 : memref<96x256xf32, #tpu.memory_space<vmem>>) dst(%dma_wait3A_246 : memref<96x256xf32, #tpu.memory_space<hbm>>)
    %dma_start3A_247 = arith.constant 11 : i32
    %dma_start3A_248 = arith.constant 0 : i32
    %dma_start3A_249 = arith.constant 0 : i32
    %dma_start3A_250 = tpu.memref_slice %arg5[%dma_start3A_247, %dma_start3A_248, %dma_start3A_249] : memref<24x1x96xi32, #tpu.memory_space<vmem>> -> memref<1x1x96xi32, #tpu.memory_space<vmem>>
    %dma_start3A_251 = tpu.memref_squeeze %dma_start3A_250 : memref<1x1x96xi32, #tpu.memory_space<vmem>> -> memref<96xi32, #tpu.memory_space<vmem>>
    %dma_start3A_252 = arith.constant 0 : i32
    %dma_start3A_253 = arith.constant 0 : i32
    %dma_start3A_254 = tpu.memref_slice %arg2[%dma_start3A_252, %dma_start3A_253] : memref<10000x256xf32, #tpu.memory_space<hbm>> -> memref<10000x256xf32, #tpu.memory_space<hbm>>
    tpu.enqueue_indirect_dma source(%dma_start3A_254 : memref<10000x256xf32, #tpu.memory_space<hbm>>) target(%arg9 : memref<96x256xf32, #tpu.memory_space<vmem>>) offsets(%dma_start3A_251 : memref<96xi32, #tpu.memory_space<vmem>>) semaphore(%arg13 : memref<!tpu.dma_semaphore, #tpu.memory_space<semaphore_mem>>)
    %dma_wait3A_255 = arith.constant 9 : i32
    %dma_wait3A_256 = arith.constant 0 : i32
    %dma_wait3A_257 = arith.constant 0 : i32
    %dma_wait3A_258 = tpu.memref_slice %arg5[%dma_wait3A_255, %dma_wait3A_256, %dma_wait3A_257] : memref<24x1x96xi32, #tpu.memory_space<vmem>> -> memref<1x1x96xi32, #tpu.memory_space<vmem>>
    %dma_wait3A_259 = tpu.memref_squeeze %dma_wait3A_258 : memref<1x1x96xi32, #tpu.memory_space<vmem>> -> memref<96xi32, #tpu.memory_space<vmem>>
    %dma_wait3A_260 = arith.constant 0 : i32
    %dma_wait3A_261 = arith.constant 0 : i32
    %dma_wait3A_262 = tpu.memref_slice %arg2[%dma_wait3A_260, %dma_wait3A_261] : memref<10000x256xf32, #tpu.memory_space<hbm>> -> memref<10000x256xf32, #tpu.memory_space<hbm>>
    tpu.wait_indirect_dma semaphore(%arg11 : memref<!tpu.dma_semaphore, #tpu.memory_space<semaphore_mem>>) src(%dma_wait3A_262 : memref<10000x256xf32, #tpu.memory_space<hbm>>) dst(%arg7 : memref<96x256xf32, #tpu.memory_space<vmem>>)
    %add3A_263 = arith.constant 864 : i32
    %add3A_264 = arith.addi %mul3A_2, %add3A_263 : i32
    %dma_start3A_265 = arith.constant 0 : i32
    %dma_start3A_266 = tpu.memref_slice %arg4[%add3A_264, %dma_start3A_265] : memref<73728x256xf32, #tpu.memory_space<hbm>> -> memref<96x256xf32, #tpu.memory_space<hbm>>
    %dma_start3A_267 = arith.constant 0 : i32
    %dma_start3A_268 = tpu.memref_slice %arg4[%add3A_264, %dma_start3A_267] : memref<73728x256xf32, #tpu.memory_space<hbm>> -> memref<96x256xf32, #tpu.memory_space<hbm>>
    tpu.enqueue_dma source(%arg7 : memref<96x256xf32, #tpu.memory_space<vmem>>) target(%dma_start3A_268 : memref<96x256xf32, #tpu.memory_space<hbm>>) target_semaphore(%arg15 : memref<!tpu.dma_semaphore, #tpu.memory_space<semaphore_mem>>)
    %dma_wait3A_269 = arith.constant 0 : i32
    %dma_wait3A_270 = tpu.memref_slice %arg4[%add3A_238, %dma_wait3A_269] : memref<73728x256xf32, #tpu.memory_space<hbm>> -> memref<96x256xf32, #tpu.memory_space<hbm>>
    %dma_wait3A_271 = arith.constant 0 : i32
    %dma_wait3A_272 = tpu.memref_slice %arg4[%add3A_238, %dma_wait3A_271] : memref<73728x256xf32, #tpu.memory_space<hbm>> -> memref<96x256xf32, #tpu.memory_space<hbm>>
    tpu.wait_dma2 semaphore(%arg14 : memref<!tpu.dma_semaphore, #tpu.memory_space<semaphore_mem>>) src(%arg6 : memref<96x256xf32, #tpu.memory_space<vmem>>) dst(%dma_wait3A_272 : memref<96x256xf32, #tpu.memory_space<hbm>>)
    %dma_start3A_273 = arith.constant 12 : i32
    %dma_start3A_274 = arith.constant 0 : i32
    %dma_start3A_275 = arith.constant 0 : i32
    %dma_start3A_276 = tpu.memref_slice %arg5[%dma_start3A_273, %dma_start3A_274, %dma_start3A_275] : memref<24x1x96xi32, #tpu.memory_space<vmem>> -> memref<1x1x96xi32, #tpu.memory_space<vmem>>
    %dma_start3A_277 = tpu.memref_squeeze %dma_start3A_276 : memref<1x1x96xi32, #tpu.memory_space<vmem>> -> memref<96xi32, #tpu.memory_space<vmem>>
    %dma_start3A_278 = arith.constant 0 : i32
    %dma_start3A_279 = arith.constant 0 : i32
    %dma_start3A_280 = tpu.memref_slice %arg2[%dma_start3A_278, %dma_start3A_279] : memref<10000x256xf32, #tpu.memory_space<hbm>> -> memref<10000x256xf32, #tpu.memory_space<hbm>>
    tpu.enqueue_indirect_dma source(%dma_start3A_280 : memref<10000x256xf32, #tpu.memory_space<hbm>>) target(%arg6 : memref<96x256xf32, #tpu.memory_space<vmem>>) offsets(%dma_start3A_277 : memref<96xi32, #tpu.memory_space<vmem>>) semaphore(%arg10 : memref<!tpu.dma_semaphore, #tpu.memory_space<semaphore_mem>>)
    %dma_wait3A_281 = arith.constant 10 : i32
    %dma_wait3A_282 = arith.constant 0 : i32
    %dma_wait3A_283 = arith.constant 0 : i32
    %dma_wait3A_284 = tpu.memref_slice %arg5[%dma_wait3A_281, %dma_wait3A_282, %dma_wait3A_283] : memref<24x1x96xi32, #tpu.memory_space<vmem>> -> memref<1x1x96xi32, #tpu.memory_space<vmem>>
    %dma_wait3A_285 = tpu.memref_squeeze %dma_wait3A_284 : memref<1x1x96xi32, #tpu.memory_space<vmem>> -> memref<96xi32, #tpu.memory_space<vmem>>
    %dma_wait3A_286 = arith.constant 0 : i32
    %dma_wait3A_287 = arith.constant 0 : i32
    %dma_wait3A_288 = tpu.memref_slice %arg2[%dma_wait3A_286, %dma_wait3A_287] : memref<10000x256xf32, #tpu.memory_space<hbm>> -> memref<10000x256xf32, #tpu.memory_space<hbm>>
    tpu.wait_indirect_dma semaphore(%arg12 : memref<!tpu.dma_semaphore, #tpu.memory_space<semaphore_mem>>) src(%dma_wait3A_288 : memref<10000x256xf32, #tpu.memory_space<hbm>>) dst(%arg8 : memref<96x256xf32, #tpu.memory_space<vmem>>)
    %add3A_289 = arith.constant 960 : i32
    %add3A_290 = arith.addi %mul3A_2, %add3A_289 : i32
    %dma_start3A_291 = arith.constant 0 : i32
    %dma_start3A_292 = tpu.memref_slice %arg4[%add3A_290, %dma_start3A_291] : memref<73728x256xf32, #tpu.memory_space<hbm>> -> memref<96x256xf32, #tpu.memory_space<hbm>>
    %dma_start3A_293 = arith.constant 0 : i32
    %dma_start3A_294 = tpu.memref_slice %arg4[%add3A_290, %dma_start3A_293] : memref<73728x256xf32, #tpu.memory_space<hbm>> -> memref<96x256xf32, #tpu.memory_space<hbm>>
    tpu.enqueue_dma source(%arg8 : memref<96x256xf32, #tpu.memory_space<vmem>>) target(%dma_start3A_294 : memref<96x256xf32, #tpu.memory_space<hbm>>) target_semaphore(%arg16 : memref<!tpu.dma_semaphore, #tpu.memory_space<semaphore_mem>>)
    %dma_wait3A_295 = arith.constant 0 : i32
    %dma_wait3A_296 = tpu.memref_slice %arg4[%add3A_264, %dma_wait3A_295] : memref<73728x256xf32, #tpu.memory_space<hbm>> -> memref<96x256xf32, #tpu.memory_space<hbm>>
    %dma_wait3A_297 = arith.constant 0 : i32
    %dma_wait3A_298 = tpu.memref_slice %arg4[%add3A_264, %dma_wait3A_297] : memref<73728x256xf32, #tpu.memory_space<hbm>> -> memref<96x256xf32, #tpu.memory_space<hbm>>
    tpu.wait_dma2 semaphore(%arg15 : memref<!tpu.dma_semaphore, #tpu.memory_space<semaphore_mem>>) src(%arg7 : memref<96x256xf32, #tpu.memory_space<vmem>>) dst(%dma_wait3A_298 : memref<96x256xf32, #tpu.memory_space<hbm>>)
    %dma_start3A_299 = arith.constant 13 : i32
    %dma_start3A_300 = arith.constant 0 : i32
    %dma_start3A_301 = arith.constant 0 : i32
    %dma_start3A_302 = tpu.memref_slice %arg5[%dma_start3A_299, %dma_start3A_300, %dma_start3A_301] : memref<24x1x96xi32, #tpu.memory_space<vmem>> -> memref<1x1x96xi32, #tpu.memory_space<vmem>>
    %dma_start3A_303 = tpu.memref_squeeze %dma_start3A_302 : memref<1x1x96xi32, #tpu.memory_space<vmem>> -> memref<96xi32, #tpu.memory_space<vmem>>
    %dma_start3A_304 = arith.constant 0 : i32
    %dma_start3A_305 = arith.constant 0 : i32
    %dma_start3A_306 = tpu.memref_slice %arg2[%dma_start3A_304, %dma_start3A_305] : memref<10000x256xf32, #tpu.memory_space<hbm>> -> memref<10000x256xf32, #tpu.memory_space<hbm>>
    tpu.enqueue_indirect_dma source(%dma_start3A_306 : memref<10000x256xf32, #tpu.memory_space<hbm>>) target(%arg7 : memref<96x256xf32, #tpu.memory_space<vmem>>) offsets(%dma_start3A_303 : memref<96xi32, #tpu.memory_space<vmem>>) semaphore(%arg11 : memref<!tpu.dma_semaphore, #tpu.memory_space<semaphore_mem>>)
    %dma_wait3A_307 = arith.constant 11 : i32
    %dma_wait3A_308 = arith.constant 0 : i32
    %dma_wait3A_309 = arith.constant 0 : i32
    %dma_wait3A_310 = tpu.memref_slice %arg5[%dma_wait3A_307, %dma_wait3A_308, %dma_wait3A_309] : memref<24x1x96xi32, #tpu.memory_space<vmem>> -> memref<1x1x96xi32, #tpu.memory_space<vmem>>
    %dma_wait3A_311 = tpu.memref_squeeze %dma_wait3A_310 : memref<1x1x96xi32, #tpu.memory_space<vmem>> -> memref<96xi32, #tpu.memory_space<vmem>>
    %dma_wait3A_312 = arith.constant 0 : i32
    %dma_wait3A_313 = arith.constant 0 : i32
    %dma_wait3A_314 = tpu.memref_slice %arg2[%dma_wait3A_312, %dma_wait3A_313] : memref<10000x256xf32, #tpu.memory_space<hbm>> -> memref<10000x256xf32, #tpu.memory_space<hbm>>
    tpu.wait_indirect_dma semaphore(%arg13 : memref<!tpu.dma_semaphore, #tpu.memory_space<semaphore_mem>>) src(%dma_wait3A_314 : memref<10000x256xf32, #tpu.memory_space<hbm>>) dst(%arg9 : memref<96x256xf32, #tpu.memory_space<vmem>>)
    %add3A_315 = arith.constant 1056 : i32
    %add3A_316 = arith.addi %mul3A_2, %add3A_315 : i32
    %dma_start3A_317 = arith.constant 0 : i32
    %dma_start3A_318 = tpu.memref_slice %arg4[%add3A_316, %dma_start3A_317] : memref<73728x256xf32, #tpu.memory_space<hbm>> -> memref<96x256xf32, #tpu.memory_space<hbm>>
    %dma_start3A_319 = arith.constant 0 : i32
    %dma_start3A_320 = tpu.memref_slice %arg4[%add3A_316, %dma_start3A_319] : memref<73728x256xf32, #tpu.memory_space<hbm>> -> memref<96x256xf32, #tpu.memory_space<hbm>>
    tpu.enqueue_dma source(%arg9 : memref<96x256xf32, #tpu.memory_space<vmem>>) target(%dma_start3A_320 : memref<96x256xf32, #tpu.memory_space<hbm>>) target_semaphore(%arg17 : memref<!tpu.dma_semaphore, #tpu.memory_space<semaphore_mem>>)
    %dma_wait3A_321 = arith.constant 0 : i32
    %dma_wait3A_322 = tpu.memref_slice %arg4[%add3A_290, %dma_wait3A_321] : memref<73728x256xf32, #tpu.memory_space<hbm>> -> memref<96x256xf32, #tpu.memory_space<hbm>>
    %dma_wait3A_323 = arith.constant 0 : i32
    %dma_wait3A_324 = tpu.memref_slice %arg4[%add3A_290, %dma_wait3A_323] : memref<73728x256xf32, #tpu.memory_space<hbm>> -> memref<96x256xf32, #tpu.memory_space<hbm>>
    tpu.wait_dma2 semaphore(%arg16 : memref<!tpu.dma_semaphore, #tpu.memory_space<semaphore_mem>>) src(%arg8 : memref<96x256xf32, #tpu.memory_space<vmem>>) dst(%dma_wait3A_324 : memref<96x256xf32, #tpu.memory_space<hbm>>)
    %dma_start3A_325 = arith.constant 14 : i32
    %dma_start3A_326 = arith.constant 0 : i32
    %dma_start3A_327 = arith.constant 0 : i32
    %dma_start3A_328 = tpu.memref_slice %arg5[%dma_start3A_325, %dma_start3A_326, %dma_start3A_327] : memref<24x1x96xi32, #tpu.memory_space<vmem>> -> memref<1x1x96xi32, #tpu.memory_space<vmem>>
    %dma_start3A_329 = tpu.memref_squeeze %dma_start3A_328 : memref<1x1x96xi32, #tpu.memory_space<vmem>> -> memref<96xi32, #tpu.memory_space<vmem>>
    %dma_start3A_330 = arith.constant 0 : i32
    %dma_start3A_331 = arith.constant 0 : i32
    %dma_start3A_332 = tpu.memref_slice %arg2[%dma_start3A_330, %dma_start3A_331] : memref<10000x256xf32, #tpu.memory_space<hbm>> -> memref<10000x256xf32, #tpu.memory_space<hbm>>
    tpu.enqueue_indirect_dma source(%dma_start3A_332 : memref<10000x256xf32, #tpu.memory_space<hbm>>) target(%arg8 : memref<96x256xf32, #tpu.memory_space<vmem>>) offsets(%dma_start3A_329 : memref<96xi32, #tpu.memory_space<vmem>>) semaphore(%arg12 : memref<!tpu.dma_semaphore, #tpu.memory_space<semaphore_mem>>)
    %dma_wait3A_333 = arith.constant 12 : i32
    %dma_wait3A_334 = arith.constant 0 : i32
    %dma_wait3A_335 = arith.constant 0 : i32
    %dma_wait3A_336 = tpu.memref_slice %arg5[%dma_wait3A_333, %dma_wait3A_334, %dma_wait3A_335] : memref<24x1x96xi32, #tpu.memory_space<vmem>> -> memref<1x1x96xi32, #tpu.memory_space<vmem>>
    %dma_wait3A_337 = tpu.memref_squeeze %dma_wait3A_336 : memref<1x1x96xi32, #tpu.memory_space<vmem>> -> memref<96xi32, #tpu.memory_space<vmem>>
    %dma_wait3A_338 = arith.constant 0 : i32
    %dma_wait3A_339 = arith.constant 0 : i32
    %dma_wait3A_340 = tpu.memref_slice %arg2[%dma_wait3A_338, %dma_wait3A_339] : memref<10000x256xf32, #tpu.memory_space<hbm>> -> memref<10000x256xf32, #tpu.memory_space<hbm>>
    tpu.wait_indirect_dma semaphore(%arg10 : memref<!tpu.dma_semaphore, #tpu.memory_space<semaphore_mem>>) src(%dma_wait3A_340 : memref<10000x256xf32, #tpu.memory_space<hbm>>) dst(%arg6 : memref<96x256xf32, #tpu.memory_space<vmem>>)
    %add3A_341 = arith.constant 1152 : i32
    %add3A_342 = arith.addi %mul3A_2, %add3A_341 : i32
    %dma_start3A_343 = arith.constant 0 : i32
    %dma_start3A_344 = tpu.memref_slice %arg4[%add3A_342, %dma_start3A_343] : memref<73728x256xf32, #tpu.memory_space<hbm>> -> memref<96x256xf32, #tpu.memory_space<hbm>>
    %dma_start3A_345 = arith.constant 0 : i32
    %dma_start3A_346 = tpu.memref_slice %arg4[%add3A_342, %dma_start3A_345] : memref<73728x256xf32, #tpu.memory_space<hbm>> -> memref<96x256xf32, #tpu.memory_space<hbm>>
    tpu.enqueue_dma source(%arg6 : memref<96x256xf32, #tpu.memory_space<vmem>>) target(%dma_start3A_346 : memref<96x256xf32, #tpu.memory_space<hbm>>) target_semaphore(%arg14 : memref<!tpu.dma_semaphore, #tpu.memory_space<semaphore_mem>>)
    %dma_wait3A_347 = arith.constant 0 : i32
    %dma_wait3A_348 = tpu.memref_slice %arg4[%add3A_316, %dma_wait3A_347] : memref<73728x256xf32, #tpu.memory_space<hbm>> -> memref<96x256xf32, #tpu.memory_space<hbm>>
    %dma_wait3A_349 = arith.constant 0 : i32
    %dma_wait3A_350 = tpu.memref_slice %arg4[%add3A_316, %dma_wait3A_349] : memref<73728x256xf32, #tpu.memory_space<hbm>> -> memref<96x256xf32, #tpu.memory_space<hbm>>
    tpu.wait_dma2 semaphore(%arg17 : memref<!tpu.dma_semaphore, #tpu.memory_space<semaphore_mem>>) src(%arg9 : memref<96x256xf32, #tpu.memory_space<vmem>>) dst(%dma_wait3A_350 : memref<96x256xf32, #tpu.memory_space<hbm>>)
    %dma_start3A_351 = arith.constant 15 : i32
    %dma_start3A_352 = arith.constant 0 : i32
    %dma_start3A_353 = arith.constant 0 : i32
    %dma_start3A_354 = tpu.memref_slice %arg5[%dma_start3A_351, %dma_start3A_352, %dma_start3A_353] : memref<24x1x96xi32, #tpu.memory_space<vmem>> -> memref<1x1x96xi32, #tpu.memory_space<vmem>>
    %dma_start3A_355 = tpu.memref_squeeze %dma_start3A_354 : memref<1x1x96xi32, #tpu.memory_space<vmem>> -> memref<96xi32, #tpu.memory_space<vmem>>
    %dma_start3A_356 = arith.constant 0 : i32
    %dma_start3A_357 = arith.constant 0 : i32
    %dma_start3A_358 = tpu.memref_slice %arg2[%dma_start3A_356, %dma_start3A_357] : memref<10000x256xf32, #tpu.memory_space<hbm>> -> memref<10000x256xf32, #tpu.memory_space<hbm>>
    tpu.enqueue_indirect_dma source(%dma_start3A_358 : memref<10000x256xf32, #tpu.memory_space<hbm>>) target(%arg9 : memref<96x256xf32, #tpu.memory_space<vmem>>) offsets(%dma_start3A_355 : memref<96xi32, #tpu.memory_space<vmem>>) semaphore(%arg13 : memref<!tpu.dma_semaphore, #tpu.memory_space<semaphore_mem>>)
    %dma_wait3A_359 = arith.constant 13 : i32
    %dma_wait3A_360 = arith.constant 0 : i32
    %dma_wait3A_361 = arith.constant 0 : i32
    %dma_wait3A_362 = tpu.memref_slice %arg5[%dma_wait3A_359, %dma_wait3A_360, %dma_wait3A_361] : memref<24x1x96xi32, #tpu.memory_space<vmem>> -> memref<1x1x96xi32, #tpu.memory_space<vmem>>
    %dma_wait3A_363 = tpu.memref_squeeze %dma_wait3A_362 : memref<1x1x96xi32, #tpu.memory_space<vmem>> -> memref<96xi32, #tpu.memory_space<vmem>>
    %dma_wait3A_364 = arith.constant 0 : i32
    %dma_wait3A_365 = arith.constant 0 : i32
    %dma_wait3A_366 = tpu.memref_slice %arg2[%dma_wait3A_364, %dma_wait3A_365] : memref<10000x256xf32, #tpu.memory_space<hbm>> -> memref<10000x256xf32, #tpu.memory_space<hbm>>
    tpu.wait_indirect_dma semaphore(%arg11 : memref<!tpu.dma_semaphore, #tpu.memory_space<semaphore_mem>>) src(%dma_wait3A_366 : memref<10000x256xf32, #tpu.memory_space<hbm>>) dst(%arg7 : memref<96x256xf32, #tpu.memory_space<vmem>>)
    %add3A_367 = arith.constant 1248 : i32
    %add3A_368 = arith.addi %mul3A_2, %add3A_367 : i32
    %dma_start3A_369 = arith.constant 0 : i32
    %dma_start3A_370 = tpu.memref_slice %arg4[%add3A_368, %dma_start3A_369] : memref<73728x256xf32, #tpu.memory_space<hbm>> -> memref<96x256xf32, #tpu.memory_space<hbm>>
    %dma_start3A_371 = arith.constant 0 : i32
    %dma_start3A_372 = tpu.memref_slice %arg4[%add3A_368, %dma_start3A_371] : memref<73728x256xf32, #tpu.memory_space<hbm>> -> memref<96x256xf32, #tpu.memory_space<hbm>>
    tpu.enqueue_dma source(%arg7 : memref<96x256xf32, #tpu.memory_space<vmem>>) target(%dma_start3A_372 : memref<96x256xf32, #tpu.memory_space<hbm>>) target_semaphore(%arg15 : memref<!tpu.dma_semaphore, #tpu.memory_space<semaphore_mem>>)
    %dma_wait3A_373 = arith.constant 0 : i32
    %dma_wait3A_374 = tpu.memref_slice %arg4[%add3A_342, %dma_wait3A_373] : memref<73728x256xf32, #tpu.memory_space<hbm>> -> memref<96x256xf32, #tpu.memory_space<hbm>>
    %dma_wait3A_375 = arith.constant 0 : i32
    %dma_wait3A_376 = tpu.memref_slice %arg4[%add3A_342, %dma_wait3A_375] : memref<73728x256xf32, #tpu.memory_space<hbm>> -> memref<96x256xf32, #tpu.memory_space<hbm>>
    tpu.wait_dma2 semaphore(%arg14 : memref<!tpu.dma_semaphore, #tpu.memory_space<semaphore_mem>>) src(%arg6 : memref<96x256xf32, #tpu.memory_space<vmem>>) dst(%dma_wait3A_376 : memref<96x256xf32, #tpu.memory_space<hbm>>)
    %dma_start3A_377 = arith.constant 16 : i32
    %dma_start3A_378 = arith.constant 0 : i32
    %dma_start3A_379 = arith.constant 0 : i32
    %dma_start3A_380 = tpu.memref_slice %arg5[%dma_start3A_377, %dma_start3A_378, %dma_start3A_379] : memref<24x1x96xi32, #tpu.memory_space<vmem>> -> memref<1x1x96xi32, #tpu.memory_space<vmem>>
    %dma_start3A_381 = tpu.memref_squeeze %dma_start3A_380 : memref<1x1x96xi32, #tpu.memory_space<vmem>> -> memref<96xi32, #tpu.memory_space<vmem>>
    %dma_start3A_382 = arith.constant 0 : i32
    %dma_start3A_383 = arith.constant 0 : i32
    %dma_start3A_384 = tpu.memref_slice %arg2[%dma_start3A_382, %dma_start3A_383] : memref<10000x256xf32, #tpu.memory_space<hbm>> -> memref<10000x256xf32, #tpu.memory_space<hbm>>
    tpu.enqueue_indirect_dma source(%dma_start3A_384 : memref<10000x256xf32, #tpu.memory_space<hbm>>) target(%arg6 : memref<96x256xf32, #tpu.memory_space<vmem>>) offsets(%dma_start3A_381 : memref<96xi32, #tpu.memory_space<vmem>>) semaphore(%arg10 : memref<!tpu.dma_semaphore, #tpu.memory_space<semaphore_mem>>)
    %dma_wait3A_385 = arith.constant 14 : i32
    %dma_wait3A_386 = arith.constant 0 : i32
    %dma_wait3A_387 = arith.constant 0 : i32
    %dma_wait3A_388 = tpu.memref_slice %arg5[%dma_wait3A_385, %dma_wait3A_386, %dma_wait3A_387] : memref<24x1x96xi32, #tpu.memory_space<vmem>> -> memref<1x1x96xi32, #tpu.memory_space<vmem>>
    %dma_wait3A_389 = tpu.memref_squeeze %dma_wait3A_388 : memref<1x1x96xi32, #tpu.memory_space<vmem>> -> memref<96xi32, #tpu.memory_space<vmem>>
    %dma_wait3A_390 = arith.constant 0 : i32
    %dma_wait3A_391 = arith.constant 0 : i32
    %dma_wait3A_392 = tpu.memref_slice %arg2[%dma_wait3A_390, %dma_wait3A_391] : memref<10000x256xf32, #tpu.memory_space<hbm>> -> memref<10000x256xf32, #tpu.memory_space<hbm>>
    tpu.wait_indirect_dma semaphore(%arg12 : memref<!tpu.dma_semaphore, #tpu.memory_space<semaphore_mem>>) src(%dma_wait3A_392 : memref<10000x256xf32, #tpu.memory_space<hbm>>) dst(%arg8 : memref<96x256xf32, #tpu.memory_space<vmem>>)
    %add3A_393 = arith.constant 1344 : i32
    %add3A_394 = arith.addi %mul3A_2, %add3A_393 : i32
    %dma_start3A_395 = arith.constant 0 : i32
    %dma_start3A_396 = tpu.memref_slice %arg4[%add3A_394, %dma_start3A_395] : memref<73728x256xf32, #tpu.memory_space<hbm>> -> memref<96x256xf32, #tpu.memory_space<hbm>>
    %dma_start3A_397 = arith.constant 0 : i32
    %dma_start3A_398 = tpu.memref_slice %arg4[%add3A_394, %dma_start3A_397] : memref<73728x256xf32, #tpu.memory_space<hbm>> -> memref<96x256xf32, #tpu.memory_space<hbm>>
    tpu.enqueue_dma source(%arg8 : memref<96x256xf32, #tpu.memory_space<vmem>>) target(%dma_start3A_398 : memref<96x256xf32, #tpu.memory_space<hbm>>) target_semaphore(%arg16 : memref<!tpu.dma_semaphore, #tpu.memory_space<semaphore_mem>>)
    %dma_wait3A_399 = arith.constant 0 : i32
    %dma_wait3A_400 = tpu.memref_slice %arg4[%add3A_368, %dma_wait3A_399] : memref<73728x256xf32, #tpu.memory_space<hbm>> -> memref<96x256xf32, #tpu.memory_space<hbm>>
    %dma_wait3A_401 = arith.constant 0 : i32
    %dma_wait3A_402 = tpu.memref_slice %arg4[%add3A_368, %dma_wait3A_401] : memref<73728x256xf32, #tpu.memory_space<hbm>> -> memref<96x256xf32, #tpu.memory_space<hbm>>
    tpu.wait_dma2 semaphore(%arg15 : memref<!tpu.dma_semaphore, #tpu.memory_space<semaphore_mem>>) src(%arg7 : memref<96x256xf32, #tpu.memory_space<vmem>>) dst(%dma_wait3A_402 : memref<96x256xf32, #tpu.memory_space<hbm>>)
    %dma_start3A_403 = arith.constant 17 : i32
    %dma_start3A_404 = arith.constant 0 : i32
    %dma_start3A_405 = arith.constant 0 : i32
    %dma_start3A_406 = tpu.memref_slice %arg5[%dma_start3A_403, %dma_start3A_404, %dma_start3A_405] : memref<24x1x96xi32, #tpu.memory_space<vmem>> -> memref<1x1x96xi32, #tpu.memory_space<vmem>>
    %dma_start3A_407 = tpu.memref_squeeze %dma_start3A_406 : memref<1x1x96xi32, #tpu.memory_space<vmem>> -> memref<96xi32, #tpu.memory_space<vmem>>
    %dma_start3A_408 = arith.constant 0 : i32
    %dma_start3A_409 = arith.constant 0 : i32
    %dma_start3A_410 = tpu.memref_slice %arg2[%dma_start3A_408, %dma_start3A_409] : memref<10000x256xf32, #tpu.memory_space<hbm>> -> memref<10000x256xf32, #tpu.memory_space<hbm>>
    tpu.enqueue_indirect_dma source(%dma_start3A_410 : memref<10000x256xf32, #tpu.memory_space<hbm>>) target(%arg7 : memref<96x256xf32, #tpu.memory_space<vmem>>) offsets(%dma_start3A_407 : memref<96xi32, #tpu.memory_space<vmem>>) semaphore(%arg11 : memref<!tpu.dma_semaphore, #tpu.memory_space<semaphore_mem>>)
    %dma_wait3A_411 = arith.constant 15 : i32
    %dma_wait3A_412 = arith.constant 0 : i32
    %dma_wait3A_413 = arith.constant 0 : i32
    %dma_wait3A_414 = tpu.memref_slice %arg5[%dma_wait3A_411, %dma_wait3A_412, %dma_wait3A_413] : memref<24x1x96xi32, #tpu.memory_space<vmem>> -> memref<1x1x96xi32, #tpu.memory_space<vmem>>
    %dma_wait3A_415 = tpu.memref_squeeze %dma_wait3A_414 : memref<1x1x96xi32, #tpu.memory_space<vmem>> -> memref<96xi32, #tpu.memory_space<vmem>>
    %dma_wait3A_416 = arith.constant 0 : i32
    %dma_wait3A_417 = arith.constant 0 : i32
    %dma_wait3A_418 = tpu.memref_slice %arg2[%dma_wait3A_416, %dma_wait3A_417] : memref<10000x256xf32, #tpu.memory_space<hbm>> -> memref<10000x256xf32, #tpu.memory_space<hbm>>
    tpu.wait_indirect_dma semaphore(%arg13 : memref<!tpu.dma_semaphore, #tpu.memory_space<semaphore_mem>>) src(%dma_wait3A_418 : memref<10000x256xf32, #tpu.memory_space<hbm>>) dst(%arg9 : memref<96x256xf32, #tpu.memory_space<vmem>>)
    %add3A_419 = arith.constant 1440 : i32
    %add3A_420 = arith.addi %mul3A_2, %add3A_419 : i32
    %dma_start3A_421 = arith.constant 0 : i32
    %dma_start3A_422 = tpu.memref_slice %arg4[%add3A_420, %dma_start3A_421] : memref<73728x256xf32, #tpu.memory_space<hbm>> -> memref<96x256xf32, #tpu.memory_space<hbm>>
    %dma_start3A_423 = arith.constant 0 : i32
    %dma_start3A_424 = tpu.memref_slice %arg4[%add3A_420, %dma_start3A_423] : memref<73728x256xf32, #tpu.memory_space<hbm>> -> memref<96x256xf32, #tpu.memory_space<hbm>>
    tpu.enqueue_dma source(%arg9 : memref<96x256xf32, #tpu.memory_space<vmem>>) target(%dma_start3A_424 : memref<96x256xf32, #tpu.memory_space<hbm>>) target_semaphore(%arg17 : memref<!tpu.dma_semaphore, #tpu.memory_space<semaphore_mem>>)
    %dma_wait3A_425 = arith.constant 0 : i32
    %dma_wait3A_426 = tpu.memref_slice %arg4[%add3A_394, %dma_wait3A_425] : memref<73728x256xf32, #tpu.memory_space<hbm>> -> memref<96x256xf32, #tpu.memory_space<hbm>>
    %dma_wait3A_427 = arith.constant 0 : i32
    %dma_wait3A_428 = tpu.memref_slice %arg4[%add3A_394, %dma_wait3A_427] : memref<73728x256xf32, #tpu.memory_space<hbm>> -> memref<96x256xf32, #tpu.memory_space<hbm>>
    tpu.wait_dma2 semaphore(%arg16 : memref<!tpu.dma_semaphore, #tpu.memory_space<semaphore_mem>>) src(%arg8 : memref<96x256xf32, #tpu.memory_space<vmem>>) dst(%dma_wait3A_428 : memref<96x256xf32, #tpu.memory_space<hbm>>)
    %dma_start3A_429 = arith.constant 18 : i32
    %dma_start3A_430 = arith.constant 0 : i32
    %dma_start3A_431 = arith.constant 0 : i32
    %dma_start3A_432 = tpu.memref_slice %arg5[%dma_start3A_429, %dma_start3A_430, %dma_start3A_431] : memref<24x1x96xi32, #tpu.memory_space<vmem>> -> memref<1x1x96xi32, #tpu.memory_space<vmem>>
    %dma_start3A_433 = tpu.memref_squeeze %dma_start3A_432 : memref<1x1x96xi32, #tpu.memory_space<vmem>> -> memref<96xi32, #tpu.memory_space<vmem>>
    %dma_start3A_434 = arith.constant 0 : i32
    %dma_start3A_435 = arith.constant 0 : i32
    %dma_start3A_436 = tpu.memref_slice %arg2[%dma_start3A_434, %dma_start3A_435] : memref<10000x256xf32, #tpu.memory_space<hbm>> -> memref<10000x256xf32, #tpu.memory_space<hbm>>
    tpu.enqueue_indirect_dma source(%dma_start3A_436 : memref<10000x256xf32, #tpu.memory_space<hbm>>) target(%arg8 : memref<96x256xf32, #tpu.memory_space<vmem>>) offsets(%dma_start3A_433 : memref<96xi32, #tpu.memory_space<vmem>>) semaphore(%arg12 : memref<!tpu.dma_semaphore, #tpu.memory_space<semaphore_mem>>)
    %dma_wait3A_437 = arith.constant 16 : i32
    %dma_wait3A_438 = arith.constant 0 : i32
    %dma_wait3A_439 = arith.constant 0 : i32
    %dma_wait3A_440 = tpu.memref_slice %arg5[%dma_wait3A_437, %dma_wait3A_438, %dma_wait3A_439] : memref<24x1x96xi32, #tpu.memory_space<vmem>> -> memref<1x1x96xi32, #tpu.memory_space<vmem>>
    %dma_wait3A_441 = tpu.memref_squeeze %dma_wait3A_440 : memref<1x1x96xi32, #tpu.memory_space<vmem>> -> memref<96xi32, #tpu.memory_space<vmem>>
    %dma_wait3A_442 = arith.constant 0 : i32
    %dma_wait3A_443 = arith.constant 0 : i32
    %dma_wait3A_444 = tpu.memref_slice %arg2[%dma_wait3A_442, %dma_wait3A_443] : memref<10000x256xf32, #tpu.memory_space<hbm>> -> memref<10000x256xf32, #tpu.memory_space<hbm>>
    tpu.wait_indirect_dma semaphore(%arg10 : memref<!tpu.dma_semaphore, #tpu.memory_space<semaphore_mem>>) src(%dma_wait3A_444 : memref<10000x256xf32, #tpu.memory_space<hbm>>) dst(%arg6 : memref<96x256xf32, #tpu.memory_space<vmem>>)
    %add3A_445 = arith.constant 1536 : i32
    %add3A_446 = arith.addi %mul3A_2, %add3A_445 : i32
    %dma_start3A_447 = arith.constant 0 : i32
    %dma_start3A_448 = tpu.memref_slice %arg4[%add3A_446, %dma_start3A_447] : memref<73728x256xf32, #tpu.memory_space<hbm>> -> memref<96x256xf32, #tpu.memory_space<hbm>>
    %dma_start3A_449 = arith.constant 0 : i32
    %dma_start3A_450 = tpu.memref_slice %arg4[%add3A_446, %dma_start3A_449] : memref<73728x256xf32, #tpu.memory_space<hbm>> -> memref<96x256xf32, #tpu.memory_space<hbm>>
    tpu.enqueue_dma source(%arg6 : memref<96x256xf32, #tpu.memory_space<vmem>>) target(%dma_start3A_450 : memref<96x256xf32, #tpu.memory_space<hbm>>) target_semaphore(%arg14 : memref<!tpu.dma_semaphore, #tpu.memory_space<semaphore_mem>>)
    %dma_wait3A_451 = arith.constant 0 : i32
    %dma_wait3A_452 = tpu.memref_slice %arg4[%add3A_420, %dma_wait3A_451] : memref<73728x256xf32, #tpu.memory_space<hbm>> -> memref<96x256xf32, #tpu.memory_space<hbm>>
    %dma_wait3A_453 = arith.constant 0 : i32
    %dma_wait3A_454 = tpu.memref_slice %arg4[%add3A_420, %dma_wait3A_453] : memref<73728x256xf32, #tpu.memory_space<hbm>> -> memref<96x256xf32, #tpu.memory_space<hbm>>
    tpu.wait_dma2 semaphore(%arg17 : memref<!tpu.dma_semaphore, #tpu.memory_space<semaphore_mem>>) src(%arg9 : memref<96x256xf32, #tpu.memory_space<vmem>>) dst(%dma_wait3A_454 : memref<96x256xf32, #tpu.memory_space<hbm>>)
    %dma_start3A_455 = arith.constant 19 : i32
    %dma_start3A_456 = arith.constant 0 : i32
    %dma_start3A_457 = arith.constant 0 : i32
    %dma_start3A_458 = tpu.memref_slice %arg5[%dma_start3A_455, %dma_start3A_456, %dma_start3A_457] : memref<24x1x96xi32, #tpu.memory_space<vmem>> -> memref<1x1x96xi32, #tpu.memory_space<vmem>>
    %dma_start3A_459 = tpu.memref_squeeze %dma_start3A_458 : memref<1x1x96xi32, #tpu.memory_space<vmem>> -> memref<96xi32, #tpu.memory_space<vmem>>
    %dma_start3A_460 = arith.constant 0 : i32
    %dma_start3A_461 = arith.constant 0 : i32
    %dma_start3A_462 = tpu.memref_slice %arg2[%dma_start3A_460, %dma_start3A_461] : memref<10000x256xf32, #tpu.memory_space<hbm>> -> memref<10000x256xf32, #tpu.memory_space<hbm>>
    tpu.enqueue_indirect_dma source(%dma_start3A_462 : memref<10000x256xf32, #tpu.memory_space<hbm>>) target(%arg9 : memref<96x256xf32, #tpu.memory_space<vmem>>) offsets(%dma_start3A_459 : memref<96xi32, #tpu.memory_space<vmem>>) semaphore(%arg13 : memref<!tpu.dma_semaphore, #tpu.memory_space<semaphore_mem>>)
    %dma_wait3A_463 = arith.constant 17 : i32
    %dma_wait3A_464 = arith.constant 0 : i32
    %dma_wait3A_465 = arith.constant 0 : i32
    %dma_wait3A_466 = tpu.memref_slice %arg5[%dma_wait3A_463, %dma_wait3A_464, %dma_wait3A_465] : memref<24x1x96xi32, #tpu.memory_space<vmem>> -> memref<1x1x96xi32, #tpu.memory_space<vmem>>
    %dma_wait3A_467 = tpu.memref_squeeze %dma_wait3A_466 : memref<1x1x96xi32, #tpu.memory_space<vmem>> -> memref<96xi32, #tpu.memory_space<vmem>>
    %dma_wait3A_468 = arith.constant 0 : i32
    %dma_wait3A_469 = arith.constant 0 : i32
    %dma_wait3A_470 = tpu.memref_slice %arg2[%dma_wait3A_468, %dma_wait3A_469] : memref<10000x256xf32, #tpu.memory_space<hbm>> -> memref<10000x256xf32, #tpu.memory_space<hbm>>
    tpu.wait_indirect_dma semaphore(%arg11 : memref<!tpu.dma_semaphore, #tpu.memory_space<semaphore_mem>>) src(%dma_wait3A_470 : memref<10000x256xf32, #tpu.memory_space<hbm>>) dst(%arg7 : memref<96x256xf32, #tpu.memory_space<vmem>>)
    %add3A_471 = arith.constant 1632 : i32
    %add3A_472 = arith.addi %mul3A_2, %add3A_471 : i32
    %dma_start3A_473 = arith.constant 0 : i32
    %dma_start3A_474 = tpu.memref_slice %arg4[%add3A_472, %dma_start3A_473] : memref<73728x256xf32, #tpu.memory_space<hbm>> -> memref<96x256xf32, #tpu.memory_space<hbm>>
    %dma_start3A_475 = arith.constant 0 : i32
    %dma_start3A_476 = tpu.memref_slice %arg4[%add3A_472, %dma_start3A_475] : memref<73728x256xf32, #tpu.memory_space<hbm>> -> memref<96x256xf32, #tpu.memory_space<hbm>>
    tpu.enqueue_dma source(%arg7 : memref<96x256xf32, #tpu.memory_space<vmem>>) target(%dma_start3A_476 : memref<96x256xf32, #tpu.memory_space<hbm>>) target_semaphore(%arg15 : memref<!tpu.dma_semaphore, #tpu.memory_space<semaphore_mem>>)
    %dma_wait3A_477 = arith.constant 0 : i32
    %dma_wait3A_478 = tpu.memref_slice %arg4[%add3A_446, %dma_wait3A_477] : memref<73728x256xf32, #tpu.memory_space<hbm>> -> memref<96x256xf32, #tpu.memory_space<hbm>>
    %dma_wait3A_479 = arith.constant 0 : i32
    %dma_wait3A_480 = tpu.memref_slice %arg4[%add3A_446, %dma_wait3A_479] : memref<73728x256xf32, #tpu.memory_space<hbm>> -> memref<96x256xf32, #tpu.memory_space<hbm>>
    tpu.wait_dma2 semaphore(%arg14 : memref<!tpu.dma_semaphore, #tpu.memory_space<semaphore_mem>>) src(%arg6 : memref<96x256xf32, #tpu.memory_space<vmem>>) dst(%dma_wait3A_480 : memref<96x256xf32, #tpu.memory_space<hbm>>)
    %dma_start3A_481 = arith.constant 20 : i32
    %dma_start3A_482 = arith.constant 0 : i32
    %dma_start3A_483 = arith.constant 0 : i32
    %dma_start3A_484 = tpu.memref_slice %arg5[%dma_start3A_481, %dma_start3A_482, %dma_start3A_483] : memref<24x1x96xi32, #tpu.memory_space<vmem>> -> memref<1x1x96xi32, #tpu.memory_space<vmem>>
    %dma_start3A_485 = tpu.memref_squeeze %dma_start3A_484 : memref<1x1x96xi32, #tpu.memory_space<vmem>> -> memref<96xi32, #tpu.memory_space<vmem>>
    %dma_start3A_486 = arith.constant 0 : i32
    %dma_start3A_487 = arith.constant 0 : i32
    %dma_start3A_488 = tpu.memref_slice %arg2[%dma_start3A_486, %dma_start3A_487] : memref<10000x256xf32, #tpu.memory_space<hbm>> -> memref<10000x256xf32, #tpu.memory_space<hbm>>
    tpu.enqueue_indirect_dma source(%dma_start3A_488 : memref<10000x256xf32, #tpu.memory_space<hbm>>) target(%arg6 : memref<96x256xf32, #tpu.memory_space<vmem>>) offsets(%dma_start3A_485 : memref<96xi32, #tpu.memory_space<vmem>>) semaphore(%arg10 : memref<!tpu.dma_semaphore, #tpu.memory_space<semaphore_mem>>)
    %dma_wait3A_489 = arith.constant 18 : i32
    %dma_wait3A_490 = arith.constant 0 : i32
    %dma_wait3A_491 = arith.constant 0 : i32
    %dma_wait3A_492 = tpu.memref_slice %arg5[%dma_wait3A_489, %dma_wait3A_490, %dma_wait3A_491] : memref<24x1x96xi32, #tpu.memory_space<vmem>> -> memref<1x1x96xi32, #tpu.memory_space<vmem>>
    %dma_wait3A_493 = tpu.memref_squeeze %dma_wait3A_492 : memref<1x1x96xi32, #tpu.memory_space<vmem>> -> memref<96xi32, #tpu.memory_space<vmem>>
    %dma_wait3A_494 = arith.constant 0 : i32
    %dma_wait3A_495 = arith.constant 0 : i32
    %dma_wait3A_496 = tpu.memref_slice %arg2[%dma_wait3A_494, %dma_wait3A_495] : memref<10000x256xf32, #tpu.memory_space<hbm>> -> memref<10000x256xf32, #tpu.memory_space<hbm>>
    tpu.wait_indirect_dma semaphore(%arg12 : memref<!tpu.dma_semaphore, #tpu.memory_space<semaphore_mem>>) src(%dma_wait3A_496 : memref<10000x256xf32, #tpu.memory_space<hbm>>) dst(%arg8 : memref<96x256xf32, #tpu.memory_space<vmem>>)
    %add3A_497 = arith.constant 1728 : i32
    %add3A_498 = arith.addi %mul3A_2, %add3A_497 : i32
    %dma_start3A_499 = arith.constant 0 : i32
    %dma_start3A_500 = tpu.memref_slice %arg4[%add3A_498, %dma_start3A_499] : memref<73728x256xf32, #tpu.memory_space<hbm>> -> memref<96x256xf32, #tpu.memory_space<hbm>>
    %dma_start3A_501 = arith.constant 0 : i32
    %dma_start3A_502 = tpu.memref_slice %arg4[%add3A_498, %dma_start3A_501] : memref<73728x256xf32, #tpu.memory_space<hbm>> -> memref<96x256xf32, #tpu.memory_space<hbm>>
    tpu.enqueue_dma source(%arg8 : memref<96x256xf32, #tpu.memory_space<vmem>>) target(%dma_start3A_502 : memref<96x256xf32, #tpu.memory_space<hbm>>) target_semaphore(%arg16 : memref<!tpu.dma_semaphore, #tpu.memory_space<semaphore_mem>>)
    %dma_wait3A_503 = arith.constant 0 : i32
    %dma_wait3A_504 = tpu.memref_slice %arg4[%add3A_472, %dma_wait3A_503] : memref<73728x256xf32, #tpu.memory_space<hbm>> -> memref<96x256xf32, #tpu.memory_space<hbm>>
    %dma_wait3A_505 = arith.constant 0 : i32
    %dma_wait3A_506 = tpu.memref_slice %arg4[%add3A_472, %dma_wait3A_505] : memref<73728x256xf32, #tpu.memory_space<hbm>> -> memref<96x256xf32, #tpu.memory_space<hbm>>
    tpu.wait_dma2 semaphore(%arg15 : memref<!tpu.dma_semaphore, #tpu.memory_space<semaphore_mem>>) src(%arg7 : memref<96x256xf32, #tpu.memory_space<vmem>>) dst(%dma_wait3A_506 : memref<96x256xf32, #tpu.memory_space<hbm>>)
    %dma_start3A_507 = arith.constant 21 : i32
    %dma_start3A_508 = arith.constant 0 : i32
    %dma_start3A_509 = arith.constant 0 : i32
    %dma_start3A_510 = tpu.memref_slice %arg5[%dma_start3A_507, %dma_start3A_508, %dma_start3A_509] : memref<24x1x96xi32, #tpu.memory_space<vmem>> -> memref<1x1x96xi32, #tpu.memory_space<vmem>>
    %dma_start3A_511 = tpu.memref_squeeze %dma_start3A_510 : memref<1x1x96xi32, #tpu.memory_space<vmem>> -> memref<96xi32, #tpu.memory_space<vmem>>
    %dma_start3A_512 = arith.constant 0 : i32
    %dma_start3A_513 = arith.constant 0 : i32
    %dma_start3A_514 = tpu.memref_slice %arg2[%dma_start3A_512, %dma_start3A_513] : memref<10000x256xf32, #tpu.memory_space<hbm>> -> memref<10000x256xf32, #tpu.memory_space<hbm>>
    tpu.enqueue_indirect_dma source(%dma_start3A_514 : memref<10000x256xf32, #tpu.memory_space<hbm>>) target(%arg7 : memref<96x256xf32, #tpu.memory_space<vmem>>) offsets(%dma_start3A_511 : memref<96xi32, #tpu.memory_space<vmem>>) semaphore(%arg11 : memref<!tpu.dma_semaphore, #tpu.memory_space<semaphore_mem>>)
    %dma_wait3A_515 = arith.constant 19 : i32
    %dma_wait3A_516 = arith.constant 0 : i32
    %dma_wait3A_517 = arith.constant 0 : i32
    %dma_wait3A_518 = tpu.memref_slice %arg5[%dma_wait3A_515, %dma_wait3A_516, %dma_wait3A_517] : memref<24x1x96xi32, #tpu.memory_space<vmem>> -> memref<1x1x96xi32, #tpu.memory_space<vmem>>
    %dma_wait3A_519 = tpu.memref_squeeze %dma_wait3A_518 : memref<1x1x96xi32, #tpu.memory_space<vmem>> -> memref<96xi32, #tpu.memory_space<vmem>>
    %dma_wait3A_520 = arith.constant 0 : i32
    %dma_wait3A_521 = arith.constant 0 : i32
    %dma_wait3A_522 = tpu.memref_slice %arg2[%dma_wait3A_520, %dma_wait3A_521] : memref<10000x256xf32, #tpu.memory_space<hbm>> -> memref<10000x256xf32, #tpu.memory_space<hbm>>
    tpu.wait_indirect_dma semaphore(%arg13 : memref<!tpu.dma_semaphore, #tpu.memory_space<semaphore_mem>>) src(%dma_wait3A_522 : memref<10000x256xf32, #tpu.memory_space<hbm>>) dst(%arg9 : memref<96x256xf32, #tpu.memory_space<vmem>>)
    %add3A_523 = arith.constant 1824 : i32
    %add3A_524 = arith.addi %mul3A_2, %add3A_523 : i32
    %dma_start3A_525 = arith.constant 0 : i32
    %dma_start3A_526 = tpu.memref_slice %arg4[%add3A_524, %dma_start3A_525] : memref<73728x256xf32, #tpu.memory_space<hbm>> -> memref<96x256xf32, #tpu.memory_space<hbm>>
    %dma_start3A_527 = arith.constant 0 : i32
    %dma_start3A_528 = tpu.memref_slice %arg4[%add3A_524, %dma_start3A_527] : memref<73728x256xf32, #tpu.memory_space<hbm>> -> memref<96x256xf32, #tpu.memory_space<hbm>>
    tpu.enqueue_dma source(%arg9 : memref<96x256xf32, #tpu.memory_space<vmem>>) target(%dma_start3A_528 : memref<96x256xf32, #tpu.memory_space<hbm>>) target_semaphore(%arg17 : memref<!tpu.dma_semaphore, #tpu.memory_space<semaphore_mem>>)
    %dma_wait3A_529 = arith.constant 0 : i32
    %dma_wait3A_530 = tpu.memref_slice %arg4[%add3A_498, %dma_wait3A_529] : memref<73728x256xf32, #tpu.memory_space<hbm>> -> memref<96x256xf32, #tpu.memory_space<hbm>>
    %dma_wait3A_531 = arith.constant 0 : i32
    %dma_wait3A_532 = tpu.memref_slice %arg4[%add3A_498, %dma_wait3A_531] : memref<73728x256xf32, #tpu.memory_space<hbm>> -> memref<96x256xf32, #tpu.memory_space<hbm>>
    tpu.wait_dma2 semaphore(%arg16 : memref<!tpu.dma_semaphore, #tpu.memory_space<semaphore_mem>>) src(%arg8 : memref<96x256xf32, #tpu.memory_space<vmem>>) dst(%dma_wait3A_532 : memref<96x256xf32, #tpu.memory_space<hbm>>)
    %dma_start3A_533 = arith.constant 22 : i32
    %dma_start3A_534 = arith.constant 0 : i32
    %dma_start3A_535 = arith.constant 0 : i32
    %dma_start3A_536 = tpu.memref_slice %arg5[%dma_start3A_533, %dma_start3A_534, %dma_start3A_535] : memref<24x1x96xi32, #tpu.memory_space<vmem>> -> memref<1x1x96xi32, #tpu.memory_space<vmem>>
    %dma_start3A_537 = tpu.memref_squeeze %dma_start3A_536 : memref<1x1x96xi32, #tpu.memory_space<vmem>> -> memref<96xi32, #tpu.memory_space<vmem>>
    %dma_start3A_538 = arith.constant 0 : i32
    %dma_start3A_539 = arith.constant 0 : i32
    %dma_start3A_540 = tpu.memref_slice %arg2[%dma_start3A_538, %dma_start3A_539] : memref<10000x256xf32, #tpu.memory_space<hbm>> -> memref<10000x256xf32, #tpu.memory_space<hbm>>
    tpu.enqueue_indirect_dma source(%dma_start3A_540 : memref<10000x256xf32, #tpu.memory_space<hbm>>) target(%arg8 : memref<96x256xf32, #tpu.memory_space<vmem>>) offsets(%dma_start3A_537 : memref<96xi32, #tpu.memory_space<vmem>>) semaphore(%arg12 : memref<!tpu.dma_semaphore, #tpu.memory_space<semaphore_mem>>)
    %dma_wait3A_541 = arith.constant 20 : i32
    %dma_wait3A_542 = arith.constant 0 : i32
    %dma_wait3A_543 = arith.constant 0 : i32
    %dma_wait3A_544 = tpu.memref_slice %arg5[%dma_wait3A_541, %dma_wait3A_542, %dma_wait3A_543] : memref<24x1x96xi32, #tpu.memory_space<vmem>> -> memref<1x1x96xi32, #tpu.memory_space<vmem>>
    %dma_wait3A_545 = tpu.memref_squeeze %dma_wait3A_544 : memref<1x1x96xi32, #tpu.memory_space<vmem>> -> memref<96xi32, #tpu.memory_space<vmem>>
    %dma_wait3A_546 = arith.constant 0 : i32
    %dma_wait3A_547 = arith.constant 0 : i32
    %dma_wait3A_548 = tpu.memref_slice %arg2[%dma_wait3A_546, %dma_wait3A_547] : memref<10000x256xf32, #tpu.memory_space<hbm>> -> memref<10000x256xf32, #tpu.memory_space<hbm>>
    tpu.wait_indirect_dma semaphore(%arg10 : memref<!tpu.dma_semaphore, #tpu.memory_space<semaphore_mem>>) src(%dma_wait3A_548 : memref<10000x256xf32, #tpu.memory_space<hbm>>) dst(%arg6 : memref<96x256xf32, #tpu.memory_space<vmem>>)
    %add3A_549 = arith.constant 1920 : i32
    %add3A_550 = arith.addi %mul3A_2, %add3A_549 : i32
    %dma_start3A_551 = arith.constant 0 : i32
    %dma_start3A_552 = tpu.memref_slice %arg4[%add3A_550, %dma_start3A_551] : memref<73728x256xf32, #tpu.memory_space<hbm>> -> memref<96x256xf32, #tpu.memory_space<hbm>>
    %dma_start3A_553 = arith.constant 0 : i32
    %dma_start3A_554 = tpu.memref_slice %arg4[%add3A_550, %dma_start3A_553] : memref<73728x256xf32, #tpu.memory_space<hbm>> -> memref<96x256xf32, #tpu.memory_space<hbm>>
    tpu.enqueue_dma source(%arg6 : memref<96x256xf32, #tpu.memory_space<vmem>>) target(%dma_start3A_554 : memref<96x256xf32, #tpu.memory_space<hbm>>) target_semaphore(%arg14 : memref<!tpu.dma_semaphore, #tpu.memory_space<semaphore_mem>>)
    %dma_wait3A_555 = arith.constant 0 : i32
    %dma_wait3A_556 = tpu.memref_slice %arg4[%add3A_524, %dma_wait3A_555] : memref<73728x256xf32, #tpu.memory_space<hbm>> -> memref<96x256xf32, #tpu.memory_space<hbm>>
    %dma_wait3A_557 = arith.constant 0 : i32
    %dma_wait3A_558 = tpu.memref_slice %arg4[%add3A_524, %dma_wait3A_557] : memref<73728x256xf32, #tpu.memory_space<hbm>> -> memref<96x256xf32, #tpu.memory_space<hbm>>
    tpu.wait_dma2 semaphore(%arg17 : memref<!tpu.dma_semaphore, #tpu.memory_space<semaphore_mem>>) src(%arg9 : memref<96x256xf32, #tpu.memory_space<vmem>>) dst(%dma_wait3A_558 : memref<96x256xf32, #tpu.memory_space<hbm>>)
    %dma_start3A_559 = arith.constant 23 : i32
    %dma_start3A_560 = arith.constant 0 : i32
    %dma_start3A_561 = arith.constant 0 : i32
    %dma_start3A_562 = tpu.memref_slice %arg5[%dma_start3A_559, %dma_start3A_560, %dma_start3A_561] : memref<24x1x96xi32, #tpu.memory_space<vmem>> -> memref<1x1x96xi32, #tpu.memory_space<vmem>>
    %dma_start3A_563 = tpu.memref_squeeze %dma_start3A_562 : memref<1x1x96xi32, #tpu.memory_space<vmem>> -> memref<96xi32, #tpu.memory_space<vmem>>
    %dma_start3A_564 = arith.constant 0 : i32
    %dma_start3A_565 = arith.constant 0 : i32
    %dma_start3A_566 = tpu.memref_slice %arg2[%dma_start3A_564, %dma_start3A_565] : memref<10000x256xf32, #tpu.memory_space<hbm>> -> memref<10000x256xf32, #tpu.memory_space<hbm>>
    tpu.enqueue_indirect_dma source(%dma_start3A_566 : memref<10000x256xf32, #tpu.memory_space<hbm>>) target(%arg9 : memref<96x256xf32, #tpu.memory_space<vmem>>) offsets(%dma_start3A_563 : memref<96xi32, #tpu.memory_space<vmem>>) semaphore(%arg13 : memref<!tpu.dma_semaphore, #tpu.memory_space<semaphore_mem>>)
    %dma_wait3A_567 = arith.constant 21 : i32
    %dma_wait3A_568 = arith.constant 0 : i32
    %dma_wait3A_569 = arith.constant 0 : i32
    %dma_wait3A_570 = tpu.memref_slice %arg5[%dma_wait3A_567, %dma_wait3A_568, %dma_wait3A_569] : memref<24x1x96xi32, #tpu.memory_space<vmem>> -> memref<1x1x96xi32, #tpu.memory_space<vmem>>
    %dma_wait3A_571 = tpu.memref_squeeze %dma_wait3A_570 : memref<1x1x96xi32, #tpu.memory_space<vmem>> -> memref<96xi32, #tpu.memory_space<vmem>>
    %dma_wait3A_572 = arith.constant 0 : i32
    %dma_wait3A_573 = arith.constant 0 : i32
    %dma_wait3A_574 = tpu.memref_slice %arg2[%dma_wait3A_572, %dma_wait3A_573] : memref<10000x256xf32, #tpu.memory_space<hbm>> -> memref<10000x256xf32, #tpu.memory_space<hbm>>
    tpu.wait_indirect_dma semaphore(%arg11 : memref<!tpu.dma_semaphore, #tpu.memory_space<semaphore_mem>>) src(%dma_wait3A_574 : memref<10000x256xf32, #tpu.memory_space<hbm>>) dst(%arg7 : memref<96x256xf32, #tpu.memory_space<vmem>>)
    %add3A_575 = arith.constant 2016 : i32
    %add3A_576 = arith.addi %mul3A_2, %add3A_575 : i32
    %dma_start3A_577 = arith.constant 0 : i32
    %dma_start3A_578 = tpu.memref_slice %arg4[%add3A_576, %dma_start3A_577] : memref<73728x256xf32, #tpu.memory_space<hbm>> -> memref<96x256xf32, #tpu.memory_space<hbm>>
    %dma_start3A_579 = arith.constant 0 : i32
    %dma_start3A_580 = tpu.memref_slice %arg4[%add3A_576, %dma_start3A_579] : memref<73728x256xf32, #tpu.memory_space<hbm>> -> memref<96x256xf32, #tpu.memory_space<hbm>>
    tpu.enqueue_dma source(%arg7 : memref<96x256xf32, #tpu.memory_space<vmem>>) target(%dma_start3A_580 : memref<96x256xf32, #tpu.memory_space<hbm>>) target_semaphore(%arg15 : memref<!tpu.dma_semaphore, #tpu.memory_space<semaphore_mem>>)
    %dma_wait3A_581 = arith.constant 22 : i32
    %dma_wait3A_582 = arith.constant 0 : i32
    %dma_wait3A_583 = arith.constant 0 : i32
    %dma_wait3A_584 = tpu.memref_slice %arg5[%dma_wait3A_581, %dma_wait3A_582, %dma_wait3A_583] : memref<24x1x96xi32, #tpu.memory_space<vmem>> -> memref<1x1x96xi32, #tpu.memory_space<vmem>>
    %dma_wait3A_585 = tpu.memref_squeeze %dma_wait3A_584 : memref<1x1x96xi32, #tpu.memory_space<vmem>> -> memref<96xi32, #tpu.memory_space<vmem>>
    %dma_wait3A_586 = arith.constant 0 : i32
    %dma_wait3A_587 = arith.constant 0 : i32
    %dma_wait3A_588 = tpu.memref_slice %arg2[%dma_wait3A_586, %dma_wait3A_587] : memref<10000x256xf32, #tpu.memory_space<hbm>> -> memref<10000x256xf32, #tpu.memory_space<hbm>>
    tpu.wait_indirect_dma semaphore(%arg12 : memref<!tpu.dma_semaphore, #tpu.memory_space<semaphore_mem>>) src(%dma_wait3A_588 : memref<10000x256xf32, #tpu.memory_space<hbm>>) dst(%arg8 : memref<96x256xf32, #tpu.memory_space<vmem>>)
    %add3A_589 = arith.constant 2112 : i32
    %add3A_590 = arith.addi %mul3A_2, %add3A_589 : i32
    %dma_start3A_591 = arith.constant 0 : i32
    %dma_start3A_592 = tpu.memref_slice %arg4[%add3A_590, %dma_start3A_591] : memref<73728x256xf32, #tpu.memory_space<hbm>> -> memref<96x256xf32, #tpu.memory_space<hbm>>
    %dma_start3A_593 = arith.constant 0 : i32
    %dma_start3A_594 = tpu.memref_slice %arg4[%add3A_590, %dma_start3A_593] : memref<73728x256xf32, #tpu.memory_space<hbm>> -> memref<96x256xf32, #tpu.memory_space<hbm>>
    tpu.enqueue_dma source(%arg8 : memref<96x256xf32, #tpu.memory_space<vmem>>) target(%dma_start3A_594 : memref<96x256xf32, #tpu.memory_space<hbm>>) target_semaphore(%arg16 : memref<!tpu.dma_semaphore, #tpu.memory_space<semaphore_mem>>)
    %dma_wait3A_595 = arith.constant 23 : i32
    %dma_wait3A_596 = arith.constant 0 : i32
    %dma_wait3A_597 = arith.constant 0 : i32
    %dma_wait3A_598 = tpu.memref_slice %arg5[%dma_wait3A_595, %dma_wait3A_596, %dma_wait3A_597] : memref<24x1x96xi32, #tpu.memory_space<vmem>> -> memref<1x1x96xi32, #tpu.memory_space<vmem>>
    %dma_wait3A_599 = tpu.memref_squeeze %dma_wait3A_598 : memref<1x1x96xi32, #tpu.memory_space<vmem>> -> memref<96xi32, #tpu.memory_space<vmem>>
    %dma_wait3A_600 = arith.constant 0 : i32
    %dma_wait3A_601 = arith.constant 0 : i32
    %dma_wait3A_602 = tpu.memref_slice %arg2[%dma_wait3A_600, %dma_wait3A_601] : memref<10000x256xf32, #tpu.memory_space<hbm>> -> memref<10000x256xf32, #tpu.memory_space<hbm>>
    tpu.wait_indirect_dma semaphore(%arg13 : memref<!tpu.dma_semaphore, #tpu.memory_space<semaphore_mem>>) src(%dma_wait3A_602 : memref<10000x256xf32, #tpu.memory_space<hbm>>) dst(%arg9 : memref<96x256xf32, #tpu.memory_space<vmem>>)
    %add3A_603 = arith.constant 2208 : i32
    %add3A_604 = arith.addi %mul3A_2, %add3A_603 : i32
    %dma_start3A_605 = arith.constant 0 : i32
    %dma_start3A_606 = tpu.memref_slice %arg4[%add3A_604, %dma_start3A_605] : memref<73728x256xf32, #tpu.memory_space<hbm>> -> memref<96x256xf32, #tpu.memory_space<hbm>>
    %dma_start3A_607 = arith.constant 0 : i32
    %dma_start3A_608 = tpu.memref_slice %arg4[%add3A_604, %dma_start3A_607] : memref<73728x256xf32, #tpu.memory_space<hbm>> -> memref<96x256xf32, #tpu.memory_space<hbm>>
    tpu.enqueue_dma source(%arg9 : memref<96x256xf32, #tpu.memory_space<vmem>>) target(%dma_start3A_608 : memref<96x256xf32, #tpu.memory_space<hbm>>) target_semaphore(%arg17 : memref<!tpu.dma_semaphore, #tpu.memory_space<semaphore_mem>>)
    %dma_wait3A_609 = arith.constant 0 : i32
    %dma_wait3A_610 = tpu.memref_slice %arg4[%add3A_550, %dma_wait3A_609] : memref<73728x256xf32, #tpu.memory_space<hbm>> -> memref<96x256xf32, #tpu.memory_space<hbm>>
    %dma_wait3A_611 = arith.constant 0 : i32
    %dma_wait3A_612 = tpu.memref_slice %arg4[%add3A_550, %dma_wait3A_611] : memref<73728x256xf32, #tpu.memory_space<hbm>> -> memref<96x256xf32, #tpu.memory_space<hbm>>
    tpu.wait_dma2 semaphore(%arg14 : memref<!tpu.dma_semaphore, #tpu.memory_space<semaphore_mem>>) src(%arg6 : memref<96x256xf32, #tpu.memory_space<vmem>>) dst(%dma_wait3A_612 : memref<96x256xf32, #tpu.memory_space<hbm>>)
    %dma_wait3A_613 = arith.constant 0 : i32
    %dma_wait3A_614 = tpu.memref_slice %arg4[%add3A_576, %dma_wait3A_613] : memref<73728x256xf32, #tpu.memory_space<hbm>> -> memref<96x256xf32, #tpu.memory_space<hbm>>
    %dma_wait3A_615 = arith.constant 0 : i32
    %dma_wait3A_616 = tpu.memref_slice %arg4[%add3A_576, %dma_wait3A_615] : memref<73728x256xf32, #tpu.memory_space<hbm>> -> memref<96x256xf32, #tpu.memory_space<hbm>>
    tpu.wait_dma2 semaphore(%arg15 : memref<!tpu.dma_semaphore, #tpu.memory_space<semaphore_mem>>) src(%arg7 : memref<96x256xf32, #tpu.memory_space<vmem>>) dst(%dma_wait3A_616 : memref<96x256xf32, #tpu.memory_space<hbm>>)
    %dma_wait3A_617 = arith.constant 0 : i32
    %dma_wait3A_618 = tpu.memref_slice %arg4[%add3A_590, %dma_wait3A_617] : memref<73728x256xf32, #tpu.memory_space<hbm>> -> memref<96x256xf32, #tpu.memory_space<hbm>>
    %dma_wait3A_619 = arith.constant 0 : i32
    %dma_wait3A_620 = tpu.memref_slice %arg4[%add3A_590, %dma_wait3A_619] : memref<73728x256xf32, #tpu.memory_space<hbm>> -> memref<96x256xf32, #tpu.memory_space<hbm>>
    tpu.wait_dma2 semaphore(%arg16 : memref<!tpu.dma_semaphore, #tpu.memory_space<semaphore_mem>>) src(%arg8 : memref<96x256xf32, #tpu.memory_space<vmem>>) dst(%dma_wait3A_620 : memref<96x256xf32, #tpu.memory_space<hbm>>)
    %dma_wait3A_621 = arith.constant 0 : i32
    %dma_wait3A_622 = tpu.memref_slice %arg4[%add3A_604, %dma_wait3A_621] : memref<73728x256xf32, #tpu.memory_space<hbm>> -> memref<96x256xf32, #tpu.memory_space<hbm>>
    %dma_wait3A_623 = arith.constant 0 : i32
    %dma_wait3A_624 = tpu.memref_slice %arg4[%add3A_604, %dma_wait3A_623] : memref<73728x256xf32, #tpu.memory_space<hbm>> -> memref<96x256xf32, #tpu.memory_space<hbm>>
    tpu.wait_dma2 semaphore(%arg17 : memref<!tpu.dma_semaphore, #tpu.memory_space<semaphore_mem>>) src(%arg9 : memref<96x256xf32, #tpu.memory_space<vmem>>) dst(%dma_wait3A_624 : memref<96x256xf32, #tpu.memory_space<hbm>>)
    return
  }
}

module attributes {stable_mosaic.version = 14 : i64} {
  func.func @_knn_body(%arg0: i32, %arg1: memref<200x4xf32, #tpu.memory_space<vmem>>, %arg2: memref<4x10000xf32, #tpu.memory_space<vmem>>, %arg3: memref<200x1xi32, #tpu.memory_space<vmem>>, %arg4: memref<1x10000xi32, #tpu.memory_space<vmem>>, %arg5: memref<200x8xi32, #tpu.memory_space<vmem>>) attributes {dimension_semantics = [#tpu.dimension_semantics<arbitrary>], iteration_bounds = array<i64: 50>, scalar_prefetch = 0 : i64, scratch_operands = 0 : i64, tpu.core_type = #tpu.core_type<tc>, window_params = [{transform_indices = @transform_0, window_bounds = array<i64: 200, 4>}, {pipeline_mode = #tpu.pipeline_mode<synchronous>, transform_indices = @transform_1, window_bounds = array<i64: 4, 10000>}, {transform_indices = @transform_2, window_bounds = array<i64: 200, 1>}, {pipeline_mode = #tpu.pipeline_mode<synchronous>, transform_indices = @transform_3, window_bounds = array<i64: 1, 10000>}, {transform_indices = @transform_4, window_bounds = array<i64: 200, 8>}]} {
    %get3A = arith.constant 0 : index
    %get3A_0 = arith.constant 0 : index
    %get3A_1 = vector.load %arg1[%get3A, %get3A_0] : memref<200x4xf32, #tpu.memory_space<vmem>>, vector<200x4xf32>
    %get3A_2 = arith.constant 0 : index
    %get3A_3 = arith.constant 0 : index
    %get3A_4 = vector.load %arg2[%get3A_2, %get3A_3] : memref<4x10000xf32, #tpu.memory_space<vmem>>, vector<4x10000xf32>
    %dot_general3A = arith.constant dense<0.000000e+00> : vector<200x10000xf32>
    %dot_general3A_5 = tpu.matmul %get3A_1, %get3A_4, %dot_general3A {dimension_numbers = #tpu.dot_dimension_numbers<[1], [0], [0], [1], [0, 0, 1, 1], [], []>, transpose_lhs_hint = false} : vector<200x4xf32>, vector<4x10000xf32>, vector<200x10000xf32> -> vector<200x10000xf32>
    %mul3A = arith.constant -2.000000e+00 : f32
    %mul3A_6 = vector.broadcast %mul3A : f32 to vector<200x10000xf32>
    %mul3A_7 = arith.mulf %dot_general3A_5, %mul3A_6 : vector<200x10000xf32>
    %mul3A_8 = arith.mulf %get3A_1, %get3A_1 : vector<200x4xf32>
    %reduce_sum3A = arith.constant dense<0.000000e+00> : vector<200xf32>
    %reduce_sum3A_9 = vector.multi_reduction <add>, %mul3A_8, %reduce_sum3A [1] : vector<200x4xf32> to vector<200xf32>
    %broadcast_in_dim3A = vector.shape_cast %reduce_sum3A_9 : vector<200xf32> to vector<200x1xf32>
    %add3A = vector.broadcast %broadcast_in_dim3A : vector<200x1xf32> to vector<200x10000xf32>
    %add3A_10 = arith.addf %mul3A_7, %add3A : vector<200x10000xf32>
    %mul3A_11 = arith.mulf %get3A_4, %get3A_4 : vector<4x10000xf32>
    %reduce_sum3A_12 = arith.constant dense<0.000000e+00> : vector<10000xf32>
    %reduce_sum3A_13 = vector.multi_reduction <add>, %mul3A_11, %reduce_sum3A_12 [0] : vector<4x10000xf32> to vector<10000xf32>
    %broadcast_in_dim3A_14 = vector.shape_cast %reduce_sum3A_13 : vector<10000xf32> to vector<1x10000xf32>
    %add3A_15 = vector.broadcast %broadcast_in_dim3A_14 : vector<1x10000xf32> to vector<200x10000xf32>
    %add3A_16 = arith.addf %add3A_10, %add3A_15 : vector<200x10000xf32>
    %mul3A_17 = arith.constant 200 : i32
    %mul3A_18 = arith.muli %arg0, %mul3A_17 : i32
    %iota3A = tpu.iota {dimensions = array<i32: 0>} : vector<200x1xi32>
    %add3A_19 = vector.broadcast %mul3A_18 : i32 to vector<200x1xi32>
    %add3A_20 = arith.addi %add3A_19, %iota3A : vector<200x1xi32>
    %iota3A_21 = tpu.iota {dimensions = array<i32: 1>} : vector<200x10000xi32>
    %get3A_22 = arith.constant 0 : index
    %get3A_23 = arith.constant 0 : index
    %get3A_24 = vector.load %arg3[%get3A_22, %get3A_23] : memref<200x1xi32, #tpu.memory_space<vmem>>, vector<200x1xi32>
    %get3A_25 = arith.constant 0 : index
    %get3A_26 = arith.constant 0 : index
    %get3A_27 = vector.load %arg4[%get3A_25, %get3A_26] : memref<1x10000xi32, #tpu.memory_space<vmem>>, vector<1x10000xi32>
    %eq3A = vector.broadcast %get3A_24 : vector<200x1xi32> to vector<200x10000xi32>
    %eq3A_28 = vector.broadcast %get3A_27 : vector<1x10000xi32> to vector<200x10000xi32>
    %eq3A_29 = arith.cmpi eq, %eq3A, %eq3A_28 : vector<200x10000xi32>
    %ne3A = vector.broadcast %add3A_20 : vector<200x1xi32> to vector<200x10000xi32>
    %ne3A_30 = arith.cmpi ne, %ne3A, %iota3A_21 : vector<200x10000xi32>
    %and3A = arith.andi %eq3A_29, %ne3A_30 : vector<200x10000xi1>
    %jit3A = arith.constant 0x7F800000 : f32
    %broadcast_in_dim3A_31 = vector.broadcast %jit3A : f32 to vector<200x10000xf32>
    %select_n3A = arith.select %and3A, %add3A_16, %broadcast_in_dim3A_31 : vector<200x10000xi1>, vector<200x10000xf32>
    %reduce_min3A = arith.constant dense<0x7F800000> : vector<200xf32>
    %reduce_min3A_32 = vector.multi_reduction <minimumf>, %select_n3A, %reduce_min3A [1] : vector<200x10000xf32> to vector<200xf32>
    %broadcast_in_dim3A_33 = vector.shape_cast %reduce_min3A_32 : vector<200xf32> to vector<200x1xf32>
    %eq3A_34 = vector.broadcast %broadcast_in_dim3A_33 : vector<200x1xf32> to vector<200x10000xf32>
    %eq3A_35 = arith.cmpf oeq, %select_n3A, %eq3A_34 : vector<200x10000xf32>
    %jit3A_36 = arith.constant 2147483647 : i32
    %broadcast_in_dim3A_37 = vector.broadcast %jit3A_36 : i32 to vector<200x10000xi32>
    %select_n3A_38 = arith.select %eq3A_35, %iota3A_21, %broadcast_in_dim3A_37 : vector<200x10000xi1>, vector<200x10000xi32>
    %reduce_min3A_39 = arith.constant dense<2147483647> : vector<200xi32>
    %reduce_min3A_40 = vector.multi_reduction <minsi>, %select_n3A_38, %reduce_min3A_39 [1] : vector<200x10000xi32> to vector<200xi32>
    %broadcast_in_dim3A_41 = vector.shape_cast %reduce_min3A_40 : vector<200xi32> to vector<200x1xi32>
    %eq3A_42 = vector.broadcast %broadcast_in_dim3A_41 : vector<200x1xi32> to vector<200x10000xi32>
    %eq3A_43 = arith.cmpi eq, %iota3A_21, %eq3A_42 : vector<200x10000xi32>
    %jit3A_44 = arith.constant 0x7F800000 : f32
    %broadcast_in_dim3A_45 = vector.broadcast %jit3A_44 : f32 to vector<200x10000xf32>
    %select_n3A_46 = arith.select %eq3A_43, %broadcast_in_dim3A_45, %select_n3A : vector<200x10000xi1>, vector<200x10000xf32>
    %reduce_min3A_47 = arith.constant dense<0x7F800000> : vector<200xf32>
    %reduce_min3A_48 = vector.multi_reduction <minimumf>, %select_n3A_46, %reduce_min3A_47 [1] : vector<200x10000xf32> to vector<200xf32>
    %broadcast_in_dim3A_49 = vector.shape_cast %reduce_min3A_48 : vector<200xf32> to vector<200x1xf32>
    %eq3A_50 = vector.broadcast %broadcast_in_dim3A_49 : vector<200x1xf32> to vector<200x10000xf32>
    %eq3A_51 = arith.cmpf oeq, %select_n3A_46, %eq3A_50 : vector<200x10000xf32>
    %jit3A_52 = arith.constant 2147483647 : i32
    %broadcast_in_dim3A_53 = vector.broadcast %jit3A_52 : i32 to vector<200x10000xi32>
    %select_n3A_54 = arith.select %eq3A_51, %iota3A_21, %broadcast_in_dim3A_53 : vector<200x10000xi1>, vector<200x10000xi32>
    %reduce_min3A_55 = arith.constant dense<2147483647> : vector<200xi32>
    %reduce_min3A_56 = vector.multi_reduction <minsi>, %select_n3A_54, %reduce_min3A_55 [1] : vector<200x10000xi32> to vector<200xi32>
    %broadcast_in_dim3A_57 = vector.shape_cast %reduce_min3A_56 : vector<200xi32> to vector<200x1xi32>
    %eq3A_58 = vector.broadcast %broadcast_in_dim3A_57 : vector<200x1xi32> to vector<200x10000xi32>
    %eq3A_59 = arith.cmpi eq, %iota3A_21, %eq3A_58 : vector<200x10000xi32>
    %jit3A_60 = arith.constant 0x7F800000 : f32
    %broadcast_in_dim3A_61 = vector.broadcast %jit3A_60 : f32 to vector<200x10000xf32>
    %select_n3A_62 = arith.select %eq3A_59, %broadcast_in_dim3A_61, %select_n3A_46 : vector<200x10000xi1>, vector<200x10000xf32>
    %reduce_min3A_63 = arith.constant dense<0x7F800000> : vector<200xf32>
    %reduce_min3A_64 = vector.multi_reduction <minimumf>, %select_n3A_62, %reduce_min3A_63 [1] : vector<200x10000xf32> to vector<200xf32>
    %broadcast_in_dim3A_65 = vector.shape_cast %reduce_min3A_64 : vector<200xf32> to vector<200x1xf32>
    %eq3A_66 = vector.broadcast %broadcast_in_dim3A_65 : vector<200x1xf32> to vector<200x10000xf32>
    %eq3A_67 = arith.cmpf oeq, %select_n3A_62, %eq3A_66 : vector<200x10000xf32>
    %jit3A_68 = arith.constant 2147483647 : i32
    %broadcast_in_dim3A_69 = vector.broadcast %jit3A_68 : i32 to vector<200x10000xi32>
    %select_n3A_70 = arith.select %eq3A_67, %iota3A_21, %broadcast_in_dim3A_69 : vector<200x10000xi1>, vector<200x10000xi32>
    %reduce_min3A_71 = arith.constant dense<2147483647> : vector<200xi32>
    %reduce_min3A_72 = vector.multi_reduction <minsi>, %select_n3A_70, %reduce_min3A_71 [1] : vector<200x10000xi32> to vector<200xi32>
    %broadcast_in_dim3A_73 = vector.shape_cast %reduce_min3A_72 : vector<200xi32> to vector<200x1xi32>
    %eq3A_74 = vector.broadcast %broadcast_in_dim3A_73 : vector<200x1xi32> to vector<200x10000xi32>
    %eq3A_75 = arith.cmpi eq, %iota3A_21, %eq3A_74 : vector<200x10000xi32>
    %jit3A_76 = arith.constant 0x7F800000 : f32
    %broadcast_in_dim3A_77 = vector.broadcast %jit3A_76 : f32 to vector<200x10000xf32>
    %select_n3A_78 = arith.select %eq3A_75, %broadcast_in_dim3A_77, %select_n3A_62 : vector<200x10000xi1>, vector<200x10000xf32>
    %reduce_min3A_79 = arith.constant dense<0x7F800000> : vector<200xf32>
    %reduce_min3A_80 = vector.multi_reduction <minimumf>, %select_n3A_78, %reduce_min3A_79 [1] : vector<200x10000xf32> to vector<200xf32>
    %broadcast_in_dim3A_81 = vector.shape_cast %reduce_min3A_80 : vector<200xf32> to vector<200x1xf32>
    %eq3A_82 = vector.broadcast %broadcast_in_dim3A_81 : vector<200x1xf32> to vector<200x10000xf32>
    %eq3A_83 = arith.cmpf oeq, %select_n3A_78, %eq3A_82 : vector<200x10000xf32>
    %jit3A_84 = arith.constant 2147483647 : i32
    %broadcast_in_dim3A_85 = vector.broadcast %jit3A_84 : i32 to vector<200x10000xi32>
    %select_n3A_86 = arith.select %eq3A_83, %iota3A_21, %broadcast_in_dim3A_85 : vector<200x10000xi1>, vector<200x10000xi32>
    %reduce_min3A_87 = arith.constant dense<2147483647> : vector<200xi32>
    %reduce_min3A_88 = vector.multi_reduction <minsi>, %select_n3A_86, %reduce_min3A_87 [1] : vector<200x10000xi32> to vector<200xi32>
    %broadcast_in_dim3A_89 = vector.shape_cast %reduce_min3A_88 : vector<200xi32> to vector<200x1xi32>
    %eq3A_90 = vector.broadcast %broadcast_in_dim3A_89 : vector<200x1xi32> to vector<200x10000xi32>
    %eq3A_91 = arith.cmpi eq, %iota3A_21, %eq3A_90 : vector<200x10000xi32>
    %jit3A_92 = arith.constant 0x7F800000 : f32
    %broadcast_in_dim3A_93 = vector.broadcast %jit3A_92 : f32 to vector<200x10000xf32>
    %select_n3A_94 = arith.select %eq3A_91, %broadcast_in_dim3A_93, %select_n3A_78 : vector<200x10000xi1>, vector<200x10000xf32>
    %reduce_min3A_95 = arith.constant dense<0x7F800000> : vector<200xf32>
    %reduce_min3A_96 = vector.multi_reduction <minimumf>, %select_n3A_94, %reduce_min3A_95 [1] : vector<200x10000xf32> to vector<200xf32>
    %broadcast_in_dim3A_97 = vector.shape_cast %reduce_min3A_96 : vector<200xf32> to vector<200x1xf32>
    %eq3A_98 = vector.broadcast %broadcast_in_dim3A_97 : vector<200x1xf32> to vector<200x10000xf32>
    %eq3A_99 = arith.cmpf oeq, %select_n3A_94, %eq3A_98 : vector<200x10000xf32>
    %jit3A_100 = arith.constant 2147483647 : i32
    %broadcast_in_dim3A_101 = vector.broadcast %jit3A_100 : i32 to vector<200x10000xi32>
    %select_n3A_102 = arith.select %eq3A_99, %iota3A_21, %broadcast_in_dim3A_101 : vector<200x10000xi1>, vector<200x10000xi32>
    %reduce_min3A_103 = arith.constant dense<2147483647> : vector<200xi32>
    %reduce_min3A_104 = vector.multi_reduction <minsi>, %select_n3A_102, %reduce_min3A_103 [1] : vector<200x10000xi32> to vector<200xi32>
    %broadcast_in_dim3A_105 = vector.shape_cast %reduce_min3A_104 : vector<200xi32> to vector<200x1xi32>
    %eq3A_106 = vector.broadcast %broadcast_in_dim3A_105 : vector<200x1xi32> to vector<200x10000xi32>
    %eq3A_107 = arith.cmpi eq, %iota3A_21, %eq3A_106 : vector<200x10000xi32>
    %jit3A_108 = arith.constant 0x7F800000 : f32
    %broadcast_in_dim3A_109 = vector.broadcast %jit3A_108 : f32 to vector<200x10000xf32>
    %select_n3A_110 = arith.select %eq3A_107, %broadcast_in_dim3A_109, %select_n3A_94 : vector<200x10000xi1>, vector<200x10000xf32>
    %reduce_min3A_111 = arith.constant dense<0x7F800000> : vector<200xf32>
    %reduce_min3A_112 = vector.multi_reduction <minimumf>, %select_n3A_110, %reduce_min3A_111 [1] : vector<200x10000xf32> to vector<200xf32>
    %broadcast_in_dim3A_113 = vector.shape_cast %reduce_min3A_112 : vector<200xf32> to vector<200x1xf32>
    %eq3A_114 = vector.broadcast %broadcast_in_dim3A_113 : vector<200x1xf32> to vector<200x10000xf32>
    %eq3A_115 = arith.cmpf oeq, %select_n3A_110, %eq3A_114 : vector<200x10000xf32>
    %jit3A_116 = arith.constant 2147483647 : i32
    %broadcast_in_dim3A_117 = vector.broadcast %jit3A_116 : i32 to vector<200x10000xi32>
    %select_n3A_118 = arith.select %eq3A_115, %iota3A_21, %broadcast_in_dim3A_117 : vector<200x10000xi1>, vector<200x10000xi32>
    %reduce_min3A_119 = arith.constant dense<2147483647> : vector<200xi32>
    %reduce_min3A_120 = vector.multi_reduction <minsi>, %select_n3A_118, %reduce_min3A_119 [1] : vector<200x10000xi32> to vector<200xi32>
    %broadcast_in_dim3A_121 = vector.shape_cast %reduce_min3A_120 : vector<200xi32> to vector<200x1xi32>
    %eq3A_122 = vector.broadcast %broadcast_in_dim3A_121 : vector<200x1xi32> to vector<200x10000xi32>
    %eq3A_123 = arith.cmpi eq, %iota3A_21, %eq3A_122 : vector<200x10000xi32>
    %jit3A_124 = arith.constant 0x7F800000 : f32
    %broadcast_in_dim3A_125 = vector.broadcast %jit3A_124 : f32 to vector<200x10000xf32>
    %select_n3A_126 = arith.select %eq3A_123, %broadcast_in_dim3A_125, %select_n3A_110 : vector<200x10000xi1>, vector<200x10000xf32>
    %reduce_min3A_127 = arith.constant dense<0x7F800000> : vector<200xf32>
    %reduce_min3A_128 = vector.multi_reduction <minimumf>, %select_n3A_126, %reduce_min3A_127 [1] : vector<200x10000xf32> to vector<200xf32>
    %broadcast_in_dim3A_129 = vector.shape_cast %reduce_min3A_128 : vector<200xf32> to vector<200x1xf32>
    %eq3A_130 = vector.broadcast %broadcast_in_dim3A_129 : vector<200x1xf32> to vector<200x10000xf32>
    %eq3A_131 = arith.cmpf oeq, %select_n3A_126, %eq3A_130 : vector<200x10000xf32>
    %jit3A_132 = arith.constant 2147483647 : i32
    %broadcast_in_dim3A_133 = vector.broadcast %jit3A_132 : i32 to vector<200x10000xi32>
    %select_n3A_134 = arith.select %eq3A_131, %iota3A_21, %broadcast_in_dim3A_133 : vector<200x10000xi1>, vector<200x10000xi32>
    %reduce_min3A_135 = arith.constant dense<2147483647> : vector<200xi32>
    %reduce_min3A_136 = vector.multi_reduction <minsi>, %select_n3A_134, %reduce_min3A_135 [1] : vector<200x10000xi32> to vector<200xi32>
    %broadcast_in_dim3A_137 = vector.shape_cast %reduce_min3A_136 : vector<200xi32> to vector<200x1xi32>
    %broadcast_in_dim3A_138 = arith.constant 0 : i32
    %broadcast_in_dim3A_139 = vector.broadcast %broadcast_in_dim3A_138 : i32 to vector<200x1xi32>
    %concatenate3A = tpu.concatenate %broadcast_in_dim3A_41, %broadcast_in_dim3A_57, %broadcast_in_dim3A_73, %broadcast_in_dim3A_89, %broadcast_in_dim3A_105, %broadcast_in_dim3A_121, %broadcast_in_dim3A_137, %broadcast_in_dim3A_139 in 1 : vector<200x1xi32>, vector<200x1xi32>, vector<200x1xi32>, vector<200x1xi32>, vector<200x1xi32>, vector<200x1xi32>, vector<200x1xi32>, vector<200x1xi32> -> vector<200x8xi32>
    %swap3A = arith.constant 0 : index
    %swap3A_140 = arith.constant 0 : index
    %swap3A_141 = vector.load %arg5[%swap3A, %swap3A_140] : memref<200x8xi32, #tpu.memory_space<vmem>>, vector<200x8xi32>
    tpu.vector_store %arg5[%swap3A, %swap3A_140], %concatenate3A {strides = array<i32>} : memref<200x8xi32, #tpu.memory_space<vmem>>, vector<200x8xi32>,
    return
  }
  func.func @transform_0(%arg0: i32) -> (i32, i32) {
    %c0_i32 = arith.constant 0 : i32
    %c0_i32_0 = arith.constant 0 : i32
    return %arg0, %c0_i32 : i32, i32
  }
  func.func @transform_1(%arg0: i32) -> (i32, i32) {
    %c0_i32 = arith.constant 0 : i32
    %c0_i32_0 = arith.constant 0 : i32
    %c0_i32_1 = arith.constant 0 : i32
    return %c0_i32, %c0_i32_0 : i32, i32
  }
  func.func @transform_2(%arg0: i32) -> (i32, i32) {
    %c0_i32 = arith.constant 0 : i32
    %c0_i32_0 = arith.constant 0 : i32
    return %arg0, %c0_i32 : i32, i32
  }
  func.func @transform_3(%arg0: i32) -> (i32, i32) {
    %c0_i32 = arith.constant 0 : i32
    %c0_i32_0 = arith.constant 0 : i32
    %c0_i32_1 = arith.constant 0 : i32
    return %c0_i32, %c0_i32_0 : i32, i32
  }
  func.func @transform_4(%arg0: i32) -> (i32, i32) {
    %c0_i32 = arith.constant 0 : i32
    %c0_i32_0 = arith.constant 0 : i32
    return %arg0, %c0_i32 : i32, i32
  }
}

module attributes {stable_mosaic.version = 14 : i64} {
  func.func @_proj_body(%arg0: i32, %arg1: memref<1000x128xf32, #tpu.memory_space<vmem>>, %arg2: memref<128x256xf32, #tpu.memory_space<vmem>>, %arg3: memref<1x256xf32, #tpu.memory_space<vmem>>, %arg4: memref<1000x256xf32, #tpu.memory_space<vmem>>) attributes {dimension_semantics = [#tpu.dimension_semantics<arbitrary>], iteration_bounds = array<i64: 10>, scalar_prefetch = 0 : i64, scratch_operands = 0 : i64, tpu.core_type = #tpu.core_type<tc>, window_params = [{transform_indices = @transform_0, window_bounds = array<i64: 1000, 128>}, {pipeline_mode = #tpu.pipeline_mode<synchronous>, transform_indices = @transform_1, window_bounds = array<i64: 128, 256>}, {pipeline_mode = #tpu.pipeline_mode<synchronous>, transform_indices = @transform_2, window_bounds = array<i64: 1, 256>}, {transform_indices = @transform_3, window_bounds = array<i64: 1000, 256>}]} {
    %get3A = arith.constant 0 : index
    %get3A_0 = arith.constant 0 : index
    %get3A_1 = vector.load %arg1[%get3A, %get3A_0] : memref<1000x128xf32, #tpu.memory_space<vmem>>, vector<1000x128xf32>
    %get3A_2 = arith.constant 0 : index
    %get3A_3 = arith.constant 0 : index
    %get3A_4 = vector.load %arg2[%get3A_2, %get3A_3] : memref<128x256xf32, #tpu.memory_space<vmem>>, vector<128x256xf32>
    %dot_general3A = arith.constant dense<0.000000e+00> : vector<1000x256xf32>
    %dot_general3A_5 = tpu.matmul %get3A_1, %get3A_4, %dot_general3A {dimension_numbers = #tpu.dot_dimension_numbers<[1], [0], [0], [1], [0, 0, 1, 1], [], []>, transpose_lhs_hint = false} : vector<1000x128xf32>, vector<128x256xf32>, vector<1000x256xf32> -> vector<1000x256xf32>
    %get3A_6 = arith.constant 0 : index
    %get3A_7 = arith.constant 0 : index
    %get3A_8 = vector.load %arg3[%get3A_6, %get3A_7] : memref<1x256xf32, #tpu.memory_space<vmem>>, vector<1x256xf32>
    %add3A = vector.broadcast %get3A_8 : vector<1x256xf32> to vector<1000x256xf32>
    %add3A_9 = arith.addf %dot_general3A_5, %add3A : vector<1000x256xf32>
    %swap3A = arith.constant 0 : index
    %swap3A_10 = arith.constant 0 : index
    %swap3A_11 = vector.load %arg4[%swap3A, %swap3A_10] : memref<1000x256xf32, #tpu.memory_space<vmem>>, vector<1000x256xf32>
    tpu.vector_store %arg4[%swap3A, %swap3A_10], %add3A_9 {strides = array<i32>} : memref<1000x256xf32, #tpu.memory_space<vmem>>, vector<1000x256xf32>,
    return
  }
  func.func @transform_0(%arg0: i32) -> (i32, i32) {
    %c0_i32 = arith.constant 0 : i32
    %c0_i32_0 = arith.constant 0 : i32
    return %arg0, %c0_i32 : i32, i32
  }
  func.func @transform_1(%arg0: i32) -> (i32, i32) {
    %c0_i32 = arith.constant 0 : i32
    %c0_i32_0 = arith.constant 0 : i32
    %c0_i32_1 = arith.constant 0 : i32
    return %c0_i32, %c0_i32_0 : i32, i32
  }
  func.func @transform_2(%arg0: i32) -> (i32, i32) {
    %c0_i32 = arith.constant 0 : i32
    %c0_i32_0 = arith.constant 0 : i32
    %c0_i32_1 = arith.constant 0 : i32
    return %c0_i32, %c0_i32_0 : i32, i32
  }
  func.func @transform_3(%arg0: i32) -> (i32, i32) {
    %c0_i32 = arith.constant 0 : i32
    %c0_i32_0 = arith.constant 0 : i32
    return %arg0, %c0_i32 : i32, i32
  }
}

module attributes {stable_mosaic.version = 14 : i64} {
  func.func @_msg_body(%arg0: i32, %arg1: memref<400x256xf32, #tpu.memory_space<vmem>>, %arg2: memref<400x7x128xf32, #tpu.memory_space<vmem>>, %arg3: memref<400x64xf32, #tpu.memory_space<vmem>>, %arg4: memref<8x64xf32, #tpu.memory_space<vmem>>, %arg5: memref<8x64xf32, #tpu.memory_space<vmem>>) attributes {dimension_semantics = [#tpu.dimension_semantics<arbitrary>], iteration_bounds = array<i64: 25>, scalar_prefetch = 0 : i64, scratch_operands = 0 : i64, tpu.core_type = #tpu.core_type<tc>, window_params = [{transform_indices = @transform_0, window_bounds = array<i64: 400, 256>}, {transform_indices = @transform_1, window_bounds = array<i64: 400, 7, 128>}, {transform_indices = @transform_2, window_bounds = array<i64: 400, 64>}, {pipeline_mode = #tpu.pipeline_mode<synchronous>, transform_indices = @transform_3, window_bounds = array<i64: 8, 64>}, {pipeline_mode = #tpu.pipeline_mode<synchronous>, transform_indices = @transform_4, window_bounds = array<i64: 8, 64>}]} {
    %get3A = arith.constant 0 : index
    %get3A_0 = arith.constant 0 : index
    %get3A_1 = vector.load %arg1[%get3A, %get3A_0] : memref<400x256xf32, #tpu.memory_space<vmem>>, vector<400x64xf32>
    %get3A_2 = arith.constant 0 : index
    %get3A_3 = arith.constant 192 : index
    %get3A_4 = vector.load %arg1[%get3A_2, %get3A_3] : memref<400x256xf32, #tpu.memory_space<vmem>>, vector<400x64xf32>
    %get3A_5 = arith.constant 0 : index
    %get3A_6 = arith.constant 0 : index
    %get3A_7 = arith.constant 0 : index
    %get3A_8 = vector.load %arg2[%get3A_5, %get3A_6, %get3A_7] : memref<400x7x128xf32, #tpu.memory_space<vmem>>, vector<400x1x64xf32>
    %get3A_9 = vector.shape_cast %get3A_8 : vector<400x1x64xf32> to vector<400x64xf32>
    %get3A_10 = arith.constant 0 : index
    %get3A_11 = arith.constant 0 : index
    %get3A_12 = arith.constant 64 : index
    %get3A_13 = vector.load %arg2[%get3A_10, %get3A_11, %get3A_12] : memref<400x7x128xf32, #tpu.memory_space<vmem>>, vector<400x1x64xf32>
    %get3A_14 = vector.shape_cast %get3A_13 : vector<400x1x64xf32> to vector<400x64xf32>
    %add3A = arith.addf %get3A_1, %get3A_9 : vector<400x64xf32>
    %logistic3A = arith.negf %add3A : vector<400x64xf32>
    %logistic3A_15 = math.exp %logistic3A : vector<400x64xf32>
    %logistic3A_16 = arith.constant 1.000000e+00 : f32
    %logistic3A_17 = vector.broadcast %logistic3A_16 : f32 to vector<400x64xf32>
    %logistic3A_18 = arith.addf %logistic3A_17, %logistic3A_15 : vector<400x64xf32>
    %logistic3A_19 = arith.divf %logistic3A_17, %logistic3A_18 : vector<400x64xf32>
    %mul3A = arith.mulf %logistic3A_19, %get3A_14 : vector<400x64xf32>
    %add3A_20 = arith.addf %get3A_4, %mul3A : vector<400x64xf32>
    %get3A_21 = arith.constant 0 : index
    %get3A_22 = arith.constant 1 : index
    %get3A_23 = arith.constant 0 : index
    %get3A_24 = vector.load %arg2[%get3A_21, %get3A_22, %get3A_23] : memref<400x7x128xf32, #tpu.memory_space<vmem>>, vector<400x1x64xf32>
    %get3A_25 = vector.shape_cast %get3A_24 : vector<400x1x64xf32> to vector<400x64xf32>
    %get3A_26 = arith.constant 0 : index
    %get3A_27 = arith.constant 1 : index
    %get3A_28 = arith.constant 64 : index
    %get3A_29 = vector.load %arg2[%get3A_26, %get3A_27, %get3A_28] : memref<400x7x128xf32, #tpu.memory_space<vmem>>, vector<400x1x64xf32>
    %get3A_30 = vector.shape_cast %get3A_29 : vector<400x1x64xf32> to vector<400x64xf32>
    %add3A_31 = arith.addf %get3A_1, %get3A_25 : vector<400x64xf32>
    %logistic3A_32 = arith.negf %add3A_31 : vector<400x64xf32>
    %logistic3A_33 = math.exp %logistic3A_32 : vector<400x64xf32>
    %logistic3A_34 = arith.constant 1.000000e+00 : f32
    %logistic3A_35 = vector.broadcast %logistic3A_34 : f32 to vector<400x64xf32>
    %logistic3A_36 = arith.addf %logistic3A_35, %logistic3A_33 : vector<400x64xf32>
    %logistic3A_37 = arith.divf %logistic3A_35, %logistic3A_36 : vector<400x64xf32>
    %mul3A_38 = arith.mulf %logistic3A_37, %get3A_30 : vector<400x64xf32>
    %add3A_39 = arith.addf %add3A_20, %mul3A_38 : vector<400x64xf32>
    %get3A_40 = arith.constant 0 : index
    %get3A_41 = arith.constant 2 : index
    %get3A_42 = arith.constant 0 : index
    %get3A_43 = vector.load %arg2[%get3A_40, %get3A_41, %get3A_42] : memref<400x7x128xf32, #tpu.memory_space<vmem>>, vector<400x1x64xf32>
    %get3A_44 = vector.shape_cast %get3A_43 : vector<400x1x64xf32> to vector<400x64xf32>
    %get3A_45 = arith.constant 0 : index
    %get3A_46 = arith.constant 2 : index
    %get3A_47 = arith.constant 64 : index
    %get3A_48 = vector.load %arg2[%get3A_45, %get3A_46, %get3A_47] : memref<400x7x128xf32, #tpu.memory_space<vmem>>, vector<400x1x64xf32>
    %get3A_49 = vector.shape_cast %get3A_48 : vector<400x1x64xf32> to vector<400x64xf32>
    %add3A_50 = arith.addf %get3A_1, %get3A_44 : vector<400x64xf32>
    %logistic3A_51 = arith.negf %add3A_50 : vector<400x64xf32>
    %logistic3A_52 = math.exp %logistic3A_51 : vector<400x64xf32>
    %logistic3A_53 = arith.constant 1.000000e+00 : f32
    %logistic3A_54 = vector.broadcast %logistic3A_53 : f32 to vector<400x64xf32>
    %logistic3A_55 = arith.addf %logistic3A_54, %logistic3A_52 : vector<400x64xf32>
    %logistic3A_56 = arith.divf %logistic3A_54, %logistic3A_55 : vector<400x64xf32>
    %mul3A_57 = arith.mulf %logistic3A_56, %get3A_49 : vector<400x64xf32>
    %add3A_58 = arith.addf %add3A_39, %mul3A_57 : vector<400x64xf32>
    %get3A_59 = arith.constant 0 : index
    %get3A_60 = arith.constant 3 : index
    %get3A_61 = arith.constant 0 : index
    %get3A_62 = vector.load %arg2[%get3A_59, %get3A_60, %get3A_61] : memref<400x7x128xf32, #tpu.memory_space<vmem>>, vector<400x1x64xf32>
    %get3A_63 = vector.shape_cast %get3A_62 : vector<400x1x64xf32> to vector<400x64xf32>
    %get3A_64 = arith.constant 0 : index
    %get3A_65 = arith.constant 3 : index
    %get3A_66 = arith.constant 64 : index
    %get3A_67 = vector.load %arg2[%get3A_64, %get3A_65, %get3A_66] : memref<400x7x128xf32, #tpu.memory_space<vmem>>, vector<400x1x64xf32>
    %get3A_68 = vector.shape_cast %get3A_67 : vector<400x1x64xf32> to vector<400x64xf32>
    %add3A_69 = arith.addf %get3A_1, %get3A_63 : vector<400x64xf32>
    %logistic3A_70 = arith.negf %add3A_69 : vector<400x64xf32>
    %logistic3A_71 = math.exp %logistic3A_70 : vector<400x64xf32>
    %logistic3A_72 = arith.constant 1.000000e+00 : f32
    %logistic3A_73 = vector.broadcast %logistic3A_72 : f32 to vector<400x64xf32>
    %logistic3A_74 = arith.addf %logistic3A_73, %logistic3A_71 : vector<400x64xf32>
    %logistic3A_75 = arith.divf %logistic3A_73, %logistic3A_74 : vector<400x64xf32>
    %mul3A_76 = arith.mulf %logistic3A_75, %get3A_68 : vector<400x64xf32>
    %add3A_77 = arith.addf %add3A_58, %mul3A_76 : vector<400x64xf32>
    %get3A_78 = arith.constant 0 : index
    %get3A_79 = arith.constant 4 : index
    %get3A_80 = arith.constant 0 : index
    %get3A_81 = vector.load %arg2[%get3A_78, %get3A_79, %get3A_80] : memref<400x7x128xf32, #tpu.memory_space<vmem>>, vector<400x1x64xf32>
    %get3A_82 = vector.shape_cast %get3A_81 : vector<400x1x64xf32> to vector<400x64xf32>
    %get3A_83 = arith.constant 0 : index
    %get3A_84 = arith.constant 4 : index
    %get3A_85 = arith.constant 64 : index
    %get3A_86 = vector.load %arg2[%get3A_83, %get3A_84, %get3A_85] : memref<400x7x128xf32, #tpu.memory_space<vmem>>, vector<400x1x64xf32>
    %get3A_87 = vector.shape_cast %get3A_86 : vector<400x1x64xf32> to vector<400x64xf32>
    %add3A_88 = arith.addf %get3A_1, %get3A_82 : vector<400x64xf32>
    %logistic3A_89 = arith.negf %add3A_88 : vector<400x64xf32>
    %logistic3A_90 = math.exp %logistic3A_89 : vector<400x64xf32>
    %logistic3A_91 = arith.constant 1.000000e+00 : f32
    %logistic3A_92 = vector.broadcast %logistic3A_91 : f32 to vector<400x64xf32>
    %logistic3A_93 = arith.addf %logistic3A_92, %logistic3A_90 : vector<400x64xf32>
    %logistic3A_94 = arith.divf %logistic3A_92, %logistic3A_93 : vector<400x64xf32>
    %mul3A_95 = arith.mulf %logistic3A_94, %get3A_87 : vector<400x64xf32>
    %add3A_96 = arith.addf %add3A_77, %mul3A_95 : vector<400x64xf32>
    %get3A_97 = arith.constant 0 : index
    %get3A_98 = arith.constant 5 : index
    %get3A_99 = arith.constant 0 : index
    %get3A_100 = vector.load %arg2[%get3A_97, %get3A_98, %get3A_99] : memref<400x7x128xf32, #tpu.memory_space<vmem>>, vector<400x1x64xf32>
    %get3A_101 = vector.shape_cast %get3A_100 : vector<400x1x64xf32> to vector<400x64xf32>
    %get3A_102 = arith.constant 0 : index
    %get3A_103 = arith.constant 5 : index
    %get3A_104 = arith.constant 64 : index
    %get3A_105 = vector.load %arg2[%get3A_102, %get3A_103, %get3A_104] : memref<400x7x128xf32, #tpu.memory_space<vmem>>, vector<400x1x64xf32>
    %get3A_106 = vector.shape_cast %get3A_105 : vector<400x1x64xf32> to vector<400x64xf32>
    %add3A_107 = arith.addf %get3A_1, %get3A_101 : vector<400x64xf32>
    %logistic3A_108 = arith.negf %add3A_107 : vector<400x64xf32>
    %logistic3A_109 = math.exp %logistic3A_108 : vector<400x64xf32>
    %logistic3A_110 = arith.constant 1.000000e+00 : f32
    %logistic3A_111 = vector.broadcast %logistic3A_110 : f32 to vector<400x64xf32>
    %logistic3A_112 = arith.addf %logistic3A_111, %logistic3A_109 : vector<400x64xf32>
    %logistic3A_113 = arith.divf %logistic3A_111, %logistic3A_112 : vector<400x64xf32>
    %mul3A_114 = arith.mulf %logistic3A_113, %get3A_106 : vector<400x64xf32>
    %add3A_115 = arith.addf %add3A_96, %mul3A_114 : vector<400x64xf32>
    %get3A_116 = arith.constant 0 : index
    %get3A_117 = arith.constant 6 : index
    %get3A_118 = arith.constant 0 : index
    %get3A_119 = vector.load %arg2[%get3A_116, %get3A_117, %get3A_118] : memref<400x7x128xf32, #tpu.memory_space<vmem>>, vector<400x1x64xf32>
    %get3A_120 = vector.shape_cast %get3A_119 : vector<400x1x64xf32> to vector<400x64xf32>
    %get3A_121 = arith.constant 0 : index
    %get3A_122 = arith.constant 6 : index
    %get3A_123 = arith.constant 64 : index
    %get3A_124 = vector.load %arg2[%get3A_121, %get3A_122, %get3A_123] : memref<400x7x128xf32, #tpu.memory_space<vmem>>, vector<400x1x64xf32>
    %get3A_125 = vector.shape_cast %get3A_124 : vector<400x1x64xf32> to vector<400x64xf32>
    %add3A_126 = arith.addf %get3A_1, %get3A_120 : vector<400x64xf32>
    %logistic3A_127 = arith.negf %add3A_126 : vector<400x64xf32>
    %logistic3A_128 = math.exp %logistic3A_127 : vector<400x64xf32>
    %logistic3A_129 = arith.constant 1.000000e+00 : f32
    %logistic3A_130 = vector.broadcast %logistic3A_129 : f32 to vector<400x64xf32>
    %logistic3A_131 = arith.addf %logistic3A_130, %logistic3A_128 : vector<400x64xf32>
    %logistic3A_132 = arith.divf %logistic3A_130, %logistic3A_131 : vector<400x64xf32>
    %mul3A_133 = arith.mulf %logistic3A_132, %get3A_125 : vector<400x64xf32>
    %add3A_134 = arith.addf %add3A_115, %mul3A_133 : vector<400x64xf32>
    %swap3A = arith.constant 0 : index
    %swap3A_135 = arith.constant 0 : index
    %swap3A_136 = vector.load %arg3[%swap3A, %swap3A_135] : memref<400x64xf32, #tpu.memory_space<vmem>>, vector<400x64xf32>
    tpu.vector_store %arg3[%swap3A, %swap3A_135], %add3A_134 {strides = array<i32>} : memref<400x64xf32, #tpu.memory_space<vmem>>, vector<400x64xf32>,
    %eq3A = arith.constant 0 : i32
    %eq3A_137 = arith.cmpi eq, %arg0, %eq3A : i32
    %convert_element_type3A = arith.extui %eq3A_137 : i1 to i32
    %cond3A = arith.constant 0 : i32
    %cond3A_138 = arith.cmpi ne, %convert_element_type3A, %cond3A : i32
    scf.if %cond3A_138 {
      %broadcast_in_dim3A_158 = arith.constant 0.000000e+00 : f32
      %broadcast_in_dim3A_159 = vector.broadcast %broadcast_in_dim3A_158 : f32 to vector<8x64xf32>
      %swap3A_160 = arith.constant 0 : index
      %swap3A_161 = arith.constant 0 : index
      %swap3A_162 = vector.load %arg4[%swap3A_160, %swap3A_161] : memref<8x64xf32, #tpu.memory_space<vmem>>, vector<8x64xf32>
      tpu.vector_store %arg4[%swap3A_160, %swap3A_161], %broadcast_in_dim3A_159 {strides = array<i32>} : memref<8x64xf32, #tpu.memory_space<vmem>>, vector<8x64xf32>,
      %broadcast_in_dim3A_163 = arith.constant 0.000000e+00 : f32
      %broadcast_in_dim3A_164 = vector.broadcast %broadcast_in_dim3A_163 : f32 to vector<8x64xf32>
      %swap3A_165 = arith.constant 0 : index
      %swap3A_166 = arith.constant 0 : index
      %swap3A_167 = vector.load %arg5[%swap3A_165, %swap3A_166] : memref<8x64xf32, #tpu.memory_space<vmem>>, vector<8x64xf32>
      tpu.vector_store %arg5[%swap3A_165, %swap3A_166], %broadcast_in_dim3A_164 {strides = array<i32>} : memref<8x64xf32, #tpu.memory_space<vmem>>, vector<8x64xf32>,
    } else {
    }
    %get3A_139 = arith.constant 0 : index
    %get3A_140 = arith.constant 0 : index
    %get3A_141 = vector.load %arg4[%get3A_139, %get3A_140] : memref<8x64xf32, #tpu.memory_space<vmem>>, vector<1x64xf32>
    %reduce_sum3A = arith.constant dense<0.000000e+00> : vector<64xf32>
    %reduce_sum3A_142 = vector.multi_reduction <add>, %add3A_134, %reduce_sum3A [0] : vector<400x64xf32> to vector<64xf32>
    %broadcast_in_dim3A = vector.shape_cast %reduce_sum3A_142 : vector<64xf32> to vector<1x64xf32>
    %add3A_143 = arith.addf %get3A_141, %broadcast_in_dim3A : vector<1x64xf32>
    %swap3A_144 = arith.constant 0 : index
    %swap3A_145 = arith.constant 0 : index
    %swap3A_146 = vector.load %arg4[%swap3A_144, %swap3A_145] : memref<8x64xf32, #tpu.memory_space<vmem>>, vector<1x64xf32>
    tpu.vector_store %arg4[%swap3A_144, %swap3A_145], %add3A_143 {strides = array<i32>} : memref<8x64xf32, #tpu.memory_space<vmem>>, vector<1x64xf32>,
    %get3A_147 = arith.constant 0 : index
    %get3A_148 = arith.constant 0 : index
    %get3A_149 = vector.load %arg5[%get3A_147, %get3A_148] : memref<8x64xf32, #tpu.memory_space<vmem>>, vector<1x64xf32>
    %mul3A_150 = arith.mulf %add3A_134, %add3A_134 : vector<400x64xf32>
    %reduce_sum3A_151 = arith.constant dense<0.000000e+00> : vector<64xf32>
    %reduce_sum3A_152 = vector.multi_reduction <add>, %mul3A_150, %reduce_sum3A_151 [0] : vector<400x64xf32> to vector<64xf32>
    %broadcast_in_dim3A_153 = vector.shape_cast %reduce_sum3A_152 : vector<64xf32> to vector<1x64xf32>
    %add3A_154 = arith.addf %get3A_149, %broadcast_in_dim3A_153 : vector<1x64xf32>
    %swap3A_155 = arith.constant 0 : index
    %swap3A_156 = arith.constant 0 : index
    %swap3A_157 = vector.load %arg5[%swap3A_155, %swap3A_156] : memref<8x64xf32, #tpu.memory_space<vmem>>, vector<1x64xf32>
    tpu.vector_store %arg5[%swap3A_155, %swap3A_156], %add3A_154 {strides = array<i32>} : memref<8x64xf32, #tpu.memory_space<vmem>>, vector<1x64xf32>,
    return
  }
  func.func @transform_0(%arg0: i32) -> (i32, i32) {
    %c0_i32 = arith.constant 0 : i32
    %c0_i32_0 = arith.constant 0 : i32
    return %arg0, %c0_i32 : i32, i32
  }
  func.func @transform_1(%arg0: i32) -> (i32, i32, i32) {
    %c0_i32 = arith.constant 0 : i32
    %c0_i32_0 = arith.constant 0 : i32
    %c0_i32_1 = arith.constant 0 : i32
    return %arg0, %c0_i32, %c0_i32_0 : i32, i32, i32
  }
  func.func @transform_2(%arg0: i32) -> (i32, i32) {
    %c0_i32 = arith.constant 0 : i32
    %c0_i32_0 = arith.constant 0 : i32
    return %arg0, %c0_i32 : i32, i32
  }
  func.func @transform_3(%arg0: i32) -> (i32, i32) {
    %c0_i32 = arith.constant 0 : i32
    %c0_i32_0 = arith.constant 0 : i32
    %c0_i32_1 = arith.constant 0 : i32
    return %c0_i32, %c0_i32_0 : i32, i32
  }
  func.func @transform_4(%arg0: i32) -> (i32, i32) {
    %c0_i32 = arith.constant 0 : i32
    %c0_i32_0 = arith.constant 0 : i32
    %c0_i32_1 = arith.constant 0 : i32
    return %c0_i32, %c0_i32_0 : i32, i32
  }
}

module attributes {stable_mosaic.version = 14 : i64} {
  func.func @_bnrelu_proj_body(%arg0: i32, %arg1: memref<1000x64xf32, #tpu.memory_space<vmem>>, %arg2: memref<1x64xf32, #tpu.memory_space<vmem>>, %arg3: memref<1x64xf32, #tpu.memory_space<vmem>>, %arg4: memref<64x512xf32, #tpu.memory_space<vmem>>, %arg5: memref<1x512xf32, #tpu.memory_space<vmem>>, %arg6: memref<1000x512xf32, #tpu.memory_space<vmem>>) attributes {dimension_semantics = [#tpu.dimension_semantics<arbitrary>], iteration_bounds = array<i64: 10>, scalar_prefetch = 0 : i64, scratch_operands = 0 : i64, tpu.core_type = #tpu.core_type<tc>, window_params = [{transform_indices = @transform_0, window_bounds = array<i64: 1000, 64>}, {pipeline_mode = #tpu.pipeline_mode<synchronous>, transform_indices = @transform_1, window_bounds = array<i64: 1, 64>}, {pipeline_mode = #tpu.pipeline_mode<synchronous>, transform_indices = @transform_2, window_bounds = array<i64: 1, 64>}, {pipeline_mode = #tpu.pipeline_mode<synchronous>, transform_indices = @transform_3, window_bounds = array<i64: 64, 512>}, {pipeline_mode = #tpu.pipeline_mode<synchronous>, transform_indices = @transform_4, window_bounds = array<i64: 1, 512>}, {transform_indices = @transform_5, window_bounds = array<i64: 1000, 512>}]} {
    %get3A = arith.constant 0 : index
    %get3A_0 = arith.constant 0 : index
    %get3A_1 = vector.load %arg1[%get3A, %get3A_0] : memref<1000x64xf32, #tpu.memory_space<vmem>>, vector<1000x64xf32>
    %get3A_2 = arith.constant 0 : index
    %get3A_3 = arith.constant 0 : index
    %get3A_4 = vector.load %arg2[%get3A_2, %get3A_3] : memref<1x64xf32, #tpu.memory_space<vmem>>, vector<1x64xf32>
    %mul3A = vector.broadcast %get3A_4 : vector<1x64xf32> to vector<1000x64xf32>
    %mul3A_5 = arith.mulf %get3A_1, %mul3A : vector<1000x64xf32>
    %get3A_6 = arith.constant 0 : index
    %get3A_7 = arith.constant 0 : index
    %get3A_8 = vector.load %arg3[%get3A_6, %get3A_7] : memref<1x64xf32, #tpu.memory_space<vmem>>, vector<1x64xf32>
    %add3A = vector.broadcast %get3A_8 : vector<1x64xf32> to vector<1000x64xf32>
    %add3A_9 = arith.addf %mul3A_5, %add3A : vector<1000x64xf32>
    %max3A = arith.constant 0.000000e+00 : f32
    %max3A_10 = vector.broadcast %max3A : f32 to vector<1000x64xf32>
    %max3A_11 = arith.maximumf %add3A_9, %max3A_10 : vector<1000x64xf32>
    %get3A_12 = arith.constant 0 : index
    %get3A_13 = arith.constant 0 : index
    %get3A_14 = vector.load %arg4[%get3A_12, %get3A_13] : memref<64x512xf32, #tpu.memory_space<vmem>>, vector<64x512xf32>
    %dot_general3A = arith.constant dense<0.000000e+00> : vector<1000x512xf32>
    %dot_general3A_15 = tpu.matmul %max3A_11, %get3A_14, %dot_general3A {dimension_numbers = #tpu.dot_dimension_numbers<[1], [0], [0], [1], [0, 0, 1, 1], [], []>, transpose_lhs_hint = false} : vector<1000x64xf32>, vector<64x512xf32>, vector<1000x512xf32> -> vector<1000x512xf32>
    %get3A_16 = arith.constant 0 : index
    %get3A_17 = arith.constant 0 : index
    %get3A_18 = vector.load %arg5[%get3A_16, %get3A_17] : memref<1x512xf32, #tpu.memory_space<vmem>>, vector<1x512xf32>
    %add3A_19 = vector.broadcast %get3A_18 : vector<1x512xf32> to vector<1000x512xf32>
    %add3A_20 = arith.addf %dot_general3A_15, %add3A_19 : vector<1000x512xf32>
    %swap3A = arith.constant 0 : index
    %swap3A_21 = arith.constant 0 : index
    %swap3A_22 = vector.load %arg6[%swap3A, %swap3A_21] : memref<1000x512xf32, #tpu.memory_space<vmem>>, vector<1000x512xf32>
    tpu.vector_store %arg6[%swap3A, %swap3A_21], %add3A_20 {strides = array<i32>} : memref<1000x512xf32, #tpu.memory_space<vmem>>, vector<1000x512xf32>,
    return
  }
  func.func @transform_0(%arg0: i32) -> (i32, i32) {
    %c0_i32 = arith.constant 0 : i32
    %c0_i32_0 = arith.constant 0 : i32
    return %arg0, %c0_i32 : i32, i32
  }
  func.func @transform_1(%arg0: i32) -> (i32, i32) {
    %c0_i32 = arith.constant 0 : i32
    %c0_i32_0 = arith.constant 0 : i32
    %c0_i32_1 = arith.constant 0 : i32
    return %c0_i32, %c0_i32_0 : i32, i32
  }
  func.func @transform_2(%arg0: i32) -> (i32, i32) {
    %c0_i32 = arith.constant 0 : i32
    %c0_i32_0 = arith.constant 0 : i32
    %c0_i32_1 = arith.constant 0 : i32
    return %c0_i32, %c0_i32_0 : i32, i32
  }
  func.func @transform_3(%arg0: i32) -> (i32, i32) {
    %c0_i32 = arith.constant 0 : i32
    %c0_i32_0 = arith.constant 0 : i32
    %c0_i32_1 = arith.constant 0 : i32
    return %c0_i32, %c0_i32_0 : i32, i32
  }
  func.func @transform_4(%arg0: i32) -> (i32, i32) {
    %c0_i32 = arith.constant 0 : i32
    %c0_i32_0 = arith.constant 0 : i32
    %c0_i32_1 = arith.constant 0 : i32
    return %c0_i32, %c0_i32_0 : i32, i32
  }
  func.func @transform_5(%arg0: i32) -> (i32, i32) {
    %c0_i32 = arith.constant 0 : i32
    %c0_i32_0 = arith.constant 0 : i32
    return %arg0, %c0_i32 : i32, i32
  }
}

module attributes {stable_mosaic.version = 14 : i64} {
  func.func @_msg_body(%arg0: i32, %arg1: memref<400x512xf32, #tpu.memory_space<vmem>>, %arg2: memref<400x7x256xf32, #tpu.memory_space<vmem>>, %arg3: memref<400x128xf32, #tpu.memory_space<vmem>>, %arg4: memref<8x128xf32, #tpu.memory_space<vmem>>, %arg5: memref<8x128xf32, #tpu.memory_space<vmem>>) attributes {dimension_semantics = [#tpu.dimension_semantics<arbitrary>], iteration_bounds = array<i64: 25>, scalar_prefetch = 0 : i64, scratch_operands = 0 : i64, tpu.core_type = #tpu.core_type<tc>, window_params = [{transform_indices = @transform_0, window_bounds = array<i64: 400, 512>}, {transform_indices = @transform_1, window_bounds = array<i64: 400, 7, 256>}, {transform_indices = @transform_2, window_bounds = array<i64: 400, 128>}, {pipeline_mode = #tpu.pipeline_mode<synchronous>, transform_indices = @transform_3, window_bounds = array<i64: 8, 128>}, {pipeline_mode = #tpu.pipeline_mode<synchronous>, transform_indices = @transform_4, window_bounds = array<i64: 8, 128>}]} {
    %get3A = arith.constant 0 : index
    %get3A_0 = arith.constant 0 : index
    %get3A_1 = vector.load %arg1[%get3A, %get3A_0] : memref<400x512xf32, #tpu.memory_space<vmem>>, vector<400x128xf32>
    %get3A_2 = arith.constant 0 : index
    %get3A_3 = arith.constant 384 : index
    %get3A_4 = vector.load %arg1[%get3A_2, %get3A_3] : memref<400x512xf32, #tpu.memory_space<vmem>>, vector<400x128xf32>
    %get3A_5 = arith.constant 0 : index
    %get3A_6 = arith.constant 0 : index
    %get3A_7 = arith.constant 0 : index
    %get3A_8 = vector.load %arg2[%get3A_5, %get3A_6, %get3A_7] : memref<400x7x256xf32, #tpu.memory_space<vmem>>, vector<400x1x128xf32>
    %get3A_9 = vector.shape_cast %get3A_8 : vector<400x1x128xf32> to vector<400x128xf32>
    %get3A_10 = arith.constant 0 : index
    %get3A_11 = arith.constant 0 : index
    %get3A_12 = arith.constant 128 : index
    %get3A_13 = vector.load %arg2[%get3A_10, %get3A_11, %get3A_12] : memref<400x7x256xf32, #tpu.memory_space<vmem>>, vector<400x1x128xf32>
    %get3A_14 = vector.shape_cast %get3A_13 : vector<400x1x128xf32> to vector<400x128xf32>
    %add3A = arith.addf %get3A_1, %get3A_9 : vector<400x128xf32>
    %logistic3A = arith.negf %add3A : vector<400x128xf32>
    %logistic3A_15 = math.exp %logistic3A : vector<400x128xf32>
    %logistic3A_16 = arith.constant 1.000000e+00 : f32
    %logistic3A_17 = vector.broadcast %logistic3A_16 : f32 to vector<400x128xf32>
    %logistic3A_18 = arith.addf %logistic3A_17, %logistic3A_15 : vector<400x128xf32>
    %logistic3A_19 = arith.divf %logistic3A_17, %logistic3A_18 : vector<400x128xf32>
    %mul3A = arith.mulf %logistic3A_19, %get3A_14 : vector<400x128xf32>
    %add3A_20 = arith.addf %get3A_4, %mul3A : vector<400x128xf32>
    %get3A_21 = arith.constant 0 : index
    %get3A_22 = arith.constant 1 : index
    %get3A_23 = arith.constant 0 : index
    %get3A_24 = vector.load %arg2[%get3A_21, %get3A_22, %get3A_23] : memref<400x7x256xf32, #tpu.memory_space<vmem>>, vector<400x1x128xf32>
    %get3A_25 = vector.shape_cast %get3A_24 : vector<400x1x128xf32> to vector<400x128xf32>
    %get3A_26 = arith.constant 0 : index
    %get3A_27 = arith.constant 1 : index
    %get3A_28 = arith.constant 128 : index
    %get3A_29 = vector.load %arg2[%get3A_26, %get3A_27, %get3A_28] : memref<400x7x256xf32, #tpu.memory_space<vmem>>, vector<400x1x128xf32>
    %get3A_30 = vector.shape_cast %get3A_29 : vector<400x1x128xf32> to vector<400x128xf32>
    %add3A_31 = arith.addf %get3A_1, %get3A_25 : vector<400x128xf32>
    %logistic3A_32 = arith.negf %add3A_31 : vector<400x128xf32>
    %logistic3A_33 = math.exp %logistic3A_32 : vector<400x128xf32>
    %logistic3A_34 = arith.constant 1.000000e+00 : f32
    %logistic3A_35 = vector.broadcast %logistic3A_34 : f32 to vector<400x128xf32>
    %logistic3A_36 = arith.addf %logistic3A_35, %logistic3A_33 : vector<400x128xf32>
    %logistic3A_37 = arith.divf %logistic3A_35, %logistic3A_36 : vector<400x128xf32>
    %mul3A_38 = arith.mulf %logistic3A_37, %get3A_30 : vector<400x128xf32>
    %add3A_39 = arith.addf %add3A_20, %mul3A_38 : vector<400x128xf32>
    %get3A_40 = arith.constant 0 : index
    %get3A_41 = arith.constant 2 : index
    %get3A_42 = arith.constant 0 : index
    %get3A_43 = vector.load %arg2[%get3A_40, %get3A_41, %get3A_42] : memref<400x7x256xf32, #tpu.memory_space<vmem>>, vector<400x1x128xf32>
    %get3A_44 = vector.shape_cast %get3A_43 : vector<400x1x128xf32> to vector<400x128xf32>
    %get3A_45 = arith.constant 0 : index
    %get3A_46 = arith.constant 2 : index
    %get3A_47 = arith.constant 128 : index
    %get3A_48 = vector.load %arg2[%get3A_45, %get3A_46, %get3A_47] : memref<400x7x256xf32, #tpu.memory_space<vmem>>, vector<400x1x128xf32>
    %get3A_49 = vector.shape_cast %get3A_48 : vector<400x1x128xf32> to vector<400x128xf32>
    %add3A_50 = arith.addf %get3A_1, %get3A_44 : vector<400x128xf32>
    %logistic3A_51 = arith.negf %add3A_50 : vector<400x128xf32>
    %logistic3A_52 = math.exp %logistic3A_51 : vector<400x128xf32>
    %logistic3A_53 = arith.constant 1.000000e+00 : f32
    %logistic3A_54 = vector.broadcast %logistic3A_53 : f32 to vector<400x128xf32>
    %logistic3A_55 = arith.addf %logistic3A_54, %logistic3A_52 : vector<400x128xf32>
    %logistic3A_56 = arith.divf %logistic3A_54, %logistic3A_55 : vector<400x128xf32>
    %mul3A_57 = arith.mulf %logistic3A_56, %get3A_49 : vector<400x128xf32>
    %add3A_58 = arith.addf %add3A_39, %mul3A_57 : vector<400x128xf32>
    %get3A_59 = arith.constant 0 : index
    %get3A_60 = arith.constant 3 : index
    %get3A_61 = arith.constant 0 : index
    %get3A_62 = vector.load %arg2[%get3A_59, %get3A_60, %get3A_61] : memref<400x7x256xf32, #tpu.memory_space<vmem>>, vector<400x1x128xf32>
    %get3A_63 = vector.shape_cast %get3A_62 : vector<400x1x128xf32> to vector<400x128xf32>
    %get3A_64 = arith.constant 0 : index
    %get3A_65 = arith.constant 3 : index
    %get3A_66 = arith.constant 128 : index
    %get3A_67 = vector.load %arg2[%get3A_64, %get3A_65, %get3A_66] : memref<400x7x256xf32, #tpu.memory_space<vmem>>, vector<400x1x128xf32>
    %get3A_68 = vector.shape_cast %get3A_67 : vector<400x1x128xf32> to vector<400x128xf32>
    %add3A_69 = arith.addf %get3A_1, %get3A_63 : vector<400x128xf32>
    %logistic3A_70 = arith.negf %add3A_69 : vector<400x128xf32>
    %logistic3A_71 = math.exp %logistic3A_70 : vector<400x128xf32>
    %logistic3A_72 = arith.constant 1.000000e+00 : f32
    %logistic3A_73 = vector.broadcast %logistic3A_72 : f32 to vector<400x128xf32>
    %logistic3A_74 = arith.addf %logistic3A_73, %logistic3A_71 : vector<400x128xf32>
    %logistic3A_75 = arith.divf %logistic3A_73, %logistic3A_74 : vector<400x128xf32>
    %mul3A_76 = arith.mulf %logistic3A_75, %get3A_68 : vector<400x128xf32>
    %add3A_77 = arith.addf %add3A_58, %mul3A_76 : vector<400x128xf32>
    %get3A_78 = arith.constant 0 : index
    %get3A_79 = arith.constant 4 : index
    %get3A_80 = arith.constant 0 : index
    %get3A_81 = vector.load %arg2[%get3A_78, %get3A_79, %get3A_80] : memref<400x7x256xf32, #tpu.memory_space<vmem>>, vector<400x1x128xf32>
    %get3A_82 = vector.shape_cast %get3A_81 : vector<400x1x128xf32> to vector<400x128xf32>
    %get3A_83 = arith.constant 0 : index
    %get3A_84 = arith.constant 4 : index
    %get3A_85 = arith.constant 128 : index
    %get3A_86 = vector.load %arg2[%get3A_83, %get3A_84, %get3A_85] : memref<400x7x256xf32, #tpu.memory_space<vmem>>, vector<400x1x128xf32>
    %get3A_87 = vector.shape_cast %get3A_86 : vector<400x1x128xf32> to vector<400x128xf32>
    %add3A_88 = arith.addf %get3A_1, %get3A_82 : vector<400x128xf32>
    %logistic3A_89 = arith.negf %add3A_88 : vector<400x128xf32>
    %logistic3A_90 = math.exp %logistic3A_89 : vector<400x128xf32>
    %logistic3A_91 = arith.constant 1.000000e+00 : f32
    %logistic3A_92 = vector.broadcast %logistic3A_91 : f32 to vector<400x128xf32>
    %logistic3A_93 = arith.addf %logistic3A_92, %logistic3A_90 : vector<400x128xf32>
    %logistic3A_94 = arith.divf %logistic3A_92, %logistic3A_93 : vector<400x128xf32>
    %mul3A_95 = arith.mulf %logistic3A_94, %get3A_87 : vector<400x128xf32>
    %add3A_96 = arith.addf %add3A_77, %mul3A_95 : vector<400x128xf32>
    %get3A_97 = arith.constant 0 : index
    %get3A_98 = arith.constant 5 : index
    %get3A_99 = arith.constant 0 : index
    %get3A_100 = vector.load %arg2[%get3A_97, %get3A_98, %get3A_99] : memref<400x7x256xf32, #tpu.memory_space<vmem>>, vector<400x1x128xf32>
    %get3A_101 = vector.shape_cast %get3A_100 : vector<400x1x128xf32> to vector<400x128xf32>
    %get3A_102 = arith.constant 0 : index
    %get3A_103 = arith.constant 5 : index
    %get3A_104 = arith.constant 128 : index
    %get3A_105 = vector.load %arg2[%get3A_102, %get3A_103, %get3A_104] : memref<400x7x256xf32, #tpu.memory_space<vmem>>, vector<400x1x128xf32>
    %get3A_106 = vector.shape_cast %get3A_105 : vector<400x1x128xf32> to vector<400x128xf32>
    %add3A_107 = arith.addf %get3A_1, %get3A_101 : vector<400x128xf32>
    %logistic3A_108 = arith.negf %add3A_107 : vector<400x128xf32>
    %logistic3A_109 = math.exp %logistic3A_108 : vector<400x128xf32>
    %logistic3A_110 = arith.constant 1.000000e+00 : f32
    %logistic3A_111 = vector.broadcast %logistic3A_110 : f32 to vector<400x128xf32>
    %logistic3A_112 = arith.addf %logistic3A_111, %logistic3A_109 : vector<400x128xf32>
    %logistic3A_113 = arith.divf %logistic3A_111, %logistic3A_112 : vector<400x128xf32>
    %mul3A_114 = arith.mulf %logistic3A_113, %get3A_106 : vector<400x128xf32>
    %add3A_115 = arith.addf %add3A_96, %mul3A_114 : vector<400x128xf32>
    %get3A_116 = arith.constant 0 : index
    %get3A_117 = arith.constant 6 : index
    %get3A_118 = arith.constant 0 : index
    %get3A_119 = vector.load %arg2[%get3A_116, %get3A_117, %get3A_118] : memref<400x7x256xf32, #tpu.memory_space<vmem>>, vector<400x1x128xf32>
    %get3A_120 = vector.shape_cast %get3A_119 : vector<400x1x128xf32> to vector<400x128xf32>
    %get3A_121 = arith.constant 0 : index
    %get3A_122 = arith.constant 6 : index
    %get3A_123 = arith.constant 128 : index
    %get3A_124 = vector.load %arg2[%get3A_121, %get3A_122, %get3A_123] : memref<400x7x256xf32, #tpu.memory_space<vmem>>, vector<400x1x128xf32>
    %get3A_125 = vector.shape_cast %get3A_124 : vector<400x1x128xf32> to vector<400x128xf32>
    %add3A_126 = arith.addf %get3A_1, %get3A_120 : vector<400x128xf32>
    %logistic3A_127 = arith.negf %add3A_126 : vector<400x128xf32>
    %logistic3A_128 = math.exp %logistic3A_127 : vector<400x128xf32>
    %logistic3A_129 = arith.constant 1.000000e+00 : f32
    %logistic3A_130 = vector.broadcast %logistic3A_129 : f32 to vector<400x128xf32>
    %logistic3A_131 = arith.addf %logistic3A_130, %logistic3A_128 : vector<400x128xf32>
    %logistic3A_132 = arith.divf %logistic3A_130, %logistic3A_131 : vector<400x128xf32>
    %mul3A_133 = arith.mulf %logistic3A_132, %get3A_125 : vector<400x128xf32>
    %add3A_134 = arith.addf %add3A_115, %mul3A_133 : vector<400x128xf32>
    %swap3A = arith.constant 0 : index
    %swap3A_135 = arith.constant 0 : index
    %swap3A_136 = vector.load %arg3[%swap3A, %swap3A_135] : memref<400x128xf32, #tpu.memory_space<vmem>>, vector<400x128xf32>
    tpu.vector_store %arg3[%swap3A, %swap3A_135], %add3A_134 {strides = array<i32>} : memref<400x128xf32, #tpu.memory_space<vmem>>, vector<400x128xf32>,
    %eq3A = arith.constant 0 : i32
    %eq3A_137 = arith.cmpi eq, %arg0, %eq3A : i32
    %convert_element_type3A = arith.extui %eq3A_137 : i1 to i32
    %cond3A = arith.constant 0 : i32
    %cond3A_138 = arith.cmpi ne, %convert_element_type3A, %cond3A : i32
    scf.if %cond3A_138 {
      %broadcast_in_dim3A_158 = arith.constant 0.000000e+00 : f32
      %broadcast_in_dim3A_159 = vector.broadcast %broadcast_in_dim3A_158 : f32 to vector<8x128xf32>
      %swap3A_160 = arith.constant 0 : index
      %swap3A_161 = arith.constant 0 : index
      %swap3A_162 = vector.load %arg4[%swap3A_160, %swap3A_161] : memref<8x128xf32, #tpu.memory_space<vmem>>, vector<8x128xf32>
      tpu.vector_store %arg4[%swap3A_160, %swap3A_161], %broadcast_in_dim3A_159 {strides = array<i32>} : memref<8x128xf32, #tpu.memory_space<vmem>>, vector<8x128xf32>,
      %broadcast_in_dim3A_163 = arith.constant 0.000000e+00 : f32
      %broadcast_in_dim3A_164 = vector.broadcast %broadcast_in_dim3A_163 : f32 to vector<8x128xf32>
      %swap3A_165 = arith.constant 0 : index
      %swap3A_166 = arith.constant 0 : index
      %swap3A_167 = vector.load %arg5[%swap3A_165, %swap3A_166] : memref<8x128xf32, #tpu.memory_space<vmem>>, vector<8x128xf32>
      tpu.vector_store %arg5[%swap3A_165, %swap3A_166], %broadcast_in_dim3A_164 {strides = array<i32>} : memref<8x128xf32, #tpu.memory_space<vmem>>, vector<8x128xf32>,
    } else {
    }
    %get3A_139 = arith.constant 0 : index
    %get3A_140 = arith.constant 0 : index
    %get3A_141 = vector.load %arg4[%get3A_139, %get3A_140] : memref<8x128xf32, #tpu.memory_space<vmem>>, vector<1x128xf32>
    %reduce_sum3A = arith.constant dense<0.000000e+00> : vector<128xf32>
    %reduce_sum3A_142 = vector.multi_reduction <add>, %add3A_134, %reduce_sum3A [0] : vector<400x128xf32> to vector<128xf32>
    %broadcast_in_dim3A = vector.shape_cast %reduce_sum3A_142 : vector<128xf32> to vector<1x128xf32>
    %add3A_143 = arith.addf %get3A_141, %broadcast_in_dim3A : vector<1x128xf32>
    %swap3A_144 = arith.constant 0 : index
    %swap3A_145 = arith.constant 0 : index
    %swap3A_146 = vector.load %arg4[%swap3A_144, %swap3A_145] : memref<8x128xf32, #tpu.memory_space<vmem>>, vector<1x128xf32>
    tpu.vector_store %arg4[%swap3A_144, %swap3A_145], %add3A_143 {strides = array<i32>} : memref<8x128xf32, #tpu.memory_space<vmem>>, vector<1x128xf32>,
    %get3A_147 = arith.constant 0 : index
    %get3A_148 = arith.constant 0 : index
    %get3A_149 = vector.load %arg5[%get3A_147, %get3A_148] : memref<8x128xf32, #tpu.memory_space<vmem>>, vector<1x128xf32>
    %mul3A_150 = arith.mulf %add3A_134, %add3A_134 : vector<400x128xf32>
    %reduce_sum3A_151 = arith.constant dense<0.000000e+00> : vector<128xf32>
    %reduce_sum3A_152 = vector.multi_reduction <add>, %mul3A_150, %reduce_sum3A_151 [0] : vector<400x128xf32> to vector<128xf32>
    %broadcast_in_dim3A_153 = vector.shape_cast %reduce_sum3A_152 : vector<128xf32> to vector<1x128xf32>
    %add3A_154 = arith.addf %get3A_149, %broadcast_in_dim3A_153 : vector<1x128xf32>
    %swap3A_155 = arith.constant 0 : index
    %swap3A_156 = arith.constant 0 : index
    %swap3A_157 = vector.load %arg5[%swap3A_155, %swap3A_156] : memref<8x128xf32, #tpu.memory_space<vmem>>, vector<1x128xf32>
    tpu.vector_store %arg5[%swap3A_155, %swap3A_156], %add3A_154 {strides = array<i32>} : memref<8x128xf32, #tpu.memory_space<vmem>>, vector<1x128xf32>,
    return
  }
  func.func @transform_0(%arg0: i32) -> (i32, i32) {
    %c0_i32 = arith.constant 0 : i32
    %c0_i32_0 = arith.constant 0 : i32
    return %arg0, %c0_i32 : i32, i32
  }
  func.func @transform_1(%arg0: i32) -> (i32, i32, i32) {
    %c0_i32 = arith.constant 0 : i32
    %c0_i32_0 = arith.constant 0 : i32
    %c0_i32_1 = arith.constant 0 : i32
    return %arg0, %c0_i32, %c0_i32_0 : i32, i32, i32
  }
  func.func @transform_2(%arg0: i32) -> (i32, i32) {
    %c0_i32 = arith.constant 0 : i32
    %c0_i32_0 = arith.constant 0 : i32
    return %arg0, %c0_i32 : i32, i32
  }
  func.func @transform_3(%arg0: i32) -> (i32, i32) {
    %c0_i32 = arith.constant 0 : i32
    %c0_i32_0 = arith.constant 0 : i32
    %c0_i32_1 = arith.constant 0 : i32
    return %c0_i32, %c0_i32_0 : i32, i32
  }
  func.func @transform_4(%arg0: i32) -> (i32, i32) {
    %c0_i32 = arith.constant 0 : i32
    %c0_i32_0 = arith.constant 0 : i32
    %c0_i32_1 = arith.constant 0 : i32
    return %c0_i32, %c0_i32_0 : i32, i32
  }
}

module attributes {stable_mosaic.version = 14 : i64} {
  func.func @_pool_body(%arg0: i32, %arg1: memref<400x128xf32, #tpu.memory_space<vmem>>, %arg2: memref<1x128xf32, #tpu.memory_space<vmem>>, %arg3: memref<1x128xf32, #tpu.memory_space<vmem>>, %arg4: memref<400x1xi32, #tpu.memory_space<vmem>>, %arg5: memref<8x128xf32, #tpu.memory_space<vmem>>, %arg6: memref<8x128xf32, #tpu.memory_space<vmem>>) attributes {dimension_semantics = [#tpu.dimension_semantics<arbitrary>], iteration_bounds = array<i64: 25>, scalar_prefetch = 0 : i64, scratch_operands = 0 : i64, tpu.core_type = #tpu.core_type<tc>, window_params = [{transform_indices = @transform_0, window_bounds = array<i64: 400, 128>}, {pipeline_mode = #tpu.pipeline_mode<synchronous>, transform_indices = @transform_1, window_bounds = array<i64: 1, 128>}, {pipeline_mode = #tpu.pipeline_mode<synchronous>, transform_indices = @transform_2, window_bounds = array<i64: 1, 128>}, {transform_indices = @transform_3, window_bounds = array<i64: 400, 1>}, {pipeline_mode = #tpu.pipeline_mode<synchronous>, transform_indices = @transform_4, window_bounds = array<i64: 8, 128>}, {pipeline_mode = #tpu.pipeline_mode<synchronous>, transform_indices = @transform_5, window_bounds = array<i64: 8, 128>}]} {
    %get3A = arith.constant 0 : index
    %get3A_0 = arith.constant 0 : index
    %get3A_1 = vector.load %arg1[%get3A, %get3A_0] : memref<400x128xf32, #tpu.memory_space<vmem>>, vector<400x128xf32>
    %get3A_2 = arith.constant 0 : index
    %get3A_3 = arith.constant 0 : index
    %get3A_4 = vector.load %arg2[%get3A_2, %get3A_3] : memref<1x128xf32, #tpu.memory_space<vmem>>, vector<1x128xf32>
    %mul3A = vector.broadcast %get3A_4 : vector<1x128xf32> to vector<400x128xf32>
    %mul3A_5 = arith.mulf %get3A_1, %mul3A : vector<400x128xf32>
    %get3A_6 = arith.constant 0 : index
    %get3A_7 = arith.constant 0 : index
    %get3A_8 = vector.load %arg3[%get3A_6, %get3A_7] : memref<1x128xf32, #tpu.memory_space<vmem>>, vector<1x128xf32>
    %add3A = vector.broadcast %get3A_8 : vector<1x128xf32> to vector<400x128xf32>
    %add3A_9 = arith.addf %mul3A_5, %add3A : vector<400x128xf32>
    %max3A = arith.constant 0.000000e+00 : f32
    %max3A_10 = vector.broadcast %max3A : f32 to vector<400x128xf32>
    %max3A_11 = arith.maximumf %add3A_9, %max3A_10 : vector<400x128xf32>
    %get3A_12 = arith.constant 0 : index
    %get3A_13 = arith.constant 0 : index
    %get3A_14 = vector.load %arg4[%get3A_12, %get3A_13] : memref<400x1xi32, #tpu.memory_space<vmem>>, vector<400x1xi32>
    %eq3A = arith.constant 0 : i32
    %eq3A_15 = arith.cmpi eq, %arg0, %eq3A : i32
    %convert_element_type3A = arith.extui %eq3A_15 : i1 to i32
    %cond3A = arith.constant 0 : i32
    %cond3A_16 = arith.cmpi ne, %convert_element_type3A, %cond3A : i32
    scf.if %cond3A_16 {
      %broadcast_in_dim3A_308 = arith.constant 0.000000e+00 : f32
      %broadcast_in_dim3A_309 = vector.broadcast %broadcast_in_dim3A_308 : f32 to vector<8x128xf32>
      %swap3A_310 = arith.constant 0 : index
      %swap3A_311 = arith.constant 0 : index
      %swap3A_312 = vector.load %arg5[%swap3A_310, %swap3A_311] : memref<8x128xf32, #tpu.memory_space<vmem>>, vector<8x128xf32>
      tpu.vector_store %arg5[%swap3A_310, %swap3A_311], %broadcast_in_dim3A_309 {strides = array<i32>} : memref<8x128xf32, #tpu.memory_space<vmem>>, vector<8x128xf32>,
      %broadcast_in_dim3A_313 = arith.constant 0.000000e+00 : f32
      %broadcast_in_dim3A_314 = vector.broadcast %broadcast_in_dim3A_313 : f32 to vector<8x128xf32>
      %swap3A_315 = arith.constant 0 : index
      %swap3A_316 = arith.constant 0 : index
      %swap3A_317 = vector.load %arg6[%swap3A_315, %swap3A_316] : memref<8x128xf32, #tpu.memory_space<vmem>>, vector<8x128xf32>
      tpu.vector_store %arg6[%swap3A_315, %swap3A_316], %broadcast_in_dim3A_314 {strides = array<i32>} : memref<8x128xf32, #tpu.memory_space<vmem>>, vector<8x128xf32>,
    } else {
    }
    %eq3A_17 = arith.constant 0 : i32
    %eq3A_18 = vector.broadcast %eq3A_17 : i32 to vector<400x1xi32>
    %eq3A_19 = arith.cmpi eq, %get3A_14, %eq3A_18 : vector<400x1xi32>
    %get3A_20 = arith.constant 0 : index
    %get3A_21 = arith.constant 0 : index
    %get3A_22 = vector.load %arg5[%get3A_20, %get3A_21] : memref<8x128xf32, #tpu.memory_space<vmem>>, vector<1x128xf32>
    %jit3A = arith.constant 0.000000e+00 : f32
    %broadcast_in_dim3A = vector.shape_cast %eq3A_19 : vector<400x1xi1> to vector<400x1xi1>
    %broadcast_in_dim3A_23 = vector.broadcast %broadcast_in_dim3A : vector<400x1xi1> to vector<400x128xi1>
    %broadcast_in_dim3A_24 = vector.broadcast %jit3A : f32 to vector<400x128xf32>
    %select_n3A = arith.select %broadcast_in_dim3A_23, %max3A_11, %broadcast_in_dim3A_24 : vector<400x128xi1>, vector<400x128xf32>
    %reduce_sum3A = arith.constant dense<0.000000e+00> : vector<128xf32>
    %reduce_sum3A_25 = vector.multi_reduction <add>, %select_n3A, %reduce_sum3A [0] : vector<400x128xf32> to vector<128xf32>
    %broadcast_in_dim3A_26 = vector.shape_cast %reduce_sum3A_25 : vector<128xf32> to vector<1x128xf32>
    %add3A_27 = arith.addf %get3A_22, %broadcast_in_dim3A_26 : vector<1x128xf32>
    %swap3A = arith.constant 0 : index
    %swap3A_28 = arith.constant 0 : index
    %swap3A_29 = vector.load %arg5[%swap3A, %swap3A_28] : memref<8x128xf32, #tpu.memory_space<vmem>>, vector<1x128xf32>
    tpu.vector_store %arg5[%swap3A, %swap3A_28], %add3A_27 {strides = array<i32>} : memref<8x128xf32, #tpu.memory_space<vmem>>, vector<1x128xf32>,
    %get3A_30 = arith.constant 0 : index
    %get3A_31 = arith.constant 0 : index
    %get3A_32 = vector.load %arg6[%get3A_30, %get3A_31] : memref<8x128xf32, #tpu.memory_space<vmem>>, vector<1x128xf32>
    %jit3A_33 = arith.constant 1.000000e+00 : f32
    %jit3A_34 = arith.constant 0.000000e+00 : f32
    %broadcast_in_dim3A_35 = vector.broadcast %jit3A_33 : f32 to vector<400x1xf32>
    %broadcast_in_dim3A_36 = vector.broadcast %jit3A_34 : f32 to vector<400x1xf32>
    %select_n3A_37 = arith.select %eq3A_19, %broadcast_in_dim3A_35, %broadcast_in_dim3A_36 : vector<400x1xi1>, vector<400x1xf32>
    %reduce_sum3A_38 = arith.constant dense<0.000000e+00> : vector<1xf32>
    %reduce_sum3A_39 = vector.multi_reduction <add>, %select_n3A_37, %reduce_sum3A_38 [0] : vector<400x1xf32> to vector<1xf32>
    %broadcast_in_dim3A_40 = vector.shape_cast %reduce_sum3A_39 : vector<1xf32> to vector<1x1xf32>
    %broadcast_in_dim3A_41 = arith.constant 1.000000e+00 : f32
    %broadcast_in_dim3A_42 = vector.broadcast %broadcast_in_dim3A_41 : f32 to vector<1x128xf32>
    %mul3A_43 = vector.broadcast %broadcast_in_dim3A_40 : vector<1x1xf32> to vector<1x128xf32>
    %mul3A_44 = arith.mulf %mul3A_43, %broadcast_in_dim3A_42 : vector<1x128xf32>
    %add3A_45 = arith.addf %get3A_32, %mul3A_44 : vector<1x128xf32>
    %swap3A_46 = arith.constant 0 : index
    %swap3A_47 = arith.constant 0 : index
    %swap3A_48 = vector.load %arg6[%swap3A_46, %swap3A_47] : memref<8x128xf32, #tpu.memory_space<vmem>>, vector<1x128xf32>
    tpu.vector_store %arg6[%swap3A_46, %swap3A_47], %add3A_45 {strides = array<i32>} : memref<8x128xf32, #tpu.memory_space<vmem>>, vector<1x128xf32>,
    %eq3A_49 = arith.constant 1 : i32
    %eq3A_50 = vector.broadcast %eq3A_49 : i32 to vector<400x1xi32>
    %eq3A_51 = arith.cmpi eq, %get3A_14, %eq3A_50 : vector<400x1xi32>
    %get3A_52 = arith.constant 1 : index
    %get3A_53 = arith.constant 0 : index
    %get3A_54 = vector.load %arg5[%get3A_52, %get3A_53] : memref<8x128xf32, #tpu.memory_space<vmem>>, vector<1x128xf32>
    %jit3A_55 = arith.constant 0.000000e+00 : f32
    %broadcast_in_dim3A_56 = vector.shape_cast %eq3A_51 : vector<400x1xi1> to vector<400x1xi1>
    %broadcast_in_dim3A_57 = vector.broadcast %broadcast_in_dim3A_56 : vector<400x1xi1> to vector<400x128xi1>
    %broadcast_in_dim3A_58 = vector.broadcast %jit3A_55 : f32 to vector<400x128xf32>
    %select_n3A_59 = arith.select %broadcast_in_dim3A_57, %max3A_11, %broadcast_in_dim3A_58 : vector<400x128xi1>, vector<400x128xf32>
    %reduce_sum3A_60 = arith.constant dense<0.000000e+00> : vector<128xf32>
    %reduce_sum3A_61 = vector.multi_reduction <add>, %select_n3A_59, %reduce_sum3A_60 [0] : vector<400x128xf32> to vector<128xf32>
    %broadcast_in_dim3A_62 = vector.shape_cast %reduce_sum3A_61 : vector<128xf32> to vector<1x128xf32>
    %add3A_63 = arith.addf %get3A_54, %broadcast_in_dim3A_62 : vector<1x128xf32>
    %swap3A_64 = arith.constant 1 : index
    %swap3A_65 = arith.constant 0 : index
    %swap3A_66 = vector.load %arg5[%swap3A_64, %swap3A_65] : memref<8x128xf32, #tpu.memory_space<vmem>>, vector<1x128xf32>
    tpu.vector_store %arg5[%swap3A_64, %swap3A_65], %add3A_63 {strides = array<i32>} : memref<8x128xf32, #tpu.memory_space<vmem>>, vector<1x128xf32>,
    %get3A_67 = arith.constant 1 : index
    %get3A_68 = arith.constant 0 : index
    %get3A_69 = vector.load %arg6[%get3A_67, %get3A_68] : memref<8x128xf32, #tpu.memory_space<vmem>>, vector<1x128xf32>
    %jit3A_70 = arith.constant 1.000000e+00 : f32
    %jit3A_71 = arith.constant 0.000000e+00 : f32
    %broadcast_in_dim3A_72 = vector.broadcast %jit3A_70 : f32 to vector<400x1xf32>
    %broadcast_in_dim3A_73 = vector.broadcast %jit3A_71 : f32 to vector<400x1xf32>
    %select_n3A_74 = arith.select %eq3A_51, %broadcast_in_dim3A_72, %broadcast_in_dim3A_73 : vector<400x1xi1>, vector<400x1xf32>
    %reduce_sum3A_75 = arith.constant dense<0.000000e+00> : vector<1xf32>
    %reduce_sum3A_76 = vector.multi_reduction <add>, %select_n3A_74, %reduce_sum3A_75 [0] : vector<400x1xf32> to vector<1xf32>
    %broadcast_in_dim3A_77 = vector.shape_cast %reduce_sum3A_76 : vector<1xf32> to vector<1x1xf32>
    %broadcast_in_dim3A_78 = arith.constant 1.000000e+00 : f32
    %broadcast_in_dim3A_79 = vector.broadcast %broadcast_in_dim3A_78 : f32 to vector<1x128xf32>
    %mul3A_80 = vector.broadcast %broadcast_in_dim3A_77 : vector<1x1xf32> to vector<1x128xf32>
    %mul3A_81 = arith.mulf %mul3A_80, %broadcast_in_dim3A_79 : vector<1x128xf32>
    %add3A_82 = arith.addf %get3A_69, %mul3A_81 : vector<1x128xf32>
    %swap3A_83 = arith.constant 1 : index
    %swap3A_84 = arith.constant 0 : index
    %swap3A_85 = vector.load %arg6[%swap3A_83, %swap3A_84] : memref<8x128xf32, #tpu.memory_space<vmem>>, vector<1x128xf32>
    tpu.vector_store %arg6[%swap3A_83, %swap3A_84], %add3A_82 {strides = array<i32>} : memref<8x128xf32, #tpu.memory_space<vmem>>, vector<1x128xf32>,
    %eq3A_86 = arith.constant 2 : i32
    %eq3A_87 = vector.broadcast %eq3A_86 : i32 to vector<400x1xi32>
    %eq3A_88 = arith.cmpi eq, %get3A_14, %eq3A_87 : vector<400x1xi32>
    %get3A_89 = arith.constant 2 : index
    %get3A_90 = arith.constant 0 : index
    %get3A_91 = vector.load %arg5[%get3A_89, %get3A_90] : memref<8x128xf32, #tpu.memory_space<vmem>>, vector<1x128xf32>
    %jit3A_92 = arith.constant 0.000000e+00 : f32
    %broadcast_in_dim3A_93 = vector.shape_cast %eq3A_88 : vector<400x1xi1> to vector<400x1xi1>
    %broadcast_in_dim3A_94 = vector.broadcast %broadcast_in_dim3A_93 : vector<400x1xi1> to vector<400x128xi1>
    %broadcast_in_dim3A_95 = vector.broadcast %jit3A_92 : f32 to vector<400x128xf32>
    %select_n3A_96 = arith.select %broadcast_in_dim3A_94, %max3A_11, %broadcast_in_dim3A_95 : vector<400x128xi1>, vector<400x128xf32>
    %reduce_sum3A_97 = arith.constant dense<0.000000e+00> : vector<128xf32>
    %reduce_sum3A_98 = vector.multi_reduction <add>, %select_n3A_96, %reduce_sum3A_97 [0] : vector<400x128xf32> to vector<128xf32>
    %broadcast_in_dim3A_99 = vector.shape_cast %reduce_sum3A_98 : vector<128xf32> to vector<1x128xf32>
    %add3A_100 = arith.addf %get3A_91, %broadcast_in_dim3A_99 : vector<1x128xf32>
    %swap3A_101 = arith.constant 2 : index
    %swap3A_102 = arith.constant 0 : index
    %swap3A_103 = vector.load %arg5[%swap3A_101, %swap3A_102] : memref<8x128xf32, #tpu.memory_space<vmem>>, vector<1x128xf32>
    tpu.vector_store %arg5[%swap3A_101, %swap3A_102], %add3A_100 {strides = array<i32>} : memref<8x128xf32, #tpu.memory_space<vmem>>, vector<1x128xf32>,
    %get3A_104 = arith.constant 2 : index
    %get3A_105 = arith.constant 0 : index
    %get3A_106 = vector.load %arg6[%get3A_104, %get3A_105] : memref<8x128xf32, #tpu.memory_space<vmem>>, vector<1x128xf32>
    %jit3A_107 = arith.constant 1.000000e+00 : f32
    %jit3A_108 = arith.constant 0.000000e+00 : f32
    %broadcast_in_dim3A_109 = vector.broadcast %jit3A_107 : f32 to vector<400x1xf32>
    %broadcast_in_dim3A_110 = vector.broadcast %jit3A_108 : f32 to vector<400x1xf32>
    %select_n3A_111 = arith.select %eq3A_88, %broadcast_in_dim3A_109, %broadcast_in_dim3A_110 : vector<400x1xi1>, vector<400x1xf32>
    %reduce_sum3A_112 = arith.constant dense<0.000000e+00> : vector<1xf32>
    %reduce_sum3A_113 = vector.multi_reduction <add>, %select_n3A_111, %reduce_sum3A_112 [0] : vector<400x1xf32> to vector<1xf32>
    %broadcast_in_dim3A_114 = vector.shape_cast %reduce_sum3A_113 : vector<1xf32> to vector<1x1xf32>
    %broadcast_in_dim3A_115 = arith.constant 1.000000e+00 : f32
    %broadcast_in_dim3A_116 = vector.broadcast %broadcast_in_dim3A_115 : f32 to vector<1x128xf32>
    %mul3A_117 = vector.broadcast %broadcast_in_dim3A_114 : vector<1x1xf32> to vector<1x128xf32>
    %mul3A_118 = arith.mulf %mul3A_117, %broadcast_in_dim3A_116 : vector<1x128xf32>
    %add3A_119 = arith.addf %get3A_106, %mul3A_118 : vector<1x128xf32>
    %swap3A_120 = arith.constant 2 : index
    %swap3A_121 = arith.constant 0 : index
    %swap3A_122 = vector.load %arg6[%swap3A_120, %swap3A_121] : memref<8x128xf32, #tpu.memory_space<vmem>>, vector<1x128xf32>
    tpu.vector_store %arg6[%swap3A_120, %swap3A_121], %add3A_119 {strides = array<i32>} : memref<8x128xf32, #tpu.memory_space<vmem>>, vector<1x128xf32>,
    %eq3A_123 = arith.constant 3 : i32
    %eq3A_124 = vector.broadcast %eq3A_123 : i32 to vector<400x1xi32>
    %eq3A_125 = arith.cmpi eq, %get3A_14, %eq3A_124 : vector<400x1xi32>
    %get3A_126 = arith.constant 3 : index
    %get3A_127 = arith.constant 0 : index
    %get3A_128 = vector.load %arg5[%get3A_126, %get3A_127] : memref<8x128xf32, #tpu.memory_space<vmem>>, vector<1x128xf32>
    %jit3A_129 = arith.constant 0.000000e+00 : f32
    %broadcast_in_dim3A_130 = vector.shape_cast %eq3A_125 : vector<400x1xi1> to vector<400x1xi1>
    %broadcast_in_dim3A_131 = vector.broadcast %broadcast_in_dim3A_130 : vector<400x1xi1> to vector<400x128xi1>
    %broadcast_in_dim3A_132 = vector.broadcast %jit3A_129 : f32 to vector<400x128xf32>
    %select_n3A_133 = arith.select %broadcast_in_dim3A_131, %max3A_11, %broadcast_in_dim3A_132 : vector<400x128xi1>, vector<400x128xf32>
    %reduce_sum3A_134 = arith.constant dense<0.000000e+00> : vector<128xf32>
    %reduce_sum3A_135 = vector.multi_reduction <add>, %select_n3A_133, %reduce_sum3A_134 [0] : vector<400x128xf32> to vector<128xf32>
    %broadcast_in_dim3A_136 = vector.shape_cast %reduce_sum3A_135 : vector<128xf32> to vector<1x128xf32>
    %add3A_137 = arith.addf %get3A_128, %broadcast_in_dim3A_136 : vector<1x128xf32>
    %swap3A_138 = arith.constant 3 : index
    %swap3A_139 = arith.constant 0 : index
    %swap3A_140 = vector.load %arg5[%swap3A_138, %swap3A_139] : memref<8x128xf32, #tpu.memory_space<vmem>>, vector<1x128xf32>
    tpu.vector_store %arg5[%swap3A_138, %swap3A_139], %add3A_137 {strides = array<i32>} : memref<8x128xf32, #tpu.memory_space<vmem>>, vector<1x128xf32>,
    %get3A_141 = arith.constant 3 : index
    %get3A_142 = arith.constant 0 : index
    %get3A_143 = vector.load %arg6[%get3A_141, %get3A_142] : memref<8x128xf32, #tpu.memory_space<vmem>>, vector<1x128xf32>
    %jit3A_144 = arith.constant 1.000000e+00 : f32
    %jit3A_145 = arith.constant 0.000000e+00 : f32
    %broadcast_in_dim3A_146 = vector.broadcast %jit3A_144 : f32 to vector<400x1xf32>
    %broadcast_in_dim3A_147 = vector.broadcast %jit3A_145 : f32 to vector<400x1xf32>
    %select_n3A_148 = arith.select %eq3A_125, %broadcast_in_dim3A_146, %broadcast_in_dim3A_147 : vector<400x1xi1>, vector<400x1xf32>
    %reduce_sum3A_149 = arith.constant dense<0.000000e+00> : vector<1xf32>
    %reduce_sum3A_150 = vector.multi_reduction <add>, %select_n3A_148, %reduce_sum3A_149 [0] : vector<400x1xf32> to vector<1xf32>
    %broadcast_in_dim3A_151 = vector.shape_cast %reduce_sum3A_150 : vector<1xf32> to vector<1x1xf32>
    %broadcast_in_dim3A_152 = arith.constant 1.000000e+00 : f32
    %broadcast_in_dim3A_153 = vector.broadcast %broadcast_in_dim3A_152 : f32 to vector<1x128xf32>
    %mul3A_154 = vector.broadcast %broadcast_in_dim3A_151 : vector<1x1xf32> to vector<1x128xf32>
    %mul3A_155 = arith.mulf %mul3A_154, %broadcast_in_dim3A_153 : vector<1x128xf32>
    %add3A_156 = arith.addf %get3A_143, %mul3A_155 : vector<1x128xf32>
    %swap3A_157 = arith.constant 3 : index
    %swap3A_158 = arith.constant 0 : index
    %swap3A_159 = vector.load %arg6[%swap3A_157, %swap3A_158] : memref<8x128xf32, #tpu.memory_space<vmem>>, vector<1x128xf32>
    tpu.vector_store %arg6[%swap3A_157, %swap3A_158], %add3A_156 {strides = array<i32>} : memref<8x128xf32, #tpu.memory_space<vmem>>, vector<1x128xf32>,
    %eq3A_160 = arith.constant 4 : i32
    %eq3A_161 = vector.broadcast %eq3A_160 : i32 to vector<400x1xi32>
    %eq3A_162 = arith.cmpi eq, %get3A_14, %eq3A_161 : vector<400x1xi32>
    %get3A_163 = arith.constant 4 : index
    %get3A_164 = arith.constant 0 : index
    %get3A_165 = vector.load %arg5[%get3A_163, %get3A_164] : memref<8x128xf32, #tpu.memory_space<vmem>>, vector<1x128xf32>
    %jit3A_166 = arith.constant 0.000000e+00 : f32
    %broadcast_in_dim3A_167 = vector.shape_cast %eq3A_162 : vector<400x1xi1> to vector<400x1xi1>
    %broadcast_in_dim3A_168 = vector.broadcast %broadcast_in_dim3A_167 : vector<400x1xi1> to vector<400x128xi1>
    %broadcast_in_dim3A_169 = vector.broadcast %jit3A_166 : f32 to vector<400x128xf32>
    %select_n3A_170 = arith.select %broadcast_in_dim3A_168, %max3A_11, %broadcast_in_dim3A_169 : vector<400x128xi1>, vector<400x128xf32>
    %reduce_sum3A_171 = arith.constant dense<0.000000e+00> : vector<128xf32>
    %reduce_sum3A_172 = vector.multi_reduction <add>, %select_n3A_170, %reduce_sum3A_171 [0] : vector<400x128xf32> to vector<128xf32>
    %broadcast_in_dim3A_173 = vector.shape_cast %reduce_sum3A_172 : vector<128xf32> to vector<1x128xf32>
    %add3A_174 = arith.addf %get3A_165, %broadcast_in_dim3A_173 : vector<1x128xf32>
    %swap3A_175 = arith.constant 4 : index
    %swap3A_176 = arith.constant 0 : index
    %swap3A_177 = vector.load %arg5[%swap3A_175, %swap3A_176] : memref<8x128xf32, #tpu.memory_space<vmem>>, vector<1x128xf32>
    tpu.vector_store %arg5[%swap3A_175, %swap3A_176], %add3A_174 {strides = array<i32>} : memref<8x128xf32, #tpu.memory_space<vmem>>, vector<1x128xf32>,
    %get3A_178 = arith.constant 4 : index
    %get3A_179 = arith.constant 0 : index
    %get3A_180 = vector.load %arg6[%get3A_178, %get3A_179] : memref<8x128xf32, #tpu.memory_space<vmem>>, vector<1x128xf32>
    %jit3A_181 = arith.constant 1.000000e+00 : f32
    %jit3A_182 = arith.constant 0.000000e+00 : f32
    %broadcast_in_dim3A_183 = vector.broadcast %jit3A_181 : f32 to vector<400x1xf32>
    %broadcast_in_dim3A_184 = vector.broadcast %jit3A_182 : f32 to vector<400x1xf32>
    %select_n3A_185 = arith.select %eq3A_162, %broadcast_in_dim3A_183, %broadcast_in_dim3A_184 : vector<400x1xi1>, vector<400x1xf32>
    %reduce_sum3A_186 = arith.constant dense<0.000000e+00> : vector<1xf32>
    %reduce_sum3A_187 = vector.multi_reduction <add>, %select_n3A_185, %reduce_sum3A_186 [0] : vector<400x1xf32> to vector<1xf32>
    %broadcast_in_dim3A_188 = vector.shape_cast %reduce_sum3A_187 : vector<1xf32> to vector<1x1xf32>
    %broadcast_in_dim3A_189 = arith.constant 1.000000e+00 : f32
    %broadcast_in_dim3A_190 = vector.broadcast %broadcast_in_dim3A_189 : f32 to vector<1x128xf32>
    %mul3A_191 = vector.broadcast %broadcast_in_dim3A_188 : vector<1x1xf32> to vector<1x128xf32>
    %mul3A_192 = arith.mulf %mul3A_191, %broadcast_in_dim3A_190 : vector<1x128xf32>
    %add3A_193 = arith.addf %get3A_180, %mul3A_192 : vector<1x128xf32>
    %swap3A_194 = arith.constant 4 : index
    %swap3A_195 = arith.constant 0 : index
    %swap3A_196 = vector.load %arg6[%swap3A_194, %swap3A_195] : memref<8x128xf32, #tpu.memory_space<vmem>>, vector<1x128xf32>
    tpu.vector_store %arg6[%swap3A_194, %swap3A_195], %add3A_193 {strides = array<i32>} : memref<8x128xf32, #tpu.memory_space<vmem>>, vector<1x128xf32>,
    %eq3A_197 = arith.constant 5 : i32
    %eq3A_198 = vector.broadcast %eq3A_197 : i32 to vector<400x1xi32>
    %eq3A_199 = arith.cmpi eq, %get3A_14, %eq3A_198 : vector<400x1xi32>
    %get3A_200 = arith.constant 5 : index
    %get3A_201 = arith.constant 0 : index
    %get3A_202 = vector.load %arg5[%get3A_200, %get3A_201] : memref<8x128xf32, #tpu.memory_space<vmem>>, vector<1x128xf32>
    %jit3A_203 = arith.constant 0.000000e+00 : f32
    %broadcast_in_dim3A_204 = vector.shape_cast %eq3A_199 : vector<400x1xi1> to vector<400x1xi1>
    %broadcast_in_dim3A_205 = vector.broadcast %broadcast_in_dim3A_204 : vector<400x1xi1> to vector<400x128xi1>
    %broadcast_in_dim3A_206 = vector.broadcast %jit3A_203 : f32 to vector<400x128xf32>
    %select_n3A_207 = arith.select %broadcast_in_dim3A_205, %max3A_11, %broadcast_in_dim3A_206 : vector<400x128xi1>, vector<400x128xf32>
    %reduce_sum3A_208 = arith.constant dense<0.000000e+00> : vector<128xf32>
    %reduce_sum3A_209 = vector.multi_reduction <add>, %select_n3A_207, %reduce_sum3A_208 [0] : vector<400x128xf32> to vector<128xf32>
    %broadcast_in_dim3A_210 = vector.shape_cast %reduce_sum3A_209 : vector<128xf32> to vector<1x128xf32>
    %add3A_211 = arith.addf %get3A_202, %broadcast_in_dim3A_210 : vector<1x128xf32>
    %swap3A_212 = arith.constant 5 : index
    %swap3A_213 = arith.constant 0 : index
    %swap3A_214 = vector.load %arg5[%swap3A_212, %swap3A_213] : memref<8x128xf32, #tpu.memory_space<vmem>>, vector<1x128xf32>
    tpu.vector_store %arg5[%swap3A_212, %swap3A_213], %add3A_211 {strides = array<i32>} : memref<8x128xf32, #tpu.memory_space<vmem>>, vector<1x128xf32>,
    %get3A_215 = arith.constant 5 : index
    %get3A_216 = arith.constant 0 : index
    %get3A_217 = vector.load %arg6[%get3A_215, %get3A_216] : memref<8x128xf32, #tpu.memory_space<vmem>>, vector<1x128xf32>
    %jit3A_218 = arith.constant 1.000000e+00 : f32
    %jit3A_219 = arith.constant 0.000000e+00 : f32
    %broadcast_in_dim3A_220 = vector.broadcast %jit3A_218 : f32 to vector<400x1xf32>
    %broadcast_in_dim3A_221 = vector.broadcast %jit3A_219 : f32 to vector<400x1xf32>
    %select_n3A_222 = arith.select %eq3A_199, %broadcast_in_dim3A_220, %broadcast_in_dim3A_221 : vector<400x1xi1>, vector<400x1xf32>
    %reduce_sum3A_223 = arith.constant dense<0.000000e+00> : vector<1xf32>
    %reduce_sum3A_224 = vector.multi_reduction <add>, %select_n3A_222, %reduce_sum3A_223 [0] : vector<400x1xf32> to vector<1xf32>
    %broadcast_in_dim3A_225 = vector.shape_cast %reduce_sum3A_224 : vector<1xf32> to vector<1x1xf32>
    %broadcast_in_dim3A_226 = arith.constant 1.000000e+00 : f32
    %broadcast_in_dim3A_227 = vector.broadcast %broadcast_in_dim3A_226 : f32 to vector<1x128xf32>
    %mul3A_228 = vector.broadcast %broadcast_in_dim3A_225 : vector<1x1xf32> to vector<1x128xf32>
    %mul3A_229 = arith.mulf %mul3A_228, %broadcast_in_dim3A_227 : vector<1x128xf32>
    %add3A_230 = arith.addf %get3A_217, %mul3A_229 : vector<1x128xf32>
    %swap3A_231 = arith.constant 5 : index
    %swap3A_232 = arith.constant 0 : index
    %swap3A_233 = vector.load %arg6[%swap3A_231, %swap3A_232] : memref<8x128xf32, #tpu.memory_space<vmem>>, vector<1x128xf32>
    tpu.vector_store %arg6[%swap3A_231, %swap3A_232], %add3A_230 {strides = array<i32>} : memref<8x128xf32, #tpu.memory_space<vmem>>, vector<1x128xf32>,
    %eq3A_234 = arith.constant 6 : i32
    %eq3A_235 = vector.broadcast %eq3A_234 : i32 to vector<400x1xi32>
    %eq3A_236 = arith.cmpi eq, %get3A_14, %eq3A_235 : vector<400x1xi32>
    %get3A_237 = arith.constant 6 : index
    %get3A_238 = arith.constant 0 : index
    %get3A_239 = vector.load %arg5[%get3A_237, %get3A_238] : memref<8x128xf32, #tpu.memory_space<vmem>>, vector<1x128xf32>
    %jit3A_240 = arith.constant 0.000000e+00 : f32
    %broadcast_in_dim3A_241 = vector.shape_cast %eq3A_236 : vector<400x1xi1> to vector<400x1xi1>
    %broadcast_in_dim3A_242 = vector.broadcast %broadcast_in_dim3A_241 : vector<400x1xi1> to vector<400x128xi1>
    %broadcast_in_dim3A_243 = vector.broadcast %jit3A_240 : f32 to vector<400x128xf32>
    %select_n3A_244 = arith.select %broadcast_in_dim3A_242, %max3A_11, %broadcast_in_dim3A_243 : vector<400x128xi1>, vector<400x128xf32>
    %reduce_sum3A_245 = arith.constant dense<0.000000e+00> : vector<128xf32>
    %reduce_sum3A_246 = vector.multi_reduction <add>, %select_n3A_244, %reduce_sum3A_245 [0] : vector<400x128xf32> to vector<128xf32>
    %broadcast_in_dim3A_247 = vector.shape_cast %reduce_sum3A_246 : vector<128xf32> to vector<1x128xf32>
    %add3A_248 = arith.addf %get3A_239, %broadcast_in_dim3A_247 : vector<1x128xf32>
    %swap3A_249 = arith.constant 6 : index
    %swap3A_250 = arith.constant 0 : index
    %swap3A_251 = vector.load %arg5[%swap3A_249, %swap3A_250] : memref<8x128xf32, #tpu.memory_space<vmem>>, vector<1x128xf32>
    tpu.vector_store %arg5[%swap3A_249, %swap3A_250], %add3A_248 {strides = array<i32>} : memref<8x128xf32, #tpu.memory_space<vmem>>, vector<1x128xf32>,
    %get3A_252 = arith.constant 6 : index
    %get3A_253 = arith.constant 0 : index
    %get3A_254 = vector.load %arg6[%get3A_252, %get3A_253] : memref<8x128xf32, #tpu.memory_space<vmem>>, vector<1x128xf32>
    %jit3A_255 = arith.constant 1.000000e+00 : f32
    %jit3A_256 = arith.constant 0.000000e+00 : f32
    %broadcast_in_dim3A_257 = vector.broadcast %jit3A_255 : f32 to vector<400x1xf32>
    %broadcast_in_dim3A_258 = vector.broadcast %jit3A_256 : f32 to vector<400x1xf32>
    %select_n3A_259 = arith.select %eq3A_236, %broadcast_in_dim3A_257, %broadcast_in_dim3A_258 : vector<400x1xi1>, vector<400x1xf32>
    %reduce_sum3A_260 = arith.constant dense<0.000000e+00> : vector<1xf32>
    %reduce_sum3A_261 = vector.multi_reduction <add>, %select_n3A_259, %reduce_sum3A_260 [0] : vector<400x1xf32> to vector<1xf32>
    %broadcast_in_dim3A_262 = vector.shape_cast %reduce_sum3A_261 : vector<1xf32> to vector<1x1xf32>
    %broadcast_in_dim3A_263 = arith.constant 1.000000e+00 : f32
    %broadcast_in_dim3A_264 = vector.broadcast %broadcast_in_dim3A_263 : f32 to vector<1x128xf32>
    %mul3A_265 = vector.broadcast %broadcast_in_dim3A_262 : vector<1x1xf32> to vector<1x128xf32>
    %mul3A_266 = arith.mulf %mul3A_265, %broadcast_in_dim3A_264 : vector<1x128xf32>
    %add3A_267 = arith.addf %get3A_254, %mul3A_266 : vector<1x128xf32>
    %swap3A_268 = arith.constant 6 : index
    %swap3A_269 = arith.constant 0 : index
    %swap3A_270 = vector.load %arg6[%swap3A_268, %swap3A_269] : memref<8x128xf32, #tpu.memory_space<vmem>>, vector<1x128xf32>
    tpu.vector_store %arg6[%swap3A_268, %swap3A_269], %add3A_267 {strides = array<i32>} : memref<8x128xf32, #tpu.memory_space<vmem>>, vector<1x128xf32>,
    %eq3A_271 = arith.constant 7 : i32
    %eq3A_272 = vector.broadcast %eq3A_271 : i32 to vector<400x1xi32>
    %eq3A_273 = arith.cmpi eq, %get3A_14, %eq3A_272 : vector<400x1xi32>
    %get3A_274 = arith.constant 7 : index
    %get3A_275 = arith.constant 0 : index
    %get3A_276 = vector.load %arg5[%get3A_274, %get3A_275] : memref<8x128xf32, #tpu.memory_space<vmem>>, vector<1x128xf32>
    %jit3A_277 = arith.constant 0.000000e+00 : f32
    %broadcast_in_dim3A_278 = vector.shape_cast %eq3A_273 : vector<400x1xi1> to vector<400x1xi1>
    %broadcast_in_dim3A_279 = vector.broadcast %broadcast_in_dim3A_278 : vector<400x1xi1> to vector<400x128xi1>
    %broadcast_in_dim3A_280 = vector.broadcast %jit3A_277 : f32 to vector<400x128xf32>
    %select_n3A_281 = arith.select %broadcast_in_dim3A_279, %max3A_11, %broadcast_in_dim3A_280 : vector<400x128xi1>, vector<400x128xf32>
    %reduce_sum3A_282 = arith.constant dense<0.000000e+00> : vector<128xf32>
    %reduce_sum3A_283 = vector.multi_reduction <add>, %select_n3A_281, %reduce_sum3A_282 [0] : vector<400x128xf32> to vector<128xf32>
    %broadcast_in_dim3A_284 = vector.shape_cast %reduce_sum3A_283 : vector<128xf32> to vector<1x128xf32>
    %add3A_285 = arith.addf %get3A_276, %broadcast_in_dim3A_284 : vector<1x128xf32>
    %swap3A_286 = arith.constant 7 : index
    %swap3A_287 = arith.constant 0 : index
    %swap3A_288 = vector.load %arg5[%swap3A_286, %swap3A_287] : memref<8x128xf32, #tpu.memory_space<vmem>>, vector<1x128xf32>
    tpu.vector_store %arg5[%swap3A_286, %swap3A_287], %add3A_285 {strides = array<i32>} : memref<8x128xf32, #tpu.memory_space<vmem>>, vector<1x128xf32>,
    %get3A_289 = arith.constant 7 : index
    %get3A_290 = arith.constant 0 : index
    %get3A_291 = vector.load %arg6[%get3A_289, %get3A_290] : memref<8x128xf32, #tpu.memory_space<vmem>>, vector<1x128xf32>
    %jit3A_292 = arith.constant 1.000000e+00 : f32
    %jit3A_293 = arith.constant 0.000000e+00 : f32
    %broadcast_in_dim3A_294 = vector.broadcast %jit3A_292 : f32 to vector<400x1xf32>
    %broadcast_in_dim3A_295 = vector.broadcast %jit3A_293 : f32 to vector<400x1xf32>
    %select_n3A_296 = arith.select %eq3A_273, %broadcast_in_dim3A_294, %broadcast_in_dim3A_295 : vector<400x1xi1>, vector<400x1xf32>
    %reduce_sum3A_297 = arith.constant dense<0.000000e+00> : vector<1xf32>
    %reduce_sum3A_298 = vector.multi_reduction <add>, %select_n3A_296, %reduce_sum3A_297 [0] : vector<400x1xf32> to vector<1xf32>
    %broadcast_in_dim3A_299 = vector.shape_cast %reduce_sum3A_298 : vector<1xf32> to vector<1x1xf32>
    %broadcast_in_dim3A_300 = arith.constant 1.000000e+00 : f32
    %broadcast_in_dim3A_301 = vector.broadcast %broadcast_in_dim3A_300 : f32 to vector<1x128xf32>
    %mul3A_302 = vector.broadcast %broadcast_in_dim3A_299 : vector<1x1xf32> to vector<1x128xf32>
    %mul3A_303 = arith.mulf %mul3A_302, %broadcast_in_dim3A_301 : vector<1x128xf32>
    %add3A_304 = arith.addf %get3A_291, %mul3A_303 : vector<1x128xf32>
    %swap3A_305 = arith.constant 7 : index
    %swap3A_306 = arith.constant 0 : index
    %swap3A_307 = vector.load %arg6[%swap3A_305, %swap3A_306] : memref<8x128xf32, #tpu.memory_space<vmem>>, vector<1x128xf32>
    tpu.vector_store %arg6[%swap3A_305, %swap3A_306], %add3A_304 {strides = array<i32>} : memref<8x128xf32, #tpu.memory_space<vmem>>, vector<1x128xf32>,
    return
  }
  func.func @transform_0(%arg0: i32) -> (i32, i32) {
    %c0_i32 = arith.constant 0 : i32
    %c0_i32_0 = arith.constant 0 : i32
    return %arg0, %c0_i32 : i32, i32
  }
  func.func @transform_1(%arg0: i32) -> (i32, i32) {
    %c0_i32 = arith.constant 0 : i32
    %c0_i32_0 = arith.constant 0 : i32
    %c0_i32_1 = arith.constant 0 : i32
    return %c0_i32, %c0_i32_0 : i32, i32
  }
  func.func @transform_2(%arg0: i32) -> (i32, i32) {
    %c0_i32 = arith.constant 0 : i32
    %c0_i32_0 = arith.constant 0 : i32
    %c0_i32_1 = arith.constant 0 : i32
    return %c0_i32, %c0_i32_0 : i32, i32
  }
  func.func @transform_3(%arg0: i32) -> (i32, i32) {
    %c0_i32 = arith.constant 0 : i32
    %c0_i32_0 = arith.constant 0 : i32
    return %arg0, %c0_i32 : i32, i32
  }
  func.func @transform_4(%arg0: i32) -> (i32, i32) {
    %c0_i32 = arith.constant 0 : i32
    %c0_i32_0 = arith.constant 0 : i32
    %c0_i32_1 = arith.constant 0 : i32
    return %c0_i32, %c0_i32_0 : i32, i32
  }
  func.func @transform_5(%arg0: i32) -> (i32, i32) {
    %c0_i32 = arith.constant 0 : i32
    %c0_i32_0 = arith.constant 0 : i32
    %c0_i32_1 = arith.constant 0 : i32
    return %c0_i32, %c0_i32_0 : i32, i32
  }
}

</mosaic_0001>

<sc_bundles>
// kernel: kernel.10.cloned.1.call-start
scs
__scs_entry_jumppad:
0x0: {  	(pc) =	sbr.rel $0x88, $3  }
0x1: {  	(tag) =	ssettag $0x0;
	lr =	simm.s32 $0x1  }
0x2: {  	[smem:$0x3F8A] =	sst lr;
	_ =	strace $0xD0000000  }
0x3: {  	_ = 	snop  }
0x4: {  	_ = 	snop  }
0x5: {  	_ = 	snop  }
0x6: {  	_ = 	snop  }
0x7: {  	_ = 	snop  }
__scs_overlays_trampoline_lowered:
0x8: {  	[smem:$0x3F99] =	sst s0  }
0x9: {  	[smem:$0x3F9A] =	sst s1  }
0xa: {  	[smem:$0x3F9B] =	sst s2  }
0xb: {  	[smem:$0x3F9C] =	sst s3  }
0xc: {  	[smem:$0x3F9D] =	sst s4  }
0xd: {  	[smem:$0x3F9E] =	sst s5  }
0xe: {  	[smem:$0x3F9F] =	sst s6  }
0xf: {  	[smem:$0x3FA0] =	sst s7  }
0x10: {  	[smem:$0x3FA1] =	sst s8  }
0x11: {  	[smem:$0x3FA2] =	sst s9;
	s0 =	simm.s32 @!p0 $0x0  }
0x12: {  	s1 =	sld [smem:$0x3F88];
	s0 =	simm.s32 @p0 $0x1  }
0x13: {  	[smem:$0x3FA3] =	sst s0;
	s0 =	simm.s32 @!p1 $0x0  }
0x14: {  	s2 =	sld [smem:$0x3F87];
	s0 =	simm.s32 @p1 $0x1  }
0x15: {  	[smem:$0x3FA4] =	sst s0;
	s0 =	simm.s32 @!p2 $0x0  }
0x16: {  	s3 =	sld [smem:$0x3FDB];
	s0 =	simm.s32 @p2 $0x1  }
0x17: {  	s4 =	simm.s32 $0x1BF5;
	[smem:$0x3FA6] =	sst s0  }
0x18: {  	s0 =	sld [smem:$0x3F89];
	_ =	swait.ge [sflag:s4], $0x0  }
0x19: {  	s7 =	sld [smem:$0x3F8A]  }
0x1a: {  	s8 =	sadd.s32 $0xFFFFE003, lr  }
0x1b: {  	s9 =	sadd.s32 $0xFFFFFEF7, lr;
	s5 =	simm.s32 $0xFFFFFFFF;
	p2 =	slt.u32 s8, $0xFFFFF086  }
0x1c: {  	p1 =	slt.u32 s9, $0xF7A;
	s5 =	simm.s32 @!p2 $0x0  }
0x1d: {  	s5 =	simm.s32 @p1 $0x1;
	p0 =	seq.s32 s7, s2  }
0x1e: {  	s7 =	smul.u32 @!p0 $0xF7A, s2;
	p2 =	seq.s32 @!p0 s5, $0x0  }
0x1f: {  	s9 =	smul.u32 $0xF7A, s1;
	s8 =	simm.s32 @!p0 $0x1BF5;
	p2 =	por !p2, p0  }
0x20: {  	[sflag:s8] =	ssyncset.s32 @!p0 $0xFFFFF086;
	s6 =	sadd.s32 @!p0 s3, s7;
	s7 =	simm.s32 @!p0 $0x108  }
0x21: {  	s3 =	sadd.s32 s3, s9;
	s6 =	sadd.s32 @!p0 $0x88, s6;
	s7 =	simm.s32 @p2 $0x1082  }
0x22: {  	[simem:s7], [sflag:s8] =	dma.local @!p0 [hbm:s6], $0xF7A  }
0x23: {  	s9 =	sor.u32 $0xD0000000, s2;
	s6 =	simm.s32 $0x108;
	_ =	swait.ge @!p0 [sflag:s8], $0x0  }
0x24: {  	s3 =	sadd.s32 $0x88, s3;
	s6 =	simm.s32 @!p1 $0x1082;
	[sflag:s4] =	ssyncset.s32 $0xFFFFF086  }
0x25: {  	[simem:s6], [sflag:s4] =	dma.local [hbm:s3], $0xF7A  }
0x26: {  	[smem:$0x3F8A] =	sst s1;
	(tag) =	ssettag s2;
	_ =	strace s9  }
0x27: {  	s1 =	sld [smem:$0x3F9A]  }
0x28: {  	s2 =	sld [smem:$0x3F9B]  }
0x29: {  	s4 =	sld [smem:$0x3F9D]  }
0x2a: {  	p0 =	seq.s32 s5, $0x0;
	s5 =	sld [smem:$0x3F9E]  }
0x2b: {  	s6 =	sld [smem:$0x3F9F]  }
0x2c: {  	s7 =	sld [smem:$0x3FA0]  }
0x2d: {  	s3 =	simm.s32 $0x108;
	s8 =	sld [smem:$0x3FA1]  }
0x2e: {  	s3 =	simm.s32 @!p0 $0x1082;
	s9 =	sld [smem:$0x3FA2]  }
0x2f: {  	lr =	sadd.s32 s0, s3;
	s0 =	sld [smem:$0x3F99]  }
0x30: {  	s3 =	sld [smem:$0x3F9C]  }
0x31: {  	[smem:$0x3FA5] =	sst s10  }
0x32: {  	s10 =	sld [smem:$0x3FA3];
	_ =	sdelay $0x3  }
0x33: {  	p0 =	seq.s32 s10, $0x1;
	s10 =	sld [smem:$0x3FA5];
	_ =	sdelay $0x3  }
0x34: {  	[smem:$0x3FA5] =	sst s10  }
0x35: {  	s10 =	sld [smem:$0x3FA4];
	_ =	sdelay $0x3  }
0x36: {  	p1 =	seq.s32 s10, $0x1;
	s10 =	sld [smem:$0x3FA5];
	_ =	sdelay $0x3  }
0x37: {  	[smem:$0x3FA5] =	sst s10  }
0x38: {  	s10 =	sld [smem:$0x3FA6]  }
0x39: {  	_ = 	snop;
	(pc) =	sbr.ind lr, $3  }
0x3a: {  	_ = 	snop  }
0x3b: {  	_ = 	snop  }
0x3c: {  	p2 =	seq.s32 s10, $0x1;
	s10 =	sld [smem:$0x3FA5]  }
0x3d: {  	_ =	shalt  }
0x3e: {  	_ =	shalt  }
0x3f: {  	_ =	shalt  }
0x40: {  	_ =	shalt  }
0x41: {  	_ =	shalt  }
0x42: {  	_ =	shalt  }
0x43: {  	_ =	shalt  }
0x44: {  	_ =	shalt  }
0x45: {  	_ =	shalt  }
0x46: {  	_ =	shalt  }
0x47: {  	_ =	shalt  }
0x48: {  	_ =	shalt  }
0x49: {  	_ =	shalt  }
0x4a: {  	_ =	shalt  }
0x4b: {  	_ =	shalt  }
0x4c: {  	_ =	shalt  }
0x4d: {  	_ =	shalt  }
0x4e: {  	_ =	shalt  }
0x4f: {  	_ =	shalt  }
0x50: {  	_ =	shalt  }
0x51: {  	_ =	shalt  }
0x52: {  	_ =	shalt  }
0x53: {  	_ =	shalt  }
0x54: {  	_ =	shalt  }
0x55: {  	_ =	shalt  }
0x56: {  	_ =	shalt  }
0x57: {  	_ =	shalt  }
0x58: {  	_ =	shalt  }
0x59: {  	_ =	shalt  }
0x5a: {  	_ =	shalt  }
0x5b: {  	_ =	shalt  }
0x5c: {  	_ =	shalt  }
0x5d: {  	_ =	shalt  }
0x5e: {  	_ =	shalt  }
0x5f: {  	_ =	shalt  }
0x60: {  	_ =	shalt  }
0x61: {  	_ =	shalt  }
0x62: {  	_ =	shalt  }
0x63: {  	_ =	shalt  }
0x64: {  	_ =	shalt  }
0x65: {  	_ =	shalt  }
0x66: {  	_ =	shalt  }
0x67: {  	_ =	shalt  }
0x68: {  	_ =	shalt  }
0x69: {  	_ =	shalt  }
0x6a: {  	_ =	shalt  }
0x6b: {  	_ =	shalt  }
0x6c: {  	_ =	shalt  }
0x6d: {  	_ =	shalt  }
0x6e: {  	_ =	shalt  }
0x6f: {  	_ =	shalt  }
0x70: {  	_ =	shalt  }
0x71: {  	_ =	shalt  }
0x72: {  	_ =	shalt  }
0x73: {  	_ =	shalt  }
0x74: {  	_ =	shalt  }
0x75: {  	_ =	shalt  }
0x76: {  	_ =	shalt  }
0x77: {  	_ =	shalt  }
0x78: {  	_ =	shalt  }
0x79: {  	_ =	shalt  }
0x7a: {  	_ =	shalt  }
0x7b: {  	_ =	shalt  }
0x7c: {  	_ =	shalt  }
0x7d: {  	_ =	shalt  }
0x7e: {  	_ =	shalt  }
0x7f: {  	_ =	shalt  }
0x80: {  	_ =	shalt  }
0x81: {  	_ =	shalt  }
0x82: {  	_ =	shalt  }
0x83: {  	_ =	shalt  }
0x84: {  	_ =	shalt  }
0x85: {  	_ =	shalt  }
0x86: {  	_ =	shalt  }
0x87: {  	_ =	shalt  }
.Lfunc_end0:
.L_simem_size_0:
called_computation_lowered:
.L_overlay_start_0:
0x88: {  	s2 =	sld [smem:$0x3FD9]  }
0x89: {  	s3 =	sld [smem:$0x3FFE];
	_ =	sdelay $0x1  }
0x8a: {  	s1 =	srdreg.scid  }
0x8b: {  	s0 =	sand.u32 $0x1, s1  }
0x8c: {  	s16 =	sshll.u32 s0, $0xA;
	s2 =	sadd.s32 s3, s2  }
0x8d: {  	s2 =	sadd.s32 s2, s16  }
0x8e: {  	[smem:$0x3FB1] =	sst s2  }
0x8f: {  	_ = 	snop  }
0x90: {  	(tm) =	ssettm $0x1  }
0x91: {  	s17 =	sld [smem:$0x3FFB];
	_ =	sdelay $0x3  }
0x92: {  	_ =	strace s17  }
0x93: {  	s2 =	sld [smem:$0x3FFC];
	_ =	sdelay $0x3  }
0x94: {  	_ =	strace s2  }
0x95: {  	s2 =	sld [smem:$0x3FFD];
	_ =	sdelay $0x3  }
0x96: {  	_ =	strace s2  }
0x97: {  	_ =	strace $0x8FFFFFFF  }
0x98: {  	s18 =	sld [smem:$0x3FDB];
	_ =	sdelay $0x1  }
0x99: {  	s19 =	simm.s32 $_scs_section_size  }
0x9a: {  	s4 =	simm.s32 $_size__tile_overlayer_lowered;
	s5 =	simm.s32 $_tile_overlayer_lowered  }
0x9b: {  	s22 =	simm.s32 $0x1BFF;
	s21 =	sshll.u32 s5, $0x1;
	s2 =	sadd.s32 s19, s18  }
0x9c: {  	s6 =	simm.s32 $0x0;
	s20 =	sshll.u32 s4, $0x1;
	s4 =	sadd.s32 s21, s2  }
0x9d: {  	[timem:s6], [sflag:s22] =	dma.local [hbm:s4], s20  }
0x9e: {  	_ =	swait.ge [sflag:s22], s20  }
0x9f: {  	s3 =	ssub.s32 $0x0, s20;
	[sflag:s22] =	ssyncset.done $0x0  }
0xa0: {  	[sflag:s22] =	ssyncadd.s32 s3;
	_ =	sdelay $0x1  }
0xa1: {  	s23 =	simm.s32 $0x1B8B  }
0xa2: {  	_ =	swait.ge [sflag:s23], $0x1  }
0xa3: {  	[sflag:s23] =	ssyncset.done $0x0  }
0xa4: {  	s25 =	simm.s32 $0x1B8E;
	s24 =	sld [smem:$0x3FFE];
	[sflag:s23] =	ssyncadd.s32 $0xFFFFFFFF  }
0xa5: {  	s26 =	simm.s32 $execute0_lowered;
	[smem:$0x3FD2] =	sst s25  }
0xa6: {  	s4 =	sshll.u32 s26, $0x1;
	_ =	strace $0x80000046;
	[dreg:$0x1] =	wrdreg $0xFFFFFFFF  }
0xa7: {  	s28 =	simm.s32 $_size_execute0_lowered;
	s2 =	sadd.s32 s2, s4;
	[dreg:$0x0] =	wrdreg $0x0  }
0xa8: {  	s4 =	sshll.u32 s28, $0x1;
	[dreg:$0x2] =	wrdreg s2  }
0xa9: {  	[dreg:$0x3] =	wrdreg s4  }
0xaa: {  	[dreg:$0x4] =	wrdreg $0xC0  }
0xab: {  	_ =	task [dreg:s6], $0x5FFFF  }
0xac: {  	[dreg:$0x1] =	wrdreg $0xFFFFFFFF  }
0xad: {  	[dreg:$0x0] =	wrdreg $0x60  }
0xae: {  	[dreg:$0x2] =	wrdreg s24  }
0xaf: {  	[dreg:$0x3] =	wrdreg $0x9  }
0xb0: {  	_ =	task.clear_ibuf [dreg:s6], $0x4FFFF;
	_ =	strace $0x90000046  }
0xb1: {  	s29 =	simm.s32 $0x9;
	_ =	strace $0x80000048  }
0xb2: {  	_ =	swait.ge [sflag:s29], $0x1  }
0xb3: {  	[sflag:s29] =	ssyncadd.s32 $0xFFFFFFFF  }
0xb4: {  	_ =	strace $0x90000048  }
0xb5: {  	_ =	sfence  }
0xb6: {  	s30 =	sld [smem:$0x0];
	_ =	sdelay $0x2  }
0xb7: {  	s31 =	sshll.u32 s1, $0xD;
	s1 =	sshrl.u32 s1, $0x2  }
0xb8: {  	s3 =	sand.u32 $0x4000, s31;
	s1 =	sadd.s32 s1, s30  }
0xb9: {  	s0 =	sor.u32 s3, s0;
	s1 =	sshll.u32 s1, $0x11  }
0xba: {  	s0 =	sor.u32 s1, s0  }
0xbb: {  	s0 =	sadd.s32 $0x8F2B, s0  }
0xbc: {  	[sflag:s0] =	ssyncadd.remote.s32 $0x1  }
0xbd: {  	_ =	sfence.sel $0xFFFF  }
0xbe: {  	[dreg:$0x0] =	wrdreg $0xFFFFFFFF;
	(pc) =	sbr.abs _section_cstart, $3  }
0xbf: {  	[dreg:$0x1] =	wrdreg $0xFFFFFFFF  }
0xc0: {  	_ =	task.clear_ibuf [dreg:s6], $0x2FFFF;
	_ =	strace $0x9FFFFFFF  }
0xc1: {  	(tm) =	ssettm $0x7FFFFFFF  }
tec
execute0_lowered:
.L_overlay_start_1:
0x0: {  	(tag) =	ssettag $0x1  }
0x1: {  	s0 =	srdreg.scid;
	s17 =	stileid.u32  }
0x2: {  	s0 =	sand.u32 $0x1, s0;
	s1 =	sshll.u32 s17, $0x1  }
0x3: {  	s1 =	sor.u32 s0, s1  }
0x4: {  	s3 =	rddreg [dreg:$0x0];
	s2 =	simm.s32 $0x0;
	s4 =	smul.u32 $0x180, s1  }
0x5: {  	[smem:$0x7FF] =	sst s2;
	s5 =	smul.u32 $0x9000, s1  }
0x6: {  	s6 =	sadd.s32 $0x56000, s3;
	s1 =	smul.u32 $0x48000, s1;
	s4 =	sadd.s32 s4, s3  }
0x7: {  	_ =	strace $0x80000047;
	s29 =	sadd.s32 s6, s5;
	s4 =	sadd.s32 $0x2BE00, s4  }
0x8: {  	s1 =	sshrl.u32 s1, $0x3;
	s13 =	sadd.s32 $0x600, s29;
	[dreg:$0x2] =	wrdreg s4  }
0x9: {  	s14 =	sadd.s32 $0xC00, s29;
	s1 =	sadd.s32 s6, s1;
	[dreg:$0x3] =	wrdreg s13  }
0xa: {  	[dreg:$0x4] =	wrdreg s14;
	s15 =	sadd.s32 $0x1200, s1  }
0xb: {  	s16 =	sadd.s32 $0x1800, s1;
	[dreg:$0x5] =	wrdreg s15  }
0xc: {  	s18 =	sadd.s32 $0x1E00, s1;
	[dreg:$0x6] =	wrdreg s16  }
0xd: {  	s19 =	sadd.s32 $0x2400, s1;
	[dreg:$0x7] =	wrdreg s18  }
0xe: {  	s20 =	sadd.s32 $0x2A00, s1;
	[dreg:$0x8] =	wrdreg s19  }
0xf: {  	s21 =	sadd.s32 $0x3000, s1;
	[dreg:$0x9] =	wrdreg s20  }
0x10: {  	s22 =	sadd.s32 $0x3600, s1;
	[dreg:$0xa] =	wrdreg s21  }
0x11: {  	s23 =	sadd.s32 $0x3C00, s1;
	[dreg:$0xb] =	wrdreg s22  }
0x12: {  	s24 =	sadd.s32 $0x4200, s1;
	[dreg:$0xc] =	wrdreg s23  }
0x13: {  	s25 =	sadd.s32 $0x4800, s1;
	[dreg:$0xd] =	wrdreg s24  }
0x14: {  	s26 =	sadd.s32 $0x4E00, s1;
	[dreg:$0xe] =	wrdreg s25  }
0x15: {  	s5 =	sadd.s32 $0x5400, s1;
	[dreg:$0xf] =	wrdreg s26  }
0x16: {  	s6 =	sadd.s32 $0x5A00, s1;
	[dreg:$0x10] =	wrdreg s5  }
0x17: {  	s7 =	sadd.s32 $0x6000, s1;
	[dreg:$0x11] =	wrdreg s6  }
0x18: {  	s31 =	simm.s32 $0x9;
	s8 =	sadd.s32 $0x6600, s1;
	[dreg:$0x12] =	wrdreg s7  }
0x19: {  	s30 =	simm.s32 $0x680;
	s9 =	sadd.s32 $0x6C00, s1;
	[dreg:$0x13] =	wrdreg s8  }
0x1a: {  	s28 =	simm.s32 $0x700;
	s10 =	sadd.s32 $0x7200, s1;
	[dreg:$0x14] =	wrdreg s9  }
0x1b: {  	p0 =	por $0x0, $0x0;
	s11 =	sadd.s32 $0x7800, s1;
	[dreg:$0x15] =	wrdreg s10  }
0x1c: {  	s0 =	ssub.s32 $0x2, s0;
	s12 =	sadd.s32 $0x7E00, s1;
	[dreg:$0x16] =	wrdreg s11  }
0x1d: {  	s3 =	sadd.s32 $0x2EE00, s3;
	s14 =	sadd.s32 $0x8400, s1;
	[dreg:$0x17] =	wrdreg s12  }
0x1e: {  	s13 =	sshrl.u32 s0, $0x1;
	s1 =	sadd.s32 $0x8A00, s1;
	[dreg:$0x18] =	wrdreg s14  }
0x1f: {  	s4 =	simm.s32 $0x6C00;
	s0 =	ssub.s32 s0, s13;
	[dreg:$0x19] =	wrdreg s1  }
0x20: {  	s7 =	simm.s32 $0x60;
	s10 =	simm.s32 $0xC00;
	s15 =	simm.s32 $0x80  }
0x21: {  	s6 =	simm.s32 $0x3C00;
	s16 =	simm.s32 $0x100;
	s18 =	simm.s32 $0x180  }
0x22: {  	s19 =	simm.s32 $0x200;
	s5 =	simm.s32 $0x9C00;
	[dreg:$0x1a] =	wrdreg s15  }
0x23: {  	s20 =	simm.s32 $0x280;
	s13 =	simm.s32 $0x2;
	[dreg:$0x1b] =	wrdreg s16  }
0x24: {  	s21 =	simm.s32 $0x300;
	s8 =	simm.s32 $0x5;
	[dreg:$0x1c] =	wrdreg s18  }
0x25: {  	s22 =	simm.s32 $0x380;
	s14 =	simm.s32 $0x3;
	[dreg:$0x1d] =	wrdreg s19  }
0x26: {  	s23 =	simm.s32 $0x400;
	s9 =	simm.s32 $0x6;
	[dreg:$0x1e] =	wrdreg s20  }
0x27: {  	s24 =	simm.s32 $0x480;
	s25 =	simm.s32 $0x500;
	[dreg:$0x1f] =	wrdreg s21  }
0x28: {  	s11 =	simm.s32 $0x7;
	s26 =	simm.s32 $0x580;
	[smem:$0x7F9] =	sst s22  }
0x29: {  	s12 =	simm.s32 $0x8;
	s0 =	smax.u32 s0, $0x1;
	[smem:$0x7FA] =	sst s23  }
0x2a: {  	s16 =	simm.s32 $0x1;
	[smem:$0x7FB] =	sst s24;
	p1 =	sne.s32 s0, $0x1  }
.Ltmp0:
0x2b: {  	s15 =	simm.s32 $0x4;
	[smem:$0x7FC] =	sst s25;
	(pc) =	sbr.rel @!p1 .LBB2_1-.Ltmp0, $4  }
0x2c: {  	[smem:$0x7FD] =	sst s26;
	s26 =	simm.s32 $0x780;
	s25 =	simm.s32 $0x800  }
0x2d: {  	s24 =	simm.s32 $0x880;
	s23 =	simm.s32 $0x900;
	s22 =	simm.s32 $0x980  }
0x2e: {  	s21 =	simm.s32 $0xA00;
	s20 =	simm.s32 $0xA80;
	s19 =	simm.s32 $0xB00  }
0x2f: {  	s18 =	simm.s32 $0xB80;
	s1 =	sadd.s32 $0xFFFFFFFF, s0;
	s0 =	rddreg [dreg:$0x2]  }
0x30: {  	[tilespmem:s2], [sflag:$0x9] =	stream.linear.gather [hbm4b:s0+s2], $0xC00, $0x38;
	[tilespmem:$0xCC00] =	vst v63  }
0x31: {  	_ =	swait.ge [sflag:s31], $0xC00  }
0x32: {  	[sflag:s31] =	ssyncset.done $0x0  }
0x33: {  	[sflag:s31] =	ssyncadd.s32 $0xFFFFF400  }
0x34: {  	[tilespmem:s10], [sflag:$0x1] =	stream.indirect.gather [hbm4b:s3+s7], $0x80, s2, s7, $0xb8;
	[tilespmem:$0xCC00] =	vst v63  }
0x35: {  	s0 =	rddreg [dreg:$0x1a]  }
0x36: {  	[tilespmem:s6], [sflag:$0x2] =	stream.indirect.gather [hbm4b:s3+s7], $0x80, s0, s7, $0xb8;
	[tilespmem:$0xCC00] =	vst v63  }
0x37: {  	s17 =	smov.u32 s1;
	s1 =	rddreg [dreg:$0x1b]  }
0x38: {  	[tilespmem:s4], [sflag:$0x3] =	stream.indirect.gather [hbm4b:s3+s7], $0x80, s1, s7, $0xb8;
	[tilespmem:$0xCC00] =	vst v63  }
0x39: {  	_ =	swait.ge [sflag:s16], $0x3000  }
0x3a: {  	[sflag:s16] =	ssyncset.done $0x0  }
0x3b: {  	[sflag:s16] =	ssyncadd.s32 $0xFFFFD000  }
0x3c: {  	[hbm4b:s29+s2] =	stream.linear.scatter [tilespmem:s10], [sflag:$0x5], $0x3000, $0x38;
	[tilespmem:$0xCC00] =	vst v63  }
0x3d: {  	s1 =	rddreg [dreg:$0x1c]  }
0x3e: {  	[tilespmem:s5], [sflag:$0x4] =	stream.indirect.gather [hbm4b:s3+s7], $0x80, s1, s7, $0xb8;
	[tilespmem:$0xCC00] =	vst v63  }
0x3f: {  	_ =	swait.ge [sflag:s13], $0x3000  }
0x40: {  	[sflag:s13] =	ssyncset.done $0x0  }
0x41: {  	s1 =	rddreg [dreg:$0x3];
	[sflag:s13] =	ssyncadd.s32 $0xFFFFD000  }
0x42: {  	[hbm4b:s1+s2] =	stream.linear.scatter [tilespmem:s6], [sflag:$0x6], $0x3000, $0x38;
	[tilespmem:$0xCC00] =	vst v63  }
0x43: {  	_ =	swait.ge [sflag:s8], $0x3000  }
0x44: {  	[sflag:s8] =	ssyncset.done $0x0  }
0x45: {  	s1 =	rddreg [dreg:$0x1d];
	[sflag:s8] =	ssyncadd.s32 $0xFFFFD000  }
0x46: {  	[tilespmem:s10], [sflag:$0x1] =	stream.indirect.gather [hbm4b:s3+s7], $0x80, s1, s7, $0xb8;
	[tilespmem:$0xCC00] =	vst v63  }
0x47: {  	_ =	swait.ge [sflag:s14], $0x3000  }
0x48: {  	[sflag:s14] =	ssyncset.done $0x0  }
0x49: {  	s1 =	rddreg [dreg:$0x4];
	[sflag:s14] =	ssyncadd.s32 $0xFFFFD000  }
0x4a: {  	[hbm4b:s1+s2] =	stream.linear.scatter [tilespmem:s4], [sflag:$0x7], $0x3000, $0x38;
	[tilespmem:$0xCC00] =	vst v63  }
0x4b: {  	_ =	swait.ge [sflag:s9], $0x3000  }
0x4c: {  	[sflag:s9] =	ssyncset.done $0x0  }
0x4d: {  	s1 =	rddreg [dreg:$0x1e];
	[sflag:s9] =	ssyncadd.s32 $0xFFFFD000  }
0x4e: {  	[tilespmem:s6], [sflag:$0x2] =	stream.indirect.gather [hbm4b:s3+s7], $0x80, s1, s7, $0xb8;
	[tilespmem:$0xCC00] =	vst v63  }
0x4f: {  	_ =	swait.ge [sflag:s15], $0x3000  }
0x50: {  	[sflag:s15] =	ssyncset.done $0x0  }
0x51: {  	s1 =	rddreg [dreg:$0x5];
	[sflag:s15] =	ssyncadd.s32 $0xFFFFD000  }
0x52: {  	[hbm4b:s1+s2] =	stream.linear.scatter [tilespmem:s5], [sflag:$0x8], $0x3000, $0x38;
	[tilespmem:$0xCC00] =	vst v63  }
0x53: {  	_ =	swait.ge [sflag:s11], $0x3000  }
0x54: {  	[sflag:s11] =	ssyncset.done $0x0  }
0x55: {  	s1 =	rddreg [dreg:$0x1f];
	[sflag:s11] =	ssyncadd.s32 $0xFFFFD000  }
0x56: {  	[tilespmem:s4], [sflag:$0x3] =	stream.indirect.gather [hbm4b:s3+s7], $0x80, s1, s7, $0xb8;
	[tilespmem:$0xCC00] =	vst v63  }
0x57: {  	_ =	swait.ge [sflag:s16], $0x3000  }
0x58: {  	[sflag:s16] =	ssyncset.done $0x0  }
0x59: {  	s1 =	rddreg [dreg:$0x6];
	[sflag:s16] =	ssyncadd.s32 $0xFFFFD000  }
0x5a: {  	[hbm4b:s1+s2] =	stream.linear.scatter [tilespmem:s10], [sflag:$0x5], $0x3000, $0x38;
	[tilespmem:$0xCC00] =	vst v63  }
0x5b: {  	_ =	swait.ge [sflag:s12], $0x3000  }
0x5c: {  	s1 =	sld [smem:$0x7F9]  }
0x5d: {  	[sflag:s12] =	ssyncset.done $0x0  }
0x5e: {  	[sflag:s12] =	ssyncadd.s32 $0xFFFFD000  }
0x5f: {  	[tilespmem:s5], [sflag:$0x4] =	stream.indirect.gather [hbm4b:s3+s7], $0x80, s1, s7, $0xb8;
	[tilespmem:$0xCC00] =	vst v63  }
0x60: {  	_ =	swait.ge [sflag:s13], $0x3000  }
0x61: {  	[sflag:s13] =	ssyncset.done $0x0  }
0x62: {  	s1 =	rddreg [dreg:$0x7];
	[sflag:s13] =	ssyncadd.s32 $0xFFFFD000  }
0x63: {  	[hbm4b:s1+s2] =	stream.linear.scatter [tilespmem:s6], [sflag:$0x6], $0x3000, $0x38;
	[tilespmem:$0xCC00] =	vst v63  }
0x64: {  	_ =	swait.ge [sflag:s8], $0x3000  }
0x65: {  	s1 =	sld [smem:$0x7FA]  }
0x66: {  	[sflag:s8] =	ssyncset.done $0x0  }
0x67: {  	[sflag:s8] =	ssyncadd.s32 $0xFFFFD000  }
0x68: {  	[tilespmem:s10], [sflag:$0x1] =	stream.indirect.gather [hbm4b:s3+s7], $0x80, s1, s7, $0xb8;
	[tilespmem:$0xCC00] =	vst v63  }
0x69: {  	_ =	swait.ge [sflag:s14], $0x3000  }
0x6a: {  	[sflag:s14] =	ssyncset.done $0x0  }
0x6b: {  	s1 =	rddreg [dreg:$0x8];
	[sflag:s14] =	ssyncadd.s32 $0xFFFFD000  }
0x6c: {  	[hbm4b:s1+s2] =	stream.linear.scatter [tilespmem:s4], [sflag:$0x7], $0x3000, $0x38;
	[tilespmem:$0xCC00] =	vst v63  }
0x6d: {  	_ =	swait.ge [sflag:s9], $0x3000  }
0x6e: {  	s1 =	sld [smem:$0x7FB]  }
0x6f: {  	[sflag:s9] =	ssyncset.done $0x0  }
0x70: {  	[sflag:s9] =	ssyncadd.s32 $0xFFFFD000  }
0x71: {  	[tilespmem:s6], [sflag:$0x2] =	stream.indirect.gather [hbm4b:s3+s7], $0x80, s1, s7, $0xb8;
	[tilespmem:$0xCC00] =	vst v63  }
0x72: {  	_ =	swait.ge [sflag:s15], $0x3000  }
0x73: {  	[sflag:s15] =	ssyncset.done $0x0  }
0x74: {  	s1 =	rddreg [dreg:$0x9];
	[sflag:s15] =	ssyncadd.s32 $0xFFFFD000  }
0x75: {  	[hbm4b:s1+s2] =	stream.linear.scatter [tilespmem:s5], [sflag:$0x8], $0x3000, $0x38;
	[tilespmem:$0xCC00] =	vst v63  }
0x76: {  	_ =	swait.ge [sflag:s11], $0x3000  }
0x77: {  	s1 =	sld [smem:$0x7FC]  }
0x78: {  	[sflag:s11] =	ssyncset.done $0x0  }
0x79: {  	[sflag:s11] =	ssyncadd.s32 $0xFFFFD000  }
0x7a: {  	[tilespmem:s4], [sflag:$0x3] =	stream.indirect.gather [hbm4b:s3+s7], $0x80, s1, s7, $0xb8;
	[tilespmem:$0xCC00] =	vst v63  }
0x7b: {  	_ =	swait.ge [sflag:s16], $0x3000  }
0x7c: {  	[sflag:s16] =	ssyncset.done $0x0  }
0x7d: {  	s1 =	rddreg [dreg:$0xa];
	[sflag:s16] =	ssyncadd.s32 $0xFFFFD000  }
0x7e: {  	[hbm4b:s1+s2] =	stream.linear.scatter [tilespmem:s10], [sflag:$0x5], $0x3000, $0x38;
	[tilespmem:$0xCC00] =	vst v63  }
0x7f: {  	_ =	swait.ge [sflag:s12], $0x3000  }
0x80: {  	s1 =	sld [smem:$0x7FD]  }
0x81: {  	[sflag:s12] =	ssyncset.done $0x0  }
0x82: {  	[sflag:s12] =	ssyncadd.s32 $0xFFFFD000  }
0x83: {  	[tilespmem:s5], [sflag:$0x4] =	stream.indirect.gather [hbm4b:s3+s7], $0x80, s1, s7, $0xb8;
	[tilespmem:$0xCC00] =	vst v63  }
0x84: {  	_ =	swait.ge [sflag:s13], $0x3000  }
0x85: {  	[sflag:s13] =	ssyncset.done $0x0  }
0x86: {  	s1 =	rddreg [dreg:$0xb];
	[sflag:s13] =	ssyncadd.s32 $0xFFFFD000  }
0x87: {  	[hbm4b:s1+s2] =	stream.linear.scatter [tilespmem:s6], [sflag:$0x6], $0x3000, $0x38;
	[tilespmem:$0xCC00] =	vst v63  }
0x88: {  	_ =	swait.ge [sflag:s8], $0x3000  }
0x89: {  	[sflag:s8] =	ssyncset.done $0x0  }
0x8a: {  	s1 =	simm.s32 $0x600;
	[sflag:s8] =	ssyncadd.s32 $0xFFFFD000  }
0x8b: {  	[tilespmem:s10], [sflag:$0x1] =	stream.indirect.gather [hbm4b:s3+s7], $0x80, s1, s7, $0xb8;
	[tilespmem:$0xCC00] =	vst v63  }
0x8c: {  	_ =	swait.ge [sflag:s14], $0x3000  }
0x8d: {  	[sflag:s14] =	ssyncset.done $0x0  }
0x8e: {  	s1 =	rddreg [dreg:$0xc];
	[sflag:s14] =	ssyncadd.s32 $0xFFFFD000  }
0x8f: {  	[hbm4b:s1+s2] =	stream.linear.scatter [tilespmem:s4], [sflag:$0x7], $0x3000, $0x38;
	[tilespmem:$0xCC00] =	vst v63  }
0x90: {  	_ =	swait.ge [sflag:s9], $0x3000  }
0x91: {  	[sflag:s9] =	ssyncset.done $0x0  }
0x92: {  	[sflag:s9] =	ssyncadd.s32 $0xFFFFD000  }
0x93: {  	[tilespmem:s6], [sflag:$0x2] =	stream.indirect.gather [hbm4b:s3+s7], $0x80, s30, s7, $0xb8;
	[tilespmem:$0xCC00] =	vst v63  }
0x94: {  	_ =	swait.ge [sflag:s15], $0x3000  }
0x95: {  	[sflag:s15] =	ssyncset.done $0x0  }
0x96: {  	s1 =	rddreg [dreg:$0xd];
	[sflag:s15] =	ssyncadd.s32 $0xFFFFD000  }
0x97: {  	[hbm4b:s1+s2] =	stream.linear.scatter [tilespmem:s5], [sflag:$0x8], $0x3000, $0x38;
	[tilespmem:$0xCC00] =	vst v63  }
0x98: {  	_ =	swait.ge [sflag:s11], $0x3000  }
0x99: {  	[sflag:s11] =	ssyncset.done $0x0  }
0x9a: {  	[sflag:s11] =	ssyncadd.s32 $0xFFFFD000  }
0x9b: {  	[tilespmem:s4], [sflag:$0x3] =	stream.indirect.gather [hbm4b:s3+s7], $0x80, s28, s7, $0xb8;
	[tilespmem:$0xCC00] =	vst v63  }
0x9c: {  	_ =	swait.ge [sflag:s16], $0x3000  }
0x9d: {  	[sflag:s16] =	ssyncset.done $0x0  }
0x9e: {  	s1 =	rddreg [dreg:$0xe];
	[sflag:s16] =	ssyncadd.s32 $0xFFFFD000  }
0x9f: {  	[hbm4b:s1+s2] =	stream.linear.scatter [tilespmem:s10], [sflag:$0x5], $0x3000, $0x38;
	[tilespmem:$0xCC00] =	vst v63  }
0xa0: {  	_ =	swait.ge [sflag:s12], $0x3000  }
0xa1: {  	[sflag:s12] =	ssyncset.done $0x0  }
0xa2: {  	[sflag:s12] =	ssyncadd.s32 $0xFFFFD000  }
0xa3: {  	[tilespmem:s5], [sflag:$0x4] =	stream.indirect.gather [hbm4b:s3+s7], $0x80, s26, s7, $0xb8;
	[tilespmem:$0xCC00] =	vst v63  }
0xa4: {  	_ =	swait.ge [sflag:s13], $0x3000  }
0xa5: {  	[sflag:s13] =	ssyncset.done $0x0  }
0xa6: {  	s1 =	rddreg [dreg:$0xf];
	[sflag:s13] =	ssyncadd.s32 $0xFFFFD000  }
0xa7: {  	[hbm4b:s1+s2] =	stream.linear.scatter [tilespmem:s6], [sflag:$0x6], $0x3000, $0x38;
	[tilespmem:$0xCC00] =	vst v63  }
0xa8: {  	_ =	swait.ge [sflag:s8], $0x3000  }
0xa9: {  	[sflag:s8] =	ssyncset.done $0x0  }
0xaa: {  	[sflag:s8] =	ssyncadd.s32 $0xFFFFD000  }
0xab: {  	[tilespmem:s10], [sflag:$0x1] =	stream.indirect.gather [hbm4b:s3+s7], $0x80, s25, s7, $0xb8;
	[tilespmem:$0xCC00] =	vst v63  }
0xac: {  	_ =	swait.ge [sflag:s14], $0x3000  }
0xad: {  	[sflag:s14] =	ssyncset.done $0x0  }
0xae: {  	s1 =	rddreg [dreg:$0x10];
	[sflag:s14] =	ssyncadd.s32 $0xFFFFD000  }
0xaf: {  	[hbm4b:s1+s2] =	stream.linear.scatter [tilespmem:s4], [sflag:$0x7], $0x3000, $0x38;
	[tilespmem:$0xCC00] =	vst v63  }
0xb0: {  	_ =	swait.ge [sflag:s9], $0x3000  }
0xb1: {  	[sflag:s9] =	ssyncset.done $0x0  }
0xb2: {  	[sflag:s9] =	ssyncadd.s32 $0xFFFFD000  }
0xb3: {  	[tilespmem:s6], [sflag:$0x2] =	stream.indirect.gather [hbm4b:s3+s7], $0x80, s24, s7, $0xb8;
	[tilespmem:$0xCC00] =	vst v63  }
0xb4: {  	_ =	swait.ge [sflag:s15], $0x3000  }
0xb5: {  	[sflag:s15] =	ssyncset.done $0x0  }
0xb6: {  	s1 =	rddreg [dreg:$0x11];
	[sflag:s15] =	ssyncadd.s32 $0xFFFFD000  }
0xb7: {  	[hbm4b:s1+s2] =	stream.linear.scatter [tilespmem:s5], [sflag:$0x8], $0x3000, $0x38;
	[tilespmem:$0xCC00] =	vst v63  }
0xb8: {  	_ =	swait.ge [sflag:s11], $0x3000  }
0xb9: {  	[sflag:s11] =	ssyncset.done $0x0  }
0xba: {  	[sflag:s11] =	ssyncadd.s32 $0xFFFFD000  }
0xbb: {  	[tilespmem:s4], [sflag:$0x3] =	stream.indirect.gather [hbm4b:s3+s7], $0x80, s23, s7, $0xb8;
	[tilespmem:$0xCC00] =	vst v63  }
0xbc: {  	_ =	swait.ge [sflag:s16], $0x3000  }
0xbd: {  	[sflag:s16] =	ssyncset.done $0x0  }
0xbe: {  	s1 =	rddreg [dreg:$0x12];
	[sflag:s16] =	ssyncadd.s32 $0xFFFFD000  }
0xbf: {  	[hbm4b:s1+s2] =	stream.linear.scatter [tilespmem:s10], [sflag:$0x5], $0x3000, $0x38;
	[tilespmem:$0xCC00] =	vst v63  }
0xc0: {  	_ =	swait.ge [sflag:s12], $0x3000  }
0xc1: {  	[sflag:s12] =	ssyncset.done $0x0  }
0xc2: {  	[sflag:s12] =	ssyncadd.s32 $0xFFFFD000  }
0xc3: {  	[tilespmem:s5], [sflag:$0x4] =	stream.indirect.gather [hbm4b:s3+s7], $0x80, s22, s7, $0xb8;
	[tilespmem:$0xCC00] =	vst v63  }
0xc4: {  	_ =	swait.ge [sflag:s13], $0x3000  }
0xc5: {  	[sflag:s13] =	ssyncset.done $0x0  }
0xc6: {  	s1 =	rddreg [dreg:$0x13];
	[sflag:s13] =	ssyncadd.s32 $0xFFFFD000  }
0xc7: {  	[hbm4b:s1+s2] =	stream.linear.scatter [tilespmem:s6], [sflag:$0x6], $0x3000, $0x38;
	[tilespmem:$0xCC00] =	vst v63  }
0xc8: {  	_ =	swait.ge [sflag:s8], $0x3000  }
0xc9: {  	[sflag:s8] =	ssyncset.done $0x0  }
0xca: {  	[sflag:s8] =	ssyncadd.s32 $0xFFFFD000  }
0xcb: {  	[tilespmem:s10], [sflag:$0x1] =	stream.indirect.gather [hbm4b:s3+s7], $0x80, s21, s7, $0xb8;
	[tilespmem:$0xCC00] =	vst v63  }
0xcc: {  	_ =	swait.ge [sflag:s14], $0x3000  }
0xcd: {  	[sflag:s14] =	ssyncset.done $0x0  }
0xce: {  	s1 =	rddreg [dreg:$0x14];
	[sflag:s14] =	ssyncadd.s32 $0xFFFFD000  }
0xcf: {  	[hbm4b:s1+s2] =	stream.linear.scatter [tilespmem:s4], [sflag:$0x7], $0x3000, $0x38;
	[tilespmem:$0xCC00] =	vst v63  }
0xd0: {  	_ =	swait.ge [sflag:s9], $0x3000  }
0xd1: {  	[sflag:s9] =	ssyncset.done $0x0  }
0xd2: {  	[sflag:s9] =	ssyncadd.s32 $0xFFFFD000  }
0xd3: {  	[tilespmem:s6], [sflag:$0x2] =	stream.indirect.gather [hbm4b:s3+s7], $0x80, s20, s7, $0xb8;
	[tilespmem:$0xCC00] =	vst v63  }
0xd4: {  	_ =	swait.ge [sflag:s15], $0x3000  }
0xd5: {  	[sflag:s15] =	ssyncset.done $0x0  }
0xd6: {  	s1 =	rddreg [dreg:$0x15];
	[sflag:s15] =	ssyncadd.s32 $0xFFFFD000  }
0xd7: {  	[hbm4b:s1+s2] =	stream.linear.scatter [tilespmem:s5], [sflag:$0x8], $0x3000, $0x38;
	[tilespmem:$0xCC00] =	vst v63  }
0xd8: {  	_ =	swait.ge [sflag:s11], $0x3000  }
0xd9: {  	[sflag:s11] =	ssyncset.done $0x0  }
0xda: {  	[sflag:s11] =	ssyncadd.s32 $0xFFFFD000  }
0xdb: {  	[tilespmem:s4], [sflag:$0x3] =	stream.indirect.gather [hbm4b:s3+s7], $0x80, s19, s7, $0xb8;
	[tilespmem:$0xCC00] =	vst v63  }
0xdc: {  	_ =	swait.ge [sflag:s16], $0x3000  }
0xdd: {  	[sflag:s16] =	ssyncset.done $0x0  }
0xde: {  	s1 =	rddreg [dreg:$0x16];
	[sflag:s16] =	ssyncadd.s32 $0xFFFFD000  }
0xdf: {  	[hbm4b:s1+s2] =	stream.linear.scatter [tilespmem:s10], [sflag:$0x5], $0x3000, $0x38;
	[tilespmem:$0xCC00] =	vst v63  }
0xe0: {  	_ =	swait.ge [sflag:s12], $0x3000  }
0xe1: {  	[sflag:s12] =	ssyncset.done $0x0  }
0xe2: {  	[sflag:s12] =	ssyncadd.s32 $0xFFFFD000  }
0xe3: {  	[tilespmem:s5], [sflag:$0x4] =	stream.indirect.gather [hbm4b:s3+s7], $0x80, s18, s7, $0xb8;
	[tilespmem:$0xCC00] =	vst v63  }
0xe4: {  	_ =	swait.ge [sflag:s13], $0x3000  }
0xe5: {  	[sflag:s13] =	ssyncset.done $0x0  }
0xe6: {  	s1 =	rddreg [dreg:$0x17];
	[sflag:s13] =	ssyncadd.s32 $0xFFFFD000  }
0xe7: {  	[hbm4b:s1+s2] =	stream.linear.scatter [tilespmem:s6], [sflag:$0x6], $0x3000, $0x38;
	[tilespmem:$0xCC00] =	vst v63  }
0xe8: {  	_ =	swait.ge [sflag:s14], $0x3000  }
0xe9: {  	[sflag:s14] =	ssyncset.done $0x0  }
0xea: {  	s1 =	rddreg [dreg:$0x18];
	[sflag:s14] =	ssyncadd.s32 $0xFFFFD000  }
0xeb: {  	[hbm4b:s1+s2] =	stream.linear.scatter [tilespmem:s4], [sflag:$0x7], $0x3000, $0x38;
	[tilespmem:$0xCC00] =	vst v63  }
0xec: {  	_ =	swait.ge [sflag:s15], $0x3000  }
0xed: {  	[sflag:s15] =	ssyncset.done $0x0  }
0xee: {  	s1 =	rddreg [dreg:$0x19];
	[sflag:s15] =	ssyncadd.s32 $0xFFFFD000  }
0xef: {  	[hbm4b:s1+s2] =	stream.linear.scatter [tilespmem:s5], [sflag:$0x8], $0x3000, $0x38;
	[tilespmem:$0xCC00] =	vst v63  }
0xf0: {  	_ =	swait.ge [sflag:s8], $0x3000  }
0xf1: {  	[sflag:s8] =	ssyncset.done $0x0  }
0xf2: {  	[sflag:s8] =	ssyncadd.s32 $0xFFFFD000  }
0xf3: {  	_ =	swait.ge [sflag:s9], $0x3000  }
0xf4: {  	[sflag:s9] =	ssyncset.done $0x0  }
0xf5: {  	p1 =	sne.s32 s17, $0x1;
	[sflag:s9] =	ssyncadd.s32 $0xFFFFD000  }
.Ltmp1:
0xf6: {  	_ =	swait.ge [sflag:s11], $0x3000;
	(pc) =	sbr.rel @!p1 .LBB2_3-.Ltmp1, $4  }
0xf7: {  	[sflag:s11] =	ssyncset.done $0x0  }
0xf8: {  	[sflag:s11] =	ssyncadd.s32 $0xFFFFD000  }
0xf9: {  	p0 =	por $0x1, $0x1;
	_ =	swait.ge [sflag:s12], $0x3000  }
0xfa: {  	s1 =	sadd.s32 $0xFFFFFFFF, s17;
	s0 =	rddreg [dreg:$0x2];
	[sflag:s12] =	ssyncset.done $0x0  }
.LBB2_4:
0xfb: {  	[sflag:s12] =	ssyncadd.s32 $0xFFFFD000  }
0xfc: {  	[tilespmem:s2], [sflag:$0x9] =	stream.linear.gather [hbm4b:s0+s2], $0xC00, $0x38;
	[tilespmem:$0xCC00] =	vst v63  }
0xfd: {  	_ =	swait.ge [sflag:s31], $0xC00  }
0xfe: {  	[sflag:s31] =	ssyncset.done $0x0  }
0xff: {  	[sflag:s31] =	ssyncadd.s32 $0xFFFFF400  }
0x100: {  	[tilespmem:s10], [sflag:$0x1] =	stream.indirect.gather [hbm4b:s3+s7], $0x80, s2, s7, $0xb8;
	[tilespmem:$0xCC00] =	vst v63  }
0x101: {  	s0 =	rddreg [dreg:$0x1a]  }
0x102: {  	[tilespmem:s6], [sflag:$0x2] =	stream.indirect.gather [hbm4b:s3+s7], $0x80, s0, s7, $0xb8;
	[tilespmem:$0xCC00] =	vst v63  }
0x103: {  	s17 =	rddreg [dreg:$0x1b]  }
0x104: {  	[tilespmem:s4], [sflag:$0x3] =	stream.indirect.gather [hbm4b:s3+s7], $0x80, s17, s7, $0xb8;
	[tilespmem:$0xCC00] =	vst v63  }
0x105: {  	_ =	swait.ge [sflag:s16], $0x3000  }
0x106: {  	[sflag:s16] =	ssyncset.done $0x0  }
0x107: {  	[sflag:s16] =	ssyncadd.s32 $0xFFFFD000  }
0x108: {  	[hbm4b:s29+s2] =	stream.linear.scatter [tilespmem:s10], [sflag:$0x5], $0x3000, $0x38;
	[tilespmem:$0xCC00] =	vst v63  }
0x109: {  	s17 =	rddreg [dreg:$0x1c]  }
0x10a: {  	[tilespmem:s5], [sflag:$0x4] =	stream.indirect.gather [hbm4b:s3+s7], $0x80, s17, s7, $0xb8;
	[tilespmem:$0xCC00] =	vst v63  }
0x10b: {  	_ =	swait.ge [sflag:s13], $0x3000  }
0x10c: {  	[sflag:s13] =	ssyncset.done $0x0  }
0x10d: {  	s17 =	rddreg [dreg:$0x3];
	[sflag:s13] =	ssyncadd.s32 $0xFFFFD000  }
0x10e: {  	[hbm4b:s17+s2] =	stream.linear.scatter [tilespmem:s6], [sflag:$0x6], $0x3000, $0x38;
	[tilespmem:$0xCC00] =	vst v63  }
0x10f: {  	_ =	swait.ge [sflag:s8], $0x3000  }
0x110: {  	[sflag:s8] =	ssyncset.done $0x0  }
0x111: {  	s17 =	rddreg [dreg:$0x1d];
	[sflag:s8] =	ssyncadd.s32 $0xFFFFD000  }
0x112: {  	[tilespmem:s10], [sflag:$0x1] =	stream.indirect.gather [hbm4b:s3+s7], $0x80, s17, s7, $0xb8;
	[tilespmem:$0xCC00] =	vst v63  }
0x113: {  	_ =	swait.ge [sflag:s14], $0x3000  }
0x114: {  	[sflag:s14] =	ssyncset.done $0x0  }
0x115: {  	s17 =	rddreg [dreg:$0x4];
	[sflag:s14] =	ssyncadd.s32 $0xFFFFD000  }
0x116: {  	[hbm4b:s17+s2] =	stream.linear.scatter [tilespmem:s4], [sflag:$0x7], $0x3000, $0x38;
	[tilespmem:$0xCC00] =	vst v63  }
0x117: {  	_ =	swait.ge [sflag:s9], $0x3000  }
0x118: {  	[sflag:s9] =	ssyncset.done $0x0  }
0x119: {  	s17 =	rddreg [dreg:$0x1e];
	[sflag:s9] =	ssyncadd.s32 $0xFFFFD000  }
0x11a: {  	[tilespmem:s6], [sflag:$0x2] =	stream.indirect.gather [hbm4b:s3+s7], $0x80, s17, s7, $0xb8;
	[tilespmem:$0xCC00] =	vst v63  }
0x11b: {  	_ =	swait.ge [sflag:s15], $0x3000  }
0x11c: {  	[sflag:s15] =	ssyncset.done $0x0  }
0x11d: {  	s17 =	rddreg [dreg:$0x5];
	[sflag:s15] =	ssyncadd.s32 $0xFFFFD000  }
0x11e: {  	[hbm4b:s17+s2] =	stream.linear.scatter [tilespmem:s5], [sflag:$0x8], $0x3000, $0x38;
	[tilespmem:$0xCC00] =	vst v63  }
0x11f: {  	_ =	swait.ge [sflag:s11], $0x3000  }
0x120: {  	[sflag:s11] =	ssyncset.done $0x0  }
0x121: {  	s17 =	rddreg [dreg:$0x1f];
	[sflag:s11] =	ssyncadd.s32 $0xFFFFD000  }
0x122: {  	[tilespmem:s4], [sflag:$0x3] =	stream.indirect.gather [hbm4b:s3+s7], $0x80, s17, s7, $0xb8;
	[tilespmem:$0xCC00] =	vst v63  }
0x123: {  	_ =	swait.ge [sflag:s16], $0x3000  }
0x124: {  	[sflag:s16] =	ssyncset.done $0x0  }
0x125: {  	s17 =	rddreg [dreg:$0x6];
	[sflag:s16] =	ssyncadd.s32 $0xFFFFD000  }
0x126: {  	[hbm4b:s17+s2] =	stream.linear.scatter [tilespmem:s10], [sflag:$0x5], $0x3000, $0x38;
	[tilespmem:$0xCC00] =	vst v63  }
0x127: {  	_ =	swait.ge [sflag:s12], $0x3000  }
0x128: {  	s17 =	sld [smem:$0x7F9]  }
0x129: {  	[sflag:s12] =	ssyncset.done $0x0  }
0x12a: {  	[sflag:s12] =	ssyncadd.s32 $0xFFFFD000  }
0x12b: {  	[tilespmem:s5], [sflag:$0x4] =	stream.indirect.gather [hbm4b:s3+s7], $0x80, s17, s7, $0xb8;
	[tilespmem:$0xCC00] =	vst v63  }
0x12c: {  	_ =	swait.ge [sflag:s13], $0x3000  }
0x12d: {  	[sflag:s13] =	ssyncset.done $0x0  }
0x12e: {  	s17 =	rddreg [dreg:$0x7];
	[sflag:s13] =	ssyncadd.s32 $0xFFFFD000  }
0x12f: {  	[hbm4b:s17+s2] =	stream.linear.scatter [tilespmem:s6], [sflag:$0x6], $0x3000, $0x38;
	[tilespmem:$0xCC00] =	vst v63  }
0x130: {  	_ =	swait.ge [sflag:s8], $0x3000  }
0x131: {  	s17 =	sld [smem:$0x7FA]  }
0x132: {  	[sflag:s8] =	ssyncset.done $0x0  }
0x133: {  	[sflag:s8] =	ssyncadd.s32 $0xFFFFD000  }
0x134: {  	[tilespmem:s10], [sflag:$0x1] =	stream.indirect.gather [hbm4b:s3+s7], $0x80, s17, s7, $0xb8;
	[tilespmem:$0xCC00] =	vst v63  }
0x135: {  	_ =	swait.ge [sflag:s14], $0x3000  }
0x136: {  	[sflag:s14] =	ssyncset.done $0x0  }
0x137: {  	s17 =	rddreg [dreg:$0x8];
	[sflag:s14] =	ssyncadd.s32 $0xFFFFD000  }
0x138: {  	[hbm4b:s17+s2] =	stream.linear.scatter [tilespmem:s4], [sflag:$0x7], $0x3000, $0x38;
	[tilespmem:$0xCC00] =	vst v63  }
0x139: {  	_ =	swait.ge [sflag:s9], $0x3000  }
0x13a: {  	s17 =	sld [smem:$0x7FB]  }
0x13b: {  	[sflag:s9] =	ssyncset.done $0x0  }
0x13c: {  	[sflag:s9] =	ssyncadd.s32 $0xFFFFD000  }
0x13d: {  	[tilespmem:s6], [sflag:$0x2] =	stream.indirect.gather [hbm4b:s3+s7], $0x80, s17, s7, $0xb8;
	[tilespmem:$0xCC00] =	vst v63  }
0x13e: {  	_ =	swait.ge [sflag:s15], $0x3000  }
0x13f: {  	[sflag:s15] =	ssyncset.done $0x0  }
0x140: {  	s17 =	rddreg [dreg:$0x9];
	[sflag:s15] =	ssyncadd.s32 $0xFFFFD000  }
0x141: {  	[hbm4b:s17+s2] =	stream.linear.scatter [tilespmem:s5], [sflag:$0x8], $0x3000, $0x38;
	[tilespmem:$0xCC00] =	vst v63  }
0x142: {  	_ =	swait.ge [sflag:s11], $0x3000  }
0x143: {  	s17 =	sld [smem:$0x7FC]  }
0x144: {  	[sflag:s11] =	ssyncset.done $0x0  }
0x145: {  	[sflag:s11] =	ssyncadd.s32 $0xFFFFD000  }
0x146: {  	[tilespmem:s4], [sflag:$0x3] =	stream.indirect.gather [hbm4b:s3+s7], $0x80, s17, s7, $0xb8;
	[tilespmem:$0xCC00] =	vst v63  }
0x147: {  	_ =	swait.ge [sflag:s16], $0x3000  }
0x148: {  	[sflag:s16] =	ssyncset.done $0x0  }
0x149: {  	s17 =	rddreg [dreg:$0xa];
	[sflag:s16] =	ssyncadd.s32 $0xFFFFD000  }
0x14a: {  	[hbm4b:s17+s2] =	stream.linear.scatter [tilespmem:s10], [sflag:$0x5], $0x3000, $0x38;
	[tilespmem:$0xCC00] =	vst v63  }
0x14b: {  	_ =	swait.ge [sflag:s12], $0x3000  }
0x14c: {  	s17 =	sld [smem:$0x7FD]  }
0x14d: {  	[sflag:s12] =	ssyncset.done $0x0  }
0x14e: {  	[sflag:s12] =	ssyncadd.s32 $0xFFFFD000  }
0x14f: {  	[tilespmem:s5], [sflag:$0x4] =	stream.indirect.gather [hbm4b:s3+s7], $0x80, s17, s7, $0xb8;
	[tilespmem:$0xCC00] =	vst v63  }
0x150: {  	_ =	swait.ge [sflag:s13], $0x3000  }
0x151: {  	[sflag:s13] =	ssyncset.done $0x0  }
0x152: {  	s17 =	rddreg [dreg:$0xb];
	[sflag:s13] =	ssyncadd.s32 $0xFFFFD000  }
0x153: {  	[hbm4b:s17+s2] =	stream.linear.scatter [tilespmem:s6], [sflag:$0x6], $0x3000, $0x38;
	[tilespmem:$0xCC00] =	vst v63  }
0x154: {  	_ =	swait.ge [sflag:s8], $0x3000  }
0x155: {  	[sflag:s8] =	ssyncset.done $0x0  }
0x156: {  	s17 =	simm.s32 $0x600;
	[sflag:s8] =	ssyncadd.s32 $0xFFFFD000  }
0x157: {  	[tilespmem:s10], [sflag:$0x1] =	stream.indirect.gather [hbm4b:s3+s7], $0x80, s17, s7, $0xb8;
	[tilespmem:$0xCC00] =	vst v63  }
0x158: {  	_ =	swait.ge [sflag:s14], $0x3000  }
0x159: {  	[sflag:s14] =	ssyncset.done $0x0  }
0x15a: {  	s17 =	rddreg [dreg:$0xc];
	[sflag:s14] =	ssyncadd.s32 $0xFFFFD000  }
0x15b: {  	[hbm4b:s17+s2] =	stream.linear.scatter [tilespmem:s4], [sflag:$0x7], $0x3000, $0x38;
	[tilespmem:$0xCC00] =	vst v63  }
0x15c: {  	_ =	swait.ge [sflag:s9], $0x3000  }
0x15d: {  	[sflag:s9] =	ssyncset.done $0x0  }
0x15e: {  	[sflag:s9] =	ssyncadd.s32 $0xFFFFD000  }
0x15f: {  	[tilespmem:s6], [sflag:$0x2] =	stream.indirect.gather [hbm4b:s3+s7], $0x80, s30, s7, $0xb8;
	[tilespmem:$0xCC00] =	vst v63  }
0x160: {  	_ =	swait.ge [sflag:s15], $0x3000  }
0x161: {  	[sflag:s15] =	ssyncset.done $0x0  }
0x162: {  	s17 =	rddreg [dreg:$0xd];
	[sflag:s15] =	ssyncadd.s32 $0xFFFFD000  }
0x163: {  	[hbm4b:s17+s2] =	stream.linear.scatter [tilespmem:s5], [sflag:$0x8], $0x3000, $0x38;
	[tilespmem:$0xCC00] =	vst v63  }
0x164: {  	_ =	swait.ge [sflag:s11], $0x3000  }
0x165: {  	[sflag:s11] =	ssyncset.done $0x0  }
0x166: {  	[sflag:s11] =	ssyncadd.s32 $0xFFFFD000  }
0x167: {  	[tilespmem:s4], [sflag:$0x3] =	stream.indirect.gather [hbm4b:s3+s7], $0x80, s28, s7, $0xb8;
	[tilespmem:$0xCC00] =	vst v63  }
0x168: {  	_ =	swait.ge [sflag:s16], $0x3000  }
0x169: {  	[sflag:s16] =	ssyncset.done $0x0  }
0x16a: {  	s17 =	rddreg [dreg:$0xe];
	[sflag:s16] =	ssyncadd.s32 $0xFFFFD000  }
0x16b: {  	[hbm4b:s17+s2] =	stream.linear.scatter [tilespmem:s10], [sflag:$0x5], $0x3000, $0x38;
	[tilespmem:$0xCC00] =	vst v63  }
0x16c: {  	_ =	swait.ge [sflag:s12], $0x3000  }
0x16d: {  	[sflag:s12] =	ssyncset.done $0x0  }
0x16e: {  	[sflag:s12] =	ssyncadd.s32 $0xFFFFD000  }
0x16f: {  	[tilespmem:s5], [sflag:$0x4] =	stream.indirect.gather [hbm4b:s3+s7], $0x80, s26, s7, $0xb8;
	[tilespmem:$0xCC00] =	vst v63  }
0x170: {  	_ =	swait.ge [sflag:s13], $0x3000  }
0x171: {  	[sflag:s13] =	ssyncset.done $0x0  }
0x172: {  	s17 =	rddreg [dreg:$0xf];
	[sflag:s13] =	ssyncadd.s32 $0xFFFFD000  }
0x173: {  	[hbm4b:s17+s2] =	stream.linear.scatter [tilespmem:s6], [sflag:$0x6], $0x3000, $0x38;
	[tilespmem:$0xCC00] =	vst v63  }
0x174: {  	_ =	swait.ge [sflag:s8], $0x3000  }
0x175: {  	[sflag:s8] =	ssyncset.done $0x0  }
0x176: {  	[sflag:s8] =	ssyncadd.s32 $0xFFFFD000  }
0x177: {  	[tilespmem:s10], [sflag:$0x1] =	stream.indirect.gather [hbm4b:s3+s7], $0x80, s25, s7, $0xb8;
	[tilespmem:$0xCC00] =	vst v63  }
0x178: {  	_ =	swait.ge [sflag:s14], $0x3000  }
0x179: {  	[sflag:s14] =	ssyncset.done $0x0  }
0x17a: {  	s17 =	rddreg [dreg:$0x10];
	[sflag:s14] =	ssyncadd.s32 $0xFFFFD000  }
0x17b: {  	[hbm4b:s17+s2] =	stream.linear.scatter [tilespmem:s4], [sflag:$0x7], $0x3000, $0x38;
	[tilespmem:$0xCC00] =	vst v63  }
0x17c: {  	_ =	swait.ge [sflag:s9], $0x3000  }
0x17d: {  	[sflag:s9] =	ssyncset.done $0x0  }
0x17e: {  	[sflag:s9] =	ssyncadd.s32 $0xFFFFD000  }
0x17f: {  	[tilespmem:s6], [sflag:$0x2] =	stream.indirect.gather [hbm4b:s3+s7], $0x80, s24, s7, $0xb8;
	[tilespmem:$0xCC00] =	vst v63  }
0x180: {  	_ =	swait.ge [sflag:s15], $0x3000  }
0x181: {  	[sflag:s15] =	ssyncset.done $0x0  }
0x182: {  	s17 =	rddreg [dreg:$0x11];
	[sflag:s15] =	ssyncadd.s32 $0xFFFFD000  }
0x183: {  	[hbm4b:s17+s2] =	stream.linear.scatter [tilespmem:s5], [sflag:$0x8], $0x3000, $0x38;
	[tilespmem:$0xCC00] =	vst v63  }
0x184: {  	_ =	swait.ge [sflag:s11], $0x3000  }
0x185: {  	[sflag:s11] =	ssyncset.done $0x0  }
0x186: {  	[sflag:s11] =	ssyncadd.s32 $0xFFFFD000  }
0x187: {  	[tilespmem:s4], [sflag:$0x3] =	stream.indirect.gather [hbm4b:s3+s7], $0x80, s23, s7, $0xb8;
	[tilespmem:$0xCC00] =	vst v63  }
0x188: {  	_ =	swait.ge [sflag:s16], $0x3000  }
0x189: {  	[sflag:s16] =	ssyncset.done $0x0  }
0x18a: {  	s17 =	rddreg [dreg:$0x12];
	[sflag:s16] =	ssyncadd.s32 $0xFFFFD000  }
0x18b: {  	[hbm4b:s17+s2] =	stream.linear.scatter [tilespmem:s10], [sflag:$0x5], $0x3000, $0x38;
	[tilespmem:$0xCC00] =	vst v63  }
0x18c: {  	_ =	swait.ge [sflag:s12], $0x3000  }
0x18d: {  	[sflag:s12] =	ssyncset.done $0x0  }
0x18e: {  	[sflag:s12] =	ssyncadd.s32 $0xFFFFD000  }
0x18f: {  	[tilespmem:s5], [sflag:$0x4] =	stream.indirect.gather [hbm4b:s3+s7], $0x80, s22, s7, $0xb8;
	[tilespmem:$0xCC00] =	vst v63  }
0x190: {  	_ =	swait.ge [sflag:s13], $0x3000  }
0x191: {  	[sflag:s13] =	ssyncset.done $0x0  }
0x192: {  	s17 =	rddreg [dreg:$0x13];
	[sflag:s13] =	ssyncadd.s32 $0xFFFFD000  }
0x193: {  	[hbm4b:s17+s2] =	stream.linear.scatter [tilespmem:s6], [sflag:$0x6], $0x3000, $0x38;
	[tilespmem:$0xCC00] =	vst v63  }
0x194: {  	_ =	swait.ge [sflag:s8], $0x3000  }
0x195: {  	[sflag:s8] =	ssyncset.done $0x0  }
0x196: {  	[sflag:s8] =	ssyncadd.s32 $0xFFFFD000  }
0x197: {  	[tilespmem:s10], [sflag:$0x1] =	stream.indirect.gather [hbm4b:s3+s7], $0x80, s21, s7, $0xb8;
	[tilespmem:$0xCC00] =	vst v63  }
0x198: {  	_ =	swait.ge [sflag:s14], $0x3000  }
0x199: {  	[sflag:s14] =	ssyncset.done $0x0  }
0x19a: {  	s17 =	rddreg [dreg:$0x14];
	[sflag:s14] =	ssyncadd.s32 $0xFFFFD000  }
0x19b: {  	[hbm4b:s17+s2] =	stream.linear.scatter [tilespmem:s4], [sflag:$0x7], $0x3000, $0x38;
	[tilespmem:$0xCC00] =	vst v63  }
0x19c: {  	_ =	swait.ge [sflag:s9], $0x3000  }
0x19d: {  	[sflag:s9] =	ssyncset.done $0x0  }
0x19e: {  	[sflag:s9] =	ssyncadd.s32 $0xFFFFD000  }
0x19f: {  	[tilespmem:s6], [sflag:$0x2] =	stream.indirect.gather [hbm4b:s3+s7], $0x80, s20, s7, $0xb8;
	[tilespmem:$0xCC00] =	vst v63  }
0x1a0: {  	_ =	swait.ge [sflag:s15], $0x3000  }
0x1a1: {  	[sflag:s15] =	ssyncset.done $0x0  }
0x1a2: {  	s17 =	rddreg [dreg:$0x15];
	[sflag:s15] =	ssyncadd.s32 $0xFFFFD000  }
0x1a3: {  	[hbm4b:s17+s2] =	stream.linear.scatter [tilespmem:s5], [sflag:$0x8], $0x3000, $0x38;
	[tilespmem:$0xCC00] =	vst v63  }
0x1a4: {  	_ =	swait.ge [sflag:s11], $0x3000  }
0x1a5: {  	[sflag:s11] =	ssyncset.done $0x0  }
0x1a6: {  	[sflag:s11] =	ssyncadd.s32 $0xFFFFD000  }
0x1a7: {  	[tilespmem:s4], [sflag:$0x3] =	stream.indirect.gather [hbm4b:s3+s7], $0x80, s19, s7, $0xb8;
	[tilespmem:$0xCC00] =	vst v63  }
0x1a8: {  	_ =	swait.ge [sflag:s16], $0x3000  }
0x1a9: {  	[sflag:s16] =	ssyncset.done $0x0  }
0x1aa: {  	s17 =	rddreg [dreg:$0x16];
	[sflag:s16] =	ssyncadd.s32 $0xFFFFD000  }
0x1ab: {  	[hbm4b:s17+s2] =	stream.linear.scatter [tilespmem:s10], [sflag:$0x5], $0x3000, $0x38;
	[tilespmem:$0xCC00] =	vst v63  }
0x1ac: {  	_ =	swait.ge [sflag:s12], $0x3000  }
0x1ad: {  	[sflag:s12] =	ssyncset.done $0x0  }
0x1ae: {  	[sflag:s12] =	ssyncadd.s32 $0xFFFFD000  }
0x1af: {  	[tilespmem:s5], [sflag:$0x4] =	stream.indirect.gather [hbm4b:s3+s7], $0x80, s18, s7, $0xb8;
	[tilespmem:$0xCC00] =	vst v63  }
0x1b0: {  	_ =	swait.ge [sflag:s13], $0x3000  }
0x1b1: {  	[sflag:s13] =	ssyncset.done $0x0  }
0x1b2: {  	s17 =	rddreg [dreg:$0x17];
	[sflag:s13] =	ssyncadd.s32 $0xFFFFD000  }
0x1b3: {  	[hbm4b:s17+s2] =	stream.linear.scatter [tilespmem:s6], [sflag:$0x6], $0x3000, $0x38;
	[tilespmem:$0xCC00] =	vst v63  }
0x1b4: {  	_ =	swait.ge [sflag:s14], $0x3000  }
0x1b5: {  	[sflag:s14] =	ssyncset.done $0x0  }
0x1b6: {  	s17 =	rddreg [dreg:$0x18];
	[sflag:s14] =	ssyncadd.s32 $0xFFFFD000  }
0x1b7: {  	[hbm4b:s17+s2] =	stream.linear.scatter [tilespmem:s4], [sflag:$0x7], $0x3000, $0x38;
	[tilespmem:$0xCC00] =	vst v63  }
0x1b8: {  	_ =	swait.ge [sflag:s15], $0x3000  }
0x1b9: {  	[sflag:s15] =	ssyncset.done $0x0  }
0x1ba: {  	s17 =	rddreg [dreg:$0x19];
	[sflag:s15] =	ssyncadd.s32 $0xFFFFD000  }
0x1bb: {  	[hbm4b:s17+s2] =	stream.linear.scatter [tilespmem:s5], [sflag:$0x8], $0x3000, $0x38;
	[tilespmem:$0xCC00] =	vst v63  }
0x1bc: {  	_ =	swait.ge [sflag:s8], $0x3000  }
0x1bd: {  	[sflag:s8] =	ssyncset.done $0x0  }
0x1be: {  	[sflag:s8] =	ssyncadd.s32 $0xFFFFD000  }
0x1bf: {  	_ =	swait.ge [sflag:s9], $0x3000  }
0x1c0: {  	[sflag:s9] =	ssyncset.done $0x0  }
0x1c1: {  	p1 =	sne.s32 s1, $0x1;
	[sflag:s9] =	ssyncadd.s32 $0xFFFFD000  }
.Ltmp2:
0x1c2: {  	_ =	swait.ge [sflag:s11], $0x3000;
	(pc) =	sbr.rel @p1 .LBB2_4-.Ltmp2, $4  }
0x1c3: {  	[sflag:s11] =	ssyncset.done $0x0  }
0x1c4: {  	[sflag:s11] =	ssyncadd.s32 $0xFFFFD000  }
0x1c5: {  	_ =	swait.ge [sflag:s12], $0x3000  }
0x1c6: {  	s1 =	sadd.s32 $0xFFFFFFFF, s1;
	s0 =	rddreg [dreg:$0x2];
	[sflag:s12] =	ssyncset.done $0x0  }
0x1c7: {  	s18 =	simm.s32 $0x600;
	s30 =	simm.s32 $0x680;
	s28 =	simm.s32 $0x700  }
0x1c8: {  	s26 =	simm.s32 $0x780;
	s25 =	simm.s32 $0x800;
	s24 =	simm.s32 $0x880  }
0x1c9: {  	s23 =	simm.s32 $0x900;
	s22 =	simm.s32 $0x980;
	s21 =	simm.s32 $0xA00  }
0x1ca: {  	s20 =	simm.s32 $0xA80;
	s19 =	simm.s32 $0xB00;
	s17 =	stileid.u32  }
.LBB2_6:
0x1cb: {  	[sflag:s12] =	ssyncadd.s32 @p0 $0xFFFFD000  }
0x1cc: {  	[tilespmem:s2], [sflag:$0x9] =	stream.linear.gather [hbm4b:s0+s2], $0xC00, $0x38;
	[tilespmem:$0xCC00] =	vst v63  }
0x1cd: {  	_ =	swait.ge [sflag:s31], $0xC00  }
0x1ce: {  	[sflag:s31] =	ssyncset.done $0x0  }
0x1cf: {  	[sflag:s31] =	ssyncadd.s32 $0xFFFFF400  }
0x1d0: {  	[tilespmem:s10], [sflag:$0x1] =	stream.indirect.gather [hbm4b:s3+s7], $0x80, s2, s7, $0xb8;
	[tilespmem:$0xCC00] =	vst v63  }
0x1d1: {  	s31 =	rddreg [dreg:$0x1a]  }
0x1d2: {  	[tilespmem:s6], [sflag:$0x2] =	stream.indirect.gather [hbm4b:s3+s7], $0x80, s31, s7, $0xb8;
	[tilespmem:$0xCC00] =	vst v63  }
0x1d3: {  	s1 =	rddreg [dreg:$0x1b]  }
0x1d4: {  	[tilespmem:s4], [sflag:$0x3] =	stream.indirect.gather [hbm4b:s3+s7], $0x80, s1, s7, $0xb8;
	[tilespmem:$0xCC00] =	vst v63  }
0x1d5: {  	_ =	swait.ge [sflag:s16], $0x3000  }
0x1d6: {  	[sflag:s16] =	ssyncset.done $0x0  }
0x1d7: {  	[sflag:s16] =	ssyncadd.s32 $0xFFFFD000  }
0x1d8: {  	[hbm4b:s29+s2] =	stream.linear.scatter [tilespmem:s10], [sflag:$0x5], $0x3000, $0x38;
	[tilespmem:$0xCC00] =	vst v63  }
0x1d9: {  	s1 =	rddreg [dreg:$0x1c]  }
0x1da: {  	[tilespmem:s5], [sflag:$0x4] =	stream.indirect.gather [hbm4b:s3+s7], $0x80, s1, s7, $0xb8;
	[tilespmem:$0xCC00] =	vst v63  }
0x1db: {  	_ =	swait.ge [sflag:s13], $0x3000  }
0x1dc: {  	[sflag:s13] =	ssyncset.done $0x0  }
0x1dd: {  	s29 =	rddreg [dreg:$0x3];
	[sflag:s13] =	ssyncadd.s32 $0xFFFFD000  }
0x1de: {  	[hbm4b:s29+s2] =	stream.linear.scatter [tilespmem:s6], [sflag:$0x6], $0x3000, $0x38;
	[tilespmem:$0xCC00] =	vst v63  }
0x1df: {  	_ =	swait.ge [sflag:s8], $0x3000  }
0x1e0: {  	[sflag:s8] =	ssyncset.done $0x0  }
0x1e1: {  	s31 =	rddreg [dreg:$0x1d];
	[sflag:s8] =	ssyncadd.s32 $0xFFFFD000  }
0x1e2: {  	[tilespmem:s10], [sflag:$0x1] =	stream.indirect.gather [hbm4b:s3+s7], $0x80, s31, s7, $0xb8;
	[tilespmem:$0xCC00] =	vst v63  }
0x1e3: {  	_ =	swait.ge [sflag:s14], $0x3000  }
0x1e4: {  	[sflag:s14] =	ssyncset.done $0x0  }
0x1e5: {  	s1 =	rddreg [dreg:$0x4];
	[sflag:s14] =	ssyncadd.s32 $0xFFFFD000  }
0x1e6: {  	[hbm4b:s1+s2] =	stream.linear.scatter [tilespmem:s4], [sflag:$0x7], $0x3000, $0x38;
	[tilespmem:$0xCC00] =	vst v63  }
0x1e7: {  	_ =	swait.ge [sflag:s9], $0x3000  }
0x1e8: {  	[sflag:s9] =	ssyncset.done $0x0  }
0x1e9: {  	s29 =	rddreg [dreg:$0x1e];
	[sflag:s9] =	ssyncadd.s32 $0xFFFFD000  }
0x1ea: {  	[tilespmem:s6], [sflag:$0x2] =	stream.indirect.gather [hbm4b:s3+s7], $0x80, s29, s7, $0xb8;
	[tilespmem:$0xCC00] =	vst v63  }
0x1eb: {  	_ =	swait.ge [sflag:s15], $0x3000  }
0x1ec: {  	[sflag:s15] =	ssyncset.done $0x0  }
0x1ed: {  	s31 =	rddreg [dreg:$0x5];
	[sflag:s15] =	ssyncadd.s32 $0xFFFFD000  }
0x1ee: {  	[hbm4b:s31+s2] =	stream.linear.scatter [tilespmem:s5], [sflag:$0x8], $0x3000, $0x38;
	[tilespmem:$0xCC00] =	vst v63  }
0x1ef: {  	_ =	swait.ge [sflag:s11], $0x3000  }
0x1f0: {  	[sflag:s11] =	ssyncset.done $0x0  }
0x1f1: {  	s1 =	rddreg [dreg:$0x1f];
	[sflag:s11] =	ssyncadd.s32 $0xFFFFD000  }
0x1f2: {  	[tilespmem:s4], [sflag:$0x3] =	stream.indirect.gather [hbm4b:s3+s7], $0x80, s1, s7, $0xb8;
	[tilespmem:$0xCC00] =	vst v63  }
0x1f3: {  	_ =	swait.ge [sflag:s16], $0x3000  }
0x1f4: {  	[sflag:s16] =	ssyncset.done $0x0  }
0x1f5: {  	s29 =	rddreg [dreg:$0x6];
	[sflag:s16] =	ssyncadd.s32 $0xFFFFD000  }
0x1f6: {  	[hbm4b:s29+s2] =	stream.linear.scatter [tilespmem:s10], [sflag:$0x5], $0x3000, $0x38;
	[tilespmem:$0xCC00] =	vst v63  }
0x1f7: {  	_ =	swait.ge [sflag:s12], $0x3000  }
0x1f8: {  	s31 =	sld [smem:$0x7F9]  }
0x1f9: {  	[sflag:s12] =	ssyncset.done $0x0  }
0x1fa: {  	[sflag:s12] =	ssyncadd.s32 $0xFFFFD000  }
0x1fb: {  	[tilespmem:s5], [sflag:$0x4] =	stream.indirect.gather [hbm4b:s3+s7], $0x80, s31, s7, $0xb8;
	[tilespmem:$0xCC00] =	vst v63  }
0x1fc: {  	_ =	swait.ge [sflag:s13], $0x3000  }
0x1fd: {  	[sflag:s13] =	ssyncset.done $0x0  }
0x1fe: {  	s1 =	rddreg [dreg:$0x7];
	[sflag:s13] =	ssyncadd.s32 $0xFFFFD000  }
0x1ff: {  	[hbm4b:s1+s2] =	stream.linear.scatter [tilespmem:s6], [sflag:$0x6], $0x3000, $0x38;
	[tilespmem:$0xCC00] =	vst v63  }
0x200: {  	_ =	swait.ge [sflag:s8], $0x3000  }
0x201: {  	s29 =	sld [smem:$0x7FA]  }
0x202: {  	[sflag:s8] =	ssyncset.done $0x0  }
0x203: {  	[sflag:s8] =	ssyncadd.s32 $0xFFFFD000  }
0x204: {  	[tilespmem:s10], [sflag:$0x1] =	stream.indirect.gather [hbm4b:s3+s7], $0x80, s29, s7, $0xb8;
	[tilespmem:$0xCC00] =	vst v63  }
0x205: {  	_ =	swait.ge [sflag:s14], $0x3000  }
0x206: {  	[sflag:s14] =	ssyncset.done $0x0  }
0x207: {  	s31 =	rddreg [dreg:$0x8];
	[sflag:s14] =	ssyncadd.s32 $0xFFFFD000  }
0x208: {  	[hbm4b:s31+s2] =	stream.linear.scatter [tilespmem:s4], [sflag:$0x7], $0x3000, $0x38;
	[tilespmem:$0xCC00] =	vst v63  }
0x209: {  	_ =	swait.ge [sflag:s9], $0x3000  }
0x20a: {  	s1 =	sld [smem:$0x7FB]  }
0x20b: {  	[sflag:s9] =	ssyncset.done $0x0  }
0x20c: {  	[sflag:s9] =	ssyncadd.s32 $0xFFFFD000  }
0x20d: {  	[tilespmem:s6], [sflag:$0x2] =	stream.indirect.gather [hbm4b:s3+s7], $0x80, s1, s7, $0xb8;
	[tilespmem:$0xCC00] =	vst v63  }
0x20e: {  	_ =	swait.ge [sflag:s15], $0x3000  }
0x20f: {  	[sflag:s15] =	ssyncset.done $0x0  }
0x210: {  	s29 =	rddreg [dreg:$0x9];
	[sflag:s15] =	ssyncadd.s32 $0xFFFFD000  }
0x211: {  	[hbm4b:s29+s2] =	stream.linear.scatter [tilespmem:s5], [sflag:$0x8], $0x3000, $0x38;
	[tilespmem:$0xCC00] =	vst v63  }
0x212: {  	_ =	swait.ge [sflag:s11], $0x3000  }
0x213: {  	s31 =	sld [smem:$0x7FC]  }
0x214: {  	[sflag:s11] =	ssyncset.done $0x0  }
0x215: {  	[sflag:s11] =	ssyncadd.s32 $0xFFFFD000  }
0x216: {  	[tilespmem:s4], [sflag:$0x3] =	stream.indirect.gather [hbm4b:s3+s7], $0x80, s31, s7, $0xb8;
	[tilespmem:$0xCC00] =	vst v63  }
0x217: {  	_ =	swait.ge [sflag:s16], $0x3000  }
0x218: {  	[sflag:s16] =	ssyncset.done $0x0  }
0x219: {  	s1 =	rddreg [dreg:$0xa];
	[sflag:s16] =	ssyncadd.s32 $0xFFFFD000  }
0x21a: {  	[hbm4b:s1+s2] =	stream.linear.scatter [tilespmem:s10], [sflag:$0x5], $0x3000, $0x38;
	[tilespmem:$0xCC00] =	vst v63  }
0x21b: {  	_ =	swait.ge [sflag:s12], $0x3000  }
0x21c: {  	s29 =	sld [smem:$0x7FD]  }
0x21d: {  	[sflag:s12] =	ssyncset.done $0x0  }
0x21e: {  	[sflag:s12] =	ssyncadd.s32 $0xFFFFD000  }
0x21f: {  	[tilespmem:s5], [sflag:$0x4] =	stream.indirect.gather [hbm4b:s3+s7], $0x80, s29, s7, $0xb8;
	[tilespmem:$0xCC00] =	vst v63  }
0x220: {  	_ =	swait.ge [sflag:s13], $0x3000  }
0x221: {  	[sflag:s13] =	ssyncset.done $0x0  }
0x222: {  	s31 =	rddreg [dreg:$0xb];
	[sflag:s13] =	ssyncadd.s32 $0xFFFFD000  }
0x223: {  	[hbm4b:s31+s2] =	stream.linear.scatter [tilespmem:s6], [sflag:$0x6], $0x3000, $0x38;
	[tilespmem:$0xCC00] =	vst v63  }
0x224: {  	_ =	swait.ge [sflag:s8], $0x3000  }
0x225: {  	[sflag:s8] =	ssyncset.done $0x0  }
0x226: {  	[sflag:s8] =	ssyncadd.s32 $0xFFFFD000  }
0x227: {  	[tilespmem:s10], [sflag:$0x1] =	stream.indirect.gather [hbm4b:s3+s7], $0x80, s18, s7, $0xb8;
	[tilespmem:$0xCC00] =	vst v63  }
0x228: {  	_ =	swait.ge [sflag:s14], $0x3000  }
0x229: {  	[sflag:s14] =	ssyncset.done $0x0  }
0x22a: {  	s1 =	rddreg [dreg:$0xc];
	[sflag:s14] =	ssyncadd.s32 $0xFFFFD000  }
0x22b: {  	[hbm4b:s1+s2] =	stream.linear.scatter [tilespmem:s4], [sflag:$0x7], $0x3000, $0x38;
	[tilespmem:$0xCC00] =	vst v63  }
0x22c: {  	_ =	swait.ge [sflag:s9], $0x3000  }
0x22d: {  	[sflag:s9] =	ssyncset.done $0x0  }
0x22e: {  	[sflag:s9] =	ssyncadd.s32 $0xFFFFD000  }
0x22f: {  	[tilespmem:s6], [sflag:$0x2] =	stream.indirect.gather [hbm4b:s3+s7], $0x80, s30, s7, $0xb8;
	[tilespmem:$0xCC00] =	vst v63  }
0x230: {  	_ =	swait.ge [sflag:s15], $0x3000  }
0x231: {  	[sflag:s15] =	ssyncset.done $0x0  }
0x232: {  	s18 =	rddreg [dreg:$0xd];
	[sflag:s15] =	ssyncadd.s32 $0xFFFFD000  }
0x233: {  	[hbm4b:s18+s2] =	stream.linear.scatter [tilespmem:s5], [sflag:$0x8], $0x3000, $0x38;
	[tilespmem:$0xCC00] =	vst v63  }
0x234: {  	_ =	swait.ge [sflag:s11], $0x3000  }
0x235: {  	[sflag:s11] =	ssyncset.done $0x0  }
0x236: {  	[sflag:s11] =	ssyncadd.s32 $0xFFFFD000  }
0x237: {  	[tilespmem:s4], [sflag:$0x3] =	stream.indirect.gather [hbm4b:s3+s7], $0x80, s28, s7, $0xb8;
	[tilespmem:$0xCC00] =	vst v63  }
0x238: {  	_ =	swait.ge [sflag:s16], $0x3000  }
0x239: {  	[sflag:s16] =	ssyncset.done $0x0  }
0x23a: {  	s29 =	rddreg [dreg:$0xe];
	[sflag:s16] =	ssyncadd.s32 $0xFFFFD000  }
0x23b: {  	[hbm4b:s29+s2] =	stream.linear.scatter [tilespmem:s10], [sflag:$0x5], $0x3000, $0x38;
	[tilespmem:$0xCC00] =	vst v63  }
0x23c: {  	_ =	swait.ge [sflag:s12], $0x3000  }
0x23d: {  	[sflag:s12] =	ssyncset.done $0x0  }
0x23e: {  	[sflag:s12] =	ssyncadd.s32 $0xFFFFD000  }
0x23f: {  	[tilespmem:s5], [sflag:$0x4] =	stream.indirect.gather [hbm4b:s3+s7], $0x80, s26, s7, $0xb8;
	[tilespmem:$0xCC00] =	vst v63  }
0x240: {  	_ =	swait.ge [sflag:s13], $0x3000  }
0x241: {  	[sflag:s13] =	ssyncset.done $0x0  }
0x242: {  	s30 =	rddreg [dreg:$0xf];
	[sflag:s13] =	ssyncadd.s32 $0xFFFFD000  }
0x243: {  	[hbm4b:s30+s2] =	stream.linear.scatter [tilespmem:s6], [sflag:$0x6], $0x3000, $0x38;
	[tilespmem:$0xCC00] =	vst v63  }
0x244: {  	_ =	swait.ge [sflag:s8], $0x3000  }
0x245: {  	[sflag:s8] =	ssyncset.done $0x0  }
0x246: {  	[sflag:s8] =	ssyncadd.s32 $0xFFFFD000  }
0x247: {  	[tilespmem:s10], [sflag:$0x1] =	stream.indirect.gather [hbm4b:s3+s7], $0x80, s25, s7, $0xb8;
	[tilespmem:$0xCC00] =	vst v63  }
0x248: {  	_ =	swait.ge [sflag:s14], $0x3000  }
0x249: {  	[sflag:s14] =	ssyncset.done $0x0  }
0x24a: {  	s31 =	rddreg [dreg:$0x10];
	[sflag:s14] =	ssyncadd.s32 $0xFFFFD000  }
0x24b: {  	[hbm4b:s31+s2] =	stream.linear.scatter [tilespmem:s4], [sflag:$0x7], $0x3000, $0x38;
	[tilespmem:$0xCC00] =	vst v63  }
0x24c: {  	_ =	swait.ge [sflag:s9], $0x3000  }
0x24d: {  	[sflag:s9] =	ssyncset.done $0x0  }
0x24e: {  	[sflag:s9] =	ssyncadd.s32 $0xFFFFD000  }
0x24f: {  	[tilespmem:s6], [sflag:$0x2] =	stream.indirect.gather [hbm4b:s3+s7], $0x80, s24, s7, $0xb8;
	[tilespmem:$0xCC00] =	vst v63  }
0x250: {  	_ =	swait.ge [sflag:s15], $0x3000  }
0x251: {  	[sflag:s15] =	ssyncset.done $0x0  }
0x252: {  	s1 =	rddreg [dreg:$0x11];
	[sflag:s15] =	ssyncadd.s32 $0xFFFFD000  }
0x253: {  	[hbm4b:s1+s2] =	stream.linear.scatter [tilespmem:s5], [sflag:$0x8], $0x3000, $0x38;
	[tilespmem:$0xCC00] =	vst v63  }
0x254: {  	_ =	swait.ge [sflag:s11], $0x3000  }
0x255: {  	[sflag:s11] =	ssyncset.done $0x0  }
0x256: {  	[sflag:s11] =	ssyncadd.s32 $0xFFFFD000  }
0x257: {  	[tilespmem:s4], [sflag:$0x3] =	stream.indirect.gather [hbm4b:s3+s7], $0x80, s23, s7, $0xb8;
	[tilespmem:$0xCC00] =	vst v63  }
0x258: {  	_ =	swait.ge [sflag:s16], $0x3000  }
0x259: {  	[sflag:s16] =	ssyncset.done $0x0  }
0x25a: {  	s18 =	rddreg [dreg:$0x12];
	[sflag:s16] =	ssyncadd.s32 $0xFFFFD000  }
0x25b: {  	[hbm4b:s18+s2] =	stream.linear.scatter [tilespmem:s10], [sflag:$0x5], $0x3000, $0x38;
	[tilespmem:$0xCC00] =	vst v63  }
0x25c: {  	_ =	swait.ge [sflag:s12], $0x3000  }
0x25d: {  	[sflag:s12] =	ssyncset.done $0x0  }
0x25e: {  	[sflag:s12] =	ssyncadd.s32 $0xFFFFD000  }
0x25f: {  	[tilespmem:s5], [sflag:$0x4] =	stream.indirect.gather [hbm4b:s3+s7], $0x80, s22, s7, $0xb8;
	[tilespmem:$0xCC00] =	vst v63  }
0x260: {  	_ =	swait.ge [sflag:s13], $0x3000  }
0x261: {  	[sflag:s13] =	ssyncset.done $0x0  }
0x262: {  	s23 =	rddreg [dreg:$0x13];
	[sflag:s13] =	ssyncadd.s32 $0xFFFFD000  }
0x263: {  	[hbm4b:s23+s2] =	stream.linear.scatter [tilespmem:s6], [sflag:$0x6], $0x3000, $0x38;
	[tilespmem:$0xCC00] =	vst v63  }
0x264: {  	_ =	swait.ge [sflag:s8], $0x3000  }
0x265: {  	[sflag:s8] =	ssyncset.done $0x0  }
0x266: {  	[sflag:s8] =	ssyncadd.s32 $0xFFFFD000  }
0x267: {  	[tilespmem:s10], [sflag:$0x1] =	stream.indirect.gather [hbm4b:s3+s7], $0x80, s21, s7, $0xb8;
	[tilespmem:$0xCC00] =	vst v63  }
0x268: {  	_ =	swait.ge [sflag:s14], $0x3000  }
0x269: {  	[sflag:s14] =	ssyncset.done $0x0  }
0x26a: {  	s24 =	rddreg [dreg:$0x14];
	[sflag:s14] =	ssyncadd.s32 $0xFFFFD000  }
0x26b: {  	[hbm4b:s24+s2] =	stream.linear.scatter [tilespmem:s4], [sflag:$0x7], $0x3000, $0x38;
	[tilespmem:$0xCC00] =	vst v63  }
0x26c: {  	_ =	swait.ge [sflag:s9], $0x3000  }
0x26d: {  	[sflag:s9] =	ssyncset.done $0x0  }
0x26e: {  	[sflag:s9] =	ssyncadd.s32 $0xFFFFD000  }
0x26f: {  	[tilespmem:s6], [sflag:$0x2] =	stream.indirect.gather [hbm4b:s3+s7], $0x80, s20, s7, $0xb8;
	[tilespmem:$0xCC00] =	vst v63  }
0x270: {  	_ =	swait.ge [sflag:s15], $0x3000  }
0x271: {  	[sflag:s15] =	ssyncset.done $0x0  }
0x272: {  	s25 =	rddreg [dreg:$0x15];
	[sflag:s15] =	ssyncadd.s32 $0xFFFFD000  }
0x273: {  	[hbm4b:s25+s2] =	stream.linear.scatter [tilespmem:s5], [sflag:$0x8], $0x3000, $0x38;
	[tilespmem:$0xCC00] =	vst v63  }
0x274: {  	_ =	swait.ge [sflag:s11], $0x3000  }
0x275: {  	[sflag:s11] =	ssyncset.done $0x0  }
0x276: {  	[sflag:s11] =	ssyncadd.s32 $0xFFFFD000  }
0x277: {  	[tilespmem:s4], [sflag:$0x3] =	stream.indirect.gather [hbm4b:s3+s7], $0x80, s19, s7, $0xb8;
	[tilespmem:$0xCC00] =	vst v63  }
0x278: {  	_ =	swait.ge [sflag:s16], $0x3000  }
0x279: {  	[sflag:s16] =	ssyncset.done $0x0  }
0x27a: {  	s26 =	rddreg [dreg:$0x16];
	[sflag:s16] =	ssyncadd.s32 $0xFFFFD000  }
0x27b: {  	[hbm4b:s26+s2] =	stream.linear.scatter [tilespmem:s10], [sflag:$0x5], $0x3000, $0x38;
	[tilespmem:$0xCC00] =	vst v63  }
0x27c: {  	_ =	swait.ge [sflag:s12], $0x3000  }
0x27d: {  	[sflag:s12] =	ssyncset.done $0x0  }
0x27e: {  	s28 =	simm.s32 $0xB80;
	[sflag:s12] =	ssyncadd.s32 $0xFFFFD000  }
0x27f: {  	[tilespmem:s5], [sflag:$0x4] =	stream.indirect.gather [hbm4b:s3+s7], $0x80, s28, s7, $0xb8;
	[tilespmem:$0xCC00] =	vst v63  }
0x280: {  	_ =	swait.ge [sflag:s13], $0x3000  }
0x281: {  	[sflag:s13] =	ssyncset.done $0x0  }
0x282: {  	s29 =	rddreg [dreg:$0x17];
	[sflag:s13] =	ssyncadd.s32 $0xFFFFD000  }
0x283: {  	[hbm4b:s29+s2] =	stream.linear.scatter [tilespmem:s6], [sflag:$0x6], $0x3000, $0x38;
	[tilespmem:$0xCC00] =	vst v63  }
0x284: {  	_ =	swait.ge [sflag:s14], $0x3000  }
0x285: {  	[sflag:s14] =	ssyncset.done $0x0  }
0x286: {  	s30 =	rddreg [dreg:$0x18];
	[sflag:s14] =	ssyncadd.s32 $0xFFFFD000  }
0x287: {  	[hbm4b:s30+s2] =	stream.linear.scatter [tilespmem:s4], [sflag:$0x7], $0x3000, $0x38;
	[tilespmem:$0xCC00] =	vst v63  }
0x288: {  	_ =	swait.ge [sflag:s15], $0x3000  }
0x289: {  	[sflag:s15] =	ssyncset.done $0x0  }
0x28a: {  	s31 =	rddreg [dreg:$0x19];
	[sflag:s15] =	ssyncadd.s32 $0xFFFFD000  }
0x28b: {  	[hbm4b:s31+s2] =	stream.linear.scatter [tilespmem:s5], [sflag:$0x8], $0x3000, $0x38;
	[tilespmem:$0xCC00] =	vst v63  }
0x28c: {  	_ =	swait.ge [sflag:s8], $0x3000  }
0x28d: {  	[sflag:s8] =	ssyncset.done $0x0  }
0x28e: {  	[sflag:s8] =	ssyncadd.s32 $0xFFFFD000  }
0x28f: {  	_ =	swait.ge [sflag:s9], $0x3000  }
0x290: {  	[sflag:s9] =	ssyncset.done $0x0  }
0x291: {  	[sflag:s9] =	ssyncadd.s32 $0xFFFFD000  }
0x292: {  	_ =	swait.ge [sflag:s11], $0x3000  }
0x293: {  	[sflag:s11] =	ssyncset.done $0x0  }
0x294: {  	[sflag:s11] =	ssyncadd.s32 $0xFFFFD000  }
0x295: {  	_ =	swait.ge [sflag:s12], $0x3000  }
0x296: {  	[sflag:s12] =	ssyncset.done $0x0  }
0x297: {  	[sflag:s12] =	ssyncadd.s32 $0xFFFFD000  }
0x298: {  	_ =	sfence.sel $0x180000  }
0x299: {  	[bflag:$0x0] =	sbarrier.arrive $0xFFFF  }
0x29a: {  	_ =	strace $0x90000047  }
0x29b: {  	[bflag:$0x2] =	sbarrier.arrive $0xFFFF  }
0x29c: {  	p0 =	sne.s32 s17, $0x0;
	s0 =	rddreg [dreg:$0x1]  }
0x29d: {  	s0 =	sadd.s32 @!p0 $0x100000, s0  }
0x29e: {  	[sflag:s0] =	ssyncadd.tile.s32 @!p0 $0x1;
	_ =	shalt  }
.LBB2_1:
.Ltmp3:
0x29f: {  	(pc) =	sbr.rel .LBB2_6-.Ltmp3, $4  }
0x2a0: {  	s18 =	simm.s32 $0x600;
	s30 =	simm.s32 $0x680  }
0x2a1: {  	s28 =	simm.s32 $0x700;
	s26 =	simm.s32 $0x780;
	s25 =	simm.s32 $0x800  }
0x2a2: {  	s24 =	simm.s32 $0x880;
	s23 =	simm.s32 $0x900;
	s22 =	simm.s32 $0x980  }
0x2a3: {  	s21 =	simm.s32 $0xA00;
	s20 =	simm.s32 $0xA80;
	s19 =	simm.s32 $0xB00  }
.LBB2_3:
.Ltmp4:
0x2a4: {  	(pc) =	sbr.rel .LBB2_6-.Ltmp4, $4  }
0x2a5: {  	s18 =	simm.s32 $0x600;
	s30 =	simm.s32 $0x680;
	s28 =	simm.s32 $0x700  }
0x2a6: {  	s26 =	simm.s32 $0x780;
	s25 =	simm.s32 $0x800;
	s24 =	simm.s32 $0x880  }
0x2a7: {  	s23 =	simm.s32 $0x900;
	s22 =	simm.s32 $0x980;
	s21 =	simm.s32 $0xA00  }
0x2a8: {  	s20 =	simm.s32 $0xA80;
	s19 =	simm.s32 $0xB00;
	s17 =	stileid.u32  }
.Lfunc_end2:
_tile_overlayer_lowered:
.L_overlay_start_2:
0x2a9: {  	(tag) =	ssettag $0x2  }
0x2aa: {  	s0 =	rddreg [dreg:$0x0];
	s2 =	stileid.u32  }
0x2ab: {  	s1 =	rddreg [dreg:$0x1];
	p0 =	sne.s32 s2, $0x0  }
0x2ac: {  	s3 =	rddreg [dreg:$0x2];
	[bflag:$0x3] =	sbarrier.arrive $0xFFFF;
	s2 =	simm.s32 @!p0 $0x1C09  }
0x2ad: {  	[timem:s3], [sflag:s2] =	dma.local @!p0 [hbm:s0], s1  }
0x2ae: {  	s0 =	simm.s32 @!p0 $0x9  }
0x2af: {  	_ =	swait.ge @!p0 [sflag:s0], s1  }
0x2b0: {  	s1 =	ssub.s32 @!p0 $0x0, s1;
	[sflag:s0] =	ssyncset.done @!p0 $0x0  }
0x2b1: {  	[sflag:s0] =	ssyncadd.s32 @!p0 s1  }
0x2b2: {  	[bflag:$0x3] =	sbarrier.arrive $0xFFFF  }
0x2b3: {  	_ =	shalt  }

// kernel: kernel.13.cloned.1.call-start
scs
__scs_entry_jumppad:
0x0: {  	(pc) =	sbr.rel $0x88, $3  }
0x1: {  	(tag) =	ssettag $0x0;
	lr =	simm.s32 $0x1  }
0x2: {  	[smem:$0x3F8A] =	sst lr;
	_ =	strace $0xD0000000  }
0x3: {  	_ = 	snop  }
0x4: {  	_ = 	snop  }
0x5: {  	_ = 	snop  }
0x6: {  	_ = 	snop  }
0x7: {  	_ = 	snop  }
__scs_overlays_trampoline_lowered:
0x8: {  	[smem:$0x3F99] =	sst s0  }
0x9: {  	[smem:$0x3F9A] =	sst s1  }
0xa: {  	[smem:$0x3F9B] =	sst s2  }
0xb: {  	[smem:$0x3F9C] =	sst s3  }
0xc: {  	[smem:$0x3F9D] =	sst s4  }
0xd: {  	[smem:$0x3F9E] =	sst s5  }
0xe: {  	[smem:$0x3F9F] =	sst s6  }
0xf: {  	[smem:$0x3FA0] =	sst s7  }
0x10: {  	[smem:$0x3FA1] =	sst s8  }
0x11: {  	[smem:$0x3FA2] =	sst s9;
	s0 =	simm.s32 @!p0 $0x0  }
0x12: {  	s1 =	sld [smem:$0x3F88];
	s0 =	simm.s32 @p0 $0x1  }
0x13: {  	[smem:$0x3FA3] =	sst s0;
	s0 =	simm.s32 @!p1 $0x0  }
0x14: {  	s2 =	sld [smem:$0x3F87];
	s0 =	simm.s32 @p1 $0x1  }
0x15: {  	[smem:$0x3FA4] =	sst s0;
	s0 =	simm.s32 @!p2 $0x0  }
0x16: {  	s3 =	sld [smem:$0x3FDB];
	s0 =	simm.s32 @p2 $0x1  }
0x17: {  	s4 =	simm.s32 $0x1BF5;
	[smem:$0x3FA6] =	sst s0  }
0x18: {  	s0 =	sld [smem:$0x3F89];
	_ =	swait.ge [sflag:s4], $0x0  }
0x19: {  	s7 =	sld [smem:$0x3F8A]  }
0x1a: {  	s8 =	sadd.s32 $0xFFFFE003, lr  }
0x1b: {  	s9 =	sadd.s32 $0xFFFFFEF7, lr;
	s5 =	simm.s32 $0xFFFFFFFF;
	p2 =	slt.u32 s8, $0xFFFFF086  }
0x1c: {  	p1 =	slt.u32 s9, $0xF7A;
	s5 =	simm.s32 @!p2 $0x0  }
0x1d: {  	s5 =	simm.s32 @p1 $0x1;
	p0 =	seq.s32 s7, s2  }
0x1e: {  	s7 =	smul.u32 @!p0 $0xF7A, s2;
	p2 =	seq.s32 @!p0 s5, $0x0  }
0x1f: {  	s9 =	smul.u32 $0xF7A, s1;
	s8 =	simm.s32 @!p0 $0x1BF5;
	p2 =	por !p2, p0  }
0x20: {  	[sflag:s8] =	ssyncset.s32 @!p0 $0xFFFFF086;
	s6 =	sadd.s32 @!p0 s3, s7;
	s7 =	simm.s32 @!p0 $0x108  }
0x21: {  	s3 =	sadd.s32 s3, s9;
	s6 =	sadd.s32 @!p0 $0x88, s6;
	s7 =	simm.s32 @p2 $0x1082  }
0x22: {  	[simem:s7], [sflag:s8] =	dma.local @!p0 [hbm:s6], $0xF7A  }
0x23: {  	s9 =	sor.u32 $0xD0000000, s2;
	s6 =	simm.s32 $0x108;
	_ =	swait.ge @!p0 [sflag:s8], $0x0  }
0x24: {  	s3 =	sadd.s32 $0x88, s3;
	s6 =	simm.s32 @!p1 $0x1082;
	[sflag:s4] =	ssyncset.s32 $0xFFFFF086  }
0x25: {  	[simem:s6], [sflag:s4] =	dma.local [hbm:s3], $0xF7A  }
0x26: {  	[smem:$0x3F8A] =	sst s1;
	(tag) =	ssettag s2;
	_ =	strace s9  }
0x27: {  	s1 =	sld [smem:$0x3F9A]  }
0x28: {  	s2 =	sld [smem:$0x3F9B]  }
0x29: {  	s4 =	sld [smem:$0x3F9D]  }
0x2a: {  	p0 =	seq.s32 s5, $0x0;
	s5 =	sld [smem:$0x3F9E]  }
0x2b: {  	s6 =	sld [smem:$0x3F9F]  }
0x2c: {  	s7 =	sld [smem:$0x3FA0]  }
0x2d: {  	s3 =	simm.s32 $0x108;
	s8 =	sld [smem:$0x3FA1]  }
0x2e: {  	s3 =	simm.s32 @!p0 $0x1082;
	s9 =	sld [smem:$0x3FA2]  }
0x2f: {  	lr =	sadd.s32 s0, s3;
	s0 =	sld [smem:$0x3F99]  }
0x30: {  	s3 =	sld [smem:$0x3F9C]  }
0x31: {  	[smem:$0x3FA5] =	sst s10  }
0x32: {  	s10 =	sld [smem:$0x3FA3];
	_ =	sdelay $0x3  }
0x33: {  	p0 =	seq.s32 s10, $0x1;
	s10 =	sld [smem:$0x3FA5];
	_ =	sdelay $0x3  }
0x34: {  	[smem:$0x3FA5] =	sst s10  }
0x35: {  	s10 =	sld [smem:$0x3FA4];
	_ =	sdelay $0x3  }
0x36: {  	p1 =	seq.s32 s10, $0x1;
	s10 =	sld [smem:$0x3FA5];
	_ =	sdelay $0x3  }
0x37: {  	[smem:$0x3FA5] =	sst s10  }
0x38: {  	s10 =	sld [smem:$0x3FA6]  }
0x39: {  	_ = 	snop;
	(pc) =	sbr.ind lr, $3  }
0x3a: {  	_ = 	snop  }
0x3b: {  	_ = 	snop  }
0x3c: {  	p2 =	seq.s32 s10, $0x1;
	s10 =	sld [smem:$0x3FA5]  }
0x3d: {  	_ =	shalt  }
0x3e: {  	_ =	shalt  }
0x3f: {  	_ =	shalt  }
0x40: {  	_ =	shalt  }
0x41: {  	_ =	shalt  }
0x42: {  	_ =	shalt  }
0x43: {  	_ =	shalt  }
0x44: {  	_ =	shalt  }
0x45: {  	_ =	shalt  }
0x46: {  	_ =	shalt  }
0x47: {  	_ =	shalt  }
0x48: {  	_ =	shalt  }
0x49: {  	_ =	shalt  }
0x4a: {  	_ =	shalt  }
0x4b: {  	_ =	shalt  }
0x4c: {  	_ =	shalt  }
0x4d: {  	_ =	shalt  }
0x4e: {  	_ =	shalt  }
0x4f: {  	_ =	shalt  }
0x50: {  	_ =	shalt  }
0x51: {  	_ =	shalt  }
0x52: {  	_ =	shalt  }
0x53: {  	_ =	shalt  }
0x54: {  	_ =	shalt  }
0x55: {  	_ =	shalt  }
0x56: {  	_ =	shalt  }
0x57: {  	_ =	shalt  }
0x58: {  	_ =	shalt  }
0x59: {  	_ =	shalt  }
0x5a: {  	_ =	shalt  }
0x5b: {  	_ =	shalt  }
0x5c: {  	_ =	shalt  }
0x5d: {  	_ =	shalt  }
0x5e: {  	_ =	shalt  }
0x5f: {  	_ =	shalt  }
0x60: {  	_ =	shalt  }
0x61: {  	_ =	shalt  }
0x62: {  	_ =	shalt  }
0x63: {  	_ =	shalt  }
0x64: {  	_ =	shalt  }
0x65: {  	_ =	shalt  }
0x66: {  	_ =	shalt  }
0x67: {  	_ =	shalt  }
0x68: {  	_ =	shalt  }
0x69: {  	_ =	shalt  }
0x6a: {  	_ =	shalt  }
0x6b: {  	_ =	shalt  }
0x6c: {  	_ =	shalt  }
0x6d: {  	_ =	shalt  }
0x6e: {  	_ =	shalt  }
0x6f: {  	_ =	shalt  }
0x70: {  	_ =	shalt  }
0x71: {  	_ =	shalt  }
0x72: {  	_ =	shalt  }
0x73: {  	_ =	shalt  }
0x74: {  	_ =	shalt  }
0x75: {  	_ =	shalt  }
0x76: {  	_ =	shalt  }
0x77: {  	_ =	shalt  }
0x78: {  	_ =	shalt  }
0x79: {  	_ =	shalt  }
0x7a: {  	_ =	shalt  }
0x7b: {  	_ =	shalt  }
0x7c: {  	_ =	shalt  }
0x7d: {  	_ =	shalt  }
0x7e: {  	_ =	shalt  }
0x7f: {  	_ =	shalt  }
0x80: {  	_ =	shalt  }
0x81: {  	_ =	shalt  }
0x82: {  	_ =	shalt  }
0x83: {  	_ =	shalt  }
0x84: {  	_ =	shalt  }
0x85: {  	_ =	shalt  }
0x86: {  	_ =	shalt  }
0x87: {  	_ =	shalt  }
.Lfunc_end0:
.L_simem_size_0:
called_computation.1_lowered:
.L_overlay_start_0:
0x88: {  	s2 =	sld [smem:$0x3FD9]  }
0x89: {  	s3 =	sld [smem:$0x3FFE];
	_ =	sdelay $0x1  }
0x8a: {  	s1 =	srdreg.scid  }
0x8b: {  	s0 =	sand.u32 $0x1, s1  }
0x8c: {  	s16 =	sshll.u32 s0, $0xA;
	s2 =	sadd.s32 s3, s2  }
0x8d: {  	s2 =	sadd.s32 s2, s16  }
0x8e: {  	[smem:$0x3FB1] =	sst s2  }
0x8f: {  	_ = 	snop  }
0x90: {  	(tm) =	ssettm $0x1  }
0x91: {  	s17 =	sld [smem:$0x3FFB];
	_ =	sdelay $0x3  }
0x92: {  	_ =	strace s17  }
0x93: {  	s2 =	sld [smem:$0x3FFC];
	_ =	sdelay $0x3  }
0x94: {  	_ =	strace s2  }
0x95: {  	s2 =	sld [smem:$0x3FFD];
	_ =	sdelay $0x3  }
0x96: {  	_ =	strace s2  }
0x97: {  	_ =	strace $0x8FFFFFFF  }
0x98: {  	s18 =	sld [smem:$0x3FDB];
	_ =	sdelay $0x1  }
0x99: {  	s19 =	simm.s32 $_scs_section_size  }
0x9a: {  	s4 =	simm.s32 $_size__tile_overlayer_lowered;
	s5 =	simm.s32 $_tile_overlayer_lowered  }
0x9b: {  	s22 =	simm.s32 $0x1BFF;
	s21 =	sshll.u32 s5, $0x1;
	s2 =	sadd.s32 s19, s18  }
0x9c: {  	s6 =	simm.s32 $0x0;
	s20 =	sshll.u32 s4, $0x1;
	s4 =	sadd.s32 s21, s2  }
0x9d: {  	[timem:s6], [sflag:s22] =	dma.local [hbm:s4], s20  }
0x9e: {  	_ =	swait.ge [sflag:s22], s20  }
0x9f: {  	s3 =	ssub.s32 $0x0, s20;
	[sflag:s22] =	ssyncset.done $0x0  }
0xa0: {  	[sflag:s22] =	ssyncadd.s32 s3;
	_ =	sdelay $0x1  }
0xa1: {  	s23 =	simm.s32 $0x1B8B  }
0xa2: {  	_ =	swait.ge [sflag:s23], $0x1  }
0xa3: {  	[sflag:s23] =	ssyncset.done $0x0  }
0xa4: {  	s25 =	simm.s32 $0x1B8E;
	s24 =	sld [smem:$0x3FFE];
	[sflag:s23] =	ssyncadd.s32 $0xFFFFFFFF  }
0xa5: {  	s26 =	simm.s32 $execute0_lowered;
	[smem:$0x3FD2] =	sst s25  }
0xa6: {  	s4 =	sshll.u32 s26, $0x1;
	_ =	strace $0x80000049;
	[dreg:$0x1] =	wrdreg $0xFFFFFFFF  }
0xa7: {  	s28 =	simm.s32 $_size_execute0_lowered;
	s2 =	sadd.s32 s2, s4;
	[dreg:$0x0] =	wrdreg $0x0  }
0xa8: {  	s4 =	sshll.u32 s28, $0x1;
	[dreg:$0x2] =	wrdreg s2  }
0xa9: {  	[dreg:$0x3] =	wrdreg s4  }
0xaa: {  	[dreg:$0x4] =	wrdreg $0xC0  }
0xab: {  	_ =	task [dreg:s6], $0x5FFFF  }
0xac: {  	[dreg:$0x1] =	wrdreg $0xFFFFFFFF  }
0xad: {  	[dreg:$0x0] =	wrdreg $0x60  }
0xae: {  	[dreg:$0x2] =	wrdreg s24  }
0xaf: {  	[dreg:$0x3] =	wrdreg $0x9  }
0xb0: {  	_ =	task.clear_ibuf [dreg:s6], $0x4FFFF;
	_ =	strace $0x90000049  }
0xb1: {  	s29 =	simm.s32 $0x9;
	_ =	strace $0x8000004B  }
0xb2: {  	_ =	swait.ge [sflag:s29], $0x1  }
0xb3: {  	[sflag:s29] =	ssyncadd.s32 $0xFFFFFFFF  }
0xb4: {  	_ =	strace $0x9000004B  }
0xb5: {  	_ =	sfence  }
0xb6: {  	s30 =	sld [smem:$0x0];
	_ =	sdelay $0x2  }
0xb7: {  	s31 =	sshll.u32 s1, $0xD;
	s1 =	sshrl.u32 s1, $0x2  }
0xb8: {  	s3 =	sand.u32 $0x4000, s31;
	s1 =	sadd.s32 s1, s30  }
0xb9: {  	s0 =	sor.u32 s3, s0;
	s1 =	sshll.u32 s1, $0x11  }
0xba: {  	s0 =	sor.u32 s1, s0  }
0xbb: {  	s0 =	sadd.s32 $0x8F2B, s0  }
0xbc: {  	[sflag:s0] =	ssyncadd.remote.s32 $0x1  }
0xbd: {  	_ =	sfence.sel $0xFFFF  }
0xbe: {  	[dreg:$0x0] =	wrdreg $0xFFFFFFFF;
	(pc) =	sbr.abs _section_cstart, $3  }
0xbf: {  	[dreg:$0x1] =	wrdreg $0xFFFFFFFF  }
0xc0: {  	_ =	task.clear_ibuf [dreg:s6], $0x2FFFF;
	_ =	strace $0x9FFFFFFF  }
0xc1: {  	(tm) =	ssettm $0x7FFFFFFF  }
tec
execute0_lowered:
.L_overlay_start_1:
0x0: {  	(tag) =	ssettag $0x1  }
0x1: {  	s0 =	srdreg.scid;
	s2 =	stileid.u32  }
0x2: {  	s1 =	sand.u32 $0x1, s0;
	s2 =	sshll.u32 s2, $0x1  }
0x3: {  	s3 =	sor.u32 s1, s2  }
0x4: {  	s4 =	smul.u32 $0x180, s3  }
0x5: {  	s0 =	rddreg [dreg:$0x0];
	s2 =	simm.s32 $0x0;
	s5 =	smul.u32 $0x12000, s3  }
0x6: {  	s6 =	sadd.s32 $0x119400, s0;
	[smem:$0x7FF] =	sst s2  }
0x7: {  	s3 =	smul.u32 $0x90000, s3;
	s4 =	sadd.s32 s4, s0;
	s5 =	sadd.s32 s6, s5  }
0x8: {  	_ =	strace $0x8000004A;
	s4 =	sadd.s32 $0x2BE00, s4;
	[dreg:$0x1a] =	wrdreg s5  }
0x9: {  	s3 =	sshrl.u32 s3, $0x3;
	s7 =	sadd.s32 $0xC00, s5;
	[dreg:$0x2] =	wrdreg s4  }
0xa: {  	s8 =	sadd.s32 $0x1800, s5;
	s3 =	sadd.s32 s6, s3;
	[dreg:$0x3] =	wrdreg s7  }
0xb: {  	[dreg:$0x4] =	wrdreg s8;
	s9 =	sadd.s32 $0x2400, s3  }
0xc: {  	s10 =	sadd.s32 $0x3000, s3;
	[dreg:$0x5] =	wrdreg s9  }
0xd: {  	s11 =	sadd.s32 $0x3C00, s3;
	[dreg:$0x6] =	wrdreg s10  }
0xe: {  	s12 =	sadd.s32 $0x4800, s3;
	[dreg:$0x7] =	wrdreg s11  }
0xf: {  	s13 =	sadd.s32 $0x5400, s3;
	[dreg:$0x8] =	wrdreg s12  }
0x10: {  	s14 =	sadd.s32 $0x6000, s3;
	[dreg:$0x9] =	wrdreg s13  }
0x11: {  	s15 =	sadd.s32 $0x6C00, s3;
	[dreg:$0xa] =	wrdreg s14  }
0x12: {  	s16 =	sadd.s32 $0x7800, s3;
	[dreg:$0xb] =	wrdreg s15  }
0x13: {  	s17 =	sadd.s32 $0x8400, s3;
	[dreg:$0xc] =	wrdreg s16  }
0x14: {  	s18 =	sadd.s32 $0x9000, s3;
	[dreg:$0xd] =	wrdreg s17  }
0x15: {  	s19 =	sadd.s32 $0x9C00, s3;
	[dreg:$0xe] =	wrdreg s18  }
0x16: {  	s20 =	sadd.s32 $0xA800, s3;
	[dreg:$0xf] =	wrdreg s19  }
0x17: {  	s31 =	simm.s32 $0x2;
	s21 =	sadd.s32 $0xB400, s3;
	[dreg:$0x10] =	wrdreg s20  }
0x18: {  	s1 =	ssub.s32 $0x2, s1;
	s22 =	sadd.s32 $0xC000, s3;
	[dreg:$0x11] =	wrdreg s21  }
0x19: {  	s29 =	sshrl.u32 s1, $0x1;
	s23 =	sadd.s32 $0xCC00, s3;
	[dreg:$0x12] =	wrdreg s22  }
0x1a: {  	s1 =	ssub.s32 s1, s29;
	s24 =	sadd.s32 $0xD800, s3;
	[dreg:$0x13] =	wrdreg s23  }
0x1b: {  	s5 =	smax.u32 s1, $0x1;
	s25 =	sadd.s32 $0xE400, s3;
	[dreg:$0x14] =	wrdreg s24  }
0x1c: {  	s6 =	simm.s32 $0x6;
	s26 =	sadd.s32 $0xF000, s3;
	[dreg:$0x15] =	wrdreg s25  }
0x1d: {  	s1 =	simm.s32 $0x6C00;
	s28 =	sadd.s32 $0xFC00, s3;
	[dreg:$0x16] =	wrdreg s26  }
0x1e: {  	s30 =	sadd.s32 $0x10800, s3;
	s3 =	sadd.s32 $0x11400, s3;
	[dreg:$0x17] =	wrdreg s28  }
0x1f: {  	s4 =	sadd.s32 $0xCB200, s0;
	s0 =	simm.s32 $0x5;
	[dreg:$0x18] =	wrdreg s30  }
0x20: {  	v2 =	vlaneseq.u32;
	s8 =	simm.s32 $0x4;
	[dreg:$0x19] =	wrdreg s3;
	s12 =	simm.s32 $0xCC00  }
0x21: {  	vm0 =	vmmov $0xffff;
	v1 =	vshrl.u32 v2, $0x3;
	s16 =	simm.s32 $0x1;
	s17 =	simm.s32 $0x12C00;
	s3 =	simm.s32 $0x3  }
0x22: {  	v0 =	vand.u32 $0x7, v2;
	v2 =	vor.u32 $0x8, v2;
	v1 =	vmul.u32 $0x8, v1;
	s9 =	simm.s32 $0x7;
	s10 =	simm.s32 $0x8;
	s19 =	simm.s32 $0xC00  }
.LBB2_1:
0x23: {  	s11 =	rddreg [dreg:$0x2];
	s25 =	simm.s32 $0x9  }
0x24: {  	[tilespmem:s2], [sflag:$0x9] =	stream.linear.gather [hbm4b:s11+s2], $0xC00, $0x38;
	[tilespmem:$0x18C00] =	vst v63  }
0x25: {  	_ =	swait.ge [sflag:s25], $0xC00  }
0x26: {  	[sflag:s25] =	ssyncset.done $0x0  }
0x27: {  	[sflag:s25] =	ssyncadd.s32 $0xFFFFF400  }
0x28: {  	v3 =	vld [tilespmem:$0x0];
	_ =	sdelay $0x4  }
0x29: {  	v4 =	vshll.u32 v3, $0x1  }
0x2a: {  	v3 =	vand.u32 $0x7, v3;
	v4 =	vand.u32 $0xFFFFFFF0, v4  }
0x2b: {  	v3 =	vor.u32 v3, v4  }
0x2c: {  	v4 =	vperm.xlane v3, v0;
	_ =	sdelay $0x1  }
0x2d: {  	v3 =	vperm.xlane v3, v2;
	v4 =	vadd.s32 v1, v4;
	_ =	sdelay $0x1  }
0x2e: {  	v3 =	vadd.s32 v1, v3;
	_ =	sdelay $0x2  }
0x2f: {  	[tilespmem:s19], [sflag:$0x1] =	stream.indirect_vreg.gather [hbm4b:s4+s2], $0x80, v4, vm0, $0xb8;
	[tilespmem:$0x18C00] =	vst v63  }
0x30: {  	s7 =	simm.s32 $0x1400  }
0x31: {  	[tilespmem:s7], [sflag:$0x1] =	stream.indirect_vreg.gather [hbm4b:s4+s2], $0x80, v3, vm0, $0xb8;
	[tilespmem:$0x18C00] =	vst v63  }
0x32: {  	v3 =	vld [tilespmem:$0x10];
	_ =	sdelay $0x4  }
0x33: {  	v33 =	vshll.u32 v3, $0x1  }
0x34: {  	v3 =	vand.u32 $0x7, v3;
	v4 =	vand.u32 $0xFFFFFFF0, v33  }
0x35: {  	v3 =	vor.u32 v3, v4  }
0x36: {  	v4 =	vperm.xlane v3, v0;
	_ =	sdelay $0x1  }
0x37: {  	v3 =	vperm.xlane v3, v2;
	v4 =	vadd.s32 v1, v4;
	_ =	sdelay $0x1  }
0x38: {  	v3 =	vadd.s32 v1, v3;
	_ =	sdelay $0x1  }
0x39: {  	s26 =	simm.s32 $0x1C00  }
0x3a: {  	[tilespmem:s26], [sflag:$0x1] =	stream.indirect_vreg.gather [hbm4b:s4+s2], $0x80, v4, vm0, $0xb8;
	[tilespmem:$0x18C00] =	vst v63  }
0x3b: {  	s28 =	simm.s32 $0x2400  }
0x3c: {  	[tilespmem:s28], [sflag:$0x1] =	stream.indirect_vreg.gather [hbm4b:s4+s2], $0x80, v3, vm0, $0xb8;
	[tilespmem:$0x18C00] =	vst v63  }
0x3d: {  	v3 =	vld [tilespmem:$0x20];
	_ =	sdelay $0x4  }
0x3e: {  	v34 =	vshll.u32 v3, $0x1  }
0x3f: {  	v3 =	vand.u32 $0x7, v3;
	v4 =	vand.u32 $0xFFFFFFF0, v34  }
0x40: {  	v3 =	vor.u32 v3, v4  }
0x41: {  	v4 =	vperm.xlane v3, v0;
	_ =	sdelay $0x1  }
0x42: {  	v3 =	vperm.xlane v3, v2;
	v4 =	vadd.s32 v1, v4;
	_ =	sdelay $0x1  }
0x43: {  	v3 =	vadd.s32 v1, v3;
	_ =	sdelay $0x1  }
0x44: {  	s29 =	simm.s32 $0x2C00  }
0x45: {  	[tilespmem:s29], [sflag:$0x1] =	stream.indirect_vreg.gather [hbm4b:s4+s2], $0x80, v4, vm0, $0xb8;
	[tilespmem:$0x18C00] =	vst v63  }
0x46: {  	s30 =	simm.s32 $0x3400  }
0x47: {  	[tilespmem:s30], [sflag:$0x1] =	stream.indirect_vreg.gather [hbm4b:s4+s2], $0x80, v3, vm0, $0xb8;
	[tilespmem:$0x18C00] =	vst v63  }
0x48: {  	v3 =	vld [tilespmem:$0x30];
	_ =	sdelay $0x4  }
0x49: {  	v35 =	vshll.u32 v3, $0x1  }
0x4a: {  	v3 =	vand.u32 $0x7, v3;
	v4 =	vand.u32 $0xFFFFFFF0, v35  }
0x4b: {  	v3 =	vor.u32 v3, v4  }
0x4c: {  	v4 =	vperm.xlane v3, v0;
	_ =	sdelay $0x1  }
0x4d: {  	v3 =	vperm.xlane v3, v2;
	v4 =	vadd.s32 v1, v4;
	_ =	sdelay $0x1  }
0x4e: {  	v3 =	vadd.s32 v1, v3;
	_ =	sdelay $0x1  }
0x4f: {  	s11 =	simm.s32 $0x3C00  }
0x50: {  	[tilespmem:s11], [sflag:$0x1] =	stream.indirect_vreg.gather [hbm4b:s4+s2], $0x80, v4, vm0, $0xb8;
	[tilespmem:$0x18C00] =	vst v63  }
0x51: {  	s13 =	simm.s32 $0x4400  }
0x52: {  	[tilespmem:s13], [sflag:$0x1] =	stream.indirect_vreg.gather [hbm4b:s4+s2], $0x80, v3, vm0, $0xb8;
	[tilespmem:$0x18C00] =	vst v63  }
0x53: {  	v3 =	vld [tilespmem:$0x40];
	_ =	sdelay $0x4  }
0x54: {  	v36 =	vshll.u32 v3, $0x1  }
0x55: {  	v3 =	vand.u32 $0x7, v3;
	v4 =	vand.u32 $0xFFFFFFF0, v36  }
0x56: {  	v3 =	vor.u32 v3, v4  }
0x57: {  	v4 =	vperm.xlane v3, v0;
	_ =	sdelay $0x1  }
0x58: {  	v3 =	vperm.xlane v3, v2;
	v4 =	vadd.s32 v1, v4;
	_ =	sdelay $0x1  }
0x59: {  	v3 =	vadd.s32 v1, v3;
	_ =	sdelay $0x1  }
0x5a: {  	s14 =	simm.s32 $0x4C00  }
0x5b: {  	[tilespmem:s14], [sflag:$0x1] =	stream.indirect_vreg.gather [hbm4b:s4+s2], $0x80, v4, vm0, $0xb8;
	[tilespmem:$0x18C00] =	vst v63  }
0x5c: {  	s15 =	simm.s32 $0x5400  }
0x5d: {  	[tilespmem:s15], [sflag:$0x1] =	stream.indirect_vreg.gather [hbm4b:s4+s2], $0x80, v3, vm0, $0xb8;
	[tilespmem:$0x18C00] =	vst v63  }
0x5e: {  	v3 =	vld [tilespmem:$0x50];
	_ =	sdelay $0x4  }
0x5f: {  	v37 =	vshll.u32 v3, $0x1  }
0x60: {  	v3 =	vand.u32 $0x7, v3;
	v4 =	vand.u32 $0xFFFFFFF0, v37  }
0x61: {  	v3 =	vor.u32 v3, v4  }
0x62: {  	v4 =	vperm.xlane v3, v0;
	_ =	sdelay $0x1  }
0x63: {  	v3 =	vperm.xlane v3, v2;
	v4 =	vadd.s32 v1, v4;
	_ =	sdelay $0x1  }
0x64: {  	v3 =	vadd.s32 v1, v3;
	_ =	sdelay $0x1  }
0x65: {  	s18 =	simm.s32 $0x5C00  }
0x66: {  	[tilespmem:s18], [sflag:$0x1] =	stream.indirect_vreg.gather [hbm4b:s4+s2], $0x80, v4, vm0, $0xb8;
	[tilespmem:$0x18C00] =	vst v63  }
0x67: {  	s25 =	simm.s32 $0x6400  }
0x68: {  	[tilespmem:s25], [sflag:$0x1] =	stream.indirect_vreg.gather [hbm4b:s4+s2], $0x80, v3, vm0, $0xb8;
	[tilespmem:$0x18C00] =	vst v63  }
0x69: {  	v3 =	vld [tilespmem:$0x80];
	_ =	sdelay $0x4  }
0x6a: {  	v38 =	vshll.u32 v3, $0x1  }
0x6b: {  	v3 =	vand.u32 $0x7, v3;
	v4 =	vand.u32 $0xFFFFFFF0, v38  }
0x6c: {  	v3 =	vor.u32 v3, v4  }
0x6d: {  	v4 =	vperm.xlane v3, v0;
	_ =	sdelay $0x1  }
0x6e: {  	v3 =	vperm.xlane v3, v2;
	v4 =	vadd.s32 v1, v4;
	_ =	sdelay $0x1  }
0x6f: {  	v3 =	vadd.s32 v1, v3;
	_ =	sdelay $0x2  }
0x70: {  	[tilespmem:s1], [sflag:$0x2] =	stream.indirect_vreg.gather [hbm4b:s4+s2], $0x80, v4, vm0, $0xb8;
	[tilespmem:$0x18C00] =	vst v63  }
0x71: {  	s26 =	simm.s32 $0x7400  }
0x72: {  	[tilespmem:s26], [sflag:$0x2] =	stream.indirect_vreg.gather [hbm4b:s4+s2], $0x80, v3, vm0, $0xb8;
	[tilespmem:$0x18C00] =	vst v63  }
0x73: {  	v3 =	vld [tilespmem:$0x90];
	_ =	sdelay $0x4  }
0x74: {  	v39 =	vshll.u32 v3, $0x1  }
0x75: {  	v3 =	vand.u32 $0x7, v3;
	v4 =	vand.u32 $0xFFFFFFF0, v39  }
0x76: {  	v3 =	vor.u32 v3, v4  }
0x77: {  	v4 =	vperm.xlane v3, v0;
	_ =	sdelay $0x1  }
0x78: {  	v3 =	vperm.xlane v3, v2;
	v4 =	vadd.s32 v1, v4;
	_ =	sdelay $0x1  }
0x79: {  	v3 =	vadd.s32 v1, v3;
	_ =	sdelay $0x1  }
0x7a: {  	s28 =	simm.s32 $0x7C00  }
0x7b: {  	[tilespmem:s28], [sflag:$0x2] =	stream.indirect_vreg.gather [hbm4b:s4+s2], $0x80, v4, vm0, $0xb8;
	[tilespmem:$0x18C00] =	vst v63  }
0x7c: {  	s29 =	simm.s32 $0x8400  }
0x7d: {  	[tilespmem:s29], [sflag:$0x2] =	stream.indirect_vreg.gather [hbm4b:s4+s2], $0x80, v3, vm0, $0xb8;
	[tilespmem:$0x18C00] =	vst v63  }
0x7e: {  	v3 =	vld [tilespmem:$0xA0];
	_ =	sdelay $0x4  }
0x7f: {  	v40 =	vshll.u32 v3, $0x1  }
0x80: {  	v3 =	vand.u32 $0x7, v3;
	v4 =	vand.u32 $0xFFFFFFF0, v40  }
0x81: {  	v3 =	vor.u32 v3, v4  }
0x82: {  	v4 =	vperm.xlane v3, v0;
	_ =	sdelay $0x1  }
0x83: {  	v3 =	vperm.xlane v3, v2;
	v4 =	vadd.s32 v1, v4;
	_ =	sdelay $0x1  }
0x84: {  	v3 =	vadd.s32 v1, v3;
	_ =	sdelay $0x1  }
0x85: {  	s30 =	simm.s32 $0x8C00  }
0x86: {  	[tilespmem:s30], [sflag:$0x2] =	stream.indirect_vreg.gather [hbm4b:s4+s2], $0x80, v4, vm0, $0xb8;
	[tilespmem:$0x18C00] =	vst v63  }
0x87: {  	s13 =	simm.s32 $0x9400  }
0x88: {  	[tilespmem:s13], [sflag:$0x2] =	stream.indirect_vreg.gather [hbm4b:s4+s2], $0x80, v3, vm0, $0xb8;
	[tilespmem:$0x18C00] =	vst v63  }
0x89: {  	v3 =	vld [tilespmem:$0xB0];
	_ =	sdelay $0x4  }
0x8a: {  	v41 =	vshll.u32 v3, $0x1  }
0x8b: {  	v3 =	vand.u32 $0x7, v3;
	v4 =	vand.u32 $0xFFFFFFF0, v41  }
0x8c: {  	v3 =	vor.u32 v3, v4  }
0x8d: {  	v4 =	vperm.xlane v3, v0;
	_ =	sdelay $0x1  }
0x8e: {  	v3 =	vperm.xlane v3, v2;
	v4 =	vadd.s32 v1, v4;
	_ =	sdelay $0x1  }
0x8f: {  	v3 =	vadd.s32 v1, v3;
	_ =	sdelay $0x1  }
0x90: {  	s14 =	simm.s32 $0x9C00  }
0x91: {  	[tilespmem:s14], [sflag:$0x2] =	stream.indirect_vreg.gather [hbm4b:s4+s2], $0x80, v4, vm0, $0xb8;
	[tilespmem:$0x18C00] =	vst v63  }
0x92: {  	s15 =	simm.s32 $0xA400  }
0x93: {  	[tilespmem:s15], [sflag:$0x2] =	stream.indirect_vreg.gather [hbm4b:s4+s2], $0x80, v3, vm0, $0xb8;
	[tilespmem:$0x18C00] =	vst v63  }
0x94: {  	v3 =	vld [tilespmem:$0xC0];
	_ =	sdelay $0x4  }
0x95: {  	v42 =	vshll.u32 v3, $0x1  }
0x96: {  	v3 =	vand.u32 $0x7, v3;
	v4 =	vand.u32 $0xFFFFFFF0, v42  }
0x97: {  	v3 =	vor.u32 v3, v4  }
0x98: {  	v4 =	vperm.xlane v3, v0;
	_ =	sdelay $0x1  }
0x99: {  	v3 =	vperm.xlane v3, v2;
	v4 =	vadd.s32 v1, v4;
	_ =	sdelay $0x1  }
0x9a: {  	v3 =	vadd.s32 v1, v3;
	_ =	sdelay $0x1  }
0x9b: {  	s18 =	simm.s32 $0xAC00  }
0x9c: {  	[tilespmem:s18], [sflag:$0x2] =	stream.indirect_vreg.gather [hbm4b:s4+s2], $0x80, v4, vm0, $0xb8;
	[tilespmem:$0x18C00] =	vst v63  }
0x9d: {  	s30 =	simm.s32 $0xB400  }
0x9e: {  	[tilespmem:s30], [sflag:$0x2] =	stream.indirect_vreg.gather [hbm4b:s4+s2], $0x80, v3, vm0, $0xb8;
	[tilespmem:$0x18C00] =	vst v63  }
0x9f: {  	v3 =	vld [tilespmem:$0xD0];
	_ =	sdelay $0x4  }
0xa0: {  	v43 =	vshll.u32 v3, $0x1  }
0xa1: {  	v3 =	vand.u32 $0x7, v3;
	v4 =	vand.u32 $0xFFFFFFF0, v43  }
0xa2: {  	v3 =	vor.u32 v3, v4  }
0xa3: {  	v4 =	vperm.xlane v3, v0;
	_ =	sdelay $0x1  }
0xa4: {  	v3 =	vperm.xlane v3, v2;
	v4 =	vadd.s32 v1, v4;
	_ =	sdelay $0x1  }
0xa5: {  	v3 =	vadd.s32 v1, v3;
	_ =	sdelay $0x1  }
0xa6: {  	s15 =	simm.s32 $0xBC00  }
0xa7: {  	[tilespmem:s15], [sflag:$0x2] =	stream.indirect_vreg.gather [hbm4b:s4+s2], $0x80, v4, vm0, $0xb8;
	[tilespmem:$0x18C00] =	vst v63  }
0xa8: {  	s18 =	simm.s32 $0xC400  }
0xa9: {  	[tilespmem:s18], [sflag:$0x2] =	stream.indirect_vreg.gather [hbm4b:s4+s2], $0x80, v3, vm0, $0xb8;
	[tilespmem:$0x18C00] =	vst v63  }
0xaa: {  	v3 =	vld [tilespmem:$0x100];
	_ =	sdelay $0x4  }
0xab: {  	v44 =	vshll.u32 v3, $0x1  }
0xac: {  	v3 =	vand.u32 $0x7, v3;
	v4 =	vand.u32 $0xFFFFFFF0, v44  }
0xad: {  	v3 =	vor.u32 v3, v4  }
0xae: {  	v4 =	vperm.xlane v3, v0;
	_ =	sdelay $0x1  }
0xaf: {  	v3 =	vperm.xlane v3, v2;
	v4 =	vadd.s32 v1, v4;
	_ =	sdelay $0x1  }
0xb0: {  	v3 =	vadd.s32 v1, v3;
	_ =	sdelay $0x2  }
0xb1: {  	[tilespmem:s12], [sflag:$0x3] =	stream.indirect_vreg.gather [hbm4b:s4+s2], $0x80, v4, vm0, $0xb8;
	[tilespmem:$0x18C00] =	vst v63  }
0xb2: {  	s11 =	simm.s32 $0xD400  }
0xb3: {  	[tilespmem:s11], [sflag:$0x3] =	stream.indirect_vreg.gather [hbm4b:s4+s2], $0x80, v3, vm0, $0xb8;
	[tilespmem:$0x18C00] =	vst v63  }
0xb4: {  	v3 =	vld [tilespmem:$0x110];
	_ =	sdelay $0x4  }
0xb5: {  	v45 =	vshll.u32 v3, $0x1  }
0xb6: {  	v3 =	vand.u32 $0x7, v3;
	v4 =	vand.u32 $0xFFFFFFF0, v45  }
0xb7: {  	v3 =	vor.u32 v3, v4  }
0xb8: {  	v4 =	vperm.xlane v3, v0;
	_ =	sdelay $0x1  }
0xb9: {  	v3 =	vperm.xlane v3, v2;
	v4 =	vadd.s32 v1, v4;
	_ =	sdelay $0x1  }
0xba: {  	v3 =	vadd.s32 v1, v3;
	_ =	sdelay $0x1  }
0xbb: {  	s11 =	simm.s32 $0xDC00  }
0xbc: {  	[tilespmem:s11], [sflag:$0x3] =	stream.indirect_vreg.gather [hbm4b:s4+s2], $0x80, v4, vm0, $0xb8;
	[tilespmem:$0x18C00] =	vst v63  }
0xbd: {  	s11 =	simm.s32 $0xE400  }
0xbe: {  	[tilespmem:s11], [sflag:$0x3] =	stream.indirect_vreg.gather [hbm4b:s4+s2], $0x80, v3, vm0, $0xb8;
	[tilespmem:$0x18C00] =	vst v63  }
0xbf: {  	v3 =	vld [tilespmem:$0x120];
	_ =	sdelay $0x4  }
0xc0: {  	v46 =	vshll.u32 v3, $0x1  }
0xc1: {  	v3 =	vand.u32 $0x7, v3;
	v4 =	vand.u32 $0xFFFFFFF0, v46  }
0xc2: {  	v3 =	vor.u32 v3, v4  }
0xc3: {  	v4 =	vperm.xlane v3, v0;
	_ =	sdelay $0x1  }
0xc4: {  	v3 =	vperm.xlane v3, v2;
	v4 =	vadd.s32 v1, v4;
	_ =	sdelay $0x1  }
0xc5: {  	v3 =	vadd.s32 v1, v3;
	_ =	sdelay $0x1  }
0xc6: {  	s11 =	simm.s32 $0xEC00  }
0xc7: {  	[tilespmem:s11], [sflag:$0x3] =	stream.indirect_vreg.gather [hbm4b:s4+s2], $0x80, v4, vm0, $0xb8;
	[tilespmem:$0x18C00] =	vst v63  }
0xc8: {  	s11 =	simm.s32 $0xF400  }
0xc9: {  	[tilespmem:s11], [sflag:$0x3] =	stream.indirect_vreg.gather [hbm4b:s4+s2], $0x80, v3, vm0, $0xb8;
	[tilespmem:$0x18C00] =	vst v63  }
0xca: {  	v3 =	vld [tilespmem:$0x130];
	_ =	sdelay $0x4  }
0xcb: {  	v47 =	vshll.u32 v3, $0x1  }
0xcc: {  	v3 =	vand.u32 $0x7, v3;
	v4 =	vand.u32 $0xFFFFFFF0, v47  }
0xcd: {  	v3 =	vor.u32 v3, v4  }
0xce: {  	v4 =	vperm.xlane v3, v0;
	_ =	sdelay $0x1  }
0xcf: {  	v3 =	vperm.xlane v3, v2;
	v4 =	vadd.s32 v1, v4;
	_ =	sdelay $0x1  }
0xd0: {  	v3 =	vadd.s32 v1, v3;
	_ =	sdelay $0x1  }
0xd1: {  	s11 =	simm.s32 $0xFC00  }
0xd2: {  	[tilespmem:s11], [sflag:$0x3] =	stream.indirect_vreg.gather [hbm4b:s4+s2], $0x80, v4, vm0, $0xb8;
	[tilespmem:$0x18C00] =	vst v63  }
0xd3: {  	s11 =	simm.s32 $0x10400  }
0xd4: {  	[tilespmem:s11], [sflag:$0x3] =	stream.indirect_vreg.gather [hbm4b:s4+s2], $0x80, v3, vm0, $0xb8;
	[tilespmem:$0x18C00] =	vst v63  }
0xd5: {  	v3 =	vld [tilespmem:$0x140];
	_ =	sdelay $0x4  }
0xd6: {  	v48 =	vshll.u32 v3, $0x1  }
0xd7: {  	v3 =	vand.u32 $0x7, v3;
	v4 =	vand.u32 $0xFFFFFFF0, v48  }
0xd8: {  	v3 =	vor.u32 v3, v4  }
0xd9: {  	v4 =	vperm.xlane v3, v0;
	_ =	sdelay $0x1  }
0xda: {  	v3 =	vperm.xlane v3, v2;
	v4 =	vadd.s32 v1, v4;
	_ =	sdelay $0x1  }
0xdb: {  	v3 =	vadd.s32 v1, v3;
	_ =	sdelay $0x1  }
0xdc: {  	s11 =	simm.s32 $0x10C00  }
0xdd: {  	[tilespmem:s11], [sflag:$0x3] =	stream.indirect_vreg.gather [hbm4b:s4+s2], $0x80, v4, vm0, $0xb8;
	[tilespmem:$0x18C00] =	vst v63  }
0xde: {  	s11 =	simm.s32 $0x11400  }
0xdf: {  	[tilespmem:s11], [sflag:$0x3] =	stream.indirect_vreg.gather [hbm4b:s4+s2], $0x80, v3, vm0, $0xb8;
	[tilespmem:$0x18C00] =	vst v63  }
0xe0: {  	v3 =	vld [tilespmem:$0x150];
	_ =	sdelay $0x4  }
0xe1: {  	v49 =	vshll.u32 v3, $0x1  }
0xe2: {  	v3 =	vand.u32 $0x7, v3;
	v4 =	vand.u32 $0xFFFFFFF0, v49  }
0xe3: {  	v3 =	vor.u32 v3, v4  }
0xe4: {  	v4 =	vperm.xlane v3, v0;
	_ =	sdelay $0x1  }
0xe5: {  	v3 =	vperm.xlane v3, v2;
	v4 =	vadd.s32 v1, v4;
	_ =	sdelay $0x1  }
0xe6: {  	v3 =	vadd.s32 v1, v3;
	_ =	sdelay $0x1  }
0xe7: {  	s11 =	simm.s32 $0x11C00  }
0xe8: {  	[tilespmem:s11], [sflag:$0x3] =	stream.indirect_vreg.gather [hbm4b:s4+s2], $0x80, v4, vm0, $0xb8;
	[tilespmem:$0x18C00] =	vst v63  }
0xe9: {  	s11 =	simm.s32 $0x12400  }
0xea: {  	[tilespmem:s11], [sflag:$0x3] =	stream.indirect_vreg.gather [hbm4b:s4+s2], $0x80, v3, vm0, $0xb8;
	[tilespmem:$0x18C00] =	vst v63  }
0xeb: {  	_ =	swait.ge [sflag:s16], $0x6000  }
0xec: {  	[sflag:s16] =	ssyncset.done $0x0  }
0xed: {  	s11 =	rddreg [dreg:$0x1a];
	[sflag:s16] =	ssyncadd.s32 $0xFFFFA000  }
0xee: {  	[hbm4b:s11+s2] =	stream.linear.scatter [tilespmem:s19], [sflag:$0x5], $0x6000, $0x38;
	[tilespmem:$0x18C00] =	vst v63  }
0xef: {  	v3 =	vld [tilespmem:$0x180];
	_ =	sdelay $0x4  }
0xf0: {  	v50 =	vshll.u32 v3, $0x1  }
0xf1: {  	v3 =	vand.u32 $0x7, v3;
	v4 =	vand.u32 $0xFFFFFFF0, v50  }
0xf2: {  	v3 =	vor.u32 v3, v4  }
0xf3: {  	v4 =	vperm.xlane v3, v0;
	_ =	sdelay $0x1  }
0xf4: {  	v3 =	vperm.xlane v3, v2;
	v4 =	vadd.s32 v1, v4;
	_ =	sdelay $0x1  }
0xf5: {  	v3 =	vadd.s32 v1, v3;
	_ =	sdelay $0x2  }
0xf6: {  	[tilespmem:s17], [sflag:$0x4] =	stream.indirect_vreg.gather [hbm4b:s4+s2], $0x80, v4, vm0, $0xb8;
	[tilespmem:$0x18C00] =	vst v63  }
0xf7: {  	s11 =	simm.s32 $0x13400  }
0xf8: {  	[tilespmem:s11], [sflag:$0x4] =	stream.indirect_vreg.gather [hbm4b:s4+s2], $0x80, v3, vm0, $0xb8;
	[tilespmem:$0x18C00] =	vst v63  }
0xf9: {  	v3 =	vld [tilespmem:$0x190];
	_ =	sdelay $0x4  }
0xfa: {  	v51 =	vshll.u32 v3, $0x1  }
0xfb: {  	v3 =	vand.u32 $0x7, v3;
	v4 =	vand.u32 $0xFFFFFFF0, v51  }
0xfc: {  	v3 =	vor.u32 v3, v4  }
0xfd: {  	v4 =	vperm.xlane v3, v0;
	_ =	sdelay $0x1  }
0xfe: {  	v3 =	vperm.xlane v3, v2;
	v4 =	vadd.s32 v1, v4;
	_ =	sdelay $0x1  }
0xff: {  	v3 =	vadd.s32 v1, v3;
	_ =	sdelay $0x1  }
0x100: {  	s11 =	simm.s32 $0x13C00  }
0x101: {  	[tilespmem:s11], [sflag:$0x4] =	stream.indirect_vreg.gather [hbm4b:s4+s2], $0x80, v4, vm0, $0xb8;
	[tilespmem:$0x18C00] =	vst v63  }
0x102: {  	s11 =	simm.s32 $0x14400  }
0x103: {  	[tilespmem:s11], [sflag:$0x4] =	stream.indirect_vreg.gather [hbm4b:s4+s2], $0x80, v3, vm0, $0xb8;
	[tilespmem:$0x18C00] =	vst v63  }
0x104: {  	v3 =	vld [tilespmem:$0x1A0];
	_ =	sdelay $0x4  }
0x105: {  	v52 =	vshll.u32 v3, $0x1  }
0x106: {  	v3 =	vand.u32 $0x7, v3;
	v4 =	vand.u32 $0xFFFFFFF0, v52  }
0x107: {  	v3 =	vor.u32 v3, v4  }
0x108: {  	v4 =	vperm.xlane v3, v0;
	_ =	sdelay $0x1  }
0x109: {  	v3 =	vperm.xlane v3, v2;
	v4 =	vadd.s32 v1, v4;
	_ =	sdelay $0x1  }
0x10a: {  	v3 =	vadd.s32 v1, v3;
	_ =	sdelay $0x1  }
0x10b: {  	s11 =	simm.s32 $0x14C00  }
0x10c: {  	[tilespmem:s11], [sflag:$0x4] =	stream.indirect_vreg.gather [hbm4b:s4+s2], $0x80, v4, vm0, $0xb8;
	[tilespmem:$0x18C00] =	vst v63  }
0x10d: {  	s11 =	simm.s32 $0x15400  }
0x10e: {  	[tilespmem:s11], [sflag:$0x4] =	stream.indirect_vreg.gather [hbm4b:s4+s2], $0x80, v3, vm0, $0xb8;
	[tilespmem:$0x18C00] =	vst v63  }
0x10f: {  	v3 =	vld [tilespmem:$0x1B0];
	_ =	sdelay $0x4  }
0x110: {  	v53 =	vshll.u32 v3, $0x1  }
0x111: {  	v3 =	vand.u32 $0x7, v3;
	v4 =	vand.u32 $0xFFFFFFF0, v53  }
0x112: {  	v3 =	vor.u32 v3, v4  }
0x113: {  	v4 =	vperm.xlane v3, v0;
	_ =	sdelay $0x1  }
0x114: {  	v3 =	vperm.xlane v3, v2;
	v4 =	vadd.s32 v1, v4;
	_ =	sdelay $0x1  }
0x115: {  	v3 =	vadd.s32 v1, v3;
	_ =	sdelay $0x1  }
0x116: {  	s11 =	simm.s32 $0x15C00  }
0x117: {  	[tilespmem:s11], [sflag:$0x4] =	stream.indirect_vreg.gather [hbm4b:s4+s2], $0x80, v4, vm0, $0xb8;
	[tilespmem:$0x18C00] =	vst v63  }
0x118: {  	s11 =	simm.s32 $0x16400  }
0x119: {  	[tilespmem:s11], [sflag:$0x4] =	stream.indirect_vreg.gather [hbm4b:s4+s2], $0x80, v3, vm0, $0xb8;
	[tilespmem:$0x18C00] =	vst v63  }
0x11a: {  	v3 =	vld [tilespmem:$0x1C0];
	_ =	sdelay $0x4  }
0x11b: {  	v54 =	vshll.u32 v3, $0x1  }
0x11c: {  	v3 =	vand.u32 $0x7, v3;
	v4 =	vand.u32 $0xFFFFFFF0, v54  }
0x11d: {  	v3 =	vor.u32 v3, v4  }
0x11e: {  	v4 =	vperm.xlane v3, v0;
	_ =	sdelay $0x1  }
0x11f: {  	v3 =	vperm.xlane v3, v2;
	v4 =	vadd.s32 v1, v4;
	_ =	sdelay $0x1  }
0x120: {  	v3 =	vadd.s32 v1, v3;
	_ =	sdelay $0x1  }
0x121: {  	s11 =	simm.s32 $0x16C00  }
0x122: {  	[tilespmem:s11], [sflag:$0x4] =	stream.indirect_vreg.gather [hbm4b:s4+s2], $0x80, v4, vm0, $0xb8;
	[tilespmem:$0x18C00] =	vst v63  }
0x123: {  	s11 =	simm.s32 $0x17400  }
0x124: {  	[tilespmem:s11], [sflag:$0x4] =	stream.indirect_vreg.gather [hbm4b:s4+s2], $0x80, v3, vm0, $0xb8;
	[tilespmem:$0x18C00] =	vst v63  }
0x125: {  	v3 =	vld [tilespmem:$0x1D0];
	_ =	sdelay $0x4  }
0x126: {  	v55 =	vshll.u32 v3, $0x1  }
0x127: {  	v3 =	vand.u32 $0x7, v3;
	v4 =	vand.u32 $0xFFFFFFF0, v55  }
0x128: {  	v3 =	vor.u32 v3, v4  }
0x129: {  	v4 =	vperm.xlane v3, v0;
	_ =	sdelay $0x1  }
0x12a: {  	v3 =	vperm.xlane v3, v2;
	v4 =	vadd.s32 v1, v4;
	_ =	sdelay $0x1  }
0x12b: {  	v3 =	vadd.s32 v1, v3;
	_ =	sdelay $0x1  }
0x12c: {  	s11 =	simm.s32 $0x17C00  }
0x12d: {  	[tilespmem:s11], [sflag:$0x4] =	stream.indirect_vreg.gather [hbm4b:s4+s2], $0x80, v4, vm0, $0xb8;
	[tilespmem:$0x18C00] =	vst v63  }
0x12e: {  	s11 =	simm.s32 $0x18400  }
0x12f: {  	[tilespmem:s11], [sflag:$0x4] =	stream.indirect_vreg.gather [hbm4b:s4+s2], $0x80, v3, vm0, $0xb8;
	[tilespmem:$0x18C00] =	vst v63  }
0x130: {  	_ =	swait.ge [sflag:s31], $0x6000  }
0x131: {  	[sflag:s31] =	ssyncset.done $0x0  }
0x132: {  	s11 =	rddreg [dreg:$0x3];
	[sflag:s31] =	ssyncadd.s32 $0xFFFFA000  }
0x133: {  	[hbm4b:s11+s2] =	stream.linear.scatter [tilespmem:s1], [sflag:$0x6], $0x6000, $0x38;
	[tilespmem:$0x18C00] =	vst v63  }
0x134: {  	_ =	swait.ge [sflag:s0], $0x6000  }
0x135: {  	[sflag:s0] =	ssyncset.done $0x0  }
0x136: {  	[sflag:s0] =	ssyncadd.s32 $0xFFFFA000  }
0x137: {  	v3 =	vld [tilespmem:$0x200];
	_ =	sdelay $0x4  }
0x138: {  	v56 =	vshll.u32 v3, $0x1  }
0x139: {  	v3 =	vand.u32 $0x7, v3;
	v4 =	vand.u32 $0xFFFFFFF0, v56  }
0x13a: {  	v3 =	vor.u32 v3, v4  }
0x13b: {  	v4 =	vperm.xlane v3, v0;
	_ =	sdelay $0x1  }
0x13c: {  	v3 =	vperm.xlane v3, v2;
	v4 =	vadd.s32 v1, v4;
	_ =	sdelay $0x1  }
0x13d: {  	v3 =	vadd.s32 v1, v3;
	_ =	sdelay $0x2  }
0x13e: {  	[tilespmem:s19], [sflag:$0x1] =	stream.indirect_vreg.gather [hbm4b:s4+s2], $0x80, v4, vm0, $0xb8;
	[tilespmem:$0x18C00] =	vst v63  }
0x13f: {  	s20 =	simm.s32 $0x1400  }
0x140: {  	[tilespmem:s20], [sflag:$0x1] =	stream.indirect_vreg.gather [hbm4b:s4+s2], $0x80, v3, vm0, $0xb8;
	[tilespmem:$0x18C00] =	vst v63  }
0x141: {  	v3 =	vld [tilespmem:$0x210];
	_ =	sdelay $0x4  }
0x142: {  	v57 =	vshll.u32 v3, $0x1  }
0x143: {  	v3 =	vand.u32 $0x7, v3;
	v4 =	vand.u32 $0xFFFFFFF0, v57  }
0x144: {  	v3 =	vor.u32 v3, v4  }
0x145: {  	v4 =	vperm.xlane v3, v0;
	_ =	sdelay $0x1  }
0x146: {  	v3 =	vperm.xlane v3, v2;
	v4 =	vadd.s32 v1, v4;
	_ =	sdelay $0x1  }
0x147: {  	v3 =	vadd.s32 v1, v3;
	_ =	sdelay $0x1  }
0x148: {  	s20 =	simm.s32 $0x1C00  }
0x149: {  	[tilespmem:s20], [sflag:$0x1] =	stream.indirect_vreg.gather [hbm4b:s4+s2], $0x80, v4, vm0, $0xb8;
	[tilespmem:$0x18C00] =	vst v63  }
0x14a: {  	s21 =	simm.s32 $0x2400  }
0x14b: {  	[tilespmem:s21], [sflag:$0x1] =	stream.indirect_vreg.gather [hbm4b:s4+s2], $0x80, v3, vm0, $0xb8;
	[tilespmem:$0x18C00] =	vst v63  }
0x14c: {  	v3 =	vld [tilespmem:$0x220];
	_ =	sdelay $0x4  }
0x14d: {  	v58 =	vshll.u32 v3, $0x1  }
0x14e: {  	v3 =	vand.u32 $0x7, v3;
	v4 =	vand.u32 $0xFFFFFFF0, v58  }
0x14f: {  	v3 =	vor.u32 v3, v4  }
0x150: {  	v4 =	vperm.xlane v3, v0;
	_ =	sdelay $0x1  }
0x151: {  	v3 =	vperm.xlane v3, v2;
	v4 =	vadd.s32 v1, v4;
	_ =	sdelay $0x1  }
0x152: {  	v3 =	vadd.s32 v1, v3;
	_ =	sdelay $0x1  }
0x153: {  	s21 =	simm.s32 $0x2C00  }
0x154: {  	[tilespmem:s21], [sflag:$0x1] =	stream.indirect_vreg.gather [hbm4b:s4+s2], $0x80, v4, vm0, $0xb8;
	[tilespmem:$0x18C00] =	vst v63  }
0x155: {  	s22 =	simm.s32 $0x3400  }
0x156: {  	[tilespmem:s22], [sflag:$0x1] =	stream.indirect_vreg.gather [hbm4b:s4+s2], $0x80, v3, vm0, $0xb8;
	[tilespmem:$0x18C00] =	vst v63  }
0x157: {  	v3 =	vld [tilespmem:$0x230];
	_ =	sdelay $0x4  }
0x158: {  	v59 =	vshll.u32 v3, $0x1  }
0x159: {  	v3 =	vand.u32 $0x7, v3;
	v4 =	vand.u32 $0xFFFFFFF0, v59  }
0x15a: {  	v3 =	vor.u32 v3, v4  }
0x15b: {  	v4 =	vperm.xlane v3, v0;
	_ =	sdelay $0x1  }
0x15c: {  	v3 =	vperm.xlane v3, v2;
	v4 =	vadd.s32 v1, v4;
	_ =	sdelay $0x1  }
0x15d: {  	v3 =	vadd.s32 v1, v3;
	_ =	sdelay $0x1  }
0x15e: {  	s22 =	simm.s32 $0x3C00  }
0x15f: {  	[tilespmem:s22], [sflag:$0x1] =	stream.indirect_vreg.gather [hbm4b:s4+s2], $0x80, v4, vm0, $0xb8;
	[tilespmem:$0x18C00] =	vst v63  }
0x160: {  	s23 =	simm.s32 $0x4400  }
0x161: {  	[tilespmem:s23], [sflag:$0x1] =	stream.indirect_vreg.gather [hbm4b:s4+s2], $0x80, v3, vm0, $0xb8;
	[tilespmem:$0x18C00] =	vst v63  }
0x162: {  	v3 =	vld [tilespmem:$0x240];
	_ =	sdelay $0x4  }
0x163: {  	v60 =	vshll.u32 v3, $0x1  }
0x164: {  	v3 =	vand.u32 $0x7, v3;
	v4 =	vand.u32 $0xFFFFFFF0, v60  }
0x165: {  	v3 =	vor.u32 v3, v4  }
0x166: {  	v4 =	vperm.xlane v3, v0;
	_ =	sdelay $0x1  }
0x167: {  	v3 =	vperm.xlane v3, v2;
	v4 =	vadd.s32 v1, v4;
	_ =	sdelay $0x1  }
0x168: {  	v3 =	vadd.s32 v1, v3;
	_ =	sdelay $0x1  }
0x169: {  	s23 =	simm.s32 $0x4C00  }
0x16a: {  	[tilespmem:s23], [sflag:$0x1] =	stream.indirect_vreg.gather [hbm4b:s4+s2], $0x80, v4, vm0, $0xb8;
	[tilespmem:$0x18C00] =	vst v63  }
0x16b: {  	s24 =	simm.s32 $0x5400  }
0x16c: {  	[tilespmem:s24], [sflag:$0x1] =	stream.indirect_vreg.gather [hbm4b:s4+s2], $0x80, v3, vm0, $0xb8;
	[tilespmem:$0x18C00] =	vst v63  }
0x16d: {  	v3 =	vld [tilespmem:$0x250];
	_ =	sdelay $0x4  }
0x16e: {  	v61 =	vshll.u32 v3, $0x1  }
0x16f: {  	v3 =	vand.u32 $0x7, v3;
	v4 =	vand.u32 $0xFFFFFFF0, v61  }
0x170: {  	v3 =	vor.u32 v3, v4  }
0x171: {  	v4 =	vperm.xlane v3, v0;
	_ =	sdelay $0x1  }
0x172: {  	v3 =	vperm.xlane v3, v2;
	v4 =	vadd.s32 v1, v4;
	_ =	sdelay $0x1  }
0x173: {  	v3 =	vadd.s32 v1, v3;
	_ =	sdelay $0x1  }
0x174: {  	s24 =	simm.s32 $0x5C00  }
0x175: {  	[tilespmem:s24], [sflag:$0x1] =	stream.indirect_vreg.gather [hbm4b:s4+s2], $0x80, v4, vm0, $0xb8;
	[tilespmem:$0x18C00] =	vst v63  }
0x176: {  	s7 =	simm.s32 $0x6400  }
0x177: {  	[tilespmem:s7], [sflag:$0x1] =	stream.indirect_vreg.gather [hbm4b:s4+s2], $0x80, v3, vm0, $0xb8;
	[tilespmem:$0x18C00] =	vst v63  }
0x178: {  	_ =	swait.ge [sflag:s3], $0x6000  }
0x179: {  	[sflag:s3] =	ssyncset.done $0x0  }
0x17a: {  	s7 =	rddreg [dreg:$0x4];
	[sflag:s3] =	ssyncadd.s32 $0xFFFFA000  }
0x17b: {  	[hbm4b:s7+s2] =	stream.linear.scatter [tilespmem:s12], [sflag:$0x7], $0x6000, $0x38;
	[tilespmem:$0x18C00] =	vst v63  }
0x17c: {  	_ =	swait.ge [sflag:s6], $0x6000  }
0x17d: {  	[sflag:s6] =	ssyncset.done $0x0  }
0x17e: {  	[sflag:s6] =	ssyncadd.s32 $0xFFFFA000  }
0x17f: {  	v3 =	vld [tilespmem:$0x280];
	_ =	sdelay $0x4  }
0x180: {  	v62 =	vshll.u32 v3, $0x1  }
0x181: {  	v3 =	vand.u32 $0x7, v3;
	v4 =	vand.u32 $0xFFFFFFF0, v62  }
0x182: {  	v3 =	vor.u32 v3, v4  }
0x183: {  	v4 =	vperm.xlane v3, v0;
	_ =	sdelay $0x1  }
0x184: {  	v3 =	vperm.xlane v3, v2;
	v4 =	vadd.s32 v1, v4;
	_ =	sdelay $0x1  }
0x185: {  	v3 =	vadd.s32 v1, v3;
	_ =	sdelay $0x2  }
0x186: {  	[tilespmem:s1], [sflag:$0x2] =	stream.indirect_vreg.gather [hbm4b:s4+s2], $0x80, v4, vm0, $0xb8;
	[tilespmem:$0x18C00] =	vst v63  }
0x187: {  	s26 =	simm.s32 $0x7400  }
0x188: {  	[tilespmem:s26], [sflag:$0x2] =	stream.indirect_vreg.gather [hbm4b:s4+s2], $0x80, v3, vm0, $0xb8;
	[tilespmem:$0x18C00] =	vst v63  }
0x189: {  	v3 =	vld [tilespmem:$0x290];
	_ =	sdelay $0x4  }
0x18a: {  	v63 =	vshll.u32 v3, $0x1  }
0x18b: {  	v3 =	vand.u32 $0x7, v3;
	v4 =	vand.u32 $0xFFFFFFF0, v63  }
0x18c: {  	v3 =	vor.u32 v3, v4  }
0x18d: {  	v4 =	vperm.xlane v3, v0;
	_ =	sdelay $0x1  }
0x18e: {  	v3 =	vperm.xlane v3, v2;
	v4 =	vadd.s32 v1, v4;
	_ =	sdelay $0x1  }
0x18f: {  	v3 =	vadd.s32 v1, v3;
	_ =	sdelay $0x1  }
0x190: {  	s26 =	simm.s32 $0x7C00  }
0x191: {  	[tilespmem:s26], [sflag:$0x2] =	stream.indirect_vreg.gather [hbm4b:s4+s2], $0x80, v4, vm0, $0xb8;
	[tilespmem:$0x18C00] =	vst v63  }
0x192: {  	s25 =	simm.s32 $0x8400  }
0x193: {  	[tilespmem:s25], [sflag:$0x2] =	stream.indirect_vreg.gather [hbm4b:s4+s2], $0x80, v3, vm0, $0xb8;
	[tilespmem:$0x18C00] =	vst v63  }
0x194: {  	v3 =	vld [tilespmem:$0x2A0];
	_ =	sdelay $0x4  }
0x195: {  	v8 =	vshll.u32 v3, $0x1  }
0x196: {  	v3 =	vand.u32 $0x7, v3;
	v4 =	vand.u32 $0xFFFFFFF0, v8  }
0x197: {  	v3 =	vor.u32 v3, v4  }
0x198: {  	v4 =	vperm.xlane v3, v0;
	_ =	sdelay $0x1  }
0x199: {  	v3 =	vperm.xlane v3, v2;
	v4 =	vadd.s32 v1, v4;
	_ =	sdelay $0x1  }
0x19a: {  	v3 =	vadd.s32 v1, v3;
	_ =	sdelay $0x1  }
0x19b: {  	s11 =	simm.s32 $0x8C00  }
0x19c: {  	[tilespmem:s11], [sflag:$0x2] =	stream.indirect_vreg.gather [hbm4b:s4+s2], $0x80, v4, vm0, $0xb8;
	[tilespmem:$0x18C00] =	vst v63  }
0x19d: {  	s28 =	simm.s32 $0x9400  }
0x19e: {  	[tilespmem:s28], [sflag:$0x2] =	stream.indirect_vreg.gather [hbm4b:s4+s2], $0x80, v3, vm0, $0xb8;
	[tilespmem:$0x18C00] =	vst v63  }
0x19f: {  	v3 =	vld [tilespmem:$0x2B0];
	_ =	sdelay $0x4  }
0x1a0: {  	v9 =	vshll.u32 v3, $0x1  }
0x1a1: {  	v3 =	vand.u32 $0x7, v3;
	v4 =	vand.u32 $0xFFFFFFF0, v9  }
0x1a2: {  	v3 =	vor.u32 v3, v4  }
0x1a3: {  	v4 =	vperm.xlane v3, v0;
	_ =	sdelay $0x1  }
0x1a4: {  	v3 =	vperm.xlane v3, v2;
	v4 =	vadd.s32 v1, v4;
	_ =	sdelay $0x1  }
0x1a5: {  	v3 =	vadd.s32 v1, v3;
	_ =	sdelay $0x1  }
0x1a6: {  	s13 =	simm.s32 $0x9C00  }
0x1a7: {  	[tilespmem:s13], [sflag:$0x2] =	stream.indirect_vreg.gather [hbm4b:s4+s2], $0x80, v4, vm0, $0xb8;
	[tilespmem:$0x18C00] =	vst v63  }
0x1a8: {  	s29 =	simm.s32 $0xA400  }
0x1a9: {  	[tilespmem:s29], [sflag:$0x2] =	stream.indirect_vreg.gather [hbm4b:s4+s2], $0x80, v3, vm0, $0xb8;
	[tilespmem:$0x18C00] =	vst v63  }
0x1aa: {  	v3 =	vld [tilespmem:$0x2C0];
	_ =	sdelay $0x4  }
0x1ab: {  	v10 =	vshll.u32 v3, $0x1  }
0x1ac: {  	v3 =	vand.u32 $0x7, v3;
	v4 =	vand.u32 $0xFFFFFFF0, v10  }
0x1ad: {  	v3 =	vor.u32 v3, v4  }
0x1ae: {  	v4 =	vperm.xlane v3, v0;
	_ =	sdelay $0x1  }
0x1af: {  	v3 =	vperm.xlane v3, v2;
	v4 =	vadd.s32 v1, v4;
	_ =	sdelay $0x1  }
0x1b0: {  	v3 =	vadd.s32 v1, v3;
	_ =	sdelay $0x1  }
0x1b1: {  	s14 =	simm.s32 $0xAC00  }
0x1b2: {  	[tilespmem:s14], [sflag:$0x2] =	stream.indirect_vreg.gather [hbm4b:s4+s2], $0x80, v4, vm0, $0xb8;
	[tilespmem:$0x18C00] =	vst v63  }
0x1b3: {  	s30 =	simm.s32 $0xB400  }
0x1b4: {  	[tilespmem:s30], [sflag:$0x2] =	stream.indirect_vreg.gather [hbm4b:s4+s2], $0x80, v3, vm0, $0xb8;
	[tilespmem:$0x18C00] =	vst v63  }
0x1b5: {  	v3 =	vld [tilespmem:$0x2D0];
	_ =	sdelay $0x4  }
0x1b6: {  	v11 =	vshll.u32 v3, $0x1  }
0x1b7: {  	v3 =	vand.u32 $0x7, v3;
	v4 =	vand.u32 $0xFFFFFFF0, v11  }
0x1b8: {  	v3 =	vor.u32 v3, v4  }
0x1b9: {  	v4 =	vperm.xlane v3, v0;
	_ =	sdelay $0x1  }
0x1ba: {  	v3 =	vperm.xlane v3, v2;
	v4 =	vadd.s32 v1, v4;
	_ =	sdelay $0x1  }
0x1bb: {  	v3 =	vadd.s32 v1, v3;
	_ =	sdelay $0x1  }
0x1bc: {  	s15 =	simm.s32 $0xBC00  }
0x1bd: {  	[tilespmem:s15], [sflag:$0x2] =	stream.indirect_vreg.gather [hbm4b:s4+s2], $0x80, v4, vm0, $0xb8;
	[tilespmem:$0x18C00] =	vst v63  }
0x1be: {  	s18 =	simm.s32 $0xC400  }
0x1bf: {  	[tilespmem:s18], [sflag:$0x2] =	stream.indirect_vreg.gather [hbm4b:s4+s2], $0x80, v3, vm0, $0xb8;
	[tilespmem:$0x18C00] =	vst v63  }
0x1c0: {  	_ =	swait.ge [sflag:s8], $0x6000  }
0x1c1: {  	[sflag:s8] =	ssyncset.done $0x0  }
0x1c2: {  	s13 =	rddreg [dreg:$0x5];
	[sflag:s8] =	ssyncadd.s32 $0xFFFFA000  }
0x1c3: {  	[hbm4b:s13+s2] =	stream.linear.scatter [tilespmem:s17], [sflag:$0x8], $0x6000, $0x38;
	[tilespmem:$0x18C00] =	vst v63  }
0x1c4: {  	_ =	swait.ge [sflag:s9], $0x6000  }
0x1c5: {  	[sflag:s9] =	ssyncset.done $0x0  }
0x1c6: {  	[sflag:s9] =	ssyncadd.s32 $0xFFFFA000  }
0x1c7: {  	v3 =	vld [tilespmem:$0x300];
	_ =	sdelay $0x4  }
0x1c8: {  	v12 =	vshll.u32 v3, $0x1  }
0x1c9: {  	v3 =	vand.u32 $0x7, v3;
	v4 =	vand.u32 $0xFFFFFFF0, v12  }
0x1ca: {  	v3 =	vor.u32 v3, v4  }
0x1cb: {  	v4 =	vperm.xlane v3, v0;
	_ =	sdelay $0x1  }
0x1cc: {  	v3 =	vperm.xlane v3, v2;
	v4 =	vadd.s32 v1, v4;
	_ =	sdelay $0x1  }
0x1cd: {  	v3 =	vadd.s32 v1, v3;
	_ =	sdelay $0x2  }
0x1ce: {  	[tilespmem:s12], [sflag:$0x3] =	stream.indirect_vreg.gather [hbm4b:s4+s2], $0x80, v4, vm0, $0xb8;
	[tilespmem:$0x18C00] =	vst v63  }
0x1cf: {  	s14 =	simm.s32 $0xD400  }
0x1d0: {  	[tilespmem:s14], [sflag:$0x3] =	stream.indirect_vreg.gather [hbm4b:s4+s2], $0x80, v3, vm0, $0xb8;
	[tilespmem:$0x18C00] =	vst v63  }
0x1d1: {  	v3 =	vld [tilespmem:$0x310];
	_ =	sdelay $0x4  }
0x1d2: {  	v13 =	vshll.u32 v3, $0x1  }
0x1d3: {  	v3 =	vand.u32 $0x7, v3;
	v4 =	vand.u32 $0xFFFFFFF0, v13  }
0x1d4: {  	v3 =	vor.u32 v3, v4  }
0x1d5: {  	v4 =	vperm.xlane v3, v0;
	_ =	sdelay $0x1  }
0x1d6: {  	v3 =	vperm.xlane v3, v2;
	v4 =	vadd.s32 v1, v4;
	_ =	sdelay $0x1  }
0x1d7: {  	v3 =	vadd.s32 v1, v3;
	_ =	sdelay $0x1  }
0x1d8: {  	s15 =	simm.s32 $0xDC00  }
0x1d9: {  	[tilespmem:s15], [sflag:$0x3] =	stream.indirect_vreg.gather [hbm4b:s4+s2], $0x80, v4, vm0, $0xb8;
	[tilespmem:$0x18C00] =	vst v63  }
0x1da: {  	s18 =	simm.s32 $0xE400  }
0x1db: {  	[tilespmem:s18], [sflag:$0x3] =	stream.indirect_vreg.gather [hbm4b:s4+s2], $0x80, v3, vm0, $0xb8;
	[tilespmem:$0x18C00] =	vst v63  }
0x1dc: {  	v3 =	vld [tilespmem:$0x320];
	_ =	sdelay $0x4  }
0x1dd: {  	v14 =	vshll.u32 v3, $0x1  }
0x1de: {  	v3 =	vand.u32 $0x7, v3;
	v4 =	vand.u32 $0xFFFFFFF0, v14  }
0x1df: {  	v3 =	vor.u32 v3, v4  }
0x1e0: {  	v4 =	vperm.xlane v3, v0;
	_ =	sdelay $0x1  }
0x1e1: {  	v3 =	vperm.xlane v3, v2;
	v4 =	vadd.s32 v1, v4;
	_ =	sdelay $0x1  }
0x1e2: {  	v3 =	vadd.s32 v1, v3;
	_ =	sdelay $0x1  }
0x1e3: {  	s25 =	simm.s32 $0xEC00  }
0x1e4: {  	[tilespmem:s25], [sflag:$0x3] =	stream.indirect_vreg.gather [hbm4b:s4+s2], $0x80, v4, vm0, $0xb8;
	[tilespmem:$0x18C00] =	vst v63  }
0x1e5: {  	s26 =	simm.s32 $0xF400  }
0x1e6: {  	[tilespmem:s26], [sflag:$0x3] =	stream.indirect_vreg.gather [hbm4b:s4+s2], $0x80, v3, vm0, $0xb8;
	[tilespmem:$0x18C00] =	vst v63  }
0x1e7: {  	v3 =	vld [tilespmem:$0x330];
	_ =	sdelay $0x4  }
0x1e8: {  	v15 =	vshll.u32 v3, $0x1  }
0x1e9: {  	v3 =	vand.u32 $0x7, v3;
	v4 =	vand.u32 $0xFFFFFFF0, v15  }
0x1ea: {  	v3 =	vor.u32 v3, v4  }
0x1eb: {  	v4 =	vperm.xlane v3, v0;
	_ =	sdelay $0x1  }
0x1ec: {  	v3 =	vperm.xlane v3, v2;
	v4 =	vadd.s32 v1, v4;
	_ =	sdelay $0x1  }
0x1ed: {  	v3 =	vadd.s32 v1, v3;
	_ =	sdelay $0x1  }
0x1ee: {  	s28 =	simm.s32 $0xFC00  }
0x1ef: {  	[tilespmem:s28], [sflag:$0x3] =	stream.indirect_vreg.gather [hbm4b:s4+s2], $0x80, v4, vm0, $0xb8;
	[tilespmem:$0x18C00] =	vst v63  }
0x1f0: {  	s29 =	simm.s32 $0x10400  }
0x1f1: {  	[tilespmem:s29], [sflag:$0x3] =	stream.indirect_vreg.gather [hbm4b:s4+s2], $0x80, v3, vm0, $0xb8;
	[tilespmem:$0x18C00] =	vst v63  }
0x1f2: {  	v3 =	vld [tilespmem:$0x340];
	_ =	sdelay $0x4  }
0x1f3: {  	v16 =	vshll.u32 v3, $0x1  }
0x1f4: {  	v3 =	vand.u32 $0x7, v3;
	v4 =	vand.u32 $0xFFFFFFF0, v16  }
0x1f5: {  	v3 =	vor.u32 v3, v4  }
0x1f6: {  	v4 =	vperm.xlane v3, v0;
	_ =	sdelay $0x1  }
0x1f7: {  	v3 =	vperm.xlane v3, v2;
	v4 =	vadd.s32 v1, v4;
	_ =	sdelay $0x1  }
0x1f8: {  	v3 =	vadd.s32 v1, v3;
	_ =	sdelay $0x1  }
0x1f9: {  	s30 =	simm.s32 $0x10C00  }
0x1fa: {  	[tilespmem:s30], [sflag:$0x3] =	stream.indirect_vreg.gather [hbm4b:s4+s2], $0x80, v4, vm0, $0xb8;
	[tilespmem:$0x18C00] =	vst v63  }
0x1fb: {  	s11 =	simm.s32 $0x11400  }
0x1fc: {  	[tilespmem:s11], [sflag:$0x3] =	stream.indirect_vreg.gather [hbm4b:s4+s2], $0x80, v3, vm0, $0xb8;
	[tilespmem:$0x18C00] =	vst v63  }
0x1fd: {  	v3 =	vld [tilespmem:$0x350];
	_ =	sdelay $0x4  }
0x1fe: {  	v17 =	vshll.u32 v3, $0x1  }
0x1ff: {  	v3 =	vand.u32 $0x7, v3;
	v4 =	vand.u32 $0xFFFFFFF0, v17  }
0x200: {  	v3 =	vor.u32 v3, v4  }
0x201: {  	v4 =	vperm.xlane v3, v0;
	_ =	sdelay $0x1  }
0x202: {  	v3 =	vperm.xlane v3, v2;
	v4 =	vadd.s32 v1, v4;
	_ =	sdelay $0x1  }
0x203: {  	v3 =	vadd.s32 v1, v3;
	_ =	sdelay $0x1  }
0x204: {  	s13 =	simm.s32 $0x11C00  }
0x205: {  	[tilespmem:s13], [sflag:$0x3] =	stream.indirect_vreg.gather [hbm4b:s4+s2], $0x80, v4, vm0, $0xb8;
	[tilespmem:$0x18C00] =	vst v63  }
0x206: {  	s14 =	simm.s32 $0x12400  }
0x207: {  	[tilespmem:s14], [sflag:$0x3] =	stream.indirect_vreg.gather [hbm4b:s4+s2], $0x80, v3, vm0, $0xb8;
	[tilespmem:$0x18C00] =	vst v63  }
0x208: {  	_ =	swait.ge [sflag:s16], $0x6000  }
0x209: {  	[sflag:s16] =	ssyncset.done $0x0  }
0x20a: {  	s15 =	rddreg [dreg:$0x6];
	[sflag:s16] =	ssyncadd.s32 $0xFFFFA000  }
0x20b: {  	[hbm4b:s15+s2] =	stream.linear.scatter [tilespmem:s19], [sflag:$0x5], $0x6000, $0x38;
	[tilespmem:$0x18C00] =	vst v63  }
0x20c: {  	_ =	swait.ge [sflag:s10], $0x6000  }
0x20d: {  	[sflag:s10] =	ssyncset.done $0x0  }
0x20e: {  	[sflag:s10] =	ssyncadd.s32 $0xFFFFA000  }
0x20f: {  	v3 =	vld [tilespmem:$0x380];
	_ =	sdelay $0x4  }
0x210: {  	v18 =	vshll.u32 v3, $0x1  }
0x211: {  	v3 =	vand.u32 $0x7, v3;
	v4 =	vand.u32 $0xFFFFFFF0, v18  }
0x212: {  	v3 =	vor.u32 v3, v4  }
0x213: {  	v4 =	vperm.xlane v3, v0;
	_ =	sdelay $0x1  }
0x214: {  	v3 =	vperm.xlane v3, v2;
	v4 =	vadd.s32 v1, v4;
	_ =	sdelay $0x1  }
0x215: {  	v3 =	vadd.s32 v1, v3;
	_ =	sdelay $0x2  }
0x216: {  	[tilespmem:s17], [sflag:$0x4] =	stream.indirect_vreg.gather [hbm4b:s4+s2], $0x80, v4, vm0, $0xb8;
	[tilespmem:$0x18C00] =	vst v63  }
0x217: {  	s18 =	simm.s32 $0x13400  }
0x218: {  	[tilespmem:s18], [sflag:$0x4] =	stream.indirect_vreg.gather [hbm4b:s4+s2], $0x80, v3, vm0, $0xb8;
	[tilespmem:$0x18C00] =	vst v63  }
0x219: {  	v3 =	vld [tilespmem:$0x390];
	_ =	sdelay $0x4  }
0x21a: {  	v19 =	vshll.u32 v3, $0x1  }
0x21b: {  	v3 =	vand.u32 $0x7, v3;
	v4 =	vand.u32 $0xFFFFFFF0, v19  }
0x21c: {  	v3 =	vor.u32 v3, v4  }
0x21d: {  	v4 =	vperm.xlane v3, v0;
	_ =	sdelay $0x1  }
0x21e: {  	v3 =	vperm.xlane v3, v2;
	v4 =	vadd.s32 v1, v4;
	_ =	sdelay $0x1  }
0x21f: {  	v3 =	vadd.s32 v1, v3;
	_ =	sdelay $0x1  }
0x220: {  	s25 =	simm.s32 $0x13C00  }
0x221: {  	[tilespmem:s25], [sflag:$0x4] =	stream.indirect_vreg.gather [hbm4b:s4+s2], $0x80, v4, vm0, $0xb8;
	[tilespmem:$0x18C00] =	vst v63  }
0x222: {  	s28 =	simm.s32 $0x14400  }
0x223: {  	[tilespmem:s28], [sflag:$0x4] =	stream.indirect_vreg.gather [hbm4b:s4+s2], $0x80, v3, vm0, $0xb8;
	[tilespmem:$0x18C00] =	vst v63  }
0x224: {  	v3 =	vld [tilespmem:$0x3A0];
	_ =	sdelay $0x4  }
0x225: {  	v20 =	vshll.u32 v3, $0x1  }
0x226: {  	v3 =	vand.u32 $0x7, v3;
	v4 =	vand.u32 $0xFFFFFFF0, v20  }
0x227: {  	v3 =	vor.u32 v3, v4  }
0x228: {  	v4 =	vperm.xlane v3, v0;
	_ =	sdelay $0x1  }
0x229: {  	v3 =	vperm.xlane v3, v2;
	v4 =	vadd.s32 v1, v4;
	_ =	sdelay $0x1  }
0x22a: {  	v3 =	vadd.s32 v1, v3;
	_ =	sdelay $0x1  }
0x22b: {  	s29 =	simm.s32 $0x14C00  }
0x22c: {  	[tilespmem:s29], [sflag:$0x4] =	stream.indirect_vreg.gather [hbm4b:s4+s2], $0x80, v4, vm0, $0xb8;
	[tilespmem:$0x18C00] =	vst v63  }
0x22d: {  	s30 =	simm.s32 $0x15400  }
0x22e: {  	[tilespmem:s30], [sflag:$0x4] =	stream.indirect_vreg.gather [hbm4b:s4+s2], $0x80, v3, vm0, $0xb8;
	[tilespmem:$0x18C00] =	vst v63  }
0x22f: {  	v3 =	vld [tilespmem:$0x3B0];
	_ =	sdelay $0x4  }
0x230: {  	v21 =	vshll.u32 v3, $0x1  }
0x231: {  	v3 =	vand.u32 $0x7, v3;
	v4 =	vand.u32 $0xFFFFFFF0, v21  }
0x232: {  	v3 =	vor.u32 v3, v4  }
0x233: {  	v4 =	vperm.xlane v3, v0;
	_ =	sdelay $0x1  }
0x234: {  	v3 =	vperm.xlane v3, v2;
	v4 =	vadd.s32 v1, v4;
	_ =	sdelay $0x1  }
0x235: {  	v3 =	vadd.s32 v1, v3;
	_ =	sdelay $0x1  }
0x236: {  	s14 =	simm.s32 $0x15C00  }
0x237: {  	[tilespmem:s14], [sflag:$0x4] =	stream.indirect_vreg.gather [hbm4b:s4+s2], $0x80, v4, vm0, $0xb8;
	[tilespmem:$0x18C00] =	vst v63  }
0x238: {  	s15 =	simm.s32 $0x16400  }
0x239: {  	[tilespmem:s15], [sflag:$0x4] =	stream.indirect_vreg.gather [hbm4b:s4+s2], $0x80, v3, vm0, $0xb8;
	[tilespmem:$0x18C00] =	vst v63  }
0x23a: {  	v3 =	vld [tilespmem:$0x3C0];
	_ =	sdelay $0x4  }
0x23b: {  	v22 =	vshll.u32 v3, $0x1  }
0x23c: {  	v3 =	vand.u32 $0x7, v3;
	v4 =	vand.u32 $0xFFFFFFF0, v22  }
0x23d: {  	v3 =	vor.u32 v3, v4  }
0x23e: {  	v4 =	vperm.xlane v3, v0;
	_ =	sdelay $0x1  }
0x23f: {  	v3 =	vperm.xlane v3, v2;
	v4 =	vadd.s32 v1, v4;
	_ =	sdelay $0x1  }
0x240: {  	v3 =	vadd.s32 v1, v3;
	_ =	sdelay $0x1  }
0x241: {  	s18 =	simm.s32 $0x16C00  }
0x242: {  	[tilespmem:s18], [sflag:$0x4] =	stream.indirect_vreg.gather [hbm4b:s4+s2], $0x80, v4, vm0, $0xb8;
	[tilespmem:$0x18C00] =	vst v63  }
0x243: {  	s25 =	simm.s32 $0x17400  }
0x244: {  	[tilespmem:s25], [sflag:$0x4] =	stream.indirect_vreg.gather [hbm4b:s4+s2], $0x80, v3, vm0, $0xb8;
	[tilespmem:$0x18C00] =	vst v63  }
0x245: {  	v3 =	vld [tilespmem:$0x3D0];
	_ =	sdelay $0x4  }
0x246: {  	v23 =	vshll.u32 v3, $0x1  }
0x247: {  	v3 =	vand.u32 $0x7, v3;
	v4 =	vand.u32 $0xFFFFFFF0, v23  }
0x248: {  	v3 =	vor.u32 v3, v4  }
0x249: {  	v4 =	vperm.xlane v3, v0;
	_ =	sdelay $0x1  }
0x24a: {  	v3 =	vperm.xlane v3, v2;
	v4 =	vadd.s32 v1, v4;
	_ =	sdelay $0x1  }
0x24b: {  	v3 =	vadd.s32 v1, v3;
	_ =	sdelay $0x1  }
0x24c: {  	s18 =	simm.s32 $0x17C00  }
0x24d: {  	[tilespmem:s18], [sflag:$0x4] =	stream.indirect_vreg.gather [hbm4b:s4+s2], $0x80, v4, vm0, $0xb8;
	[tilespmem:$0x18C00] =	vst v63  }
0x24e: {  	s11 =	simm.s32 $0x18400  }
0x24f: {  	[tilespmem:s11], [sflag:$0x4] =	stream.indirect_vreg.gather [hbm4b:s4+s2], $0x80, v3, vm0, $0xb8;
	[tilespmem:$0x18C00] =	vst v63  }
0x250: {  	_ =	swait.ge [sflag:s31], $0x6000  }
0x251: {  	[sflag:s31] =	ssyncset.done $0x0  }
0x252: {  	s11 =	rddreg [dreg:$0x7];
	[sflag:s31] =	ssyncadd.s32 $0xFFFFA000  }
0x253: {  	[hbm4b:s11+s2] =	stream.linear.scatter [tilespmem:s1], [sflag:$0x6], $0x6000, $0x38;
	[tilespmem:$0x18C00] =	vst v63  }
0x254: {  	_ =	swait.ge [sflag:s0], $0x6000  }
0x255: {  	[sflag:s0] =	ssyncset.done $0x0  }
0x256: {  	[sflag:s0] =	ssyncadd.s32 $0xFFFFA000  }
0x257: {  	v3 =	vld [tilespmem:$0x400];
	_ =	sdelay $0x4  }
0x258: {  	v24 =	vshll.u32 v3, $0x1  }
0x259: {  	v3 =	vand.u32 $0x7, v3;
	v4 =	vand.u32 $0xFFFFFFF0, v24  }
0x25a: {  	v3 =	vor.u32 v3, v4  }
0x25b: {  	v4 =	vperm.xlane v3, v0;
	_ =	sdelay $0x1  }
0x25c: {  	v3 =	vperm.xlane v3, v2;
	v4 =	vadd.s32 v1, v4;
	_ =	sdelay $0x1  }
0x25d: {  	v3 =	vadd.s32 v1, v3;
	_ =	sdelay $0x2  }
0x25e: {  	[tilespmem:s19], [sflag:$0x1] =	stream.indirect_vreg.gather [hbm4b:s4+s2], $0x80, v4, vm0, $0xb8;
	[tilespmem:$0x18C00] =	vst v63  }
0x25f: {  	s11 =	simm.s32 $0x1400  }
0x260: {  	[tilespmem:s11], [sflag:$0x1] =	stream.indirect_vreg.gather [hbm4b:s4+s2], $0x80, v3, vm0, $0xb8;
	[tilespmem:$0x18C00] =	vst v63  }
0x261: {  	v3 =	vld [tilespmem:$0x410];
	_ =	sdelay $0x4  }
0x262: {  	v25 =	vshll.u32 v3, $0x1  }
0x263: {  	v3 =	vand.u32 $0x7, v3;
	v4 =	vand.u32 $0xFFFFFFF0, v25  }
0x264: {  	v3 =	vor.u32 v3, v4  }
0x265: {  	v4 =	vperm.xlane v3, v0;
	_ =	sdelay $0x1  }
0x266: {  	v3 =	vperm.xlane v3, v2;
	v4 =	vadd.s32 v1, v4;
	_ =	sdelay $0x1  }
0x267: {  	v3 =	vadd.s32 v1, v3;
	_ =	sdelay $0x2  }
0x268: {  	[tilespmem:s20], [sflag:$0x1] =	stream.indirect_vreg.gather [hbm4b:s4+s2], $0x80, v4, vm0, $0xb8;
	[tilespmem:$0x18C00] =	vst v63  }
0x269: {  	s11 =	simm.s32 $0x2400  }
0x26a: {  	[tilespmem:s11], [sflag:$0x1] =	stream.indirect_vreg.gather [hbm4b:s4+s2], $0x80, v3, vm0, $0xb8;
	[tilespmem:$0x18C00] =	vst v63  }
0x26b: {  	v3 =	vld [tilespmem:$0x420];
	_ =	sdelay $0x4  }
0x26c: {  	v26 =	vshll.u32 v3, $0x1  }
0x26d: {  	v3 =	vand.u32 $0x7, v3;
	v4 =	vand.u32 $0xFFFFFFF0, v26  }
0x26e: {  	v3 =	vor.u32 v3, v4  }
0x26f: {  	v4 =	vperm.xlane v3, v0;
	_ =	sdelay $0x1  }
0x270: {  	v3 =	vperm.xlane v3, v2;
	v4 =	vadd.s32 v1, v4;
	_ =	sdelay $0x1  }
0x271: {  	v3 =	vadd.s32 v1, v3;
	_ =	sdelay $0x2  }
0x272: {  	[tilespmem:s21], [sflag:$0x1] =	stream.indirect_vreg.gather [hbm4b:s4+s2], $0x80, v4, vm0, $0xb8;
	[tilespmem:$0x18C00] =	vst v63  }
0x273: {  	s11 =	simm.s32 $0x3400  }
0x274: {  	[tilespmem:s11], [sflag:$0x1] =	stream.indirect_vreg.gather [hbm4b:s4+s2], $0x80, v3, vm0, $0xb8;
	[tilespmem:$0x18C00] =	vst v63  }
0x275: {  	v3 =	vld [tilespmem:$0x430];
	_ =	sdelay $0x4  }
0x276: {  	v27 =	vshll.u32 v3, $0x1  }
0x277: {  	v3 =	vand.u32 $0x7, v3;
	v4 =	vand.u32 $0xFFFFFFF0, v27  }
0x278: {  	v3 =	vor.u32 v3, v4  }
0x279: {  	v4 =	vperm.xlane v3, v0;
	_ =	sdelay $0x1  }
0x27a: {  	v3 =	vperm.xlane v3, v2;
	v4 =	vadd.s32 v1, v4;
	_ =	sdelay $0x1  }
0x27b: {  	v3 =	vadd.s32 v1, v3;
	_ =	sdelay $0x2  }
0x27c: {  	[tilespmem:s22], [sflag:$0x1] =	stream.indirect_vreg.gather [hbm4b:s4+s2], $0x80, v4, vm0, $0xb8;
	[tilespmem:$0x18C00] =	vst v63  }
0x27d: {  	s11 =	simm.s32 $0x4400  }
0x27e: {  	[tilespmem:s11], [sflag:$0x1] =	stream.indirect_vreg.gather [hbm4b:s4+s2], $0x80, v3, vm0, $0xb8;
	[tilespmem:$0x18C00] =	vst v63  }
0x27f: {  	v3 =	vld [tilespmem:$0x440];
	_ =	sdelay $0x4  }
0x280: {  	v28 =	vshll.u32 v3, $0x1  }
0x281: {  	v3 =	vand.u32 $0x7, v3;
	v4 =	vand.u32 $0xFFFFFFF0, v28  }
0x282: {  	v3 =	vor.u32 v3, v4  }
0x283: {  	v4 =	vperm.xlane v3, v0;
	_ =	sdelay $0x1  }
0x284: {  	v3 =	vperm.xlane v3, v2;
	v4 =	vadd.s32 v1, v4;
	_ =	sdelay $0x1  }
0x285: {  	v3 =	vadd.s32 v1, v3;
	_ =	sdelay $0x2  }
0x286: {  	[tilespmem:s23], [sflag:$0x1] =	stream.indirect_vreg.gather [hbm4b:s4+s2], $0x80, v4, vm0, $0xb8;
	[tilespmem:$0x18C00] =	vst v63  }
0x287: {  	s11 =	simm.s32 $0x5400  }
0x288: {  	[tilespmem:s11], [sflag:$0x1] =	stream.indirect_vreg.gather [hbm4b:s4+s2], $0x80, v3, vm0, $0xb8;
	[tilespmem:$0x18C00] =	vst v63  }
0x289: {  	v3 =	vld [tilespmem:$0x450];
	_ =	sdelay $0x4  }
0x28a: {  	v29 =	vshll.u32 v3, $0x1  }
0x28b: {  	v3 =	vand.u32 $0x7, v3;
	v4 =	vand.u32 $0xFFFFFFF0, v29  }
0x28c: {  	v3 =	vor.u32 v3, v4  }
0x28d: {  	v4 =	vperm.xlane v3, v0;
	_ =	sdelay $0x1  }
0x28e: {  	v3 =	vperm.xlane v3, v2;
	v4 =	vadd.s32 v1, v4;
	_ =	sdelay $0x1  }
0x28f: {  	v3 =	vadd.s32 v1, v3;
	_ =	sdelay $0x2  }
0x290: {  	[tilespmem:s24], [sflag:$0x1] =	stream.indirect_vreg.gather [hbm4b:s4+s2], $0x80, v4, vm0, $0xb8;
	[tilespmem:$0x18C00] =	vst v63  }
0x291: {  	s11 =	simm.s32 $0x6400  }
0x292: {  	[tilespmem:s11], [sflag:$0x1] =	stream.indirect_vreg.gather [hbm4b:s4+s2], $0x80, v3, vm0, $0xb8;
	[tilespmem:$0x18C00] =	vst v63  }
0x293: {  	_ =	swait.ge [sflag:s3], $0x6000  }
0x294: {  	[sflag:s3] =	ssyncset.done $0x0  }
0x295: {  	s11 =	rddreg [dreg:$0x8];
	[sflag:s3] =	ssyncadd.s32 $0xFFFFA000  }
0x296: {  	[hbm4b:s11+s2] =	stream.linear.scatter [tilespmem:s12], [sflag:$0x7], $0x6000, $0x38;
	[tilespmem:$0x18C00] =	vst v63  }
0x297: {  	_ =	swait.ge [sflag:s6], $0x6000  }
0x298: {  	[sflag:s6] =	ssyncset.done $0x0  }
0x299: {  	[sflag:s6] =	ssyncadd.s32 $0xFFFFA000  }
0x29a: {  	v3 =	vld [tilespmem:$0x480];
	_ =	sdelay $0x4  }
0x29b: {  	v30 =	vshll.u32 v3, $0x1  }
0x29c: {  	v3 =	vand.u32 $0x7, v3;
	v4 =	vand.u32 $0xFFFFFFF0, v30  }
0x29d: {  	v3 =	vor.u32 v3, v4  }
0x29e: {  	v4 =	vperm.xlane v3, v0;
	_ =	sdelay $0x1  }
0x29f: {  	v3 =	vperm.xlane v3, v2;
	v4 =	vadd.s32 v1, v4;
	_ =	sdelay $0x1  }
0x2a0: {  	v3 =	vadd.s32 v1, v3;
	_ =	sdelay $0x2  }
0x2a1: {  	[tilespmem:s1], [sflag:$0x2] =	stream.indirect_vreg.gather [hbm4b:s4+s2], $0x80, v4, vm0, $0xb8;
	[tilespmem:$0x18C00] =	vst v63  }
0x2a2: {  	s11 =	simm.s32 $0x7400  }
0x2a3: {  	[tilespmem:s11], [sflag:$0x2] =	stream.indirect_vreg.gather [hbm4b:s4+s2], $0x80, v3, vm0, $0xb8;
	[tilespmem:$0x18C00] =	vst v63  }
0x2a4: {  	v3 =	vld [tilespmem:$0x490];
	_ =	sdelay $0x4  }
0x2a5: {  	v31 =	vshll.u32 v3, $0x1  }
0x2a6: {  	v3 =	vand.u32 $0x7, v3;
	v4 =	vand.u32 $0xFFFFFFF0, v31  }
0x2a7: {  	v3 =	vor.u32 v3, v4  }
0x2a8: {  	v4 =	vperm.xlane v3, v0;
	_ =	sdelay $0x1  }
0x2a9: {  	v3 =	vperm.xlane v3, v2;
	v4 =	vadd.s32 v1, v4;
	_ =	sdelay $0x1  }
0x2aa: {  	v3 =	vadd.s32 v1, v3;
	_ =	sdelay $0x1  }
0x2ab: {  	s11 =	simm.s32 $0x7C00  }
0x2ac: {  	[tilespmem:s11], [sflag:$0x2] =	stream.indirect_vreg.gather [hbm4b:s4+s2], $0x80, v4, vm0, $0xb8;
	[tilespmem:$0x18C00] =	vst v63  }
0x2ad: {  	s11 =	simm.s32 $0x8400  }
0x2ae: {  	[tilespmem:s11], [sflag:$0x2] =	stream.indirect_vreg.gather [hbm4b:s4+s2], $0x80, v3, vm0, $0xb8;
	[tilespmem:$0x18C00] =	vst v63  }
0x2af: {  	v3 =	vld [tilespmem:$0x4A0];
	_ =	sdelay $0x4  }
0x2b0: {  	v32 =	vshll.u32 v3, $0x1  }
0x2b1: {  	v3 =	vand.u32 $0x7, v3;
	v4 =	vand.u32 $0xFFFFFFF0, v32  }
0x2b2: {  	v3 =	vor.u32 v3, v4  }
0x2b3: {  	v4 =	vperm.xlane v3, v0;
	_ =	sdelay $0x1  }
0x2b4: {  	v3 =	vperm.xlane v3, v2;
	v4 =	vadd.s32 v1, v4;
	_ =	sdelay $0x1  }
0x2b5: {  	v3 =	vadd.s32 v1, v3;
	_ =	sdelay $0x1  }
0x2b6: {  	s11 =	simm.s32 $0x8C00  }
0x2b7: {  	[tilespmem:s11], [sflag:$0x2] =	stream.indirect_vreg.gather [hbm4b:s4+s2], $0x80, v4, vm0, $0xb8;
	[tilespmem:$0x18C00] =	vst v63  }
0x2b8: {  	s11 =	simm.s32 $0x9400  }
0x2b9: {  	[tilespmem:s11], [sflag:$0x2] =	stream.indirect_vreg.gather [hbm4b:s4+s2], $0x80, v3, vm0, $0xb8;
	[tilespmem:$0x18C00] =	vst v63  }
0x2ba: {  	v3 =	vld [tilespmem:$0x4B0];
	_ =	sdelay $0x4  }
0x2bb: {  	v33 =	vshll.u32 v3, $0x1  }
0x2bc: {  	v3 =	vand.u32 $0x7, v3;
	v4 =	vand.u32 $0xFFFFFFF0, v33  }
0x2bd: {  	v3 =	vor.u32 v3, v4  }
0x2be: {  	v4 =	vperm.xlane v3, v0;
	_ =	sdelay $0x1  }
0x2bf: {  	v3 =	vperm.xlane v3, v2;
	v4 =	vadd.s32 v1, v4;
	_ =	sdelay $0x1  }
0x2c0: {  	v3 =	vadd.s32 v1, v3;
	_ =	sdelay $0x1  }
0x2c1: {  	s11 =	simm.s32 $0x9C00  }
0x2c2: {  	[tilespmem:s11], [sflag:$0x2] =	stream.indirect_vreg.gather [hbm4b:s4+s2], $0x80, v4, vm0, $0xb8;
	[tilespmem:$0x18C00] =	vst v63  }
0x2c3: {  	s11 =	simm.s32 $0xA400  }
0x2c4: {  	[tilespmem:s11], [sflag:$0x2] =	stream.indirect_vreg.gather [hbm4b:s4+s2], $0x80, v3, vm0, $0xb8;
	[tilespmem:$0x18C00] =	vst v63  }
0x2c5: {  	v3 =	vld [tilespmem:$0x4C0];
	_ =	sdelay $0x4  }
0x2c6: {  	v34 =	vshll.u32 v3, $0x1  }
0x2c7: {  	v3 =	vand.u32 $0x7, v3;
	v4 =	vand.u32 $0xFFFFFFF0, v34  }
0x2c8: {  	v3 =	vor.u32 v3, v4  }
0x2c9: {  	v4 =	vperm.xlane v3, v0;
	_ =	sdelay $0x1  }
0x2ca: {  	v3 =	vperm.xlane v3, v2;
	v4 =	vadd.s32 v1, v4;
	_ =	sdelay $0x1  }
0x2cb: {  	v3 =	vadd.s32 v1, v3;
	_ =	sdelay $0x1  }
0x2cc: {  	s11 =	simm.s32 $0xAC00  }
0x2cd: {  	[tilespmem:s11], [sflag:$0x2] =	stream.indirect_vreg.gather [hbm4b:s4+s2], $0x80, v4, vm0, $0xb8;
	[tilespmem:$0x18C00] =	vst v63  }
0x2ce: {  	s11 =	simm.s32 $0xB400  }
0x2cf: {  	[tilespmem:s11], [sflag:$0x2] =	stream.indirect_vreg.gather [hbm4b:s4+s2], $0x80, v3, vm0, $0xb8;
	[tilespmem:$0x18C00] =	vst v63  }
0x2d0: {  	v3 =	vld [tilespmem:$0x4D0];
	_ =	sdelay $0x4  }
0x2d1: {  	v35 =	vshll.u32 v3, $0x1  }
0x2d2: {  	v3 =	vand.u32 $0x7, v3;
	v4 =	vand.u32 $0xFFFFFFF0, v35  }
0x2d3: {  	v3 =	vor.u32 v3, v4  }
0x2d4: {  	v4 =	vperm.xlane v3, v0;
	_ =	sdelay $0x1  }
0x2d5: {  	v3 =	vperm.xlane v3, v2;
	v4 =	vadd.s32 v1, v4;
	_ =	sdelay $0x1  }
0x2d6: {  	v3 =	vadd.s32 v1, v3;
	_ =	sdelay $0x1  }
0x2d7: {  	s11 =	simm.s32 $0xBC00  }
0x2d8: {  	[tilespmem:s11], [sflag:$0x2] =	stream.indirect_vreg.gather [hbm4b:s4+s2], $0x80, v4, vm0, $0xb8;
	[tilespmem:$0x18C00] =	vst v63  }
0x2d9: {  	s11 =	simm.s32 $0xC400  }
0x2da: {  	[tilespmem:s11], [sflag:$0x2] =	stream.indirect_vreg.gather [hbm4b:s4+s2], $0x80, v3, vm0, $0xb8;
	[tilespmem:$0x18C00] =	vst v63  }
0x2db: {  	_ =	swait.ge [sflag:s8], $0x6000  }
0x2dc: {  	[sflag:s8] =	ssyncset.done $0x0  }
0x2dd: {  	s11 =	rddreg [dreg:$0x9];
	[sflag:s8] =	ssyncadd.s32 $0xFFFFA000  }
0x2de: {  	[hbm4b:s11+s2] =	stream.linear.scatter [tilespmem:s17], [sflag:$0x8], $0x6000, $0x38;
	[tilespmem:$0x18C00] =	vst v63  }
0x2df: {  	_ =	swait.ge [sflag:s9], $0x6000  }
0x2e0: {  	[sflag:s9] =	ssyncset.done $0x0  }
0x2e1: {  	[sflag:s9] =	ssyncadd.s32 $0xFFFFA000  }
0x2e2: {  	v3 =	vld [tilespmem:$0x500];
	_ =	sdelay $0x4  }
0x2e3: {  	v36 =	vshll.u32 v3, $0x1  }
0x2e4: {  	v3 =	vand.u32 $0x7, v3;
	v4 =	vand.u32 $0xFFFFFFF0, v36  }
0x2e5: {  	v3 =	vor.u32 v3, v4  }
0x2e6: {  	v4 =	vperm.xlane v3, v0;
	_ =	sdelay $0x1  }
0x2e7: {  	v3 =	vperm.xlane v3, v2;
	v4 =	vadd.s32 v1, v4;
	_ =	sdelay $0x1  }
0x2e8: {  	v3 =	vadd.s32 v1, v3;
	_ =	sdelay $0x2  }
0x2e9: {  	[tilespmem:s12], [sflag:$0x3] =	stream.indirect_vreg.gather [hbm4b:s4+s2], $0x80, v4, vm0, $0xb8;
	[tilespmem:$0x18C00] =	vst v63  }
0x2ea: {  	s11 =	simm.s32 $0xD400  }
0x2eb: {  	[tilespmem:s11], [sflag:$0x3] =	stream.indirect_vreg.gather [hbm4b:s4+s2], $0x80, v3, vm0, $0xb8;
	[tilespmem:$0x18C00] =	vst v63  }
0x2ec: {  	v3 =	vld [tilespmem:$0x510];
	_ =	sdelay $0x4  }
0x2ed: {  	v37 =	vshll.u32 v3, $0x1  }
0x2ee: {  	v3 =	vand.u32 $0x7, v3;
	v4 =	vand.u32 $0xFFFFFFF0, v37  }
0x2ef: {  	v3 =	vor.u32 v3, v4  }
0x2f0: {  	v4 =	vperm.xlane v3, v0;
	_ =	sdelay $0x1  }
0x2f1: {  	v3 =	vperm.xlane v3, v2;
	v4 =	vadd.s32 v1, v4;
	_ =	sdelay $0x1  }
0x2f2: {  	v3 =	vadd.s32 v1, v3;
	_ =	sdelay $0x1  }
0x2f3: {  	s11 =	simm.s32 $0xDC00  }
0x2f4: {  	[tilespmem:s11], [sflag:$0x3] =	stream.indirect_vreg.gather [hbm4b:s4+s2], $0x80, v4, vm0, $0xb8;
	[tilespmem:$0x18C00] =	vst v63  }
0x2f5: {  	s11 =	simm.s32 $0xE400  }
0x2f6: {  	[tilespmem:s11], [sflag:$0x3] =	stream.indirect_vreg.gather [hbm4b:s4+s2], $0x80, v3, vm0, $0xb8;
	[tilespmem:$0x18C00] =	vst v63  }
0x2f7: {  	v3 =	vld [tilespmem:$0x520];
	_ =	sdelay $0x4  }
0x2f8: {  	v38 =	vshll.u32 v3, $0x1  }
0x2f9: {  	v3 =	vand.u32 $0x7, v3;
	v4 =	vand.u32 $0xFFFFFFF0, v38  }
0x2fa: {  	v3 =	vor.u32 v3, v4  }
0x2fb: {  	v4 =	vperm.xlane v3, v0;
	_ =	sdelay $0x1  }
0x2fc: {  	v3 =	vperm.xlane v3, v2;
	v4 =	vadd.s32 v1, v4;
	_ =	sdelay $0x1  }
0x2fd: {  	v3 =	vadd.s32 v1, v3;
	_ =	sdelay $0x1  }
0x2fe: {  	s11 =	simm.s32 $0xEC00  }
0x2ff: {  	[tilespmem:s11], [sflag:$0x3] =	stream.indirect_vreg.gather [hbm4b:s4+s2], $0x80, v4, vm0, $0xb8;
	[tilespmem:$0x18C00] =	vst v63  }
0x300: {  	s11 =	simm.s32 $0xF400  }
0x301: {  	[tilespmem:s11], [sflag:$0x3] =	stream.indirect_vreg.gather [hbm4b:s4+s2], $0x80, v3, vm0, $0xb8;
	[tilespmem:$0x18C00] =	vst v63  }
0x302: {  	v3 =	vld [tilespmem:$0x530];
	_ =	sdelay $0x4  }
0x303: {  	v39 =	vshll.u32 v3, $0x1  }
0x304: {  	v3 =	vand.u32 $0x7, v3;
	v4 =	vand.u32 $0xFFFFFFF0, v39  }
0x305: {  	v3 =	vor.u32 v3, v4  }
0x306: {  	v4 =	vperm.xlane v3, v0;
	_ =	sdelay $0x1  }
0x307: {  	v3 =	vperm.xlane v3, v2;
	v4 =	vadd.s32 v1, v4;
	_ =	sdelay $0x1  }
0x308: {  	v3 =	vadd.s32 v1, v3;
	_ =	sdelay $0x1  }
0x309: {  	s11 =	simm.s32 $0xFC00  }
0x30a: {  	[tilespmem:s11], [sflag:$0x3] =	stream.indirect_vreg.gather [hbm4b:s4+s2], $0x80, v4, vm0, $0xb8;
	[tilespmem:$0x18C00] =	vst v63  }
0x30b: {  	s11 =	simm.s32 $0x10400  }
0x30c: {  	[tilespmem:s11], [sflag:$0x3] =	stream.indirect_vreg.gather [hbm4b:s4+s2], $0x80, v3, vm0, $0xb8;
	[tilespmem:$0x18C00] =	vst v63  }
0x30d: {  	v3 =	vld [tilespmem:$0x540];
	_ =	sdelay $0x4  }
0x30e: {  	v40 =	vshll.u32 v3, $0x1  }
0x30f: {  	v3 =	vand.u32 $0x7, v3;
	v4 =	vand.u32 $0xFFFFFFF0, v40  }
0x310: {  	v3 =	vor.u32 v3, v4  }
0x311: {  	v4 =	vperm.xlane v3, v0;
	_ =	sdelay $0x1  }
0x312: {  	v3 =	vperm.xlane v3, v2;
	v4 =	vadd.s32 v1, v4;
	_ =	sdelay $0x1  }
0x313: {  	v3 =	vadd.s32 v1, v3;
	_ =	sdelay $0x1  }
0x314: {  	s11 =	simm.s32 $0x10C00  }
0x315: {  	[tilespmem:s11], [sflag:$0x3] =	stream.indirect_vreg.gather [hbm4b:s4+s2], $0x80, v4, vm0, $0xb8;
	[tilespmem:$0x18C00] =	vst v63  }
0x316: {  	s11 =	simm.s32 $0x11400  }
0x317: {  	[tilespmem:s11], [sflag:$0x3] =	stream.indirect_vreg.gather [hbm4b:s4+s2], $0x80, v3, vm0, $0xb8;
	[tilespmem:$0x18C00] =	vst v63  }
0x318: {  	v3 =	vld [tilespmem:$0x550];
	_ =	sdelay $0x4  }
0x319: {  	v41 =	vshll.u32 v3, $0x1  }
0x31a: {  	v3 =	vand.u32 $0x7, v3;
	v4 =	vand.u32 $0xFFFFFFF0, v41  }
0x31b: {  	v3 =	vor.u32 v3, v4  }
0x31c: {  	v4 =	vperm.xlane v3, v0;
	_ =	sdelay $0x1  }
0x31d: {  	v3 =	vperm.xlane v3, v2;
	v4 =	vadd.s32 v1, v4;
	_ =	sdelay $0x1  }
0x31e: {  	v3 =	vadd.s32 v1, v3;
	_ =	sdelay $0x1  }
0x31f: {  	s11 =	simm.s32 $0x11C00  }
0x320: {  	[tilespmem:s11], [sflag:$0x3] =	stream.indirect_vreg.gather [hbm4b:s4+s2], $0x80, v4, vm0, $0xb8;
	[tilespmem:$0x18C00] =	vst v63  }
0x321: {  	s11 =	simm.s32 $0x12400  }
0x322: {  	[tilespmem:s11], [sflag:$0x3] =	stream.indirect_vreg.gather [hbm4b:s4+s2], $0x80, v3, vm0, $0xb8;
	[tilespmem:$0x18C00] =	vst v63  }
0x323: {  	_ =	swait.ge [sflag:s16], $0x6000  }
0x324: {  	[sflag:s16] =	ssyncset.done $0x0  }
0x325: {  	s11 =	rddreg [dreg:$0xa];
	[sflag:s16] =	ssyncadd.s32 $0xFFFFA000  }
0x326: {  	[hbm4b:s11+s2] =	stream.linear.scatter [tilespmem:s19], [sflag:$0x5], $0x6000, $0x38;
	[tilespmem:$0x18C00] =	vst v63  }
0x327: {  	_ =	swait.ge [sflag:s10], $0x6000  }
0x328: {  	[sflag:s10] =	ssyncset.done $0x0  }
0x329: {  	[sflag:s10] =	ssyncadd.s32 $0xFFFFA000  }
0x32a: {  	v3 =	vld [tilespmem:$0x580];
	_ =	sdelay $0x4  }
0x32b: {  	v42 =	vshll.u32 v3, $0x1  }
0x32c: {  	v3 =	vand.u32 $0x7, v3;
	v4 =	vand.u32 $0xFFFFFFF0, v42  }
0x32d: {  	v3 =	vor.u32 v3, v4  }
0x32e: {  	v4 =	vperm.xlane v3, v0;
	_ =	sdelay $0x1  }
0x32f: {  	v3 =	vperm.xlane v3, v2;
	v4 =	vadd.s32 v1, v4;
	_ =	sdelay $0x1  }
0x330: {  	v3 =	vadd.s32 v1, v3;
	_ =	sdelay $0x2  }
0x331: {  	[tilespmem:s17], [sflag:$0x4] =	stream.indirect_vreg.gather [hbm4b:s4+s2], $0x80, v4, vm0, $0xb8;
	[tilespmem:$0x18C00] =	vst v63  }
0x332: {  	s26 =	simm.s32 $0x13400  }
0x333: {  	[tilespmem:s26], [sflag:$0x4] =	stream.indirect_vreg.gather [hbm4b:s4+s2], $0x80, v3, vm0, $0xb8;
	[tilespmem:$0x18C00] =	vst v63  }
0x334: {  	v3 =	vld [tilespmem:$0x590];
	_ =	sdelay $0x4  }
0x335: {  	v43 =	vshll.u32 v3, $0x1  }
0x336: {  	v3 =	vand.u32 $0x7, v3;
	v4 =	vand.u32 $0xFFFFFFF0, v43  }
0x337: {  	v3 =	vor.u32 v3, v4  }
0x338: {  	v4 =	vperm.xlane v3, v0;
	_ =	sdelay $0x1  }
0x339: {  	v3 =	vperm.xlane v3, v2;
	v4 =	vadd.s32 v1, v4;
	_ =	sdelay $0x1  }
0x33a: {  	v3 =	vadd.s32 v1, v3;
	_ =	sdelay $0x1  }
0x33b: {  	s7 =	simm.s32 $0x13C00  }
0x33c: {  	[tilespmem:s7], [sflag:$0x4] =	stream.indirect_vreg.gather [hbm4b:s4+s2], $0x80, v4, vm0, $0xb8;
	[tilespmem:$0x18C00] =	vst v63  }
0x33d: {  	s28 =	simm.s32 $0x14400  }
0x33e: {  	[tilespmem:s28], [sflag:$0x4] =	stream.indirect_vreg.gather [hbm4b:s4+s2], $0x80, v3, vm0, $0xb8;
	[tilespmem:$0x18C00] =	vst v63  }
0x33f: {  	v3 =	vld [tilespmem:$0x5A0];
	_ =	sdelay $0x4  }
0x340: {  	v44 =	vshll.u32 v3, $0x1  }
0x341: {  	v3 =	vand.u32 $0x7, v3;
	v4 =	vand.u32 $0xFFFFFFF0, v44  }
0x342: {  	v3 =	vor.u32 v3, v4  }
0x343: {  	v4 =	vperm.xlane v3, v0;
	_ =	sdelay $0x1  }
0x344: {  	v3 =	vperm.xlane v3, v2;
	v4 =	vadd.s32 v1, v4;
	_ =	sdelay $0x1  }
0x345: {  	v3 =	vadd.s32 v1, v3;
	_ =	sdelay $0x1  }
0x346: {  	s13 =	simm.s32 $0x14C00  }
0x347: {  	[tilespmem:s13], [sflag:$0x4] =	stream.indirect_vreg.gather [hbm4b:s4+s2], $0x80, v4, vm0, $0xb8;
	[tilespmem:$0x18C00] =	vst v63  }
0x348: {  	s29 =	simm.s32 $0x15400  }
0x349: {  	[tilespmem:s29], [sflag:$0x4] =	stream.indirect_vreg.gather [hbm4b:s4+s2], $0x80, v3, vm0, $0xb8;
	[tilespmem:$0x18C00] =	vst v63  }
0x34a: {  	v3 =	vld [tilespmem:$0x5B0];
	_ =	sdelay $0x4  }
0x34b: {  	v45 =	vshll.u32 v3, $0x1  }
0x34c: {  	v3 =	vand.u32 $0x7, v3;
	v4 =	vand.u32 $0xFFFFFFF0, v45  }
0x34d: {  	v3 =	vor.u32 v3, v4  }
0x34e: {  	v4 =	vperm.xlane v3, v0;
	_ =	sdelay $0x1  }
0x34f: {  	v3 =	vperm.xlane v3, v2;
	v4 =	vadd.s32 v1, v4;
	_ =	sdelay $0x1  }
0x350: {  	v3 =	vadd.s32 v1, v3;
	_ =	sdelay $0x1  }
0x351: {  	s14 =	simm.s32 $0x15C00  }
0x352: {  	[tilespmem:s14], [sflag:$0x4] =	stream.indirect_vreg.gather [hbm4b:s4+s2], $0x80, v4, vm0, $0xb8;
	[tilespmem:$0x18C00] =	vst v63  }
0x353: {  	s30 =	simm.s32 $0x16400  }
0x354: {  	[tilespmem:s30], [sflag:$0x4] =	stream.indirect_vreg.gather [hbm4b:s4+s2], $0x80, v3, vm0, $0xb8;
	[tilespmem:$0x18C00] =	vst v63  }
0x355: {  	v3 =	vld [tilespmem:$0x5C0];
	_ =	sdelay $0x4  }
0x356: {  	v46 =	vshll.u32 v3, $0x1  }
0x357: {  	v3 =	vand.u32 $0x7, v3;
	v4 =	vand.u32 $0xFFFFFFF0, v46  }
0x358: {  	v3 =	vor.u32 v3, v4  }
0x359: {  	v4 =	vperm.xlane v3, v0;
	_ =	sdelay $0x1  }
0x35a: {  	v3 =	vperm.xlane v3, v2;
	v4 =	vadd.s32 v1, v4;
	_ =	sdelay $0x1  }
0x35b: {  	v3 =	vadd.s32 v1, v3;
	_ =	sdelay $0x1  }
0x35c: {  	s15 =	simm.s32 $0x16C00  }
0x35d: {  	[tilespmem:s15], [sflag:$0x4] =	stream.indirect_vreg.gather [hbm4b:s4+s2], $0x80, v4, vm0, $0xb8;
	[tilespmem:$0x18C00] =	vst v63  }
0x35e: {  	s25 =	simm.s32 $0x17400  }
0x35f: {  	[tilespmem:s25], [sflag:$0x4] =	stream.indirect_vreg.gather [hbm4b:s4+s2], $0x80, v3, vm0, $0xb8;
	[tilespmem:$0x18C00] =	vst v63  }
0x360: {  	v3 =	vld [tilespmem:$0x5D0];
	_ =	sdelay $0x4  }
0x361: {  	v47 =	vshll.u32 v3, $0x1  }
0x362: {  	v3 =	vand.u32 $0x7, v3;
	v4 =	vand.u32 $0xFFFFFFF0, v47  }
0x363: {  	v3 =	vor.u32 v3, v4  }
0x364: {  	v4 =	vperm.xlane v3, v0;
	_ =	sdelay $0x1  }
0x365: {  	v3 =	vperm.xlane v3, v2;
	v4 =	vadd.s32 v1, v4;
	_ =	sdelay $0x1  }
0x366: {  	v3 =	vadd.s32 v1, v3;
	_ =	sdelay $0x1  }
0x367: {  	s18 =	simm.s32 $0x17C00  }
0x368: {  	[tilespmem:s18], [sflag:$0x4] =	stream.indirect_vreg.gather [hbm4b:s4+s2], $0x80, v4, vm0, $0xb8;
	[tilespmem:$0x18C00] =	vst v63  }
0x369: {  	s25 =	simm.s32 $0x18400  }
0x36a: {  	[tilespmem:s25], [sflag:$0x4] =	stream.indirect_vreg.gather [hbm4b:s4+s2], $0x80, v3, vm0, $0xb8;
	[tilespmem:$0x18C00] =	vst v63  }
0x36b: {  	_ =	swait.ge [sflag:s31], $0x6000  }
0x36c: {  	[sflag:s31] =	ssyncset.done $0x0  }
0x36d: {  	s11 =	rddreg [dreg:$0xb];
	[sflag:s31] =	ssyncadd.s32 $0xFFFFA000  }
0x36e: {  	[hbm4b:s11+s2] =	stream.linear.scatter [tilespmem:s1], [sflag:$0x6], $0x6000, $0x38;
	[tilespmem:$0x18C00] =	vst v63  }
0x36f: {  	_ =	swait.ge [sflag:s0], $0x6000  }
0x370: {  	[sflag:s0] =	ssyncset.done $0x0  }
0x371: {  	[sflag:s0] =	ssyncadd.s32 $0xFFFFA000  }
0x372: {  	v3 =	vld [tilespmem:$0x600];
	_ =	sdelay $0x4  }
0x373: {  	v48 =	vshll.u32 v3, $0x1  }
0x374: {  	v3 =	vand.u32 $0x7, v3;
	v4 =	vand.u32 $0xFFFFFFF0, v48  }
0x375: {  	v3 =	vor.u32 v3, v4  }
0x376: {  	v4 =	vperm.xlane v3, v0;
	_ =	sdelay $0x1  }
0x377: {  	v3 =	vperm.xlane v3, v2;
	v4 =	vadd.s32 v1, v4;
	_ =	sdelay $0x1  }
0x378: {  	v3 =	vadd.s32 v1, v3;
	_ =	sdelay $0x2  }
0x379: {  	[tilespmem:s19], [sflag:$0x1] =	stream.indirect_vreg.gather [hbm4b:s4+s2], $0x80, v4, vm0, $0xb8;
	[tilespmem:$0x18C00] =	vst v63  }
0x37a: {  	s11 =	simm.s32 $0x1400  }
0x37b: {  	[tilespmem:s11], [sflag:$0x1] =	stream.indirect_vreg.gather [hbm4b:s4+s2], $0x80, v3, vm0, $0xb8;
	[tilespmem:$0x18C00] =	vst v63  }
0x37c: {  	v3 =	vld [tilespmem:$0x610];
	_ =	sdelay $0x4  }
0x37d: {  	v49 =	vshll.u32 v3, $0x1  }
0x37e: {  	v3 =	vand.u32 $0x7, v3;
	v4 =	vand.u32 $0xFFFFFFF0, v49  }
0x37f: {  	v3 =	vor.u32 v3, v4  }
0x380: {  	v4 =	vperm.xlane v3, v0;
	_ =	sdelay $0x1  }
0x381: {  	v3 =	vperm.xlane v3, v2;
	v4 =	vadd.s32 v1, v4;
	_ =	sdelay $0x1  }
0x382: {  	v3 =	vadd.s32 v1, v3;
	_ =	sdelay $0x1  }
0x383: {  	s20 =	simm.s32 $0x1C00  }
0x384: {  	[tilespmem:s20], [sflag:$0x1] =	stream.indirect_vreg.gather [hbm4b:s4+s2], $0x80, v4, vm0, $0xb8;
	[tilespmem:$0x18C00] =	vst v63  }
0x385: {  	s11 =	simm.s32 $0x2400  }
0x386: {  	[tilespmem:s11], [sflag:$0x1] =	stream.indirect_vreg.gather [hbm4b:s4+s2], $0x80, v3, vm0, $0xb8;
	[tilespmem:$0x18C00] =	vst v63  }
0x387: {  	v3 =	vld [tilespmem:$0x620];
	_ =	sdelay $0x4  }
0x388: {  	v50 =	vshll.u32 v3, $0x1  }
0x389: {  	v3 =	vand.u32 $0x7, v3;
	v4 =	vand.u32 $0xFFFFFFF0, v50  }
0x38a: {  	v3 =	vor.u32 v3, v4  }
0x38b: {  	v4 =	vperm.xlane v3, v0;
	_ =	sdelay $0x1  }
0x38c: {  	v3 =	vperm.xlane v3, v2;
	v4 =	vadd.s32 v1, v4;
	_ =	sdelay $0x1  }
0x38d: {  	v3 =	vadd.s32 v1, v3;
	_ =	sdelay $0x1  }
0x38e: {  	s21 =	simm.s32 $0x2C00  }
0x38f: {  	[tilespmem:s21], [sflag:$0x1] =	stream.indirect_vreg.gather [hbm4b:s4+s2], $0x80, v4, vm0, $0xb8;
	[tilespmem:$0x18C00] =	vst v63  }
0x390: {  	s11 =	simm.s32 $0x3400  }
0x391: {  	[tilespmem:s11], [sflag:$0x1] =	stream.indirect_vreg.gather [hbm4b:s4+s2], $0x80, v3, vm0, $0xb8;
	[tilespmem:$0x18C00] =	vst v63  }
0x392: {  	v3 =	vld [tilespmem:$0x630];
	_ =	sdelay $0x4  }
0x393: {  	v51 =	vshll.u32 v3, $0x1  }
0x394: {  	v3 =	vand.u32 $0x7, v3;
	v4 =	vand.u32 $0xFFFFFFF0, v51  }
0x395: {  	v3 =	vor.u32 v3, v4  }
0x396: {  	v4 =	vperm.xlane v3, v0;
	_ =	sdelay $0x1  }
0x397: {  	v3 =	vperm.xlane v3, v2;
	v4 =	vadd.s32 v1, v4;
	_ =	sdelay $0x1  }
0x398: {  	v3 =	vadd.s32 v1, v3;
	_ =	sdelay $0x1  }
0x399: {  	s22 =	simm.s32 $0x3C00  }
0x39a: {  	[tilespmem:s22], [sflag:$0x1] =	stream.indirect_vreg.gather [hbm4b:s4+s2], $0x80, v4, vm0, $0xb8;
	[tilespmem:$0x18C00] =	vst v63  }
0x39b: {  	s11 =	simm.s32 $0x4400  }
0x39c: {  	[tilespmem:s11], [sflag:$0x1] =	stream.indirect_vreg.gather [hbm4b:s4+s2], $0x80, v3, vm0, $0xb8;
	[tilespmem:$0x18C00] =	vst v63  }
0x39d: {  	v3 =	vld [tilespmem:$0x640];
	_ =	sdelay $0x4  }
0x39e: {  	v52 =	vshll.u32 v3, $0x1  }
0x39f: {  	v3 =	vand.u32 $0x7, v3;
	v4 =	vand.u32 $0xFFFFFFF0, v52  }
0x3a0: {  	v3 =	vor.u32 v3, v4  }
0x3a1: {  	v4 =	vperm.xlane v3, v0;
	_ =	sdelay $0x1  }
0x3a2: {  	v3 =	vperm.xlane v3, v2;
	v4 =	vadd.s32 v1, v4;
	_ =	sdelay $0x1  }
0x3a3: {  	v3 =	vadd.s32 v1, v3;
	_ =	sdelay $0x1  }
0x3a4: {  	s23 =	simm.s32 $0x4C00  }
0x3a5: {  	[tilespmem:s23], [sflag:$0x1] =	stream.indirect_vreg.gather [hbm4b:s4+s2], $0x80, v4, vm0, $0xb8;
	[tilespmem:$0x18C00] =	vst v63  }
0x3a6: {  	s11 =	simm.s32 $0x5400  }
0x3a7: {  	[tilespmem:s11], [sflag:$0x1] =	stream.indirect_vreg.gather [hbm4b:s4+s2], $0x80, v3, vm0, $0xb8;
	[tilespmem:$0x18C00] =	vst v63  }
0x3a8: {  	v3 =	vld [tilespmem:$0x650];
	_ =	sdelay $0x4  }
0x3a9: {  	v53 =	vshll.u32 v3, $0x1  }
0x3aa: {  	v3 =	vand.u32 $0x7, v3;
	v4 =	vand.u32 $0xFFFFFFF0, v53  }
0x3ab: {  	v3 =	vor.u32 v3, v4  }
0x3ac: {  	v4 =	vperm.xlane v3, v0;
	_ =	sdelay $0x1  }
0x3ad: {  	v3 =	vperm.xlane v3, v2;
	v4 =	vadd.s32 v1, v4;
	_ =	sdelay $0x1  }
0x3ae: {  	v3 =	vadd.s32 v1, v3;
	_ =	sdelay $0x1  }
0x3af: {  	s24 =	simm.s32 $0x5C00  }
0x3b0: {  	[tilespmem:s24], [sflag:$0x1] =	stream.indirect_vreg.gather [hbm4b:s4+s2], $0x80, v4, vm0, $0xb8;
	[tilespmem:$0x18C00] =	vst v63  }
0x3b1: {  	s11 =	simm.s32 $0x6400  }
0x3b2: {  	[tilespmem:s11], [sflag:$0x1] =	stream.indirect_vreg.gather [hbm4b:s4+s2], $0x80, v3, vm0, $0xb8;
	[tilespmem:$0x18C00] =	vst v63  }
0x3b3: {  	_ =	swait.ge [sflag:s3], $0x6000  }
0x3b4: {  	[sflag:s3] =	ssyncset.done $0x0  }
0x3b5: {  	s11 =	rddreg [dreg:$0xc];
	[sflag:s3] =	ssyncadd.s32 $0xFFFFA000  }
0x3b6: {  	[hbm4b:s11+s2] =	stream.linear.scatter [tilespmem:s12], [sflag:$0x7], $0x6000, $0x38;
	[tilespmem:$0x18C00] =	vst v63  }
0x3b7: {  	_ =	swait.ge [sflag:s6], $0x6000  }
0x3b8: {  	[sflag:s6] =	ssyncset.done $0x0  }
0x3b9: {  	[sflag:s6] =	ssyncadd.s32 $0xFFFFA000  }
0x3ba: {  	v3 =	vld [tilespmem:$0x680];
	_ =	sdelay $0x4  }
0x3bb: {  	v54 =	vshll.u32 v3, $0x1  }
0x3bc: {  	v3 =	vand.u32 $0x7, v3;
	v4 =	vand.u32 $0xFFFFFFF0, v54  }
0x3bd: {  	v3 =	vor.u32 v3, v4  }
0x3be: {  	v4 =	vperm.xlane v3, v0;
	_ =	sdelay $0x1  }
0x3bf: {  	v3 =	vperm.xlane v3, v2;
	v4 =	vadd.s32 v1, v4;
	_ =	sdelay $0x1  }
0x3c0: {  	v3 =	vadd.s32 v1, v3;
	_ =	sdelay $0x2  }
0x3c1: {  	[tilespmem:s1], [sflag:$0x2] =	stream.indirect_vreg.gather [hbm4b:s4+s2], $0x80, v4, vm0, $0xb8;
	[tilespmem:$0x18C00] =	vst v63  }
0x3c2: {  	s11 =	simm.s32 $0x7400  }
0x3c3: {  	[tilespmem:s11], [sflag:$0x2] =	stream.indirect_vreg.gather [hbm4b:s4+s2], $0x80, v3, vm0, $0xb8;
	[tilespmem:$0x18C00] =	vst v63  }
0x3c4: {  	v3 =	vld [tilespmem:$0x690];
	_ =	sdelay $0x4  }
0x3c5: {  	v55 =	vshll.u32 v3, $0x1  }
0x3c6: {  	v3 =	vand.u32 $0x7, v3;
	v4 =	vand.u32 $0xFFFFFFF0, v55  }
0x3c7: {  	v3 =	vor.u32 v3, v4  }
0x3c8: {  	v4 =	vperm.xlane v3, v0;
	_ =	sdelay $0x1  }
0x3c9: {  	v3 =	vperm.xlane v3, v2;
	v4 =	vadd.s32 v1, v4;
	_ =	sdelay $0x1  }
0x3ca: {  	v3 =	vadd.s32 v1, v3;
	_ =	sdelay $0x1  }
0x3cb: {  	s11 =	simm.s32 $0x7C00  }
0x3cc: {  	[tilespmem:s11], [sflag:$0x2] =	stream.indirect_vreg.gather [hbm4b:s4+s2], $0x80, v4, vm0, $0xb8;
	[tilespmem:$0x18C00] =	vst v63  }
0x3cd: {  	s11 =	simm.s32 $0x8400  }
0x3ce: {  	[tilespmem:s11], [sflag:$0x2] =	stream.indirect_vreg.gather [hbm4b:s4+s2], $0x80, v3, vm0, $0xb8;
	[tilespmem:$0x18C00] =	vst v63  }
0x3cf: {  	v3 =	vld [tilespmem:$0x6A0];
	_ =	sdelay $0x4  }
0x3d0: {  	v56 =	vshll.u32 v3, $0x1  }
0x3d1: {  	v3 =	vand.u32 $0x7, v3;
	v4 =	vand.u32 $0xFFFFFFF0, v56  }
0x3d2: {  	v3 =	vor.u32 v3, v4  }
0x3d3: {  	v4 =	vperm.xlane v3, v0;
	_ =	sdelay $0x1  }
0x3d4: {  	v3 =	vperm.xlane v3, v2;
	v4 =	vadd.s32 v1, v4;
	_ =	sdelay $0x1  }
0x3d5: {  	v3 =	vadd.s32 v1, v3;
	_ =	sdelay $0x1  }
0x3d6: {  	s11 =	simm.s32 $0x8C00  }
0x3d7: {  	[tilespmem:s11], [sflag:$0x2] =	stream.indirect_vreg.gather [hbm4b:s4+s2], $0x80, v4, vm0, $0xb8;
	[tilespmem:$0x18C00] =	vst v63  }
0x3d8: {  	s11 =	simm.s32 $0x9400  }
0x3d9: {  	[tilespmem:s11], [sflag:$0x2] =	stream.indirect_vreg.gather [hbm4b:s4+s2], $0x80, v3, vm0, $0xb8;
	[tilespmem:$0x18C00] =	vst v63  }
0x3da: {  	v3 =	vld [tilespmem:$0x6B0];
	_ =	sdelay $0x4  }
0x3db: {  	v57 =	vshll.u32 v3, $0x1  }
0x3dc: {  	v3 =	vand.u32 $0x7, v3;
	v4 =	vand.u32 $0xFFFFFFF0, v57  }
0x3dd: {  	v3 =	vor.u32 v3, v4  }
0x3de: {  	v4 =	vperm.xlane v3, v0;
	_ =	sdelay $0x1  }
0x3df: {  	v3 =	vperm.xlane v3, v2;
	v4 =	vadd.s32 v1, v4;
	_ =	sdelay $0x1  }
0x3e0: {  	v3 =	vadd.s32 v1, v3;
	_ =	sdelay $0x1  }
0x3e1: {  	s11 =	simm.s32 $0x9C00  }
0x3e2: {  	[tilespmem:s11], [sflag:$0x2] =	stream.indirect_vreg.gather [hbm4b:s4+s2], $0x80, v4, vm0, $0xb8;
	[tilespmem:$0x18C00] =	vst v63  }
0x3e3: {  	s11 =	simm.s32 $0xA400  }
0x3e4: {  	[tilespmem:s11], [sflag:$0x2] =	stream.indirect_vreg.gather [hbm4b:s4+s2], $0x80, v3, vm0, $0xb8;
	[tilespmem:$0x18C00] =	vst v63  }
0x3e5: {  	v3 =	vld [tilespmem:$0x6C0];
	_ =	sdelay $0x4  }
0x3e6: {  	v58 =	vshll.u32 v3, $0x1  }
0x3e7: {  	v3 =	vand.u32 $0x7, v3;
	v4 =	vand.u32 $0xFFFFFFF0, v58  }
0x3e8: {  	v3 =	vor.u32 v3, v4  }
0x3e9: {  	v4 =	vperm.xlane v3, v0;
	_ =	sdelay $0x1  }
0x3ea: {  	v3 =	vperm.xlane v3, v2;
	v4 =	vadd.s32 v1, v4;
	_ =	sdelay $0x1  }
0x3eb: {  	v3 =	vadd.s32 v1, v3;
	_ =	sdelay $0x1  }
0x3ec: {  	s11 =	simm.s32 $0xAC00  }
0x3ed: {  	[tilespmem:s11], [sflag:$0x2] =	stream.indirect_vreg.gather [hbm4b:s4+s2], $0x80, v4, vm0, $0xb8;
	[tilespmem:$0x18C00] =	vst v63  }
0x3ee: {  	s11 =	simm.s32 $0xB400  }
0x3ef: {  	[tilespmem:s11], [sflag:$0x2] =	stream.indirect_vreg.gather [hbm4b:s4+s2], $0x80, v3, vm0, $0xb8;
	[tilespmem:$0x18C00] =	vst v63  }
0x3f0: {  	v3 =	vld [tilespmem:$0x6D0];
	_ =	sdelay $0x4  }
0x3f1: {  	v59 =	vshll.u32 v3, $0x1  }
0x3f2: {  	v3 =	vand.u32 $0x7, v3;
	v4 =	vand.u32 $0xFFFFFFF0, v59  }
0x3f3: {  	v3 =	vor.u32 v3, v4  }
0x3f4: {  	v4 =	vperm.xlane v3, v0;
	_ =	sdelay $0x1  }
0x3f5: {  	v3 =	vperm.xlane v3, v2;
	v4 =	vadd.s32 v1, v4;
	_ =	sdelay $0x1  }
0x3f6: {  	v3 =	vadd.s32 v1, v3;
	_ =	sdelay $0x1  }
0x3f7: {  	s11 =	simm.s32 $0xBC00  }
0x3f8: {  	[tilespmem:s11], [sflag:$0x2] =	stream.indirect_vreg.gather [hbm4b:s4+s2], $0x80, v4, vm0, $0xb8;
	[tilespmem:$0x18C00] =	vst v63  }
0x3f9: {  	s11 =	simm.s32 $0xC400  }
0x3fa: {  	[tilespmem:s11], [sflag:$0x2] =	stream.indirect_vreg.gather [hbm4b:s4+s2], $0x80, v3, vm0, $0xb8;
	[tilespmem:$0x18C00] =	vst v63  }
0x3fb: {  	_ =	swait.ge [sflag:s8], $0x6000  }
0x3fc: {  	[sflag:s8] =	ssyncset.done $0x0  }
0x3fd: {  	s11 =	rddreg [dreg:$0xd];
	[sflag:s8] =	ssyncadd.s32 $0xFFFFA000  }
0x3fe: {  	[hbm4b:s11+s2] =	stream.linear.scatter [tilespmem:s17], [sflag:$0x8], $0x6000, $0x38;
	[tilespmem:$0x18C00] =	vst v63  }
0x3ff: {  	_ =	swait.ge [sflag:s9], $0x6000  }
0x400: {  	[sflag:s9] =	ssyncset.done $0x0  }
0x401: {  	[sflag:s9] =	ssyncadd.s32 $0xFFFFA000  }
0x402: {  	v3 =	vld [tilespmem:$0x700];
	_ =	sdelay $0x4  }
0x403: {  	v60 =	vshll.u32 v3, $0x1  }
0x404: {  	v3 =	vand.u32 $0x7, v3;
	v4 =	vand.u32 $0xFFFFFFF0, v60  }
0x405: {  	v3 =	vor.u32 v3, v4  }
0x406: {  	v4 =	vperm.xlane v3, v0;
	_ =	sdelay $0x1  }
0x407: {  	v3 =	vperm.xlane v3, v2;
	v4 =	vadd.s32 v1, v4;
	_ =	sdelay $0x1  }
0x408: {  	v3 =	vadd.s32 v1, v3;
	_ =	sdelay $0x2  }
0x409: {  	[tilespmem:s12], [sflag:$0x3] =	stream.indirect_vreg.gather [hbm4b:s4+s2], $0x80, v4, vm0, $0xb8;
	[tilespmem:$0x18C00] =	vst v63  }
0x40a: {  	s11 =	simm.s32 $0xD400  }
0x40b: {  	[tilespmem:s11], [sflag:$0x3] =	stream.indirect_vreg.gather [hbm4b:s4+s2], $0x80, v3, vm0, $0xb8;
	[tilespmem:$0x18C00] =	vst v63  }
0x40c: {  	v3 =	vld [tilespmem:$0x710];
	_ =	sdelay $0x4  }
0x40d: {  	v61 =	vshll.u32 v3, $0x1  }
0x40e: {  	v3 =	vand.u32 $0x7, v3;
	v4 =	vand.u32 $0xFFFFFFF0, v61  }
0x40f: {  	v3 =	vor.u32 v3, v4  }
0x410: {  	v4 =	vperm.xlane v3, v0;
	_ =	sdelay $0x1  }
0x411: {  	v3 =	vperm.xlane v3, v2;
	v4 =	vadd.s32 v1, v4;
	_ =	sdelay $0x1  }
0x412: {  	v3 =	vadd.s32 v1, v3;
	_ =	sdelay $0x1  }
0x413: {  	s11 =	simm.s32 $0xDC00  }
0x414: {  	[tilespmem:s11], [sflag:$0x3] =	stream.indirect_vreg.gather [hbm4b:s4+s2], $0x80, v4, vm0, $0xb8;
	[tilespmem:$0x18C00] =	vst v63  }
0x415: {  	s11 =	simm.s32 $0xE400  }
0x416: {  	[tilespmem:s11], [sflag:$0x3] =	stream.indirect_vreg.gather [hbm4b:s4+s2], $0x80, v3, vm0, $0xb8;
	[tilespmem:$0x18C00] =	vst v63  }
0x417: {  	v3 =	vld [tilespmem:$0x720];
	_ =	sdelay $0x4  }
0x418: {  	v62 =	vshll.u32 v3, $0x1  }
0x419: {  	v3 =	vand.u32 $0x7, v3;
	v4 =	vand.u32 $0xFFFFFFF0, v62  }
0x41a: {  	v3 =	vor.u32 v3, v4  }
0x41b: {  	v4 =	vperm.xlane v3, v0;
	_ =	sdelay $0x1  }
0x41c: {  	v3 =	vperm.xlane v3, v2;
	v4 =	vadd.s32 v1, v4;
	_ =	sdelay $0x1  }
0x41d: {  	v3 =	vadd.s32 v1, v3;
	_ =	sdelay $0x1  }
0x41e: {  	s11 =	simm.s32 $0xEC00  }
0x41f: {  	[tilespmem:s11], [sflag:$0x3] =	stream.indirect_vreg.gather [hbm4b:s4+s2], $0x80, v4, vm0, $0xb8;
	[tilespmem:$0x18C00] =	vst v63  }
0x420: {  	s11 =	simm.s32 $0xF400  }
0x421: {  	[tilespmem:s11], [sflag:$0x3] =	stream.indirect_vreg.gather [hbm4b:s4+s2], $0x80, v3, vm0, $0xb8;
	[tilespmem:$0x18C00] =	vst v63  }
0x422: {  	v3 =	vld [tilespmem:$0x730];
	_ =	sdelay $0x4  }
0x423: {  	v63 =	vshll.u32 v3, $0x1  }
0x424: {  	v3 =	vand.u32 $0x7, v3;
	v4 =	vand.u32 $0xFFFFFFF0, v63  }
0x425: {  	v3 =	vor.u32 v3, v4  }
0x426: {  	v4 =	vperm.xlane v3, v0;
	_ =	sdelay $0x1  }
0x427: {  	v3 =	vperm.xlane v3, v2;
	v4 =	vadd.s32 v1, v4;
	_ =	sdelay $0x1  }
0x428: {  	v3 =	vadd.s32 v1, v3;
	_ =	sdelay $0x1  }
0x429: {  	s11 =	simm.s32 $0xFC00  }
0x42a: {  	[tilespmem:s11], [sflag:$0x3] =	stream.indirect_vreg.gather [hbm4b:s4+s2], $0x80, v4, vm0, $0xb8;
	[tilespmem:$0x18C00] =	vst v63  }
0x42b: {  	s11 =	simm.s32 $0x10400  }
0x42c: {  	[tilespmem:s11], [sflag:$0x3] =	stream.indirect_vreg.gather [hbm4b:s4+s2], $0x80, v3, vm0, $0xb8;
	[tilespmem:$0x18C00] =	vst v63  }
0x42d: {  	v3 =	vld [tilespmem:$0x740];
	_ =	sdelay $0x4  }
0x42e: {  	v8 =	vshll.u32 v3, $0x1  }
0x42f: {  	v3 =	vand.u32 $0x7, v3;
	v4 =	vand.u32 $0xFFFFFFF0, v8  }
0x430: {  	v3 =	vor.u32 v3, v4  }
0x431: {  	v4 =	vperm.xlane v3, v0;
	_ =	sdelay $0x1  }
0x432: {  	v3 =	vperm.xlane v3, v2;
	v4 =	vadd.s32 v1, v4;
	_ =	sdelay $0x1  }
0x433: {  	v3 =	vadd.s32 v1, v3;
	_ =	sdelay $0x1  }
0x434: {  	s11 =	simm.s32 $0x10C00  }
0x435: {  	[tilespmem:s11], [sflag:$0x3] =	stream.indirect_vreg.gather [hbm4b:s4+s2], $0x80, v4, vm0, $0xb8;
	[tilespmem:$0x18C00] =	vst v63  }
0x436: {  	s11 =	simm.s32 $0x11400  }
0x437: {  	[tilespmem:s11], [sflag:$0x3] =	stream.indirect_vreg.gather [hbm4b:s4+s2], $0x80, v3, vm0, $0xb8;
	[tilespmem:$0x18C00] =	vst v63  }
0x438: {  	v3 =	vld [tilespmem:$0x750];
	_ =	sdelay $0x4  }
0x439: {  	v9 =	vshll.u32 v3, $0x1  }
0x43a: {  	v3 =	vand.u32 $0x7, v3;
	v4 =	vand.u32 $0xFFFFFFF0, v9  }
0x43b: {  	v3 =	vor.u32 v3, v4  }
0x43c: {  	v4 =	vperm.xlane v3, v0;
	_ =	sdelay $0x1  }
0x43d: {  	v3 =	vperm.xlane v3, v2;
	v4 =	vadd.s32 v1, v4;
	_ =	sdelay $0x1  }
0x43e: {  	v3 =	vadd.s32 v1, v3;
	_ =	sdelay $0x1  }
0x43f: {  	s11 =	simm.s32 $0x11C00  }
0x440: {  	[tilespmem:s11], [sflag:$0x3] =	stream.indirect_vreg.gather [hbm4b:s4+s2], $0x80, v4, vm0, $0xb8;
	[tilespmem:$0x18C00] =	vst v63  }
0x441: {  	s11 =	simm.s32 $0x12400  }
0x442: {  	[tilespmem:s11], [sflag:$0x3] =	stream.indirect_vreg.gather [hbm4b:s4+s2], $0x80, v3, vm0, $0xb8;
	[tilespmem:$0x18C00] =	vst v63  }
0x443: {  	_ =	swait.ge [sflag:s16], $0x6000  }
0x444: {  	[sflag:s16] =	ssyncset.done $0x0  }
0x445: {  	s11 =	rddreg [dreg:$0xe];
	[sflag:s16] =	ssyncadd.s32 $0xFFFFA000  }
0x446: {  	[hbm4b:s11+s2] =	stream.linear.scatter [tilespmem:s19], [sflag:$0x5], $0x6000, $0x38;
	[tilespmem:$0x18C00] =	vst v63  }
0x447: {  	_ =	swait.ge [sflag:s10], $0x6000  }
0x448: {  	[sflag:s10] =	ssyncset.done $0x0  }
0x449: {  	[sflag:s10] =	ssyncadd.s32 $0xFFFFA000  }
0x44a: {  	v3 =	vld [tilespmem:$0x780];
	_ =	sdelay $0x4  }
0x44b: {  	v10 =	vshll.u32 v3, $0x1  }
0x44c: {  	v3 =	vand.u32 $0x7, v3;
	v4 =	vand.u32 $0xFFFFFFF0, v10  }
0x44d: {  	v3 =	vor.u32 v3, v4  }
0x44e: {  	v4 =	vperm.xlane v3, v0;
	_ =	sdelay $0x1  }
0x44f: {  	v3 =	vperm.xlane v3, v2;
	v4 =	vadd.s32 v1, v4;
	_ =	sdelay $0x1  }
0x450: {  	v3 =	vadd.s32 v1, v3;
	_ =	sdelay $0x2  }
0x451: {  	[tilespmem:s17], [sflag:$0x4] =	stream.indirect_vreg.gather [hbm4b:s4+s2], $0x80, v4, vm0, $0xb8;
	[tilespmem:$0x18C00] =	vst v63  }
0x452: {  	s11 =	simm.s32 $0x13400  }
0x453: {  	[tilespmem:s11], [sflag:$0x4] =	stream.indirect_vreg.gather [hbm4b:s4+s2], $0x80, v3, vm0, $0xb8;
	[tilespmem:$0x18C00] =	vst v63  }
0x454: {  	v3 =	vld [tilespmem:$0x790];
	_ =	sdelay $0x4  }
0x455: {  	v11 =	vshll.u32 v3, $0x1  }
0x456: {  	v3 =	vand.u32 $0x7, v3;
	v4 =	vand.u32 $0xFFFFFFF0, v11  }
0x457: {  	v3 =	vor.u32 v3, v4  }
0x458: {  	v4 =	vperm.xlane v3, v0;
	_ =	sdelay $0x1  }
0x459: {  	v3 =	vperm.xlane v3, v2;
	v4 =	vadd.s32 v1, v4;
	_ =	sdelay $0x1  }
0x45a: {  	v3 =	vadd.s32 v1, v3;
	_ =	sdelay $0x1  }
0x45b: {  	s7 =	simm.s32 $0x13C00  }
0x45c: {  	[tilespmem:s7], [sflag:$0x4] =	stream.indirect_vreg.gather [hbm4b:s4+s2], $0x80, v4, vm0, $0xb8;
	[tilespmem:$0x18C00] =	vst v63  }
0x45d: {  	s28 =	simm.s32 $0x14400  }
0x45e: {  	[tilespmem:s28], [sflag:$0x4] =	stream.indirect_vreg.gather [hbm4b:s4+s2], $0x80, v3, vm0, $0xb8;
	[tilespmem:$0x18C00] =	vst v63  }
0x45f: {  	v3 =	vld [tilespmem:$0x7A0];
	_ =	sdelay $0x4  }
0x460: {  	v12 =	vshll.u32 v3, $0x1  }
0x461: {  	v3 =	vand.u32 $0x7, v3;
	v4 =	vand.u32 $0xFFFFFFF0, v12  }
0x462: {  	v3 =	vor.u32 v3, v4  }
0x463: {  	v4 =	vperm.xlane v3, v0;
	_ =	sdelay $0x1  }
0x464: {  	v3 =	vperm.xlane v3, v2;
	v4 =	vadd.s32 v1, v4;
	_ =	sdelay $0x1  }
0x465: {  	v3 =	vadd.s32 v1, v3;
	_ =	sdelay $0x1  }
0x466: {  	s13 =	simm.s32 $0x14C00  }
0x467: {  	[tilespmem:s13], [sflag:$0x4] =	stream.indirect_vreg.gather [hbm4b:s4+s2], $0x80, v4, vm0, $0xb8;
	[tilespmem:$0x18C00] =	vst v63  }
0x468: {  	s29 =	simm.s32 $0x15400  }
0x469: {  	[tilespmem:s29], [sflag:$0x4] =	stream.indirect_vreg.gather [hbm4b:s4+s2], $0x80, v3, vm0, $0xb8;
	[tilespmem:$0x18C00] =	vst v63  }
0x46a: {  	v3 =	vld [tilespmem:$0x7B0];
	_ =	sdelay $0x4  }
0x46b: {  	v13 =	vshll.u32 v3, $0x1  }
0x46c: {  	v3 =	vand.u32 $0x7, v3;
	v4 =	vand.u32 $0xFFFFFFF0, v13  }
0x46d: {  	v3 =	vor.u32 v3, v4  }
0x46e: {  	v4 =	vperm.xlane v3, v0;
	_ =	sdelay $0x1  }
0x46f: {  	v3 =	vperm.xlane v3, v2;
	v4 =	vadd.s32 v1, v4;
	_ =	sdelay $0x1  }
0x470: {  	v3 =	vadd.s32 v1, v3;
	_ =	sdelay $0x1  }
0x471: {  	s14 =	simm.s32 $0x15C00  }
0x472: {  	[tilespmem:s14], [sflag:$0x4] =	stream.indirect_vreg.gather [hbm4b:s4+s2], $0x80, v4, vm0, $0xb8;
	[tilespmem:$0x18C00] =	vst v63  }
0x473: {  	s30 =	simm.s32 $0x16400  }
0x474: {  	[tilespmem:s30], [sflag:$0x4] =	stream.indirect_vreg.gather [hbm4b:s4+s2], $0x80, v3, vm0, $0xb8;
	[tilespmem:$0x18C00] =	vst v63  }
0x475: {  	v3 =	vld [tilespmem:$0x7C0];
	_ =	sdelay $0x4  }
0x476: {  	v14 =	vshll.u32 v3, $0x1  }
0x477: {  	v3 =	vand.u32 $0x7, v3;
	v4 =	vand.u32 $0xFFFFFFF0, v14  }
0x478: {  	v3 =	vor.u32 v3, v4  }
0x479: {  	v4 =	vperm.xlane v3, v0;
	_ =	sdelay $0x1  }
0x47a: {  	v3 =	vperm.xlane v3, v2;
	v4 =	vadd.s32 v1, v4;
	_ =	sdelay $0x1  }
0x47b: {  	v3 =	vadd.s32 v1, v3;
	_ =	sdelay $0x1  }
0x47c: {  	s15 =	simm.s32 $0x16C00  }
0x47d: {  	[tilespmem:s15], [sflag:$0x4] =	stream.indirect_vreg.gather [hbm4b:s4+s2], $0x80, v4, vm0, $0xb8;
	[tilespmem:$0x18C00] =	vst v63  }
0x47e: {  	s26 =	simm.s32 $0x17400  }
0x47f: {  	[tilespmem:s26], [sflag:$0x4] =	stream.indirect_vreg.gather [hbm4b:s4+s2], $0x80, v3, vm0, $0xb8;
	[tilespmem:$0x18C00] =	vst v63  }
0x480: {  	v3 =	vld [tilespmem:$0x7D0];
	_ =	sdelay $0x4  }
0x481: {  	v15 =	vshll.u32 v3, $0x1  }
0x482: {  	v3 =	vand.u32 $0x7, v3;
	v4 =	vand.u32 $0xFFFFFFF0, v15  }
0x483: {  	v3 =	vor.u32 v3, v4  }
0x484: {  	v4 =	vperm.xlane v3, v0;
	_ =	sdelay $0x1  }
0x485: {  	v3 =	vperm.xlane v3, v2;
	v4 =	vadd.s32 v1, v4;
	_ =	sdelay $0x1  }
0x486: {  	v3 =	vadd.s32 v1, v3;
	_ =	sdelay $0x1  }
0x487: {  	s18 =	simm.s32 $0x17C00  }
0x488: {  	[tilespmem:s18], [sflag:$0x4] =	stream.indirect_vreg.gather [hbm4b:s4+s2], $0x80, v4, vm0, $0xb8;
	[tilespmem:$0x18C00] =	vst v63  }
0x489: {  	s25 =	simm.s32 $0x18400  }
0x48a: {  	[tilespmem:s25], [sflag:$0x4] =	stream.indirect_vreg.gather [hbm4b:s4+s2], $0x80, v3, vm0, $0xb8;
	[tilespmem:$0x18C00] =	vst v63  }
0x48b: {  	_ =	swait.ge [sflag:s31], $0x6000  }
0x48c: {  	[sflag:s31] =	ssyncset.done $0x0  }
0x48d: {  	s30 =	rddreg [dreg:$0xf];
	[sflag:s31] =	ssyncadd.s32 $0xFFFFA000  }
0x48e: {  	[hbm4b:s30+s2] =	stream.linear.scatter [tilespmem:s1], [sflag:$0x6], $0x6000, $0x38;
	[tilespmem:$0x18C00] =	vst v63  }
0x48f: {  	_ =	swait.ge [sflag:s0], $0x6000  }
0x490: {  	[sflag:s0] =	ssyncset.done $0x0  }
0x491: {  	[sflag:s0] =	ssyncadd.s32 $0xFFFFA000  }
0x492: {  	v3 =	vld [tilespmem:$0x800];
	_ =	sdelay $0x4  }
0x493: {  	v16 =	vshll.u32 v3, $0x1  }
0x494: {  	v3 =	vand.u32 $0x7, v3;
	v4 =	vand.u32 $0xFFFFFFF0, v16  }
0x495: {  	v3 =	vor.u32 v3, v4  }
0x496: {  	v4 =	vperm.xlane v3, v0;
	_ =	sdelay $0x1  }
0x497: {  	v3 =	vperm.xlane v3, v2;
	v4 =	vadd.s32 v1, v4;
	_ =	sdelay $0x1  }
0x498: {  	v3 =	vadd.s32 v1, v3;
	_ =	sdelay $0x2  }
0x499: {  	[tilespmem:s19], [sflag:$0x1] =	stream.indirect_vreg.gather [hbm4b:s4+s2], $0x80, v4, vm0, $0xb8;
	[tilespmem:$0x18C00] =	vst v63  }
0x49a: {  	s15 =	simm.s32 $0x1400  }
0x49b: {  	[tilespmem:s15], [sflag:$0x1] =	stream.indirect_vreg.gather [hbm4b:s4+s2], $0x80, v3, vm0, $0xb8;
	[tilespmem:$0x18C00] =	vst v63  }
0x49c: {  	v3 =	vld [tilespmem:$0x810];
	_ =	sdelay $0x4  }
0x49d: {  	v17 =	vshll.u32 v3, $0x1  }
0x49e: {  	v3 =	vand.u32 $0x7, v3;
	v4 =	vand.u32 $0xFFFFFFF0, v17  }
0x49f: {  	v3 =	vor.u32 v3, v4  }
0x4a0: {  	v4 =	vperm.xlane v3, v0;
	_ =	sdelay $0x1  }
0x4a1: {  	v3 =	vperm.xlane v3, v2;
	v4 =	vadd.s32 v1, v4;
	_ =	sdelay $0x1  }
0x4a2: {  	v3 =	vadd.s32 v1, v3;
	_ =	sdelay $0x1  }
0x4a3: {  	s20 =	simm.s32 $0x1C00  }
0x4a4: {  	[tilespmem:s20], [sflag:$0x1] =	stream.indirect_vreg.gather [hbm4b:s4+s2], $0x80, v4, vm0, $0xb8;
	[tilespmem:$0x18C00] =	vst v63  }
0x4a5: {  	s20 =	simm.s32 $0x2400  }
0x4a6: {  	[tilespmem:s20], [sflag:$0x1] =	stream.indirect_vreg.gather [hbm4b:s4+s2], $0x80, v3, vm0, $0xb8;
	[tilespmem:$0x18C00] =	vst v63  }
0x4a7: {  	v3 =	vld [tilespmem:$0x820];
	_ =	sdelay $0x4  }
0x4a8: {  	v18 =	vshll.u32 v3, $0x1  }
0x4a9: {  	v3 =	vand.u32 $0x7, v3;
	v4 =	vand.u32 $0xFFFFFFF0, v18  }
0x4aa: {  	v3 =	vor.u32 v3, v4  }
0x4ab: {  	v4 =	vperm.xlane v3, v0;
	_ =	sdelay $0x1  }
0x4ac: {  	v3 =	vperm.xlane v3, v2;
	v4 =	vadd.s32 v1, v4;
	_ =	sdelay $0x1  }
0x4ad: {  	v3 =	vadd.s32 v1, v3;
	_ =	sdelay $0x1  }
0x4ae: {  	s21 =	simm.s32 $0x2C00  }
0x4af: {  	[tilespmem:s21], [sflag:$0x1] =	stream.indirect_vreg.gather [hbm4b:s4+s2], $0x80, v4, vm0, $0xb8;
	[tilespmem:$0x18C00] =	vst v63  }
0x4b0: {  	s21 =	simm.s32 $0x3400  }
0x4b1: {  	[tilespmem:s21], [sflag:$0x1] =	stream.indirect_vreg.gather [hbm4b:s4+s2], $0x80, v3, vm0, $0xb8;
	[tilespmem:$0x18C00] =	vst v63  }
0x4b2: {  	v3 =	vld [tilespmem:$0x830];
	_ =	sdelay $0x4  }
0x4b3: {  	v19 =	vshll.u32 v3, $0x1  }
0x4b4: {  	v3 =	vand.u32 $0x7, v3;
	v4 =	vand.u32 $0xFFFFFFF0, v19  }
0x4b5: {  	v3 =	vor.u32 v3, v4  }
0x4b6: {  	v4 =	vperm.xlane v3, v0;
	_ =	sdelay $0x1  }
0x4b7: {  	v3 =	vperm.xlane v3, v2;
	v4 =	vadd.s32 v1, v4;
	_ =	sdelay $0x1  }
0x4b8: {  	v3 =	vadd.s32 v1, v3;
	_ =	sdelay $0x1  }
0x4b9: {  	s22 =	simm.s32 $0x3C00  }
0x4ba: {  	[tilespmem:s22], [sflag:$0x1] =	stream.indirect_vreg.gather [hbm4b:s4+s2], $0x80, v4, vm0, $0xb8;
	[tilespmem:$0x18C00] =	vst v63  }
0x4bb: {  	s22 =	simm.s32 $0x4400  }
0x4bc: {  	[tilespmem:s22], [sflag:$0x1] =	stream.indirect_vreg.gather [hbm4b:s4+s2], $0x80, v3, vm0, $0xb8;
	[tilespmem:$0x18C00] =	vst v63  }
0x4bd: {  	v3 =	vld [tilespmem:$0x840];
	_ =	sdelay $0x4  }
0x4be: {  	v20 =	vshll.u32 v3, $0x1  }
0x4bf: {  	v3 =	vand.u32 $0x7, v3;
	v4 =	vand.u32 $0xFFFFFFF0, v20  }
0x4c0: {  	v3 =	vor.u32 v3, v4  }
0x4c1: {  	v4 =	vperm.xlane v3, v0;
	_ =	sdelay $0x1  }
0x4c2: {  	v3 =	vperm.xlane v3, v2;
	v4 =	vadd.s32 v1, v4;
	_ =	sdelay $0x1  }
0x4c3: {  	v3 =	vadd.s32 v1, v3;
	_ =	sdelay $0x1  }
0x4c4: {  	s23 =	simm.s32 $0x4C00  }
0x4c5: {  	[tilespmem:s23], [sflag:$0x1] =	stream.indirect_vreg.gather [hbm4b:s4+s2], $0x80, v4, vm0, $0xb8;
	[tilespmem:$0x18C00] =	vst v63  }
0x4c6: {  	s23 =	simm.s32 $0x5400  }
0x4c7: {  	[tilespmem:s23], [sflag:$0x1] =	stream.indirect_vreg.gather [hbm4b:s4+s2], $0x80, v3, vm0, $0xb8;
	[tilespmem:$0x18C00] =	vst v63  }
0x4c8: {  	v3 =	vld [tilespmem:$0x850];
	_ =	sdelay $0x4  }
0x4c9: {  	v21 =	vshll.u32 v3, $0x1  }
0x4ca: {  	v3 =	vand.u32 $0x7, v3;
	v4 =	vand.u32 $0xFFFFFFF0, v21  }
0x4cb: {  	v3 =	vor.u32 v3, v4  }
0x4cc: {  	v4 =	vperm.xlane v3, v0;
	_ =	sdelay $0x1  }
0x4cd: {  	v3 =	vperm.xlane v3, v2;
	v4 =	vadd.s32 v1, v4;
	_ =	sdelay $0x1  }
0x4ce: {  	v3 =	vadd.s32 v1, v3;
	_ =	sdelay $0x1  }
0x4cf: {  	s24 =	simm.s32 $0x5C00  }
0x4d0: {  	[tilespmem:s24], [sflag:$0x1] =	stream.indirect_vreg.gather [hbm4b:s4+s2], $0x80, v4, vm0, $0xb8;
	[tilespmem:$0x18C00] =	vst v63  }
0x4d1: {  	s24 =	simm.s32 $0x6400  }
0x4d2: {  	[tilespmem:s24], [sflag:$0x1] =	stream.indirect_vreg.gather [hbm4b:s4+s2], $0x80, v3, vm0, $0xb8;
	[tilespmem:$0x18C00] =	vst v63  }
0x4d3: {  	_ =	swait.ge [sflag:s3], $0x6000  }
0x4d4: {  	[sflag:s3] =	ssyncset.done $0x0  }
0x4d5: {  	s26 =	rddreg [dreg:$0x10];
	[sflag:s3] =	ssyncadd.s32 $0xFFFFA000  }
0x4d6: {  	[hbm4b:s26+s2] =	stream.linear.scatter [tilespmem:s12], [sflag:$0x7], $0x6000, $0x38;
	[tilespmem:$0x18C00] =	vst v63  }
0x4d7: {  	_ =	swait.ge [sflag:s6], $0x6000  }
0x4d8: {  	[sflag:s6] =	ssyncset.done $0x0  }
0x4d9: {  	[sflag:s6] =	ssyncadd.s32 $0xFFFFA000  }
0x4da: {  	v3 =	vld [tilespmem:$0x880];
	_ =	sdelay $0x4  }
0x4db: {  	v22 =	vshll.u32 v3, $0x1  }
0x4dc: {  	v3 =	vand.u32 $0x7, v3;
	v4 =	vand.u32 $0xFFFFFFF0, v22  }
0x4dd: {  	v3 =	vor.u32 v3, v4  }
0x4de: {  	v4 =	vperm.xlane v3, v0;
	_ =	sdelay $0x1  }
0x4df: {  	v3 =	vperm.xlane v3, v2;
	v4 =	vadd.s32 v1, v4;
	_ =	sdelay $0x1  }
0x4e0: {  	v3 =	vadd.s32 v1, v3;
	_ =	sdelay $0x2  }
0x4e1: {  	[tilespmem:s1], [sflag:$0x2] =	stream.indirect_vreg.gather [hbm4b:s4+s2], $0x80, v4, vm0, $0xb8;
	[tilespmem:$0x18C00] =	vst v63  }
0x4e2: {  	s30 =	simm.s32 $0x7400  }
0x4e3: {  	[tilespmem:s30], [sflag:$0x2] =	stream.indirect_vreg.gather [hbm4b:s4+s2], $0x80, v3, vm0, $0xb8;
	[tilespmem:$0x18C00] =	vst v63  }
0x4e4: {  	v3 =	vld [tilespmem:$0x890];
	_ =	sdelay $0x4  }
0x4e5: {  	v23 =	vshll.u32 v3, $0x1  }
0x4e6: {  	v3 =	vand.u32 $0x7, v3;
	v4 =	vand.u32 $0xFFFFFFF0, v23  }
0x4e7: {  	v3 =	vor.u32 v3, v4  }
0x4e8: {  	v4 =	vperm.xlane v3, v0;
	_ =	sdelay $0x1  }
0x4e9: {  	v3 =	vperm.xlane v3, v2;
	v4 =	vadd.s32 v1, v4;
	_ =	sdelay $0x1  }
0x4ea: {  	v3 =	vadd.s32 v1, v3;
	_ =	sdelay $0x1  }
0x4eb: {  	s15 =	simm.s32 $0x7C00  }
0x4ec: {  	[tilespmem:s15], [sflag:$0x2] =	stream.indirect_vreg.gather [hbm4b:s4+s2], $0x80, v4, vm0, $0xb8;
	[tilespmem:$0x18C00] =	vst v63  }
0x4ed: {  	s24 =	simm.s32 $0x8400  }
0x4ee: {  	[tilespmem:s24], [sflag:$0x2] =	stream.indirect_vreg.gather [hbm4b:s4+s2], $0x80, v3, vm0, $0xb8;
	[tilespmem:$0x18C00] =	vst v63  }
0x4ef: {  	v3 =	vld [tilespmem:$0x8A0];
	_ =	sdelay $0x4  }
0x4f0: {  	v24 =	vshll.u32 v3, $0x1  }
0x4f1: {  	v3 =	vand.u32 $0x7, v3;
	v4 =	vand.u32 $0xFFFFFFF0, v24  }
0x4f2: {  	v3 =	vor.u32 v3, v4  }
0x4f3: {  	v4 =	vperm.xlane v3, v0;
	_ =	sdelay $0x1  }
0x4f4: {  	v3 =	vperm.xlane v3, v2;
	v4 =	vadd.s32 v1, v4;
	_ =	sdelay $0x1  }
0x4f5: {  	v3 =	vadd.s32 v1, v3;
	_ =	sdelay $0x1  }
0x4f6: {  	s26 =	simm.s32 $0x8C00  }
0x4f7: {  	[tilespmem:s26], [sflag:$0x2] =	stream.indirect_vreg.gather [hbm4b:s4+s2], $0x80, v4, vm0, $0xb8;
	[tilespmem:$0x18C00] =	vst v63  }
0x4f8: {  	s30 =	simm.s32 $0x9400  }
0x4f9: {  	[tilespmem:s30], [sflag:$0x2] =	stream.indirect_vreg.gather [hbm4b:s4+s2], $0x80, v3, vm0, $0xb8;
	[tilespmem:$0x18C00] =	vst v63  }
0x4fa: {  	v3 =	vld [tilespmem:$0x8B0];
	_ =	sdelay $0x4  }
0x4fb: {  	v25 =	vshll.u32 v3, $0x1  }
0x4fc: {  	v3 =	vand.u32 $0x7, v3;
	v4 =	vand.u32 $0xFFFFFFF0, v25  }
0x4fd: {  	v3 =	vor.u32 v3, v4  }
0x4fe: {  	v4 =	vperm.xlane v3, v0;
	_ =	sdelay $0x1  }
0x4ff: {  	v3 =	vperm.xlane v3, v2;
	v4 =	vadd.s32 v1, v4;
	_ =	sdelay $0x1  }
0x500: {  	v3 =	vadd.s32 v1, v3;
	_ =	sdelay $0x1  }
0x501: {  	s15 =	simm.s32 $0x9C00  }
0x502: {  	[tilespmem:s15], [sflag:$0x2] =	stream.indirect_vreg.gather [hbm4b:s4+s2], $0x80, v4, vm0, $0xb8;
	[tilespmem:$0x18C00] =	vst v63  }
0x503: {  	s24 =	simm.s32 $0xA400  }
0x504: {  	[tilespmem:s24], [sflag:$0x2] =	stream.indirect_vreg.gather [hbm4b:s4+s2], $0x80, v3, vm0, $0xb8;
	[tilespmem:$0x18C00] =	vst v63  }
0x505: {  	v3 =	vld [tilespmem:$0x8C0];
	_ =	sdelay $0x4  }
0x506: {  	v26 =	vshll.u32 v3, $0x1  }
0x507: {  	v3 =	vand.u32 $0x7, v3;
	v4 =	vand.u32 $0xFFFFFFF0, v26  }
0x508: {  	v3 =	vor.u32 v3, v4  }
0x509: {  	v4 =	vperm.xlane v3, v0;
	_ =	sdelay $0x1  }
0x50a: {  	v3 =	vperm.xlane v3, v2;
	v4 =	vadd.s32 v1, v4;
	_ =	sdelay $0x1  }
0x50b: {  	v3 =	vadd.s32 v1, v3;
	_ =	sdelay $0x1  }
0x50c: {  	s26 =	simm.s32 $0xAC00  }
0x50d: {  	[tilespmem:s26], [sflag:$0x2] =	stream.indirect_vreg.gather [hbm4b:s4+s2], $0x80, v4, vm0, $0xb8;
	[tilespmem:$0x18C00] =	vst v63  }
0x50e: {  	s30 =	simm.s32 $0xB400  }
0x50f: {  	[tilespmem:s30], [sflag:$0x2] =	stream.indirect_vreg.gather [hbm4b:s4+s2], $0x80, v3, vm0, $0xb8;
	[tilespmem:$0x18C00] =	vst v63  }
0x510: {  	v3 =	vld [tilespmem:$0x8D0];
	_ =	sdelay $0x4  }
0x511: {  	v27 =	vshll.u32 v3, $0x1  }
0x512: {  	v3 =	vand.u32 $0x7, v3;
	v4 =	vand.u32 $0xFFFFFFF0, v27  }
0x513: {  	v3 =	vor.u32 v3, v4  }
0x514: {  	v4 =	vperm.xlane v3, v0;
	_ =	sdelay $0x1  }
0x515: {  	v3 =	vperm.xlane v3, v2;
	v4 =	vadd.s32 v1, v4;
	_ =	sdelay $0x1  }
0x516: {  	v3 =	vadd.s32 v1, v3;
	_ =	sdelay $0x1  }
0x517: {  	s15 =	simm.s32 $0xBC00  }
0x518: {  	[tilespmem:s15], [sflag:$0x2] =	stream.indirect_vreg.gather [hbm4b:s4+s2], $0x80, v4, vm0, $0xb8;
	[tilespmem:$0x18C00] =	vst v63  }
0x519: {  	s24 =	simm.s32 $0xC400  }
0x51a: {  	[tilespmem:s24], [sflag:$0x2] =	stream.indirect_vreg.gather [hbm4b:s4+s2], $0x80, v3, vm0, $0xb8;
	[tilespmem:$0x18C00] =	vst v63  }
0x51b: {  	_ =	swait.ge [sflag:s8], $0x6000  }
0x51c: {  	[sflag:s8] =	ssyncset.done $0x0  }
0x51d: {  	s26 =	rddreg [dreg:$0x11];
	[sflag:s8] =	ssyncadd.s32 $0xFFFFA000  }
0x51e: {  	[hbm4b:s26+s2] =	stream.linear.scatter [tilespmem:s17], [sflag:$0x8], $0x6000, $0x38;
	[tilespmem:$0x18C00] =	vst v63  }
0x51f: {  	_ =	swait.ge [sflag:s9], $0x6000  }
0x520: {  	[sflag:s9] =	ssyncset.done $0x0  }
0x521: {  	[sflag:s9] =	ssyncadd.s32 $0xFFFFA000  }
0x522: {  	v3 =	vld [tilespmem:$0x900];
	_ =	sdelay $0x4  }
0x523: {  	v28 =	vshll.u32 v3, $0x1  }
0x524: {  	v3 =	vand.u32 $0x7, v3;
	v4 =	vand.u32 $0xFFFFFFF0, v28  }
0x525: {  	v3 =	vor.u32 v3, v4  }
0x526: {  	v4 =	vperm.xlane v3, v0;
	_ =	sdelay $0x1  }
0x527: {  	v3 =	vperm.xlane v3, v2;
	v4 =	vadd.s32 v1, v4;
	_ =	sdelay $0x1  }
0x528: {  	v3 =	vadd.s32 v1, v3;
	_ =	sdelay $0x2  }
0x529: {  	[tilespmem:s12], [sflag:$0x3] =	stream.indirect_vreg.gather [hbm4b:s4+s2], $0x80, v4, vm0, $0xb8;
	[tilespmem:$0x18C00] =	vst v63  }
0x52a: {  	s30 =	simm.s32 $0xD400  }
0x52b: {  	[tilespmem:s30], [sflag:$0x3] =	stream.indirect_vreg.gather [hbm4b:s4+s2], $0x80, v3, vm0, $0xb8;
	[tilespmem:$0x18C00] =	vst v63  }
0x52c: {  	v3 =	vld [tilespmem:$0x910];
	_ =	sdelay $0x4  }
0x52d: {  	v29 =	vshll.u32 v3, $0x1  }
0x52e: {  	v3 =	vand.u32 $0x7, v3;
	v4 =	vand.u32 $0xFFFFFFF0, v29  }
0x52f: {  	v3 =	vor.u32 v3, v4  }
0x530: {  	v4 =	vperm.xlane v3, v0;
	_ =	sdelay $0x1  }
0x531: {  	v3 =	vperm.xlane v3, v2;
	v4 =	vadd.s32 v1, v4;
	_ =	sdelay $0x1  }
0x532: {  	v3 =	vadd.s32 v1, v3;
	_ =	sdelay $0x1  }
0x533: {  	s15 =	simm.s32 $0xDC00  }
0x534: {  	[tilespmem:s15], [sflag:$0x3] =	stream.indirect_vreg.gather [hbm4b:s4+s2], $0x80, v4, vm0, $0xb8;
	[tilespmem:$0x18C00] =	vst v63  }
0x535: {  	s24 =	simm.s32 $0xE400  }
0x536: {  	[tilespmem:s24], [sflag:$0x3] =	stream.indirect_vreg.gather [hbm4b:s4+s2], $0x80, v3, vm0, $0xb8;
	[tilespmem:$0x18C00] =	vst v63  }
0x537: {  	v3 =	vld [tilespmem:$0x920];
	_ =	sdelay $0x4  }
0x538: {  	v30 =	vshll.u32 v3, $0x1  }
0x539: {  	v3 =	vand.u32 $0x7, v3;
	v4 =	vand.u32 $0xFFFFFFF0, v30  }
0x53a: {  	v3 =	vor.u32 v3, v4  }
0x53b: {  	v4 =	vperm.xlane v3, v0;
	_ =	sdelay $0x1  }
0x53c: {  	v3 =	vperm.xlane v3, v2;
	v4 =	vadd.s32 v1, v4;
	_ =	sdelay $0x1  }
0x53d: {  	v3 =	vadd.s32 v1, v3;
	_ =	sdelay $0x1  }
0x53e: {  	s26 =	simm.s32 $0xEC00  }
0x53f: {  	[tilespmem:s26], [sflag:$0x3] =	stream.indirect_vreg.gather [hbm4b:s4+s2], $0x80, v4, vm0, $0xb8;
	[tilespmem:$0x18C00] =	vst v63  }
0x540: {  	s30 =	simm.s32 $0xF400  }
0x541: {  	[tilespmem:s30], [sflag:$0x3] =	stream.indirect_vreg.gather [hbm4b:s4+s2], $0x80, v3, vm0, $0xb8;
	[tilespmem:$0x18C00] =	vst v63  }
0x542: {  	v3 =	vld [tilespmem:$0x930];
	_ =	sdelay $0x4  }
0x543: {  	v31 =	vshll.u32 v3, $0x1  }
0x544: {  	v3 =	vand.u32 $0x7, v3;
	v4 =	vand.u32 $0xFFFFFFF0, v31  }
0x545: {  	v3 =	vor.u32 v3, v4  }
0x546: {  	v4 =	vperm.xlane v3, v0;
	_ =	sdelay $0x1  }
0x547: {  	v3 =	vperm.xlane v3, v2;
	v4 =	vadd.s32 v1, v4;
	_ =	sdelay $0x1  }
0x548: {  	v3 =	vadd.s32 v1, v3;
	_ =	sdelay $0x1  }
0x549: {  	s15 =	simm.s32 $0xFC00  }
0x54a: {  	[tilespmem:s15], [sflag:$0x3] =	stream.indirect_vreg.gather [hbm4b:s4+s2], $0x80, v4, vm0, $0xb8;
	[tilespmem:$0x18C00] =	vst v63  }
0x54b: {  	s24 =	simm.s32 $0x10400  }
0x54c: {  	[tilespmem:s24], [sflag:$0x3] =	stream.indirect_vreg.gather [hbm4b:s4+s2], $0x80, v3, vm0, $0xb8;
	[tilespmem:$0x18C00] =	vst v63  }
0x54d: {  	v3 =	vld [tilespmem:$0x940];
	_ =	sdelay $0x4  }
0x54e: {  	v32 =	vshll.u32 v3, $0x1  }
0x54f: {  	v3 =	vand.u32 $0x7, v3;
	v4 =	vand.u32 $0xFFFFFFF0, v32  }
0x550: {  	v3 =	vor.u32 v3, v4  }
0x551: {  	v4 =	vperm.xlane v3, v0;
	_ =	sdelay $0x1  }
0x552: {  	v3 =	vperm.xlane v3, v2;
	v4 =	vadd.s32 v1, v4;
	_ =	sdelay $0x1  }
0x553: {  	v3 =	vadd.s32 v1, v3;
	_ =	sdelay $0x1  }
0x554: {  	s26 =	simm.s32 $0x10C00  }
0x555: {  	[tilespmem:s26], [sflag:$0x3] =	stream.indirect_vreg.gather [hbm4b:s4+s2], $0x80, v4, vm0, $0xb8;
	[tilespmem:$0x18C00] =	vst v63  }
0x556: {  	s30 =	simm.s32 $0x11400  }
0x557: {  	[tilespmem:s30], [sflag:$0x3] =	stream.indirect_vreg.gather [hbm4b:s4+s2], $0x80, v3, vm0, $0xb8;
	[tilespmem:$0x18C00] =	vst v63  }
0x558: {  	v3 =	vld [tilespmem:$0x950];
	_ =	sdelay $0x4  }
0x559: {  	v33 =	vshll.u32 v3, $0x1  }
0x55a: {  	v3 =	vand.u32 $0x7, v3;
	v4 =	vand.u32 $0xFFFFFFF0, v33  }
0x55b: {  	v3 =	vor.u32 v3, v4  }
0x55c: {  	v4 =	vperm.xlane v3, v0;
	_ =	sdelay $0x1  }
0x55d: {  	v3 =	vperm.xlane v3, v2;
	v4 =	vadd.s32 v1, v4;
	_ =	sdelay $0x1  }
0x55e: {  	v3 =	vadd.s32 v1, v3;
	_ =	sdelay $0x1  }
0x55f: {  	s15 =	simm.s32 $0x11C00  }
0x560: {  	[tilespmem:s15], [sflag:$0x3] =	stream.indirect_vreg.gather [hbm4b:s4+s2], $0x80, v4, vm0, $0xb8;
	[tilespmem:$0x18C00] =	vst v63  }
0x561: {  	s24 =	simm.s32 $0x12400  }
0x562: {  	[tilespmem:s24], [sflag:$0x3] =	stream.indirect_vreg.gather [hbm4b:s4+s2], $0x80, v3, vm0, $0xb8;
	[tilespmem:$0x18C00] =	vst v63  }
0x563: {  	_ =	swait.ge [sflag:s16], $0x6000  }
0x564: {  	[sflag:s16] =	ssyncset.done $0x0  }
0x565: {  	s26 =	rddreg [dreg:$0x12];
	[sflag:s16] =	ssyncadd.s32 $0xFFFFA000  }
0x566: {  	[hbm4b:s26+s2] =	stream.linear.scatter [tilespmem:s19], [sflag:$0x5], $0x6000, $0x38;
	[tilespmem:$0x18C00] =	vst v63  }
0x567: {  	_ =	swait.ge [sflag:s10], $0x6000  }
0x568: {  	[sflag:s10] =	ssyncset.done $0x0  }
0x569: {  	[sflag:s10] =	ssyncadd.s32 $0xFFFFA000  }
0x56a: {  	v3 =	vld [tilespmem:$0x980];
	_ =	sdelay $0x4  }
0x56b: {  	v34 =	vshll.u32 v3, $0x1  }
0x56c: {  	v3 =	vand.u32 $0x7, v3;
	v4 =	vand.u32 $0xFFFFFFF0, v34  }
0x56d: {  	v3 =	vor.u32 v3, v4  }
0x56e: {  	v4 =	vperm.xlane v3, v0;
	_ =	sdelay $0x1  }
0x56f: {  	v3 =	vperm.xlane v3, v2;
	v4 =	vadd.s32 v1, v4;
	_ =	sdelay $0x1  }
0x570: {  	v3 =	vadd.s32 v1, v3;
	_ =	sdelay $0x2  }
0x571: {  	[tilespmem:s17], [sflag:$0x4] =	stream.indirect_vreg.gather [hbm4b:s4+s2], $0x80, v4, vm0, $0xb8;
	[tilespmem:$0x18C00] =	vst v63  }
0x572: {  	s30 =	simm.s32 $0x13400  }
0x573: {  	[tilespmem:s30], [sflag:$0x4] =	stream.indirect_vreg.gather [hbm4b:s4+s2], $0x80, v3, vm0, $0xb8;
	[tilespmem:$0x18C00] =	vst v63  }
0x574: {  	v3 =	vld [tilespmem:$0x990];
	_ =	sdelay $0x4  }
0x575: {  	v35 =	vshll.u32 v3, $0x1  }
0x576: {  	v3 =	vand.u32 $0x7, v3;
	v4 =	vand.u32 $0xFFFFFFF0, v35  }
0x577: {  	v3 =	vor.u32 v3, v4  }
0x578: {  	v4 =	vperm.xlane v3, v0;
	_ =	sdelay $0x1  }
0x579: {  	v3 =	vperm.xlane v3, v2;
	v4 =	vadd.s32 v1, v4;
	_ =	sdelay $0x1  }
0x57a: {  	v3 =	vadd.s32 v1, v3;
	_ =	sdelay $0x1  }
0x57b: {  	s7 =	simm.s32 $0x13C00  }
0x57c: {  	[tilespmem:s7], [sflag:$0x4] =	stream.indirect_vreg.gather [hbm4b:s4+s2], $0x80, v4, vm0, $0xb8;
	[tilespmem:$0x18C00] =	vst v63  }
0x57d: {  	s28 =	simm.s32 $0x14400  }
0x57e: {  	[tilespmem:s28], [sflag:$0x4] =	stream.indirect_vreg.gather [hbm4b:s4+s2], $0x80, v3, vm0, $0xb8;
	[tilespmem:$0x18C00] =	vst v63  }
0x57f: {  	v3 =	vld [tilespmem:$0x9A0];
	_ =	sdelay $0x4  }
0x580: {  	v36 =	vshll.u32 v3, $0x1  }
0x581: {  	v3 =	vand.u32 $0x7, v3;
	v4 =	vand.u32 $0xFFFFFFF0, v36  }
0x582: {  	v3 =	vor.u32 v3, v4  }
0x583: {  	v4 =	vperm.xlane v3, v0;
	_ =	sdelay $0x1  }
0x584: {  	v3 =	vperm.xlane v3, v2;
	v4 =	vadd.s32 v1, v4;
	_ =	sdelay $0x1  }
0x585: {  	v3 =	vadd.s32 v1, v3;
	_ =	sdelay $0x1  }
0x586: {  	s13 =	simm.s32 $0x14C00  }
0x587: {  	[tilespmem:s13], [sflag:$0x4] =	stream.indirect_vreg.gather [hbm4b:s4+s2], $0x80, v4, vm0, $0xb8;
	[tilespmem:$0x18C00] =	vst v63  }
0x588: {  	s13 =	simm.s32 $0x15400  }
0x589: {  	[tilespmem:s13], [sflag:$0x4] =	stream.indirect_vreg.gather [hbm4b:s4+s2], $0x80, v3, vm0, $0xb8;
	[tilespmem:$0x18C00] =	vst v63  }
0x58a: {  	v3 =	vld [tilespmem:$0x9B0];
	_ =	sdelay $0x4  }
0x58b: {  	v37 =	vshll.u32 v3, $0x1  }
0x58c: {  	v3 =	vand.u32 $0x7, v3;
	v4 =	vand.u32 $0xFFFFFFF0, v37  }
0x58d: {  	v3 =	vor.u32 v3, v4  }
0x58e: {  	v4 =	vperm.xlane v3, v0;
	_ =	sdelay $0x1  }
0x58f: {  	v3 =	vperm.xlane v3, v2;
	v4 =	vadd.s32 v1, v4;
	_ =	sdelay $0x1  }
0x590: {  	v3 =	vadd.s32 v1, v3;
	_ =	sdelay $0x1  }
0x591: {  	s14 =	simm.s32 $0x15C00  }
0x592: {  	[tilespmem:s14], [sflag:$0x4] =	stream.indirect_vreg.gather [hbm4b:s4+s2], $0x80, v4, vm0, $0xb8;
	[tilespmem:$0x18C00] =	vst v63  }
0x593: {  	s28 =	simm.s32 $0x16400  }
0x594: {  	[tilespmem:s28], [sflag:$0x4] =	stream.indirect_vreg.gather [hbm4b:s4+s2], $0x80, v3, vm0, $0xb8;
	[tilespmem:$0x18C00] =	vst v63  }
0x595: {  	v3 =	vld [tilespmem:$0x9C0];
	_ =	sdelay $0x4  }
0x596: {  	v38 =	vshll.u32 v3, $0x1  }
0x597: {  	v3 =	vand.u32 $0x7, v3;
	v4 =	vand.u32 $0xFFFFFFF0, v38  }
0x598: {  	v3 =	vor.u32 v3, v4  }
0x599: {  	v4 =	vperm.xlane v3, v0;
	_ =	sdelay $0x1  }
0x59a: {  	v3 =	vperm.xlane v3, v2;
	v4 =	vadd.s32 v1, v4;
	_ =	sdelay $0x1  }
0x59b: {  	v3 =	vadd.s32 v1, v3;
	_ =	sdelay $0x1  }
0x59c: {  	s14 =	simm.s32 $0x16C00  }
0x59d: {  	[tilespmem:s14], [sflag:$0x4] =	stream.indirect_vreg.gather [hbm4b:s4+s2], $0x80, v4, vm0, $0xb8;
	[tilespmem:$0x18C00] =	vst v63  }
0x59e: {  	s29 =	simm.s32 $0x17400  }
0x59f: {  	[tilespmem:s29], [sflag:$0x4] =	stream.indirect_vreg.gather [hbm4b:s4+s2], $0x80, v3, vm0, $0xb8;
	[tilespmem:$0x18C00] =	vst v63  }
0x5a0: {  	v3 =	vld [tilespmem:$0x9D0];
	_ =	sdelay $0x4  }
0x5a1: {  	v39 =	vshll.u32 v3, $0x1  }
0x5a2: {  	v3 =	vand.u32 $0x7, v3;
	v4 =	vand.u32 $0xFFFFFFF0, v39  }
0x5a3: {  	v3 =	vor.u32 v3, v4  }
0x5a4: {  	v4 =	vperm.xlane v3, v0;
	_ =	sdelay $0x1  }
0x5a5: {  	v3 =	vperm.xlane v3, v2;
	v4 =	vadd.s32 v1, v4;
	_ =	sdelay $0x1  }
0x5a6: {  	v3 =	vadd.s32 v1, v3;
	_ =	sdelay $0x1  }
0x5a7: {  	s18 =	simm.s32 $0x17C00  }
0x5a8: {  	[tilespmem:s18], [sflag:$0x4] =	stream.indirect_vreg.gather [hbm4b:s4+s2], $0x80, v4, vm0, $0xb8;
	[tilespmem:$0x18C00] =	vst v63  }
0x5a9: {  	s18 =	simm.s32 $0x18400  }
0x5aa: {  	[tilespmem:s18], [sflag:$0x4] =	stream.indirect_vreg.gather [hbm4b:s4+s2], $0x80, v3, vm0, $0xb8;
	[tilespmem:$0x18C00] =	vst v63  }
0x5ab: {  	_ =	swait.ge [sflag:s31], $0x6000  }
0x5ac: {  	[sflag:s31] =	ssyncset.done $0x0  }
0x5ad: {  	s29 =	rddreg [dreg:$0x13];
	[sflag:s31] =	ssyncadd.s32 $0xFFFFA000  }
0x5ae: {  	[hbm4b:s29+s2] =	stream.linear.scatter [tilespmem:s1], [sflag:$0x6], $0x6000, $0x38;
	[tilespmem:$0x18C00] =	vst v63  }
0x5af: {  	_ =	swait.ge [sflag:s0], $0x6000  }
0x5b0: {  	[sflag:s0] =	ssyncset.done $0x0  }
0x5b1: {  	[sflag:s0] =	ssyncadd.s32 $0xFFFFA000  }
0x5b2: {  	v3 =	vld [tilespmem:$0xA00];
	_ =	sdelay $0x4  }
0x5b3: {  	v40 =	vshll.u32 v3, $0x1  }
0x5b4: {  	v3 =	vand.u32 $0x7, v3;
	v4 =	vand.u32 $0xFFFFFFF0, v40  }
0x5b5: {  	v3 =	vor.u32 v3, v4  }
0x5b6: {  	v4 =	vperm.xlane v3, v0;
	_ =	sdelay $0x1  }
0x5b7: {  	v3 =	vperm.xlane v3, v2;
	v4 =	vadd.s32 v1, v4;
	_ =	sdelay $0x1  }
0x5b8: {  	v3 =	vadd.s32 v1, v3;
	_ =	sdelay $0x2  }
0x5b9: {  	[tilespmem:s19], [sflag:$0x1] =	stream.indirect_vreg.gather [hbm4b:s4+s2], $0x80, v4, vm0, $0xb8;
	[tilespmem:$0x18C00] =	vst v63  }
0x5ba: {  	s29 =	simm.s32 $0x1400  }
0x5bb: {  	[tilespmem:s29], [sflag:$0x1] =	stream.indirect_vreg.gather [hbm4b:s4+s2], $0x80, v3, vm0, $0xb8;
	[tilespmem:$0x18C00] =	vst v63  }
0x5bc: {  	v3 =	vld [tilespmem:$0xA10];
	_ =	sdelay $0x4  }
0x5bd: {  	v41 =	vshll.u32 v3, $0x1  }
0x5be: {  	v3 =	vand.u32 $0x7, v3;
	v4 =	vand.u32 $0xFFFFFFF0, v41  }
0x5bf: {  	v3 =	vor.u32 v3, v4  }
0x5c0: {  	v4 =	vperm.xlane v3, v0;
	_ =	sdelay $0x1  }
0x5c1: {  	v3 =	vperm.xlane v3, v2;
	v4 =	vadd.s32 v1, v4;
	_ =	sdelay $0x1  }
0x5c2: {  	v3 =	vadd.s32 v1, v3;
	_ =	sdelay $0x1  }
0x5c3: {  	s25 =	simm.s32 $0x1C00  }
0x5c4: {  	[tilespmem:s25], [sflag:$0x1] =	stream.indirect_vreg.gather [hbm4b:s4+s2], $0x80, v4, vm0, $0xb8;
	[tilespmem:$0x18C00] =	vst v63  }
0x5c5: {  	s25 =	simm.s32 $0x2400  }
0x5c6: {  	[tilespmem:s25], [sflag:$0x1] =	stream.indirect_vreg.gather [hbm4b:s4+s2], $0x80, v3, vm0, $0xb8;
	[tilespmem:$0x18C00] =	vst v63  }
0x5c7: {  	v3 =	vld [tilespmem:$0xA20];
	_ =	sdelay $0x4  }
0x5c8: {  	v42 =	vshll.u32 v3, $0x1  }
0x5c9: {  	v3 =	vand.u32 $0x7, v3;
	v4 =	vand.u32 $0xFFFFFFF0, v42  }
0x5ca: {  	v3 =	vor.u32 v3, v4  }
0x5cb: {  	v4 =	vperm.xlane v3, v0;
	_ =	sdelay $0x1  }
0x5cc: {  	v3 =	vperm.xlane v3, v2;
	v4 =	vadd.s32 v1, v4;
	_ =	sdelay $0x1  }
0x5cd: {  	v3 =	vadd.s32 v1, v3;
	_ =	sdelay $0x1  }
0x5ce: {  	s20 =	simm.s32 $0x2C00  }
0x5cf: {  	[tilespmem:s20], [sflag:$0x1] =	stream.indirect_vreg.gather [hbm4b:s4+s2], $0x80, v4, vm0, $0xb8;
	[tilespmem:$0x18C00] =	vst v63  }
0x5d0: {  	s29 =	simm.s32 $0x3400  }
0x5d1: {  	[tilespmem:s29], [sflag:$0x1] =	stream.indirect_vreg.gather [hbm4b:s4+s2], $0x80, v3, vm0, $0xb8;
	[tilespmem:$0x18C00] =	vst v63  }
0x5d2: {  	v3 =	vld [tilespmem:$0xA30];
	_ =	sdelay $0x4  }
0x5d3: {  	v43 =	vshll.u32 v3, $0x1  }
0x5d4: {  	v3 =	vand.u32 $0x7, v3;
	v4 =	vand.u32 $0xFFFFFFF0, v43  }
0x5d5: {  	v3 =	vor.u32 v3, v4  }
0x5d6: {  	v4 =	vperm.xlane v3, v0;
	_ =	sdelay $0x1  }
0x5d7: {  	v3 =	vperm.xlane v3, v2;
	v4 =	vadd.s32 v1, v4;
	_ =	sdelay $0x1  }
0x5d8: {  	v3 =	vadd.s32 v1, v3;
	_ =	sdelay $0x1  }
0x5d9: {  	s21 =	simm.s32 $0x3C00  }
0x5da: {  	[tilespmem:s21], [sflag:$0x1] =	stream.indirect_vreg.gather [hbm4b:s4+s2], $0x80, v4, vm0, $0xb8;
	[tilespmem:$0x18C00] =	vst v63  }
0x5db: {  	s20 =	simm.s32 $0x4400  }
0x5dc: {  	[tilespmem:s20], [sflag:$0x1] =	stream.indirect_vreg.gather [hbm4b:s4+s2], $0x80, v3, vm0, $0xb8;
	[tilespmem:$0x18C00] =	vst v63  }
0x5dd: {  	v3 =	vld [tilespmem:$0xA40];
	_ =	sdelay $0x4  }
0x5de: {  	v44 =	vshll.u32 v3, $0x1  }
0x5df: {  	v3 =	vand.u32 $0x7, v3;
	v4 =	vand.u32 $0xFFFFFFF0, v44  }
0x5e0: {  	v3 =	vor.u32 v3, v4  }
0x5e1: {  	v4 =	vperm.xlane v3, v0;
	_ =	sdelay $0x1  }
0x5e2: {  	v3 =	vperm.xlane v3, v2;
	v4 =	vadd.s32 v1, v4;
	_ =	sdelay $0x1  }
0x5e3: {  	v3 =	vadd.s32 v1, v3;
	_ =	sdelay $0x1  }
0x5e4: {  	s22 =	simm.s32 $0x4C00  }
0x5e5: {  	[tilespmem:s22], [sflag:$0x1] =	stream.indirect_vreg.gather [hbm4b:s4+s2], $0x80, v4, vm0, $0xb8;
	[tilespmem:$0x18C00] =	vst v63  }
0x5e6: {  	s21 =	simm.s32 $0x5400  }
0x5e7: {  	[tilespmem:s21], [sflag:$0x1] =	stream.indirect_vreg.gather [hbm4b:s4+s2], $0x80, v3, vm0, $0xb8;
	[tilespmem:$0x18C00] =	vst v63  }
0x5e8: {  	v3 =	vld [tilespmem:$0xA50];
	_ =	sdelay $0x4  }
0x5e9: {  	v45 =	vshll.u32 v3, $0x1  }
0x5ea: {  	v3 =	vand.u32 $0x7, v3;
	v4 =	vand.u32 $0xFFFFFFF0, v45  }
0x5eb: {  	v3 =	vor.u32 v3, v4  }
0x5ec: {  	v4 =	vperm.xlane v3, v0;
	_ =	sdelay $0x1  }
0x5ed: {  	v3 =	vperm.xlane v3, v2;
	v4 =	vadd.s32 v1, v4;
	_ =	sdelay $0x1  }
0x5ee: {  	v3 =	vadd.s32 v1, v3;
	_ =	sdelay $0x1  }
0x5ef: {  	s23 =	simm.s32 $0x5C00  }
0x5f0: {  	[tilespmem:s23], [sflag:$0x1] =	stream.indirect_vreg.gather [hbm4b:s4+s2], $0x80, v4, vm0, $0xb8;
	[tilespmem:$0x18C00] =	vst v63  }
0x5f1: {  	s22 =	simm.s32 $0x6400  }
0x5f2: {  	[tilespmem:s22], [sflag:$0x1] =	stream.indirect_vreg.gather [hbm4b:s4+s2], $0x80, v3, vm0, $0xb8;
	[tilespmem:$0x18C00] =	vst v63  }
0x5f3: {  	_ =	swait.ge [sflag:s3], $0x6000  }
0x5f4: {  	[sflag:s3] =	ssyncset.done $0x0  }
0x5f5: {  	s23 =	rddreg [dreg:$0x14];
	[sflag:s3] =	ssyncadd.s32 $0xFFFFA000  }
0x5f6: {  	[hbm4b:s23+s2] =	stream.linear.scatter [tilespmem:s12], [sflag:$0x7], $0x6000, $0x38;
	[tilespmem:$0x18C00] =	vst v63  }
0x5f7: {  	_ =	swait.ge [sflag:s6], $0x6000  }
0x5f8: {  	[sflag:s6] =	ssyncset.done $0x0  }
0x5f9: {  	[sflag:s6] =	ssyncadd.s32 $0xFFFFA000  }
0x5fa: {  	v3 =	vld [tilespmem:$0xA80];
	_ =	sdelay $0x4  }
0x5fb: {  	v46 =	vshll.u32 v3, $0x1  }
0x5fc: {  	v3 =	vand.u32 $0x7, v3;
	v4 =	vand.u32 $0xFFFFFFF0, v46  }
0x5fd: {  	v3 =	vor.u32 v3, v4  }
0x5fe: {  	v4 =	vperm.xlane v3, v0;
	_ =	sdelay $0x1  }
0x5ff: {  	v3 =	vperm.xlane v3, v2;
	v4 =	vadd.s32 v1, v4;
	_ =	sdelay $0x1  }
0x600: {  	v3 =	vadd.s32 v1, v3;
	_ =	sdelay $0x2  }
0x601: {  	[tilespmem:s1], [sflag:$0x2] =	stream.indirect_vreg.gather [hbm4b:s4+s2], $0x80, v4, vm0, $0xb8;
	[tilespmem:$0x18C00] =	vst v63  }
0x602: {  	s25 =	simm.s32 $0x7400  }
0x603: {  	[tilespmem:s25], [sflag:$0x2] =	stream.indirect_vreg.gather [hbm4b:s4+s2], $0x80, v3, vm0, $0xb8;
	[tilespmem:$0x18C00] =	vst v63  }
0x604: {  	v3 =	vld [tilespmem:$0xA90];
	_ =	sdelay $0x4  }
0x605: {  	v47 =	vshll.u32 v3, $0x1  }
0x606: {  	v3 =	vand.u32 $0x7, v3;
	v4 =	vand.u32 $0xFFFFFFF0, v47  }
0x607: {  	v3 =	vor.u32 v3, v4  }
0x608: {  	v4 =	vperm.xlane v3, v0;
	_ =	sdelay $0x1  }
0x609: {  	v3 =	vperm.xlane v3, v2;
	v4 =	vadd.s32 v1, v4;
	_ =	sdelay $0x1  }
0x60a: {  	v3 =	vadd.s32 v1, v3;
	_ =	sdelay $0x1  }
0x60b: {  	s29 =	simm.s32 $0x7C00  }
0x60c: {  	[tilespmem:s29], [sflag:$0x2] =	stream.indirect_vreg.gather [hbm4b:s4+s2], $0x80, v4, vm0, $0xb8;
	[tilespmem:$0x18C00] =	vst v63  }
0x60d: {  	s20 =	simm.s32 $0x8400  }
0x60e: {  	[tilespmem:s20], [sflag:$0x2] =	stream.indirect_vreg.gather [hbm4b:s4+s2], $0x80, v3, vm0, $0xb8;
	[tilespmem:$0x18C00] =	vst v63  }
0x60f: {  	v3 =	vld [tilespmem:$0xAA0];
	_ =	sdelay $0x4  }
0x610: {  	v48 =	vshll.u32 v3, $0x1  }
0x611: {  	v3 =	vand.u32 $0x7, v3;
	v4 =	vand.u32 $0xFFFFFFF0, v48  }
0x612: {  	v3 =	vor.u32 v3, v4  }
0x613: {  	v4 =	vperm.xlane v3, v0;
	_ =	sdelay $0x1  }
0x614: {  	v3 =	vperm.xlane v3, v2;
	v4 =	vadd.s32 v1, v4;
	_ =	sdelay $0x1  }
0x615: {  	v3 =	vadd.s32 v1, v3;
	_ =	sdelay $0x1  }
0x616: {  	s21 =	simm.s32 $0x8C00  }
0x617: {  	[tilespmem:s21], [sflag:$0x2] =	stream.indirect_vreg.gather [hbm4b:s4+s2], $0x80, v4, vm0, $0xb8;
	[tilespmem:$0x18C00] =	vst v63  }
0x618: {  	s22 =	simm.s32 $0x9400  }
0x619: {  	[tilespmem:s22], [sflag:$0x2] =	stream.indirect_vreg.gather [hbm4b:s4+s2], $0x80, v3, vm0, $0xb8;
	[tilespmem:$0x18C00] =	vst v63  }
0x61a: {  	v3 =	vld [tilespmem:$0xAB0];
	_ =	sdelay $0x4  }
0x61b: {  	v49 =	vshll.u32 v3, $0x1  }
0x61c: {  	v3 =	vand.u32 $0x7, v3;
	v4 =	vand.u32 $0xFFFFFFF0, v49  }
0x61d: {  	v3 =	vor.u32 v3, v4  }
0x61e: {  	v4 =	vperm.xlane v3, v0;
	_ =	sdelay $0x1  }
0x61f: {  	v3 =	vperm.xlane v3, v2;
	v4 =	vadd.s32 v1, v4;
	_ =	sdelay $0x1  }
0x620: {  	v3 =	vadd.s32 v1, v3;
	_ =	sdelay $0x1  }
0x621: {  	s23 =	simm.s32 $0x9C00  }
0x622: {  	[tilespmem:s23], [sflag:$0x2] =	stream.indirect_vreg.gather [hbm4b:s4+s2], $0x80, v4, vm0, $0xb8;
	[tilespmem:$0x18C00] =	vst v63  }
0x623: {  	s25 =	simm.s32 $0xA400  }
0x624: {  	[tilespmem:s25], [sflag:$0x2] =	stream.indirect_vreg.gather [hbm4b:s4+s2], $0x80, v3, vm0, $0xb8;
	[tilespmem:$0x18C00] =	vst v63  }
0x625: {  	v3 =	vld [tilespmem:$0xAC0];
	_ =	sdelay $0x4  }
0x626: {  	v50 =	vshll.u32 v3, $0x1  }
0x627: {  	v3 =	vand.u32 $0x7, v3;
	v4 =	vand.u32 $0xFFFFFFF0, v50  }
0x628: {  	v3 =	vor.u32 v3, v4  }
0x629: {  	v4 =	vperm.xlane v3, v0;
	_ =	sdelay $0x1  }
0x62a: {  	v3 =	vperm.xlane v3, v2;
	v4 =	vadd.s32 v1, v4;
	_ =	sdelay $0x1  }
0x62b: {  	v3 =	vadd.s32 v1, v3;
	_ =	sdelay $0x1  }
0x62c: {  	s29 =	simm.s32 $0xAC00  }
0x62d: {  	[tilespmem:s29], [sflag:$0x2] =	stream.indirect_vreg.gather [hbm4b:s4+s2], $0x80, v4, vm0, $0xb8;
	[tilespmem:$0x18C00] =	vst v63  }
0x62e: {  	s20 =	simm.s32 $0xB400  }
0x62f: {  	[tilespmem:s20], [sflag:$0x2] =	stream.indirect_vreg.gather [hbm4b:s4+s2], $0x80, v3, vm0, $0xb8;
	[tilespmem:$0x18C00] =	vst v63  }
0x630: {  	v3 =	vld [tilespmem:$0xAD0];
	_ =	sdelay $0x4  }
0x631: {  	v51 =	vshll.u32 v3, $0x1  }
0x632: {  	v3 =	vand.u32 $0x7, v3;
	v4 =	vand.u32 $0xFFFFFFF0, v51  }
0x633: {  	v3 =	vor.u32 v3, v4  }
0x634: {  	v4 =	vperm.xlane v3, v0;
	_ =	sdelay $0x1  }
0x635: {  	v3 =	vperm.xlane v3, v2;
	v4 =	vadd.s32 v1, v4;
	_ =	sdelay $0x1  }
0x636: {  	v3 =	vadd.s32 v1, v3;
	_ =	sdelay $0x1  }
0x637: {  	s21 =	simm.s32 $0xBC00  }
0x638: {  	[tilespmem:s21], [sflag:$0x2] =	stream.indirect_vreg.gather [hbm4b:s4+s2], $0x80, v4, vm0, $0xb8;
	[tilespmem:$0x18C00] =	vst v63  }
0x639: {  	s22 =	simm.s32 $0xC400  }
0x63a: {  	[tilespmem:s22], [sflag:$0x2] =	stream.indirect_vreg.gather [hbm4b:s4+s2], $0x80, v3, vm0, $0xb8;
	[tilespmem:$0x18C00] =	vst v63  }
0x63b: {  	_ =	swait.ge [sflag:s8], $0x6000  }
0x63c: {  	[sflag:s8] =	ssyncset.done $0x0  }
0x63d: {  	s23 =	rddreg [dreg:$0x15];
	[sflag:s8] =	ssyncadd.s32 $0xFFFFA000  }
0x63e: {  	[hbm4b:s23+s2] =	stream.linear.scatter [tilespmem:s17], [sflag:$0x8], $0x6000, $0x38;
	[tilespmem:$0x18C00] =	vst v63  }
0x63f: {  	_ =	swait.ge [sflag:s9], $0x6000  }
0x640: {  	[sflag:s9] =	ssyncset.done $0x0  }
0x641: {  	[sflag:s9] =	ssyncadd.s32 $0xFFFFA000  }
0x642: {  	v3 =	vld [tilespmem:$0xB00];
	_ =	sdelay $0x4  }
0x643: {  	v52 =	vshll.u32 v3, $0x1  }
0x644: {  	v3 =	vand.u32 $0x7, v3;
	v4 =	vand.u32 $0xFFFFFFF0, v52  }
0x645: {  	v3 =	vor.u32 v3, v4  }
0x646: {  	v4 =	vperm.xlane v3, v0;
	_ =	sdelay $0x1  }
0x647: {  	v3 =	vperm.xlane v3, v2;
	v4 =	vadd.s32 v1, v4;
	_ =	sdelay $0x1  }
0x648: {  	v3 =	vadd.s32 v1, v3;
	_ =	sdelay $0x2  }
0x649: {  	[tilespmem:s12], [sflag:$0x3] =	stream.indirect_vreg.gather [hbm4b:s4+s2], $0x80, v4, vm0, $0xb8;
	[tilespmem:$0x18C00] =	vst v63  }
0x64a: {  	s25 =	simm.s32 $0xD400  }
0x64b: {  	[tilespmem:s25], [sflag:$0x3] =	stream.indirect_vreg.gather [hbm4b:s4+s2], $0x80, v3, vm0, $0xb8;
	[tilespmem:$0x18C00] =	vst v63  }
0x64c: {  	v3 =	vld [tilespmem:$0xB10];
	_ =	sdelay $0x4  }
0x64d: {  	v53 =	vshll.u32 v3, $0x1  }
0x64e: {  	v3 =	vand.u32 $0x7, v3;
	v4 =	vand.u32 $0xFFFFFFF0, v53  }
0x64f: {  	v3 =	vor.u32 v3, v4  }
0x650: {  	v4 =	vperm.xlane v3, v0;
	_ =	sdelay $0x1  }
0x651: {  	v3 =	vperm.xlane v3, v2;
	v4 =	vadd.s32 v1, v4;
	_ =	sdelay $0x1  }
0x652: {  	v3 =	vadd.s32 v1, v3;
	_ =	sdelay $0x1  }
0x653: {  	s29 =	simm.s32 $0xDC00  }
0x654: {  	[tilespmem:s29], [sflag:$0x3] =	stream.indirect_vreg.gather [hbm4b:s4+s2], $0x80, v4, vm0, $0xb8;
	[tilespmem:$0x18C00] =	vst v63  }
0x655: {  	s20 =	simm.s32 $0xE400  }
0x656: {  	[tilespmem:s20], [sflag:$0x3] =	stream.indirect_vreg.gather [hbm4b:s4+s2], $0x80, v3, vm0, $0xb8;
	[tilespmem:$0x18C00] =	vst v63  }
0x657: {  	v3 =	vld [tilespmem:$0xB20];
	_ =	sdelay $0x4  }
0x658: {  	v54 =	vshll.u32 v3, $0x1  }
0x659: {  	v3 =	vand.u32 $0x7, v3;
	v4 =	vand.u32 $0xFFFFFFF0, v54  }
0x65a: {  	v3 =	vor.u32 v3, v4  }
0x65b: {  	v4 =	vperm.xlane v3, v0;
	_ =	sdelay $0x1  }
0x65c: {  	v3 =	vperm.xlane v3, v2;
	v4 =	vadd.s32 v1, v4;
	_ =	sdelay $0x1  }
0x65d: {  	v3 =	vadd.s32 v1, v3;
	_ =	sdelay $0x1  }
0x65e: {  	s21 =	simm.s32 $0xEC00  }
0x65f: {  	[tilespmem:s21], [sflag:$0x3] =	stream.indirect_vreg.gather [hbm4b:s4+s2], $0x80, v4, vm0, $0xb8;
	[tilespmem:$0x18C00] =	vst v63  }
0x660: {  	s22 =	simm.s32 $0xF400  }
0x661: {  	[tilespmem:s22], [sflag:$0x3] =	stream.indirect_vreg.gather [hbm4b:s4+s2], $0x80, v3, vm0, $0xb8;
	[tilespmem:$0x18C00] =	vst v63  }
0x662: {  	v3 =	vld [tilespmem:$0xB30];
	_ =	sdelay $0x4  }
0x663: {  	v55 =	vshll.u32 v3, $0x1  }
0x664: {  	v3 =	vand.u32 $0x7, v3;
	v4 =	vand.u32 $0xFFFFFFF0, v55  }
0x665: {  	v3 =	vor.u32 v3, v4  }
0x666: {  	v4 =	vperm.xlane v3, v0;
	_ =	sdelay $0x1  }
0x667: {  	v3 =	vperm.xlane v3, v2;
	v4 =	vadd.s32 v1, v4;
	_ =	sdelay $0x1  }
0x668: {  	v3 =	vadd.s32 v1, v3;
	_ =	sdelay $0x1  }
0x669: {  	s23 =	simm.s32 $0xFC00  }
0x66a: {  	[tilespmem:s23], [sflag:$0x3] =	stream.indirect_vreg.gather [hbm4b:s4+s2], $0x80, v4, vm0, $0xb8;
	[tilespmem:$0x18C00] =	vst v63  }
0x66b: {  	s25 =	simm.s32 $0x10400  }
0x66c: {  	[tilespmem:s25], [sflag:$0x3] =	stream.indirect_vreg.gather [hbm4b:s4+s2], $0x80, v3, vm0, $0xb8;
	[tilespmem:$0x18C00] =	vst v63  }
0x66d: {  	v3 =	vld [tilespmem:$0xB40];
	_ =	sdelay $0x4  }
0x66e: {  	v56 =	vshll.u32 v3, $0x1  }
0x66f: {  	v3 =	vand.u32 $0x7, v3;
	v4 =	vand.u32 $0xFFFFFFF0, v56  }
0x670: {  	v3 =	vor.u32 v3, v4  }
0x671: {  	v4 =	vperm.xlane v3, v0;
	_ =	sdelay $0x1  }
0x672: {  	v3 =	vperm.xlane v3, v2;
	v4 =	vadd.s32 v1, v4;
	_ =	sdelay $0x1  }
0x673: {  	v3 =	vadd.s32 v1, v3;
	_ =	sdelay $0x1  }
0x674: {  	s29 =	simm.s32 $0x10C00  }
0x675: {  	[tilespmem:s29], [sflag:$0x3] =	stream.indirect_vreg.gather [hbm4b:s4+s2], $0x80, v4, vm0, $0xb8;
	[tilespmem:$0x18C00] =	vst v63  }
0x676: {  	s20 =	simm.s32 $0x11400  }
0x677: {  	[tilespmem:s20], [sflag:$0x3] =	stream.indirect_vreg.gather [hbm4b:s4+s2], $0x80, v3, vm0, $0xb8;
	[tilespmem:$0x18C00] =	vst v63  }
0x678: {  	v3 =	vld [tilespmem:$0xB50];
	_ =	sdelay $0x4  }
0x679: {  	v57 =	vshll.u32 v3, $0x1  }
0x67a: {  	v3 =	vand.u32 $0x7, v3;
	v4 =	vand.u32 $0xFFFFFFF0, v57  }
0x67b: {  	v3 =	vor.u32 v3, v4  }
0x67c: {  	v4 =	vperm.xlane v3, v0;
	_ =	sdelay $0x1  }
0x67d: {  	v3 =	vperm.xlane v3, v2;
	v4 =	vadd.s32 v1, v4;
	_ =	sdelay $0x1  }
0x67e: {  	v3 =	vadd.s32 v1, v3;
	_ =	sdelay $0x1  }
0x67f: {  	s21 =	simm.s32 $0x11C00  }
0x680: {  	[tilespmem:s21], [sflag:$0x3] =	stream.indirect_vreg.gather [hbm4b:s4+s2], $0x80, v4, vm0, $0xb8;
	[tilespmem:$0x18C00] =	vst v63  }
0x681: {  	s22 =	simm.s32 $0x12400  }
0x682: {  	[tilespmem:s22], [sflag:$0x3] =	stream.indirect_vreg.gather [hbm4b:s4+s2], $0x80, v3, vm0, $0xb8;
	[tilespmem:$0x18C00] =	vst v63  }
0x683: {  	_ =	swait.ge [sflag:s16], $0x6000  }
0x684: {  	[sflag:s16] =	ssyncset.done $0x0  }
0x685: {  	s23 =	rddreg [dreg:$0x16];
	[sflag:s16] =	ssyncadd.s32 $0xFFFFA000  }
0x686: {  	[hbm4b:s23+s2] =	stream.linear.scatter [tilespmem:s19], [sflag:$0x5], $0x6000, $0x38;
	[tilespmem:$0x18C00] =	vst v63  }
0x687: {  	_ =	swait.ge [sflag:s10], $0x6000  }
0x688: {  	[sflag:s10] =	ssyncset.done $0x0  }
0x689: {  	[sflag:s10] =	ssyncadd.s32 $0xFFFFA000  }
0x68a: {  	v3 =	vld [tilespmem:$0xB80];
	_ =	sdelay $0x4  }
0x68b: {  	v58 =	vshll.u32 v3, $0x1  }
0x68c: {  	v3 =	vand.u32 $0x7, v3;
	v4 =	vand.u32 $0xFFFFFFF0, v58  }
0x68d: {  	v3 =	vor.u32 v3, v4  }
0x68e: {  	v4 =	vperm.xlane v3, v0;
	_ =	sdelay $0x1  }
0x68f: {  	v3 =	vperm.xlane v3, v2;
	v4 =	vadd.s32 v1, v4;
	_ =	sdelay $0x1  }
0x690: {  	v3 =	vadd.s32 v1, v3;
	_ =	sdelay $0x2  }
0x691: {  	[tilespmem:s17], [sflag:$0x4] =	stream.indirect_vreg.gather [hbm4b:s4+s2], $0x80, v4, vm0, $0xb8;
	[tilespmem:$0x18C00] =	vst v63  }
0x692: {  	s15 =	simm.s32 $0x13400  }
0x693: {  	[tilespmem:s15], [sflag:$0x4] =	stream.indirect_vreg.gather [hbm4b:s4+s2], $0x80, v3, vm0, $0xb8;
	[tilespmem:$0x18C00] =	vst v63  }
0x694: {  	v3 =	vld [tilespmem:$0xB90];
	_ =	sdelay $0x4  }
0x695: {  	v59 =	vshll.u32 v3, $0x1  }
0x696: {  	v3 =	vand.u32 $0x7, v3;
	v4 =	vand.u32 $0xFFFFFFF0, v59  }
0x697: {  	v3 =	vor.u32 v3, v4  }
0x698: {  	v4 =	vperm.xlane v3, v0;
	_ =	sdelay $0x1  }
0x699: {  	v3 =	vperm.xlane v3, v2;
	v4 =	vadd.s32 v1, v4;
	_ =	sdelay $0x1  }
0x69a: {  	v3 =	vadd.s32 v1, v3;
	_ =	sdelay $0x1  }
0x69b: {  	s24 =	simm.s32 $0x13C00  }
0x69c: {  	[tilespmem:s24], [sflag:$0x4] =	stream.indirect_vreg.gather [hbm4b:s4+s2], $0x80, v4, vm0, $0xb8;
	[tilespmem:$0x18C00] =	vst v63  }
0x69d: {  	s26 =	simm.s32 $0x14400  }
0x69e: {  	[tilespmem:s26], [sflag:$0x4] =	stream.indirect_vreg.gather [hbm4b:s4+s2], $0x80, v3, vm0, $0xb8;
	[tilespmem:$0x18C00] =	vst v63  }
0x69f: {  	v3 =	vld [tilespmem:$0xBA0];
	_ =	sdelay $0x4  }
0x6a0: {  	v60 =	vshll.u32 v3, $0x1  }
0x6a1: {  	v3 =	vand.u32 $0x7, v3;
	v4 =	vand.u32 $0xFFFFFFF0, v60  }
0x6a2: {  	v3 =	vor.u32 v3, v4  }
0x6a3: {  	v4 =	vperm.xlane v3, v0;
	_ =	sdelay $0x1  }
0x6a4: {  	v3 =	vperm.xlane v3, v2;
	v4 =	vadd.s32 v1, v4;
	_ =	sdelay $0x1  }
0x6a5: {  	v3 =	vadd.s32 v1, v3;
	_ =	sdelay $0x1  }
0x6a6: {  	s7 =	simm.s32 $0x14C00  }
0x6a7: {  	[tilespmem:s7], [sflag:$0x4] =	stream.indirect_vreg.gather [hbm4b:s4+s2], $0x80, v4, vm0, $0xb8;
	[tilespmem:$0x18C00] =	vst v63  }
0x6a8: {  	s30 =	simm.s32 $0x15400  }
0x6a9: {  	[tilespmem:s30], [sflag:$0x4] =	stream.indirect_vreg.gather [hbm4b:s4+s2], $0x80, v3, vm0, $0xb8;
	[tilespmem:$0x18C00] =	vst v63  }
0x6aa: {  	v3 =	vld [tilespmem:$0xBB0];
	_ =	sdelay $0x4  }
0x6ab: {  	v61 =	vshll.u32 v3, $0x1  }
0x6ac: {  	v3 =	vand.u32 $0x7, v3;
	v4 =	vand.u32 $0xFFFFFFF0, v61  }
0x6ad: {  	v3 =	vor.u32 v3, v4  }
0x6ae: {  	v4 =	vperm.xlane v3, v0;
	_ =	sdelay $0x1  }
0x6af: {  	v3 =	vperm.xlane v3, v2;
	v4 =	vadd.s32 v1, v4;
	_ =	sdelay $0x1  }
0x6b0: {  	v3 =	vadd.s32 v1, v3;
	_ =	sdelay $0x1  }
0x6b1: {  	s13 =	simm.s32 $0x15C00  }
0x6b2: {  	[tilespmem:s13], [sflag:$0x4] =	stream.indirect_vreg.gather [hbm4b:s4+s2], $0x80, v4, vm0, $0xb8;
	[tilespmem:$0x18C00] =	vst v63  }
0x6b3: {  	s25 =	simm.s32 $0x16400  }
0x6b4: {  	[tilespmem:s25], [sflag:$0x4] =	stream.indirect_vreg.gather [hbm4b:s4+s2], $0x80, v3, vm0, $0xb8;
	[tilespmem:$0x18C00] =	vst v63  }
0x6b5: {  	v3 =	vld [tilespmem:$0xBC0];
	_ =	sdelay $0x4  }
0x6b6: {  	v62 =	vshll.u32 v3, $0x1  }
0x6b7: {  	v3 =	vand.u32 $0x7, v3;
	v4 =	vand.u32 $0xFFFFFFF0, v62  }
0x6b8: {  	v3 =	vor.u32 v3, v4  }
0x6b9: {  	v4 =	vperm.xlane v3, v0;
	_ =	sdelay $0x1  }
0x6ba: {  	v3 =	vperm.xlane v3, v2;
	v4 =	vadd.s32 v1, v4;
	_ =	sdelay $0x1  }
0x6bb: {  	v3 =	vadd.s32 v1, v3;
	_ =	sdelay $0x1  }
0x6bc: {  	s26 =	simm.s32 $0x16C00  }
0x6bd: {  	[tilespmem:s26], [sflag:$0x4] =	stream.indirect_vreg.gather [hbm4b:s4+s2], $0x80, v4, vm0, $0xb8;
	[tilespmem:$0x18C00] =	vst v63  }
0x6be: {  	s28 =	simm.s32 $0x17400  }
0x6bf: {  	[tilespmem:s28], [sflag:$0x4] =	stream.indirect_vreg.gather [hbm4b:s4+s2], $0x80, v3, vm0, $0xb8;
	[tilespmem:$0x18C00] =	vst v63  }
0x6c0: {  	v3 =	vld [tilespmem:$0xBD0];
	_ =	sdelay $0x4  }
0x6c1: {  	v63 =	vshll.u32 v3, $0x1  }
0x6c2: {  	v3 =	vand.u32 $0x7, v3;
	v4 =	vand.u32 $0xFFFFFFF0, v63  }
0x6c3: {  	v3 =	vor.u32 v3, v4  }
0x6c4: {  	v4 =	vperm.xlane v3, v0;
	_ =	sdelay $0x1  }
0x6c5: {  	v3 =	vperm.xlane v3, v2;
	v4 =	vadd.s32 v1, v4;
	_ =	sdelay $0x1  }
0x6c6: {  	v3 =	vadd.s32 v1, v3;
	_ =	sdelay $0x1  }
0x6c7: {  	s14 =	simm.s32 $0x17C00  }
0x6c8: {  	[tilespmem:s14], [sflag:$0x4] =	stream.indirect_vreg.gather [hbm4b:s4+s2], $0x80, v4, vm0, $0xb8;
	[tilespmem:$0x18C00] =	vst v63  }
0x6c9: {  	s18 =	simm.s32 $0x18400  }
0x6ca: {  	[tilespmem:s18], [sflag:$0x4] =	stream.indirect_vreg.gather [hbm4b:s4+s2], $0x80, v3, vm0, $0xb8;
	[tilespmem:$0x18C00] =	vst v63  }
0x6cb: {  	_ =	swait.ge [sflag:s31], $0x6000  }
0x6cc: {  	[sflag:s31] =	ssyncset.done $0x0  }
0x6cd: {  	s28 =	rddreg [dreg:$0x17];
	[sflag:s31] =	ssyncadd.s32 $0xFFFFA000  }
0x6ce: {  	[hbm4b:s28+s2] =	stream.linear.scatter [tilespmem:s1], [sflag:$0x6], $0x6000, $0x38;
	[tilespmem:$0x18C00] =	vst v63  }
0x6cf: {  	_ =	swait.ge [sflag:s3], $0x6000  }
0x6d0: {  	[sflag:s3] =	ssyncset.done $0x0  }
0x6d1: {  	s29 =	rddreg [dreg:$0x18];
	[sflag:s3] =	ssyncadd.s32 $0xFFFFA000  }
0x6d2: {  	[hbm4b:s29+s2] =	stream.linear.scatter [tilespmem:s12], [sflag:$0x7], $0x6000, $0x38;
	[tilespmem:$0x18C00] =	vst v63  }
0x6d3: {  	_ =	swait.ge [sflag:s8], $0x6000  }
0x6d4: {  	[sflag:s8] =	ssyncset.done $0x0  }
0x6d5: {  	s30 =	rddreg [dreg:$0x19];
	[sflag:s8] =	ssyncadd.s32 $0xFFFFA000  }
0x6d6: {  	[hbm4b:s30+s2] =	stream.linear.scatter [tilespmem:s17], [sflag:$0x8], $0x6000, $0x38;
	[tilespmem:$0x18C00] =	vst v63  }
0x6d7: {  	_ =	swait.ge [sflag:s0], $0x6000  }
0x6d8: {  	[sflag:s0] =	ssyncset.done $0x0  }
0x6d9: {  	[sflag:s0] =	ssyncadd.s32 $0xFFFFA000  }
0x6da: {  	_ =	swait.ge [sflag:s6], $0x6000  }
0x6db: {  	[sflag:s6] =	ssyncset.done $0x0  }
0x6dc: {  	[sflag:s6] =	ssyncadd.s32 $0xFFFFA000  }
0x6dd: {  	p0 =	sne.s32 s5, $0x1;
	_ =	swait.ge [sflag:s9], $0x6000  }
.Ltmp0:
0x6de: {  	[sflag:s9] =	ssyncset.done $0x0;
	(pc) =	sbr.rel @p0 .LBB2_1-.Ltmp0, $4  }
0x6df: {  	[sflag:s9] =	ssyncadd.s32 $0xFFFFA000  }
0x6e0: {  	_ =	swait.ge [sflag:s10], $0x6000  }
0x6e1: {  	[sflag:s10] =	ssyncset.done $0x0  }
0x6e2: {  	s5 =	sadd.s32 $0xFFFFFFFF, s5;
	[sflag:s10] =	ssyncadd.s32 $0xFFFFA000  }
0x6e3: {  	_ =	sfence.sel $0x180000  }
0x6e4: {  	[bflag:$0x0] =	sbarrier.arrive $0xFFFF  }
0x6e5: {  	_ =	strace $0x9000004A  }
0x6e6: {  	s0 =	stileid.u32;
	[bflag:$0x2] =	sbarrier.arrive $0xFFFF  }
0x6e7: {  	p0 =	sne.s32 s0, $0x0;
	s0 =	rddreg [dreg:$0x1]  }
0x6e8: {  	s0 =	sadd.s32 @!p0 $0x100000, s0  }
0x6e9: {  	[sflag:s0] =	ssyncadd.tile.s32 @!p0 $0x1;
	_ =	shalt  }
.Lfunc_end2:
_tile_overlayer_lowered:
.L_overlay_start_2:
0x6ea: {  	(tag) =	ssettag $0x2  }
0x6eb: {  	s0 =	rddreg [dreg:$0x0];
	s2 =	stileid.u32  }
0x6ec: {  	s1 =	rddreg [dreg:$0x1];
	p0 =	sne.s32 s2, $0x0  }
0x6ed: {  	s3 =	rddreg [dreg:$0x2];
	[bflag:$0x3] =	sbarrier.arrive $0xFFFF;
	s2 =	simm.s32 @!p0 $0x1C09  }
0x6ee: {  	[timem:s3], [sflag:s2] =	dma.local @!p0 [hbm:s0], s1  }
0x6ef: {  	s0 =	simm.s32 @!p0 $0x9  }
0x6f0: {  	_ =	swait.ge @!p0 [sflag:s0], s1  }
0x6f1: {  	s1 =	ssub.s32 @!p0 $0x0, s1;
	[sflag:s0] =	ssyncset.done @!p0 $0x0  }
0x6f2: {  	[sflag:s0] =	ssyncadd.s32 @!p0 s1  }
0x6f3: {  	[bflag:$0x3] =	sbarrier.arrive $0xFFFF  }
0x6f4: {  	_ =	shalt  }

</sc_bundles>
